<compile_context>
chip_gen: v7x
topology: tpu7x:2x2x1
jax: 0.10.2.dev20260603
libtpu: 0.0.44.dev20260713+nightly
codegen_flags: <defaults>
</compile_context>

<pallas_src>
import functools

import jax
import jax.numpy as jnp
from jax import lax
from jax.experimental import pallas as pl
from jax.experimental.pallas import tpu as pltpu
from jax.experimental.pallas import tpu_sc as plsc

N = 10000
E = 320000
D = 128
DE = 16
NC = 40
NG = 64
NL = 5
EPS = 1e-5

NCORE = 2
NSUB = 16
NW = NCORE * NSUB
EPW = E // NW
K = 80
NCHUNK = EPW // K
NPAD = 10240
RPS = NPAD // NSUB

_MESH = plsc.VectorSubcoreMesh(core_axis_name="c", subcore_axis_name="s")


def _edge_mlp_body(ea_ref, w1_ref, b1_ref, w2_ref, b2_ref, *ewc_refs):
    ea = ea_ref[...]
    for l in range(NL):
        h = jnp.maximum(jnp.dot(ea, w1_ref[l], preferred_element_type=jnp.float32)
                        + b1_ref[l][None, :], 0.0)
        z = jnp.dot(h, w2_ref[l], preferred_element_type=jnp.float32) + b2_ref[l][None, :]
        ewc_refs[l][0, 0, :] = jax.nn.sigmoid(z)[:, 0]


def _edge_mlp(edge_attr, mW1, mb1, mW2, mb2):
    BE = 8000
    return pl.pallas_call(
        _edge_mlp_body,
        grid=(E // BE,),
        in_specs=[
            pl.BlockSpec((BE, DE), lambda i: (i, 0)),
            pl.BlockSpec((NL, DE, DE), lambda i: (0, 0, 0)),
            pl.BlockSpec((NL, DE), lambda i: (0, 0)),
            pl.BlockSpec((NL, DE, 1), lambda i: (0, 0, 0)),
            pl.BlockSpec((NL, 1), lambda i: (0, 0)),
        ],
        out_specs=[pl.BlockSpec((1, 1, BE), lambda i: (i, 0, 0)) for _ in range(NL)],
        out_shape=[jax.ShapeDtypeStruct((E // BE, 1, BE), jnp.float32) for _ in range(NL)],
    )(edge_attr, mW1, mb1, mW2, mb2)


def _sc_deg_body(dst_hbm, e0, e1, e2, e3, e4, z_hbm, out_hbm,
                 dst_v, w0, w1, w2, w3, w4, rows, acc_sh):
    c = lax.axis_index("c")
    s = lax.axis_index("s")
    wid = s * NCORE + c
    ews = (e0, e1, e2, e3, e4)
    ewv = (w0, w1, w2, w3, w4)

    pltpu.sync_copy(z_hbm.at[pl.ds(s * RPS, RPS), :],
                    acc_sh.at[pl.ds(s * RPS, RPS), :])

    def zrow2(i, _):
        for cc in range(NL, D // 16):
            rows[i, pl.ds(cc * 16, 16)] = jnp.zeros((16,), jnp.float32)
        return 0

    lax.fori_loop(0, K, zrow2, 0)
    plsc.subcore_barrier()

    def chunk(j, _):
        base = wid * EPW + j * K
        pltpu.sync_copy(dst_hbm.at[pl.ds(base, K)], dst_v)
        for l in range(NL):
            pltpu.sync_copy(ews[l].at[pl.ds(base, K)], ewv[l].at[pl.ds(0, K)])

        def row(i, _):
            for l in range(NL):
                ev = ewv[l][pl.ds(i, 16)]
                rows[i, pl.ds(l * 16, 16)] = jnp.full((16,), ev[0], jnp.float32)
            return 0

        lax.fori_loop(0, K, row, 0)
        pltpu.sync_copy(rows, acc_sh.at[dst_v], add=True)
        return 0

    lax.fori_loop(0, NCHUNK, chunk, 0)
    plsc.subcore_barrier()
    pltpu.sync_copy(acc_sh.at[pl.ds(s * RPS, RPS), :],
                    out_hbm.at[c, pl.ds(s * RPS, RPS), :])


def _sc_deg(dst, ewc):
    z = jnp.zeros((NPAD, D), jnp.float32)
    return pl.kernel(
        _sc_deg_body,
        out_type=jax.ShapeDtypeStruct((NCORE, NPAD, D), jnp.float32),
        mesh=_MESH,
        scratch_types=[pltpu.VMEM((K,), jnp.int32)]
        + [pltpu.VMEM((K + 16,), jnp.float32) for _ in range(NL)]
        + [pltpu.VMEM((K, D), jnp.float32),
           pltpu.VMEM_SHARED((NPAD, D), jnp.float32)],
    )(dst, *ewc, z)


def _sc_agg_body(src_hbm, dst_hbm, ewc_hbm, y_hbm, z_hbm, out_hbm,
                 src_v, dst_v, ew_v, rows, acc_sh, sem):
    c = lax.axis_index("c")
    s = lax.axis_index("s")
    wid = s * NCORE + c

    pltpu.sync_copy(z_hbm.at[pl.ds(s * RPS, RPS), :],
                    acc_sh.at[pl.ds(s * RPS, RPS), :])
    plsc.subcore_barrier()

    def chunk(j, _):
        base = wid * EPW + j * K
        pltpu.sync_copy(src_hbm.at[pl.ds(base, K)], src_v)
        pltpu.sync_copy(dst_hbm.at[pl.ds(base, K)], dst_v)
        pltpu.sync_copy(ewc_hbm.at[pl.ds(base, K)], ew_v.at[pl.ds(0, K)])
        pltpu.async_copy(y_hbm.at[src_v], rows, sem).wait()

        def row(i, _):
            ev = ew_v[pl.ds(i, 16)]
            sv = jnp.full((16,), ev[0], jnp.float32)
            for cc in range(D // 16):
                rows[i, pl.ds(cc * 16, 16)] = rows[i, pl.ds(cc * 16, 16)] * sv
            return 0

        lax.fori_loop(0, K, row, 0)
        pltpu.sync_copy(rows, acc_sh.at[dst_v], add=True)
        return 0

    lax.fori_loop(0, NCHUNK, chunk, 0)
    plsc.subcore_barrier()
    pltpu.sync_copy(acc_sh.at[pl.ds(s * RPS, RPS), :],
                    out_hbm.at[c, pl.ds(s * RPS, RPS), :])


def _sc_agg(src, dst, ewc_l, y, z):
    return pl.kernel(
        _sc_agg_body,
        out_type=jax.ShapeDtypeStruct((NCORE, NPAD, D), jnp.float32),
        mesh=_MESH,
        scratch_types=[
            pltpu.VMEM((K,), jnp.int32),
            pltpu.VMEM((K,), jnp.int32),
            pltpu.VMEM((K + 16,), jnp.float32),
            pltpu.VMEM((K, D), jnp.float32),
            pltpu.VMEM_SHARED((NPAD, D), jnp.float32),
            pltpu.SemaphoreType.DMA,
        ],
    )(src, dst, ewc_l, y, z)


def _dinv_body(p_ref, o_ref):
    o_ref[...] = lax.rsqrt(1.0 + p_ref[0] + p_ref[1])


def _dinv(degp):
    return pl.pallas_call(
        _dinv_body,
        out_shape=jax.ShapeDtypeStruct((NPAD, D), jnp.float32),
    )(degp)


BN_ROWS = 2000
NBLK = N // BN_ROWS


def _y0_body(lidx, x_ref, w_ref, dv_ref, y_ref):
    xw = jnp.dot(x_ref[...], w_ref[...], preferred_element_type=jnp.float32)
    y_ref[...] = xw * dv_ref[:, 16 * lidx:16 * lidx + 1]


def _y_bn_body(lidx, s_ref, st_ref, w_ref, dv_ref, y_ref):
    mu = st_ref[0] / N
    var = st_ref[1] / N - mu * mu
    h = jnp.maximum((s_ref[...] - mu[None, :]) * lax.rsqrt(var + EPS)[None, :], 0.0)
    xw = jnp.dot(h, w_ref[...], preferred_element_type=jnp.float32)
    y_ref[...] = xw * dv_ref[:, 16 * lidx:16 * lidx + 1]


_DV_SPEC = pl.BlockSpec((BN_ROWS, D), lambda i: (i, 0))


def _y0(lidx, x, W, dv):
    return pl.pallas_call(
        functools.partial(_y0_body, lidx),
        grid=(NBLK,),
        in_specs=[
            pl.BlockSpec((BN_ROWS, D), lambda i: (i, 0)),
            pl.BlockSpec((D, D), lambda i: (0, 0)),
            _DV_SPEC,
        ],
        out_specs=pl.BlockSpec((BN_ROWS, D), lambda i: (i, 0)),
        out_shape=jax.ShapeDtypeStruct((N, D), jnp.float32),
    )(x, W, dv)


def _y_bn(lidx, s_prev, stats, W, dv):
    return pl.pallas_call(
        functools.partial(_y_bn_body, lidx),
        grid=(NBLK,),
        in_specs=[
            pl.BlockSpec((BN_ROWS, D), lambda i: (i, 0)),
            pl.BlockSpec((2, D), lambda i: (0, 0)),
            pl.BlockSpec((D, D), lambda i: (0, 0)),
            _DV_SPEC,
        ],
        out_specs=pl.BlockSpec((BN_ROWS, D), lambda i: (i, 0)),
        out_shape=jax.ShapeDtypeStruct((N, D), jnp.float32),
    )(s_prev, stats, W, dv)


def _comb_body(lidx, nskip, want_stats, p_ref, y_ref, dv_ref, *rest):
    skips = rest[:nskip]
    if want_stats:
        s_ref, st_ref, acc = rest[nskip], rest[nskip + 1], rest[nskip + 2]
    else:
        s_ref = rest[nskip]
    o = (p_ref[0] + p_ref[1] + y_ref[...]) * dv_ref[:, 16 * lidx:16 * lidx + 1]
    for sk in skips:
        o = o + sk[...]
    s_ref[...] = o
    if want_stats:
        i = pl.program_id(0)

        @pl.when(i == 0)
        def _():
            acc[...] = jnp.zeros_like(acc)

        acc[0, :] += jnp.sum(o, axis=0)
        acc[1, :] += jnp.sum(o * o, axis=0)

        @pl.when(i == NBLK - 1)
        def _():
            st_ref[...] = acc[...]


def _combine(lidx, P, y, dv, skips, want_stats):
    nskip = len(skips)
    blk = pl.BlockSpec((BN_ROWS, D), lambda i: (i, 0))
    in_specs = [pl.BlockSpec((2, BN_ROWS, D), lambda i: (0, i, 0)), blk,
                _DV_SPEC] + [blk] * nskip
    out_specs = [blk]
    out_shape = [jax.ShapeDtypeStruct((N, D), jnp.float32)]
    scratch = []
    if want_stats:
        out_specs.append(pl.BlockSpec((2, D), lambda i: (0, 0)))
        out_shape.append(jax.ShapeDtypeStruct((2, D), jnp.float32))
        scratch.append(pltpu.VMEM((2, D), jnp.float32))
    res = pl.pallas_call(
        functools.partial(_comb_body, lidx, nskip, want_stats),
        grid=(NBLK,),
        in_specs=in_specs,
        out_specs=out_specs,
        out_shape=out_shape,
        scratch_shapes=scratch,
    )(P, y, dv, *skips)
    return res if want_stats else (res[0], None)


def _pool_body(s4_ref, b_ref, wfc_ref, bfc_ref, o_ref, acc):
    i = pl.program_id(0)

    @pl.when(i == 0)
    def _():
        acc[...] = jnp.full_like(acc, -jnp.inf)

    h2 = jnp.maximum(s4_ref[...], 0.0)
    b = b_ref[...]
    neg = jnp.float32(-jnp.inf)
    for g in range(NG):
        m = (b == g)
        mg = jnp.max(jnp.where(m, h2, neg), axis=0)
        acc[g, :] = jnp.maximum(acc[g, :], mg)

    @pl.when(i == NBLK - 1)
    def _():
        pooled = jnp.where(jnp.isfinite(acc[...]), acc[...], 0.0)
        o_ref[...] = (jnp.dot(pooled, wfc_ref[...],
                              preferred_element_type=jnp.float32)
                      + bfc_ref[0, :][None, :])


def _pool_fc(s4, batch2, Wfc, bfc):
    return pl.pallas_call(
        _pool_body,
        grid=(NBLK,),
        in_specs=[
            pl.BlockSpec((BN_ROWS, D), lambda i: (i, 0)),
            pl.BlockSpec((BN_ROWS, 1), lambda i: (i, 0)),
            pl.BlockSpec((D, NC), lambda i: (0, 0)),
            pl.BlockSpec((1, NC), lambda i: (0, 0)),
        ],
        out_specs=pl.BlockSpec((NG, NC), lambda i: (0, 0)),
        out_shape=jax.ShapeDtypeStruct((NG, NC), jnp.float32),
        scratch_shapes=[pltpu.VMEM((NG, D), jnp.float32)],
    )(s4, batch2, Wfc, bfc)


def kernel(x, edge_index, batch, dropout, edge_attr, device,
           Wlin, mW1, mb1, mW2, mb2, Wfc, bfc):
    src_ = edge_index[0]
    dst = edge_index[1]
    batch2 = batch.reshape(N, 1)

    ewc = _edge_mlp(edge_attr, mW1, mb1, mW2, mb2)
    ewc = [w.reshape(E) for w in ewc]
    degp = _sc_deg(dst, ewc)
    dinv = _dinv(degp)

    y = _y0(0, x, Wlin[0], dinv)
    zzz = jnp.zeros((NPAD, D), jnp.float32)
    P = _sc_agg(src_, dst, ewc[0], y, zzz)
    s0, st = _combine(0, P, y, dinv, [], True)
    y = _y_bn(1, s0, st, Wlin[1], dinv)
    P = _sc_agg(src_, dst, ewc[1], y, zzz)
    s1, st = _combine(1, P, y, dinv, [], True)
    y = _y_bn(2, s1, st, Wlin[2], dinv)
    P = _sc_agg(src_, dst, ewc[2], y, zzz)
    s2, st = _combine(2, P, y, dinv, [s0], True)
    y = _y_bn(3, s2, st, Wlin[3], dinv)
    P = _sc_agg(src_, dst, ewc[3], y, zzz)
    s3, st = _combine(3, P, y, dinv, [], True)
    y = _y_bn(4, s3, st, Wlin[4], dinv)
    P = _sc_agg(src_, dst, ewc[4], y, zzz)
    s4, _ = _combine(4, P, y, dinv, [s0, s2], False)

    return _pool_fc(s4, batch2, Wfc, bfc.reshape(1, NC))

# --- scband reference (transcript-rebuilt; emitter-appended) ---
"""Pipeline reference for scband-pdn-dense-add-skip-2bro-pre-batch-act-max-test-38010460569942 (READ-ONLY COPY).

The authoritative reference and input builder live on the scoring server;
editing this copy changes nothing except your own understanding.
"""

import jax, jax.numpy as jnp
import numpy as np

N = 10000
E = 320000
D = 128
DE = 16
NC = 40
NG = 64
NCONV = 5
EPS = 1e-5

def setup_inputs(seed: int = 0):
    key = jax.random.key(seed)
    ks = jax.random.split(key, 10)
    inp = {}
    inp["x"] = jax.random.normal(ks[0], (N, D), dtype=jnp.float32)
    inp["edge_index"] = jax.random.randint(ks[1], (2, E), 0, N, dtype=jnp.int32)
    inp["batch"] = jnp.sort(jax.random.randint(ks[2], (N,), 0, NG, dtype=jnp.int32))
    inp["dropout"] = 0
    inp["edge_attr"] = jax.random.uniform(ks[3], (E, DE), dtype=jnp.float32)
    inp["device"] = 0
    inp["Wlin"] = jax.random.normal(ks[4], (NCONV, D, D), dtype=jnp.float32) / np.sqrt(D)
    inp["mW1"] = jax.random.normal(ks[5], (NCONV, DE, DE), dtype=jnp.float32) / np.sqrt(DE)
    inp["mb1"] = jnp.zeros((NCONV, DE), dtype=jnp.float32)
    inp["mW2"] = jax.random.normal(ks[6], (NCONV, DE, 1), dtype=jnp.float32) / np.sqrt(DE)
    inp["mb2"] = jnp.zeros((NCONV, 1), dtype=jnp.float32)
    inp["Wfc"] = jax.random.normal(ks[7], (D, NC), dtype=jnp.float32) / np.sqrt(D)
    inp["bfc"] = jnp.zeros((NC,), dtype=jnp.float32)
    return inp

def _pdn_conv(x, src, dst, edge_attr, W, w1, b1, w2, b2):
    # edge weight MLP: Linear -> ReLU -> Linear -> Sigmoid
    h = jax.nn.relu(edge_attr @ w1 + b1)
    ew = jax.nn.sigmoid(h @ w2 + b2)[:, 0]
    n = x.shape[0]
    loops = jnp.arange(n, dtype=src.dtype)
    s = jnp.concatenate([src, loops])
    d = jnp.concatenate([dst, loops])
    ew = jnp.concatenate([ew, jnp.ones((n,), dtype=ew.dtype)])
    # gcn_norm with edge weights
    deg = jnp.zeros((n,), dtype=ew.dtype).at[d].add(ew)
    dinv = jnp.where(deg > 0, jax.lax.rsqrt(jnp.maximum(deg, 1e-12)), 0.0)
    norm = dinv[s] * ew * dinv[d]
    xw = x @ W
    msg = norm[:, None] * jnp.take(xw, s, axis=0)
    return jnp.zeros_like(xw).at[d].add(msg)

def _bn(x):
    # BatchNorm1d in training mode, fresh gamma=1 beta=0
    mu = jnp.mean(x, axis=0, keepdims=True)
    var = jnp.mean((x - mu) ** 2, axis=0, keepdims=True)
    return (x - mu) * jax.lax.rsqrt(var + EPS)

def reference(x, edge_index, batch, dropout, edge_attr, device, Wlin, mW1, mb1, mW2, mb2, Wfc, bfc):
    src, dst = edge_index[0], edge_index[1]
    h = _pdn_conv(x, src, dst, edge_attr, Wlin[0], mW1[0], mb1[0], mW2[0], mb2[0])
    h0 = h
    for i in range(2):
        h = jax.nn.relu(_bn(h))
        h = _pdn_conv(h, src, dst, edge_attr, Wlin[1 + i], mW1[1 + i], mb1[1 + i], mW2[1 + i], mb2[1 + i])
    h1 = h + h0
    h = h + h0
    for i in range(2):
        h = jax.nn.relu(_bn(h))
        h = _pdn_conv(h, src, dst, edge_attr, Wlin[3 + i], mW1[3 + i], mb1[3 + i], mW2[3 + i], mb2[3 + i])
    h2 = jax.nn.relu(h + h0 + h1)
    pooled = jax.ops.segment_max(h2, batch, num_segments=NG)
    pooled = jnp.where(jnp.isfinite(pooled), pooled, 0.0)
    # dropout p passed as 0 -> identity
    return pooled @ Wfc + bfc

if __name__ == "__main__":
    import jax
    _d = setup_inputs()
    print(jax.jit(kernel)(*tuple(_d.values())))

</pallas_src>

<mosaic_0001>
#map = affine_map<(d0, d1) -> (0)>
#map1 = affine_map<(d0, d1) -> (0, 0)>
#map2 = affine_map<(d0, d1) -> (0, 0, 0)>
module attributes {stable_mosaic.version = 14 : i64} {
  func.func @_sc_agg_body(%arg0: i32, %arg1: i32, %arg2: memref<320000xi32, #tpu.memory_space<hbm>>, %arg3: memref<320000xi32, #tpu.memory_space<hbm>>, %arg4: memref<320000xf32, #tpu.memory_space<hbm>>, %arg5: memref<10000x128xf32, #tpu.memory_space<hbm>>, %arg6: memref<10240x128xf32, #tpu.memory_space<hbm>>, %arg7: memref<2x10240x128xf32, #tpu.memory_space<hbm>>, %arg8: memref<80xi32, #tpu.memory_space<vmem>>, %arg9: memref<80xi32, #tpu.memory_space<vmem>>, %arg10: memref<96xf32, #tpu.memory_space<vmem>>, %arg11: memref<80x128xf32, #tpu.memory_space<vmem>>, %arg12: memref<10240x128xf32, #tpu.memory_space<vmem_shared>>, %arg13: memref<!tpu.dma_semaphore, #tpu.memory_space<semaphore_mem>>) attributes {dimension_semantics = [#tpu.dimension_semantics<core_parallel>, #tpu.dimension_semantics<subcore_parallel>], iteration_bounds = array<i64: 2, 16>, scalar_prefetch = 0 : i64, scratch_operands = 6 : i64, tpu.core_type = #tpu.core_type<sc_vector_subcore>, window_params = [{transform_indices = #map}, {transform_indices = #map}, {transform_indices = #map}, {transform_indices = #map1}, {transform_indices = #map1}, {transform_indices = #map2}]} {
    %mul3A = arith.constant 2 : i32
    %mul3A_0 = arith.muli %arg1, %mul3A : i32
    %add3A = arith.addi %mul3A_0, %arg0 : i32
    %mul3A_1 = arith.constant 640 : i32
    %mul3A_2 = arith.muli %arg1, %mul3A_1 : i32
    %mul3A_3 = arith.constant 640 : i32
    %mul3A_4 = arith.muli %arg1, %mul3A_3 : i32
    "tpu.region"() ({
      %run_scoped3A = tpu.sem_alloc : memref<!tpu.dma_semaphore, #tpu.memory_space<semaphore_mem>>
      %dma_start3A = arith.constant 0 : i32
      %dma_start3A_16 = tpu.memref_slice %arg12[%mul3A_4, %dma_start3A] : memref<10240x128xf32, #tpu.memory_space<vmem_shared>> -> memref<640x128xf32, #tpu.memory_space<vmem_shared>>
      %dma_start3A_17 = arith.constant 0 : i32
      %dma_start3A_18 = tpu.memref_slice %arg6[%mul3A_2, %dma_start3A_17] : memref<10240x128xf32, #tpu.memory_space<hbm>> -> memref<640x128xf32, #tpu.memory_space<hbm>>
      tpu.enqueue_dma source(%dma_start3A_18 : memref<640x128xf32, #tpu.memory_space<hbm>>) target(%dma_start3A_16 : memref<640x128xf32, #tpu.memory_space<vmem_shared>>) target_semaphore(%run_scoped3A : memref<!tpu.dma_semaphore, #tpu.memory_space<semaphore_mem>>)
      %dma_wait3A = arith.constant 0 : i32
      %dma_wait3A_19 = tpu.memref_slice %arg12[%mul3A_4, %dma_wait3A] : memref<10240x128xf32, #tpu.memory_space<vmem_shared>> -> memref<640x128xf32, #tpu.memory_space<vmem_shared>>
      %dma_wait3A_20 = arith.constant 0 : i32
      %dma_wait3A_21 = tpu.memref_slice %arg6[%mul3A_2, %dma_wait3A_20] : memref<10240x128xf32, #tpu.memory_space<hbm>> -> memref<640x128xf32, #tpu.memory_space<hbm>>
      tpu.wait_dma2 semaphore(%run_scoped3A : memref<!tpu.dma_semaphore, #tpu.memory_space<semaphore_mem>>) src(%dma_wait3A_21 : memref<640x128xf32, #tpu.memory_space<hbm>>) dst(%dma_wait3A_19 : memref<640x128xf32, #tpu.memory_space<vmem_shared>>)
      tpu.yield
    }) : () -> ()
    %barrier3A = arith.constant 0 : index
    tpu.barrier barrier_id(%barrier3A)
    %scan3A = arith.constant 0 : i32
    %scan3A_5 = arith.constant 0 : i32
    %scan3A_6 = arith.constant 125 : i32
    %scan3A_7 = arith.addi %scan3A_5, %scan3A_6 : i32
    %scan3A_8 = arith.constant 1 : i32
    %scan3A_9 = scf.for %scan3A_16 = %scan3A_5 to %scan3A_7 step %scan3A_8 iter_args(%scan3A_17 = %scan3A) -> (i32)  : i32 {
      %mul3A_18 = arith.constant 10000 : i32
      %mul3A_19 = arith.muli %add3A, %mul3A_18 : i32
      %mul3A_20 = arith.constant 80 : i32
      %mul3A_21 = arith.muli %scan3A_16, %mul3A_20 : i32
      %add3A_22 = arith.addi %mul3A_19, %mul3A_21 : i32
      "tpu.region"() ({
        %run_scoped3A = tpu.sem_alloc : memref<!tpu.dma_semaphore, #tpu.memory_space<semaphore_mem>>
        %dma_start3A_35 = tpu.memref_slice %arg2[%add3A_22] : memref<320000xi32, #tpu.memory_space<hbm>> -> memref<80xi32, #tpu.memory_space<hbm>>
        %dma_start3A_36 = tpu.memref_slice %arg2[%add3A_22] : memref<320000xi32, #tpu.memory_space<hbm>> -> memref<80xi32, #tpu.memory_space<hbm>>
        tpu.enqueue_dma source(%dma_start3A_36 : memref<80xi32, #tpu.memory_space<hbm>>) target(%arg8 : memref<80xi32, #tpu.memory_space<vmem>>) target_semaphore(%run_scoped3A : memref<!tpu.dma_semaphore, #tpu.memory_space<semaphore_mem>>)
        %dma_wait3A_37 = tpu.memref_slice %arg2[%add3A_22] : memref<320000xi32, #tpu.memory_space<hbm>> -> memref<80xi32, #tpu.memory_space<hbm>>
        %dma_wait3A_38 = tpu.memref_slice %arg2[%add3A_22] : memref<320000xi32, #tpu.memory_space<hbm>> -> memref<80xi32, #tpu.memory_space<hbm>>
        tpu.wait_dma2 semaphore(%run_scoped3A : memref<!tpu.dma_semaphore, #tpu.memory_space<semaphore_mem>>) src(%dma_wait3A_38 : memref<80xi32, #tpu.memory_space<hbm>>) dst(%arg8 : memref<80xi32, #tpu.memory_space<vmem>>)
        tpu.yield
      }) : () -> ()
      "tpu.region"() ({
        %run_scoped3A = tpu.sem_alloc : memref<!tpu.dma_semaphore, #tpu.memory_space<semaphore_mem>>
        %dma_start3A_35 = tpu.memref_slice %arg3[%add3A_22] : memref<320000xi32, #tpu.memory_space<hbm>> -> memref<80xi32, #tpu.memory_space<hbm>>
        %dma_start3A_36 = tpu.memref_slice %arg3[%add3A_22] : memref<320000xi32, #tpu.memory_space<hbm>> -> memref<80xi32, #tpu.memory_space<hbm>>
        tpu.enqueue_dma source(%dma_start3A_36 : memref<80xi32, #tpu.memory_space<hbm>>) target(%arg9 : memref<80xi32, #tpu.memory_space<vmem>>) target_semaphore(%run_scoped3A : memref<!tpu.dma_semaphore, #tpu.memory_space<semaphore_mem>>)
        %dma_wait3A_37 = tpu.memref_slice %arg3[%add3A_22] : memref<320000xi32, #tpu.memory_space<hbm>> -> memref<80xi32, #tpu.memory_space<hbm>>
        %dma_wait3A_38 = tpu.memref_slice %arg3[%add3A_22] : memref<320000xi32, #tpu.memory_space<hbm>> -> memref<80xi32, #tpu.memory_space<hbm>>
        tpu.wait_dma2 semaphore(%run_scoped3A : memref<!tpu.dma_semaphore, #tpu.memory_space<semaphore_mem>>) src(%dma_wait3A_38 : memref<80xi32, #tpu.memory_space<hbm>>) dst(%arg9 : memref<80xi32, #tpu.memory_space<vmem>>)
        tpu.yield
      }) : () -> ()
      "tpu.region"() ({
        %run_scoped3A = tpu.sem_alloc : memref<!tpu.dma_semaphore, #tpu.memory_space<semaphore_mem>>
        %dma_start3A_35 = arith.constant 0 : i32
        %dma_start3A_36 = tpu.memref_slice %arg10[%dma_start3A_35] : memref<96xf32, #tpu.memory_space<vmem>> -> memref<80xf32, #tpu.memory_space<vmem>>
        %dma_start3A_37 = tpu.memref_slice %arg4[%add3A_22] : memref<320000xf32, #tpu.memory_space<hbm>> -> memref<80xf32, #tpu.memory_space<hbm>>
        %dma_start3A_38 = arith.constant 0 : i32
        %dma_start3A_39 = tpu.memref_slice %arg10[%dma_start3A_38] : memref<96xf32, #tpu.memory_space<vmem>> -> memref<80xf32, #tpu.memory_space<vmem>>
        %dma_start3A_40 = tpu.memref_slice %arg4[%add3A_22] : memref<320000xf32, #tpu.memory_space<hbm>> -> memref<80xf32, #tpu.memory_space<hbm>>
        tpu.enqueue_dma source(%dma_start3A_40 : memref<80xf32, #tpu.memory_space<hbm>>) target(%dma_start3A_39 : memref<80xf32, #tpu.memory_space<vmem>>) target_semaphore(%run_scoped3A : memref<!tpu.dma_semaphore, #tpu.memory_space<semaphore_mem>>)
        %dma_wait3A_41 = arith.constant 0 : i32
        %dma_wait3A_42 = tpu.memref_slice %arg10[%dma_wait3A_41] : memref<96xf32, #tpu.memory_space<vmem>> -> memref<80xf32, #tpu.memory_space<vmem>>
        %dma_wait3A_43 = tpu.memref_slice %arg4[%add3A_22] : memref<320000xf32, #tpu.memory_space<hbm>> -> memref<80xf32, #tpu.memory_space<hbm>>
        %dma_wait3A_44 = arith.constant 0 : i32
        %dma_wait3A_45 = tpu.memref_slice %arg10[%dma_wait3A_44] : memref<96xf32, #tpu.memory_space<vmem>> -> memref<80xf32, #tpu.memory_space<vmem>>
        %dma_wait3A_46 = tpu.memref_slice %arg4[%add3A_22] : memref<320000xf32, #tpu.memory_space<hbm>> -> memref<80xf32, #tpu.memory_space<hbm>>
        tpu.wait_dma2 semaphore(%run_scoped3A : memref<!tpu.dma_semaphore, #tpu.memory_space<semaphore_mem>>) src(%dma_wait3A_46 : memref<80xf32, #tpu.memory_space<hbm>>) dst(%dma_wait3A_45 : memref<80xf32, #tpu.memory_space<vmem>>)
        tpu.yield
      }) : () -> ()
      %dma_start3A = arith.constant 0 : i32
      %dma_start3A_23 = arith.constant 0 : i32
      %dma_start3A_24 = tpu.memref_slice %arg5[%dma_start3A, %dma_start3A_23] : memref<10000x128xf32, #tpu.memory_space<hbm>> -> memref<10000x128xf32, #tpu.memory_space<hbm>>
      tpu.enqueue_indirect_dma source(%dma_start3A_24 : memref<10000x128xf32, #tpu.memory_space<hbm>>) target(%arg11 : memref<80x128xf32, #tpu.memory_space<vmem>>) offsets(%arg8 : memref<80xi32, #tpu.memory_space<vmem>>) semaphore(%arg13 : memref<!tpu.dma_semaphore, #tpu.memory_space<semaphore_mem>>)
      %dma_wait3A = arith.constant 0 : i32
      %dma_wait3A_25 = arith.constant 0 : i32
      %dma_wait3A_26 = tpu.memref_slice %arg5[%dma_wait3A, %dma_wait3A_25] : memref<10000x128xf32, #tpu.memory_space<hbm>> -> memref<10000x128xf32, #tpu.memory_space<hbm>>
      tpu.wait_indirect_dma semaphore(%arg13 : memref<!tpu.dma_semaphore, #tpu.memory_space<semaphore_mem>>) src(%dma_wait3A_26 : memref<10000x128xf32, #tpu.memory_space<hbm>>) dst(%arg11 : memref<80x128xf32, #tpu.memory_space<vmem>>)
      %scan3A_27 = arith.constant 0 : i32
      %scan3A_28 = arith.constant 0 : i32
      %scan3A_29 = arith.constant 80 : i32
      %scan3A_30 = arith.addi %scan3A_28, %scan3A_29 : i32
      %scan3A_31 = arith.constant 1 : i32
      %scan3A_32 = scf.for %scan3A_35 = %scan3A_28 to %scan3A_30 step %scan3A_31 iter_args(%scan3A_36 = %scan3A_27) -> (i32)  : i32 {
        %get3A = arith.index_cast %scan3A_35 : i32 to index
        %get3A_37 = tpu.vector_load %arg10[%get3A] {strides = array<i32>} : memref<96xf32, #tpu.memory_space<vmem>>, vector<16xf32>,
        %get3A_38 = vector.shape_cast %get3A_37 : vector<16xf32> to vector<16xf32>
        %slice3A = vector.extract_strided_slice %get3A_38 {offsets = [0], sizes = [1], strides = [1]} : vector<16xf32> to vector<1xf32>
        %squeeze3A = vector.extract %slice3A[0] : f32 from vector<1xf32>
        %broadcast_in_dim3A = vector.broadcast %squeeze3A : f32 to vector<16xf32>
        %get3A_39 = arith.index_cast %scan3A_35 : i32 to index
        %get3A_40 = arith.constant 0 : index
        %get3A_41 = tpu.vector_load %arg11[%get3A_39, %get3A_40] {strides = array<i32>} : memref<80x128xf32, #tpu.memory_space<vmem>>, vector<1x16xf32>,
        %get3A_42 = vector.shape_cast %get3A_41 : vector<1x16xf32> to vector<16xf32>
        %mul3A_43 = arith.mulf %get3A_42, %broadcast_in_dim3A : vector<16xf32>
        %swap3A = arith.index_cast %scan3A_35 : i32 to index
        %swap3A_44 = arith.constant 0 : index
        %swap3A_45 = tpu.vector_load %arg11[%swap3A, %swap3A_44] {strides = array<i32>} : memref<80x128xf32, #tpu.memory_space<vmem>>, vector<1x16xf32>,
        %swap3A_46 = vector.shape_cast %swap3A_45 : vector<1x16xf32> to vector<16xf32>
        %swap3A_47 = vector.shape_cast %mul3A_43 : vector<16xf32> to vector<1x16xf32>
        tpu.vector_store %arg11[%swap3A, %swap3A_44], %swap3A_47 {strides = array<i32>} : memref<80x128xf32, #tpu.memory_space<vmem>>, vector<1x16xf32>,
        %get3A_48 = arith.index_cast %scan3A_35 : i32 to index
        %get3A_49 = arith.constant 16 : index
        %get3A_50 = tpu.vector_load %arg11[%get3A_48, %get3A_49] {strides = array<i32>} : memref<80x128xf32, #tpu.memory_space<vmem>>, vector<1x16xf32>,
        %get3A_51 = vector.shape_cast %get3A_50 : vector<1x16xf32> to vector<16xf32>
        %mul3A_52 = arith.mulf %get3A_51, %broadcast_in_dim3A : vector<16xf32>
        %swap3A_53 = arith.index_cast %scan3A_35 : i32 to index
        %swap3A_54 = arith.constant 16 : index
        %swap3A_55 = tpu.vector_load %arg11[%swap3A_53, %swap3A_54] {strides = array<i32>} : memref<80x128xf32, #tpu.memory_space<vmem>>, vector<1x16xf32>,
        %swap3A_56 = vector.shape_cast %swap3A_55 : vector<1x16xf32> to vector<16xf32>
        %swap3A_57 = vector.shape_cast %mul3A_52 : vector<16xf32> to vector<1x16xf32>
        tpu.vector_store %arg11[%swap3A_53, %swap3A_54], %swap3A_57 {strides = array<i32>} : memref<80x128xf32, #tpu.memory_space<vmem>>, vector<1x16xf32>,
        %get3A_58 = arith.index_cast %scan3A_35 : i32 to index
        %get3A_59 = arith.constant 32 : index
        %get3A_60 = tpu.vector_load %arg11[%get3A_58, %get3A_59] {strides = array<i32>} : memref<80x128xf32, #tpu.memory_space<vmem>>, vector<1x16xf32>,
        %get3A_61 = vector.shape_cast %get3A_60 : vector<1x16xf32> to vector<16xf32>
        %mul3A_62 = arith.mulf %get3A_61, %broadcast_in_dim3A : vector<16xf32>
        %swap3A_63 = arith.index_cast %scan3A_35 : i32 to index
        %swap3A_64 = arith.constant 32 : index
        %swap3A_65 = tpu.vector_load %arg11[%swap3A_63, %swap3A_64] {strides = array<i32>} : memref<80x128xf32, #tpu.memory_space<vmem>>, vector<1x16xf32>,
        %swap3A_66 = vector.shape_cast %swap3A_65 : vector<1x16xf32> to vector<16xf32>
        %swap3A_67 = vector.shape_cast %mul3A_62 : vector<16xf32> to vector<1x16xf32>
        tpu.vector_store %arg11[%swap3A_63, %swap3A_64], %swap3A_67 {strides = array<i32>} : memref<80x128xf32, #tpu.memory_space<vmem>>, vector<1x16xf32>,
        %get3A_68 = arith.index_cast %scan3A_35 : i32 to index
        %get3A_69 = arith.constant 48 : index
        %get3A_70 = tpu.vector_load %arg11[%get3A_68, %get3A_69] {strides = array<i32>} : memref<80x128xf32, #tpu.memory_space<vmem>>, vector<1x16xf32>,
        %get3A_71 = vector.shape_cast %get3A_70 : vector<1x16xf32> to vector<16xf32>
        %mul3A_72 = arith.mulf %get3A_71, %broadcast_in_dim3A : vector<16xf32>
        %swap3A_73 = arith.index_cast %scan3A_35 : i32 to index
        %swap3A_74 = arith.constant 48 : index
        %swap3A_75 = tpu.vector_load %arg11[%swap3A_73, %swap3A_74] {strides = array<i32>} : memref<80x128xf32, #tpu.memory_space<vmem>>, vector<1x16xf32>,
        %swap3A_76 = vector.shape_cast %swap3A_75 : vector<1x16xf32> to vector<16xf32>
        %swap3A_77 = vector.shape_cast %mul3A_72 : vector<16xf32> to vector<1x16xf32>
        tpu.vector_store %arg11[%swap3A_73, %swap3A_74], %swap3A_77 {strides = array<i32>} : memref<80x128xf32, #tpu.memory_space<vmem>>, vector<1x16xf32>,
        %get3A_78 = arith.index_cast %scan3A_35 : i32 to index
        %get3A_79 = arith.constant 64 : index
        %get3A_80 = tpu.vector_load %arg11[%get3A_78, %get3A_79] {strides = array<i32>} : memref<80x128xf32, #tpu.memory_space<vmem>>, vector<1x16xf32>,
        %get3A_81 = vector.shape_cast %get3A_80 : vector<1x16xf32> to vector<16xf32>
        %mul3A_82 = arith.mulf %get3A_81, %broadcast_in_dim3A : vector<16xf32>
        %swap3A_83 = arith.index_cast %scan3A_35 : i32 to index
        %swap3A_84 = arith.constant 64 : index
        %swap3A_85 = tpu.vector_load %arg11[%swap3A_83, %swap3A_84] {strides = array<i32>} : memref<80x128xf32, #tpu.memory_space<vmem>>, vector<1x16xf32>,
        %swap3A_86 = vector.shape_cast %swap3A_85 : vector<1x16xf32> to vector<16xf32>
        %swap3A_87 = vector.shape_cast %mul3A_82 : vector<16xf32> to vector<1x16xf32>
        tpu.vector_store %arg11[%swap3A_83, %swap3A_84], %swap3A_87 {strides = array<i32>} : memref<80x128xf32, #tpu.memory_space<vmem>>, vector<1x16xf32>,
        %get3A_88 = arith.index_cast %scan3A_35 : i32 to index
        %get3A_89 = arith.constant 80 : index
        %get3A_90 = tpu.vector_load %arg11[%get3A_88, %get3A_89] {strides = array<i32>} : memref<80x128xf32, #tpu.memory_space<vmem>>, vector<1x16xf32>,
        %get3A_91 = vector.shape_cast %get3A_90 : vector<1x16xf32> to vector<16xf32>
        %mul3A_92 = arith.mulf %get3A_91, %broadcast_in_dim3A : vector<16xf32>
        %swap3A_93 = arith.index_cast %scan3A_35 : i32 to index
        %swap3A_94 = arith.constant 80 : index
        %swap3A_95 = tpu.vector_load %arg11[%swap3A_93, %swap3A_94] {strides = array<i32>} : memref<80x128xf32, #tpu.memory_space<vmem>>, vector<1x16xf32>,
        %swap3A_96 = vector.shape_cast %swap3A_95 : vector<1x16xf32> to vector<16xf32>
        %swap3A_97 = vector.shape_cast %mul3A_92 : vector<16xf32> to vector<1x16xf32>
        tpu.vector_store %arg11[%swap3A_93, %swap3A_94], %swap3A_97 {strides = array<i32>} : memref<80x128xf32, #tpu.memory_space<vmem>>, vector<1x16xf32>,
        %get3A_98 = arith.index_cast %scan3A_35 : i32 to index
        %get3A_99 = arith.constant 96 : index
        %get3A_100 = tpu.vector_load %arg11[%get3A_98, %get3A_99] {strides = array<i32>} : memref<80x128xf32, #tpu.memory_space<vmem>>, vector<1x16xf32>,
        %get3A_101 = vector.shape_cast %get3A_100 : vector<1x16xf32> to vector<16xf32>
        %mul3A_102 = arith.mulf %get3A_101, %broadcast_in_dim3A : vector<16xf32>
        %swap3A_103 = arith.index_cast %scan3A_35 : i32 to index
        %swap3A_104 = arith.constant 96 : index
        %swap3A_105 = tpu.vector_load %arg11[%swap3A_103, %swap3A_104] {strides = array<i32>} : memref<80x128xf32, #tpu.memory_space<vmem>>, vector<1x16xf32>,
        %swap3A_106 = vector.shape_cast %swap3A_105 : vector<1x16xf32> to vector<16xf32>
        %swap3A_107 = vector.shape_cast %mul3A_102 : vector<16xf32> to vector<1x16xf32>
        tpu.vector_store %arg11[%swap3A_103, %swap3A_104], %swap3A_107 {strides = array<i32>} : memref<80x128xf32, #tpu.memory_space<vmem>>, vector<1x16xf32>,
        %get3A_108 = arith.index_cast %scan3A_35 : i32 to index
        %get3A_109 = arith.constant 112 : index
        %get3A_110 = tpu.vector_load %arg11[%get3A_108, %get3A_109] {strides = array<i32>} : memref<80x128xf32, #tpu.memory_space<vmem>>, vector<1x16xf32>,
        %get3A_111 = vector.shape_cast %get3A_110 : vector<1x16xf32> to vector<16xf32>
        %mul3A_112 = arith.mulf %get3A_111, %broadcast_in_dim3A : vector<16xf32>
        %swap3A_113 = arith.index_cast %scan3A_35 : i32 to index
        %swap3A_114 = arith.constant 112 : index
        %swap3A_115 = tpu.vector_load %arg11[%swap3A_113, %swap3A_114] {strides = array<i32>} : memref<80x128xf32, #tpu.memory_space<vmem>>, vector<1x16xf32>,
        %swap3A_116 = vector.shape_cast %swap3A_115 : vector<1x16xf32> to vector<16xf32>
        %swap3A_117 = vector.shape_cast %mul3A_112 : vector<16xf32> to vector<1x16xf32>
        tpu.vector_store %arg11[%swap3A_113, %swap3A_114], %swap3A_117 {strides = array<i32>} : memref<80x128xf32, #tpu.memory_space<vmem>>, vector<1x16xf32>,
        %scan3A_118 = arith.constant 0 : i32
        scf.yield %scan3A_118 : i32
      }
      %scan3A_33 = arith.constant 80 : i32
      "tpu.region"() ({
        %run_scoped3A = tpu.sem_alloc : memref<!tpu.dma_semaphore, #tpu.memory_space<semaphore_mem>>
        %dma_start3A_35 = arith.constant 0 : i32
        %dma_start3A_36 = arith.constant 0 : i32
        %dma_start3A_37 = tpu.memref_slice %arg12[%dma_start3A_35, %dma_start3A_36] : memref<10240x128xf32, #tpu.memory_space<vmem_shared>> -> memref<10240x128xf32, #tpu.memory_space<vmem_shared>>
        tpu.enqueue_indirect_dma source(%arg11 : memref<80x128xf32, #tpu.memory_space<vmem>>) target(%dma_start3A_37 : memref<10240x128xf32, #tpu.memory_space<vmem_shared>>) offsets(%arg9 : memref<80xi32, #tpu.memory_space<vmem>>) semaphore(%run_scoped3A : memref<!tpu.dma_semaphore, #tpu.memory_space<semaphore_mem>>) {add = true}
        %dma_wait3A_38 = arith.constant 0 : i32
        %dma_wait3A_39 = arith.constant 0 : i32
        %dma_wait3A_40 = tpu.memref_slice %arg12[%dma_wait3A_38, %dma_wait3A_39] : memref<10240x128xf32, #tpu.memory_space<vmem_shared>> -> memref<10240x128xf32, #tpu.memory_space<vmem_shared>>
        tpu.wait_indirect_dma semaphore(%run_scoped3A : memref<!tpu.dma_semaphore, #tpu.memory_space<semaphore_mem>>) src(%arg11 : memref<80x128xf32, #tpu.memory_space<vmem>>) dst(%dma_wait3A_40 : memref<10240x128xf32, #tpu.memory_space<vmem_shared>>)
        tpu.yield
      }) : () -> ()
      %scan3A_34 = arith.constant 0 : i32
      scf.yield %scan3A_34 : i32
    }
    %scan3A_10 = arith.constant 125 : i32
    %barrier3A_11 = arith.constant 0 : index
    tpu.barrier barrier_id(%barrier3A_11)
    %mul3A_12 = arith.constant 640 : i32
    %mul3A_13 = arith.muli %arg1, %mul3A_12 : i32
    %mul3A_14 = arith.constant 640 : i32
    %mul3A_15 = arith.muli %arg1, %mul3A_14 : i32
    "tpu.region"() ({
      %run_scoped3A = tpu.sem_alloc : memref<!tpu.dma_semaphore, #tpu.memory_space<semaphore_mem>>
      %dma_start3A = arith.constant 0 : i32
      %dma_start3A_16 = tpu.memref_slice %arg7[%arg0, %mul3A_15, %dma_start3A] : memref<2x10240x128xf32, #tpu.memory_space<hbm>> -> memref<1x640x128xf32, #tpu.memory_space<hbm>>
      %dma_start3A_17 = tpu.memref_squeeze %dma_start3A_16 : memref<1x640x128xf32, #tpu.memory_space<hbm>> -> memref<640x128xf32, #tpu.memory_space<hbm>>
      %dma_start3A_18 = arith.constant 0 : i32
      %dma_start3A_19 = tpu.memref_slice %arg12[%mul3A_13, %dma_start3A_18] : memref<10240x128xf32, #tpu.memory_space<vmem_shared>> -> memref<640x128xf32, #tpu.memory_space<vmem_shared>>
      tpu.enqueue_dma source(%dma_start3A_19 : memref<640x128xf32, #tpu.memory_space<vmem_shared>>) target(%dma_start3A_17 : memref<640x128xf32, #tpu.memory_space<hbm>>) target_semaphore(%run_scoped3A : memref<!tpu.dma_semaphore, #tpu.memory_space<semaphore_mem>>)
      %dma_wait3A = arith.constant 0 : i32
      %dma_wait3A_20 = tpu.memref_slice %arg7[%arg0, %mul3A_15, %dma_wait3A] : memref<2x10240x128xf32, #tpu.memory_space<hbm>> -> memref<1x640x128xf32, #tpu.memory_space<hbm>>
      %dma_wait3A_21 = tpu.memref_squeeze %dma_wait3A_20 : memref<1x640x128xf32, #tpu.memory_space<hbm>> -> memref<640x128xf32, #tpu.memory_space<hbm>>
      %dma_wait3A_22 = arith.constant 0 : i32
      %dma_wait3A_23 = tpu.memref_slice %arg12[%mul3A_13, %dma_wait3A_22] : memref<10240x128xf32, #tpu.memory_space<vmem_shared>> -> memref<640x128xf32, #tpu.memory_space<vmem_shared>>
      tpu.wait_dma2 semaphore(%run_scoped3A : memref<!tpu.dma_semaphore, #tpu.memory_space<semaphore_mem>>) src(%dma_wait3A_23 : memref<640x128xf32, #tpu.memory_space<vmem_shared>>) dst(%dma_wait3A_21 : memref<640x128xf32, #tpu.memory_space<hbm>>)
      tpu.yield
    }) : () -> ()
    return
  }
}

#map = affine_map<(d0, d1) -> (0)>
#map1 = affine_map<(d0, d1) -> (0, 0)>
#map2 = affine_map<(d0, d1) -> (0, 0, 0)>
module attributes {stable_mosaic.version = 14 : i64} {
  func.func @_sc_deg_body(%arg0: i32, %arg1: i32, %arg2: memref<320000xi32, #tpu.memory_space<hbm>>, %arg3: memref<320000xf32, #tpu.memory_space<hbm>>, %arg4: memref<320000xf32, #tpu.memory_space<hbm>>, %arg5: memref<320000xf32, #tpu.memory_space<hbm>>, %arg6: memref<320000xf32, #tpu.memory_space<hbm>>, %arg7: memref<320000xf32, #tpu.memory_space<hbm>>, %arg8: memref<10240x128xf32, #tpu.memory_space<hbm>>, %arg9: memref<2x10240x128xf32, #tpu.memory_space<hbm>>, %arg10: memref<80xi32, #tpu.memory_space<vmem>>, %arg11: memref<96xf32, #tpu.memory_space<vmem>>, %arg12: memref<96xf32, #tpu.memory_space<vmem>>, %arg13: memref<96xf32, #tpu.memory_space<vmem>>, %arg14: memref<96xf32, #tpu.memory_space<vmem>>, %arg15: memref<96xf32, #tpu.memory_space<vmem>>, %arg16: memref<80x128xf32, #tpu.memory_space<vmem>>, %arg17: memref<10240x128xf32, #tpu.memory_space<vmem_shared>>) attributes {dimension_semantics = [#tpu.dimension_semantics<core_parallel>, #tpu.dimension_semantics<subcore_parallel>], iteration_bounds = array<i64: 2, 16>, scalar_prefetch = 0 : i64, scratch_operands = 8 : i64, tpu.core_type = #tpu.core_type<sc_vector_subcore>, window_params = [{transform_indices = #map}, {transform_indices = #map}, {transform_indices = #map}, {transform_indices = #map}, {transform_indices = #map}, {transform_indices = #map}, {transform_indices = #map1}, {transform_indices = #map2}]} {
    %mul3A = arith.constant 2 : i32
    %mul3A_0 = arith.muli %arg1, %mul3A : i32
    %add3A = arith.addi %mul3A_0, %arg0 : i32
    %mul3A_1 = arith.constant 640 : i32
    %mul3A_2 = arith.muli %arg1, %mul3A_1 : i32
    %mul3A_3 = arith.constant 640 : i32
    %mul3A_4 = arith.muli %arg1, %mul3A_3 : i32
    "tpu.region"() ({
      %run_scoped3A = tpu.sem_alloc : memref<!tpu.dma_semaphore, #tpu.memory_space<semaphore_mem>>
      %dma_start3A = arith.constant 0 : i32
      %dma_start3A_23 = tpu.memref_slice %arg17[%mul3A_4, %dma_start3A] : memref<10240x128xf32, #tpu.memory_space<vmem_shared>> -> memref<640x128xf32, #tpu.memory_space<vmem_shared>>
      %dma_start3A_24 = arith.constant 0 : i32
      %dma_start3A_25 = tpu.memref_slice %arg8[%mul3A_2, %dma_start3A_24] : memref<10240x128xf32, #tpu.memory_space<hbm>> -> memref<640x128xf32, #tpu.memory_space<hbm>>
      tpu.enqueue_dma source(%dma_start3A_25 : memref<640x128xf32, #tpu.memory_space<hbm>>) target(%dma_start3A_23 : memref<640x128xf32, #tpu.memory_space<vmem_shared>>) target_semaphore(%run_scoped3A : memref<!tpu.dma_semaphore, #tpu.memory_space<semaphore_mem>>)
      %dma_wait3A = arith.constant 0 : i32
      %dma_wait3A_26 = tpu.memref_slice %arg17[%mul3A_4, %dma_wait3A] : memref<10240x128xf32, #tpu.memory_space<vmem_shared>> -> memref<640x128xf32, #tpu.memory_space<vmem_shared>>
      %dma_wait3A_27 = arith.constant 0 : i32
      %dma_wait3A_28 = tpu.memref_slice %arg8[%mul3A_2, %dma_wait3A_27] : memref<10240x128xf32, #tpu.memory_space<hbm>> -> memref<640x128xf32, #tpu.memory_space<hbm>>
      tpu.wait_dma2 semaphore(%run_scoped3A : memref<!tpu.dma_semaphore, #tpu.memory_space<semaphore_mem>>) src(%dma_wait3A_28 : memref<640x128xf32, #tpu.memory_space<hbm>>) dst(%dma_wait3A_26 : memref<640x128xf32, #tpu.memory_space<vmem_shared>>)
      tpu.yield
    }) : () -> ()
    %scan3A = arith.constant 0 : i32
    %scan3A_5 = arith.constant 0 : i32
    %scan3A_6 = arith.constant 80 : i32
    %scan3A_7 = arith.addi %scan3A_5, %scan3A_6 : i32
    %scan3A_8 = arith.constant 1 : i32
    %scan3A_9 = scf.for %scan3A_23 = %scan3A_5 to %scan3A_7 step %scan3A_8 iter_args(%scan3A_24 = %scan3A) -> (i32)  : i32 {
      %broadcast_in_dim3A = arith.constant 0.000000e+00 : f32
      %broadcast_in_dim3A_25 = vector.broadcast %broadcast_in_dim3A : f32 to vector<16xf32>
      %swap3A = arith.index_cast %scan3A_23 : i32 to index
      %swap3A_26 = arith.constant 80 : index
      %swap3A_27 = tpu.vector_load %arg16[%swap3A, %swap3A_26] {strides = array<i32>} : memref<80x128xf32, #tpu.memory_space<vmem>>, vector<1x16xf32>,
      %swap3A_28 = vector.shape_cast %swap3A_27 : vector<1x16xf32> to vector<16xf32>
      %swap3A_29 = vector.shape_cast %broadcast_in_dim3A_25 : vector<16xf32> to vector<1x16xf32>
      tpu.vector_store %arg16[%swap3A, %swap3A_26], %swap3A_29 {strides = array<i32>} : memref<80x128xf32, #tpu.memory_space<vmem>>, vector<1x16xf32>,
      %broadcast_in_dim3A_30 = arith.constant 0.000000e+00 : f32
      %broadcast_in_dim3A_31 = vector.broadcast %broadcast_in_dim3A_30 : f32 to vector<16xf32>
      %swap3A_32 = arith.index_cast %scan3A_23 : i32 to index
      %swap3A_33 = arith.constant 96 : index
      %swap3A_34 = tpu.vector_load %arg16[%swap3A_32, %swap3A_33] {strides = array<i32>} : memref<80x128xf32, #tpu.memory_space<vmem>>, vector<1x16xf32>,
      %swap3A_35 = vector.shape_cast %swap3A_34 : vector<1x16xf32> to vector<16xf32>
      %swap3A_36 = vector.shape_cast %broadcast_in_dim3A_31 : vector<16xf32> to vector<1x16xf32>
      tpu.vector_store %arg16[%swap3A_32, %swap3A_33], %swap3A_36 {strides = array<i32>} : memref<80x128xf32, #tpu.memory_space<vmem>>, vector<1x16xf32>,
      %broadcast_in_dim3A_37 = arith.constant 0.000000e+00 : f32
      %broadcast_in_dim3A_38 = vector.broadcast %broadcast_in_dim3A_37 : f32 to vector<16xf32>
      %swap3A_39 = arith.index_cast %scan3A_23 : i32 to index
      %swap3A_40 = arith.constant 112 : index
      %swap3A_41 = tpu.vector_load %arg16[%swap3A_39, %swap3A_40] {strides = array<i32>} : memref<80x128xf32, #tpu.memory_space<vmem>>, vector<1x16xf32>,
      %swap3A_42 = vector.shape_cast %swap3A_41 : vector<1x16xf32> to vector<16xf32>
      %swap3A_43 = vector.shape_cast %broadcast_in_dim3A_38 : vector<16xf32> to vector<1x16xf32>
      tpu.vector_store %arg16[%swap3A_39, %swap3A_40], %swap3A_43 {strides = array<i32>} : memref<80x128xf32, #tpu.memory_space<vmem>>, vector<1x16xf32>,
      %scan3A_44 = arith.constant 0 : i32
      scf.yield %scan3A_44 : i32
    }
    %scan3A_10 = arith.constant 80 : i32
    %barrier3A = arith.constant 0 : index
    tpu.barrier barrier_id(%barrier3A)
    %scan3A_11 = arith.constant 0 : i32
    %scan3A_12 = arith.constant 0 : i32
    %scan3A_13 = arith.constant 125 : i32
    %scan3A_14 = arith.addi %scan3A_12, %scan3A_13 : i32
    %scan3A_15 = arith.constant 1 : i32
    %scan3A_16 = scf.for %scan3A_23 = %scan3A_12 to %scan3A_14 step %scan3A_15 iter_args(%scan3A_24 = %scan3A_11) -> (i32)  : i32 {
      %mul3A_25 = arith.constant 10000 : i32
      %mul3A_26 = arith.muli %add3A, %mul3A_25 : i32
      %mul3A_27 = arith.constant 80 : i32
      %mul3A_28 = arith.muli %scan3A_23, %mul3A_27 : i32
      %add3A_29 = arith.addi %mul3A_26, %mul3A_28 : i32
      "tpu.region"() ({
        %run_scoped3A = tpu.sem_alloc : memref<!tpu.dma_semaphore, #tpu.memory_space<semaphore_mem>>
        %dma_start3A = tpu.memref_slice %arg2[%add3A_29] : memref<320000xi32, #tpu.memory_space<hbm>> -> memref<80xi32, #tpu.memory_space<hbm>>
        %dma_start3A_38 = tpu.memref_slice %arg2[%add3A_29] : memref<320000xi32, #tpu.memory_space<hbm>> -> memref<80xi32, #tpu.memory_space<hbm>>
        tpu.enqueue_dma source(%dma_start3A_38 : memref<80xi32, #tpu.memory_space<hbm>>) target(%arg10 : memref<80xi32, #tpu.memory_space<vmem>>) target_semaphore(%run_scoped3A : memref<!tpu.dma_semaphore, #tpu.memory_space<semaphore_mem>>)
        %dma_wait3A = tpu.memref_slice %arg2[%add3A_29] : memref<320000xi32, #tpu.memory_space<hbm>> -> memref<80xi32, #tpu.memory_space<hbm>>
        %dma_wait3A_39 = tpu.memref_slice %arg2[%add3A_29] : memref<320000xi32, #tpu.memory_space<hbm>> -> memref<80xi32, #tpu.memory_space<hbm>>
        tpu.wait_dma2 semaphore(%run_scoped3A : memref<!tpu.dma_semaphore, #tpu.memory_space<semaphore_mem>>) src(%dma_wait3A_39 : memref<80xi32, #tpu.memory_space<hbm>>) dst(%arg10 : memref<80xi32, #tpu.memory_space<vmem>>)
        tpu.yield
      }) : () -> ()
      "tpu.region"() ({
        %run_scoped3A = tpu.sem_alloc : memref<!tpu.dma_semaphore, #tpu.memory_space<semaphore_mem>>
        %dma_start3A = arith.constant 0 : i32
        %dma_start3A_38 = tpu.memref_slice %arg11[%dma_start3A] : memref<96xf32, #tpu.memory_space<vmem>> -> memref<80xf32, #tpu.memory_space<vmem>>
        %dma_start3A_39 = tpu.memref_slice %arg3[%add3A_29] : memref<320000xf32, #tpu.memory_space<hbm>> -> memref<80xf32, #tpu.memory_space<hbm>>
        %dma_start3A_40 = arith.constant 0 : i32
        %dma_start3A_41 = tpu.memref_slice %arg11[%dma_start3A_40] : memref<96xf32, #tpu.memory_space<vmem>> -> memref<80xf32, #tpu.memory_space<vmem>>
        %dma_start3A_42 = tpu.memref_slice %arg3[%add3A_29] : memref<320000xf32, #tpu.memory_space<hbm>> -> memref<80xf32, #tpu.memory_space<hbm>>
        tpu.enqueue_dma source(%dma_start3A_42 : memref<80xf32, #tpu.memory_space<hbm>>) target(%dma_start3A_41 : memref<80xf32, #tpu.memory_space<vmem>>) target_semaphore(%run_scoped3A : memref<!tpu.dma_semaphore, #tpu.memory_space<semaphore_mem>>)
        %dma_wait3A = arith.constant 0 : i32
        %dma_wait3A_43 = tpu.memref_slice %arg11[%dma_wait3A] : memref<96xf32, #tpu.memory_space<vmem>> -> memref<80xf32, #tpu.memory_space<vmem>>
        %dma_wait3A_44 = tpu.memref_slice %arg3[%add3A_29] : memref<320000xf32, #tpu.memory_space<hbm>> -> memref<80xf32, #tpu.memory_space<hbm>>
        %dma_wait3A_45 = arith.constant 0 : i32
        %dma_wait3A_46 = tpu.memref_slice %arg11[%dma_wait3A_45] : memref<96xf32, #tpu.memory_space<vmem>> -> memref<80xf32, #tpu.memory_space<vmem>>
        %dma_wait3A_47 = tpu.memref_slice %arg3[%add3A_29] : memref<320000xf32, #tpu.memory_space<hbm>> -> memref<80xf32, #tpu.memory_space<hbm>>
        tpu.wait_dma2 semaphore(%run_scoped3A : memref<!tpu.dma_semaphore, #tpu.memory_space<semaphore_mem>>) src(%dma_wait3A_47 : memref<80xf32, #tpu.memory_space<hbm>>) dst(%dma_wait3A_46 : memref<80xf32, #tpu.memory_space<vmem>>)
        tpu.yield
      }) : () -> ()
      "tpu.region"() ({
        %run_scoped3A = tpu.sem_alloc : memref<!tpu.dma_semaphore, #tpu.memory_space<semaphore_mem>>
        %dma_start3A = arith.constant 0 : i32
        %dma_start3A_38 = tpu.memref_slice %arg12[%dma_start3A] : memref<96xf32, #tpu.memory_space<vmem>> -> memref<80xf32, #tpu.memory_space<vmem>>
        %dma_start3A_39 = tpu.memref_slice %arg4[%add3A_29] : memref<320000xf32, #tpu.memory_space<hbm>> -> memref<80xf32, #tpu.memory_space<hbm>>
        %dma_start3A_40 = arith.constant 0 : i32
        %dma_start3A_41 = tpu.memref_slice %arg12[%dma_start3A_40] : memref<96xf32, #tpu.memory_space<vmem>> -> memref<80xf32, #tpu.memory_space<vmem>>
        %dma_start3A_42 = tpu.memref_slice %arg4[%add3A_29] : memref<320000xf32, #tpu.memory_space<hbm>> -> memref<80xf32, #tpu.memory_space<hbm>>
        tpu.enqueue_dma source(%dma_start3A_42 : memref<80xf32, #tpu.memory_space<hbm>>) target(%dma_start3A_41 : memref<80xf32, #tpu.memory_space<vmem>>) target_semaphore(%run_scoped3A : memref<!tpu.dma_semaphore, #tpu.memory_space<semaphore_mem>>)
        %dma_wait3A = arith.constant 0 : i32
        %dma_wait3A_43 = tpu.memref_slice %arg12[%dma_wait3A] : memref<96xf32, #tpu.memory_space<vmem>> -> memref<80xf32, #tpu.memory_space<vmem>>
        %dma_wait3A_44 = tpu.memref_slice %arg4[%add3A_29] : memref<320000xf32, #tpu.memory_space<hbm>> -> memref<80xf32, #tpu.memory_space<hbm>>
        %dma_wait3A_45 = arith.constant 0 : i32
        %dma_wait3A_46 = tpu.memref_slice %arg12[%dma_wait3A_45] : memref<96xf32, #tpu.memory_space<vmem>> -> memref<80xf32, #tpu.memory_space<vmem>>
        %dma_wait3A_47 = tpu.memref_slice %arg4[%add3A_29] : memref<320000xf32, #tpu.memory_space<hbm>> -> memref<80xf32, #tpu.memory_space<hbm>>
        tpu.wait_dma2 semaphore(%run_scoped3A : memref<!tpu.dma_semaphore, #tpu.memory_space<semaphore_mem>>) src(%dma_wait3A_47 : memref<80xf32, #tpu.memory_space<hbm>>) dst(%dma_wait3A_46 : memref<80xf32, #tpu.memory_space<vmem>>)
        tpu.yield
      }) : () -> ()
      "tpu.region"() ({
        %run_scoped3A = tpu.sem_alloc : memref<!tpu.dma_semaphore, #tpu.memory_space<semaphore_mem>>
        %dma_start3A = arith.constant 0 : i32
        %dma_start3A_38 = tpu.memref_slice %arg13[%dma_start3A] : memref<96xf32, #tpu.memory_space<vmem>> -> memref<80xf32, #tpu.memory_space<vmem>>
        %dma_start3A_39 = tpu.memref_slice %arg5[%add3A_29] : memref<320000xf32, #tpu.memory_space<hbm>> -> memref<80xf32, #tpu.memory_space<hbm>>
        %dma_start3A_40 = arith.constant 0 : i32
        %dma_start3A_41 = tpu.memref_slice %arg13[%dma_start3A_40] : memref<96xf32, #tpu.memory_space<vmem>> -> memref<80xf32, #tpu.memory_space<vmem>>
        %dma_start3A_42 = tpu.memref_slice %arg5[%add3A_29] : memref<320000xf32, #tpu.memory_space<hbm>> -> memref<80xf32, #tpu.memory_space<hbm>>
        tpu.enqueue_dma source(%dma_start3A_42 : memref<80xf32, #tpu.memory_space<hbm>>) target(%dma_start3A_41 : memref<80xf32, #tpu.memory_space<vmem>>) target_semaphore(%run_scoped3A : memref<!tpu.dma_semaphore, #tpu.memory_space<semaphore_mem>>)
        %dma_wait3A = arith.constant 0 : i32
        %dma_wait3A_43 = tpu.memref_slice %arg13[%dma_wait3A] : memref<96xf32, #tpu.memory_space<vmem>> -> memref<80xf32, #tpu.memory_space<vmem>>
        %dma_wait3A_44 = tpu.memref_slice %arg5[%add3A_29] : memref<320000xf32, #tpu.memory_space<hbm>> -> memref<80xf32, #tpu.memory_space<hbm>>
        %dma_wait3A_45 = arith.constant 0 : i32
        %dma_wait3A_46 = tpu.memref_slice %arg13[%dma_wait3A_45] : memref<96xf32, #tpu.memory_space<vmem>> -> memref<80xf32, #tpu.memory_space<vmem>>
        %dma_wait3A_47 = tpu.memref_slice %arg5[%add3A_29] : memref<320000xf32, #tpu.memory_space<hbm>> -> memref<80xf32, #tpu.memory_space<hbm>>
        tpu.wait_dma2 semaphore(%run_scoped3A : memref<!tpu.dma_semaphore, #tpu.memory_space<semaphore_mem>>) src(%dma_wait3A_47 : memref<80xf32, #tpu.memory_space<hbm>>) dst(%dma_wait3A_46 : memref<80xf32, #tpu.memory_space<vmem>>)
        tpu.yield
      }) : () -> ()
      "tpu.region"() ({
        %run_scoped3A = tpu.sem_alloc : memref<!tpu.dma_semaphore, #tpu.memory_space<semaphore_mem>>
        %dma_start3A = arith.constant 0 : i32
        %dma_start3A_38 = tpu.memref_slice %arg14[%dma_start3A] : memref<96xf32, #tpu.memory_space<vmem>> -> memref<80xf32, #tpu.memory_space<vmem>>
        %dma_start3A_39 = tpu.memref_slice %arg6[%add3A_29] : memref<320000xf32, #tpu.memory_space<hbm>> -> memref<80xf32, #tpu.memory_space<hbm>>
        %dma_start3A_40 = arith.constant 0 : i32
        %dma_start3A_41 = tpu.memref_slice %arg14[%dma_start3A_40] : memref<96xf32, #tpu.memory_space<vmem>> -> memref<80xf32, #tpu.memory_space<vmem>>
        %dma_start3A_42 = tpu.memref_slice %arg6[%add3A_29] : memref<320000xf32, #tpu.memory_space<hbm>> -> memref<80xf32, #tpu.memory_space<hbm>>
        tpu.enqueue_dma source(%dma_start3A_42 : memref<80xf32, #tpu.memory_space<hbm>>) target(%dma_start3A_41 : memref<80xf32, #tpu.memory_space<vmem>>) target_semaphore(%run_scoped3A : memref<!tpu.dma_semaphore, #tpu.memory_space<semaphore_mem>>)
        %dma_wait3A = arith.constant 0 : i32
        %dma_wait3A_43 = tpu.memref_slice %arg14[%dma_wait3A] : memref<96xf32, #tpu.memory_space<vmem>> -> memref<80xf32, #tpu.memory_space<vmem>>
        %dma_wait3A_44 = tpu.memref_slice %arg6[%add3A_29] : memref<320000xf32, #tpu.memory_space<hbm>> -> memref<80xf32, #tpu.memory_space<hbm>>
        %dma_wait3A_45 = arith.constant 0 : i32
        %dma_wait3A_46 = tpu.memref_slice %arg14[%dma_wait3A_45] : memref<96xf32, #tpu.memory_space<vmem>> -> memref<80xf32, #tpu.memory_space<vmem>>
        %dma_wait3A_47 = tpu.memref_slice %arg6[%add3A_29] : memref<320000xf32, #tpu.memory_space<hbm>> -> memref<80xf32, #tpu.memory_space<hbm>>
        tpu.wait_dma2 semaphore(%run_scoped3A : memref<!tpu.dma_semaphore, #tpu.memory_space<semaphore_mem>>) src(%dma_wait3A_47 : memref<80xf32, #tpu.memory_space<hbm>>) dst(%dma_wait3A_46 : memref<80xf32, #tpu.memory_space<vmem>>)
        tpu.yield
      }) : () -> ()
      "tpu.region"() ({
        %run_scoped3A = tpu.sem_alloc : memref<!tpu.dma_semaphore, #tpu.memory_space<semaphore_mem>>
        %dma_start3A = arith.constant 0 : i32
        %dma_start3A_38 = tpu.memref_slice %arg15[%dma_start3A] : memref<96xf32, #tpu.memory_space<vmem>> -> memref<80xf32, #tpu.memory_space<vmem>>
        %dma_start3A_39 = tpu.memref_slice %arg7[%add3A_29] : memref<320000xf32, #tpu.memory_space<hbm>> -> memref<80xf32, #tpu.memory_space<hbm>>
        %dma_start3A_40 = arith.constant 0 : i32
        %dma_start3A_41 = tpu.memref_slice %arg15[%dma_start3A_40] : memref<96xf32, #tpu.memory_space<vmem>> -> memref<80xf32, #tpu.memory_space<vmem>>
        %dma_start3A_42 = tpu.memref_slice %arg7[%add3A_29] : memref<320000xf32, #tpu.memory_space<hbm>> -> memref<80xf32, #tpu.memory_space<hbm>>
        tpu.enqueue_dma source(%dma_start3A_42 : memref<80xf32, #tpu.memory_space<hbm>>) target(%dma_start3A_41 : memref<80xf32, #tpu.memory_space<vmem>>) target_semaphore(%run_scoped3A : memref<!tpu.dma_semaphore, #tpu.memory_space<semaphore_mem>>)
        %dma_wait3A = arith.constant 0 : i32
        %dma_wait3A_43 = tpu.memref_slice %arg15[%dma_wait3A] : memref<96xf32, #tpu.memory_space<vmem>> -> memref<80xf32, #tpu.memory_space<vmem>>
        %dma_wait3A_44 = tpu.memref_slice %arg7[%add3A_29] : memref<320000xf32, #tpu.memory_space<hbm>> -> memref<80xf32, #tpu.memory_space<hbm>>
        %dma_wait3A_45 = arith.constant 0 : i32
        %dma_wait3A_46 = tpu.memref_slice %arg15[%dma_wait3A_45] : memref<96xf32, #tpu.memory_space<vmem>> -> memref<80xf32, #tpu.memory_space<vmem>>
        %dma_wait3A_47 = tpu.memref_slice %arg7[%add3A_29] : memref<320000xf32, #tpu.memory_space<hbm>> -> memref<80xf32, #tpu.memory_space<hbm>>
        tpu.wait_dma2 semaphore(%run_scoped3A : memref<!tpu.dma_semaphore, #tpu.memory_space<semaphore_mem>>) src(%dma_wait3A_47 : memref<80xf32, #tpu.memory_space<hbm>>) dst(%dma_wait3A_46 : memref<80xf32, #tpu.memory_space<vmem>>)
        tpu.yield
      }) : () -> ()
      %scan3A_30 = arith.constant 0 : i32
      %scan3A_31 = arith.constant 0 : i32
      %scan3A_32 = arith.constant 80 : i32
      %scan3A_33 = arith.addi %scan3A_31, %scan3A_32 : i32
      %scan3A_34 = arith.constant 1 : i32
      %scan3A_35 = scf.for %scan3A_38 = %scan3A_31 to %scan3A_33 step %scan3A_34 iter_args(%scan3A_39 = %scan3A_30) -> (i32)  : i32 {
        %get3A = arith.index_cast %scan3A_38 : i32 to index
        %get3A_40 = tpu.vector_load %arg11[%get3A] {strides = array<i32>} : memref<96xf32, #tpu.memory_space<vmem>>, vector<16xf32>,
        %get3A_41 = vector.shape_cast %get3A_40 : vector<16xf32> to vector<16xf32>
        %slice3A = vector.extract_strided_slice %get3A_41 {offsets = [0], sizes = [1], strides = [1]} : vector<16xf32> to vector<1xf32>
        %squeeze3A = vector.extract %slice3A[0] : f32 from vector<1xf32>
        %broadcast_in_dim3A = vector.broadcast %squeeze3A : f32 to vector<16xf32>
        %swap3A = arith.index_cast %scan3A_38 : i32 to index
        %swap3A_42 = arith.constant 0 : index
        %swap3A_43 = tpu.vector_load %arg16[%swap3A, %swap3A_42] {strides = array<i32>} : memref<80x128xf32, #tpu.memory_space<vmem>>, vector<1x16xf32>,
        %swap3A_44 = vector.shape_cast %swap3A_43 : vector<1x16xf32> to vector<16xf32>
        %swap3A_45 = vector.shape_cast %broadcast_in_dim3A : vector<16xf32> to vector<1x16xf32>
        tpu.vector_store %arg16[%swap3A, %swap3A_42], %swap3A_45 {strides = array<i32>} : memref<80x128xf32, #tpu.memory_space<vmem>>, vector<1x16xf32>,
        %get3A_46 = arith.index_cast %scan3A_38 : i32 to index
        %get3A_47 = tpu.vector_load %arg12[%get3A_46] {strides = array<i32>} : memref<96xf32, #tpu.memory_space<vmem>>, vector<16xf32>,
        %get3A_48 = vector.shape_cast %get3A_47 : vector<16xf32> to vector<16xf32>
        %slice3A_49 = vector.extract_strided_slice %get3A_48 {offsets = [0], sizes = [1], strides = [1]} : vector<16xf32> to vector<1xf32>
        %squeeze3A_50 = vector.extract %slice3A_49[0] : f32 from vector<1xf32>
        %broadcast_in_dim3A_51 = vector.broadcast %squeeze3A_50 : f32 to vector<16xf32>
        %swap3A_52 = arith.index_cast %scan3A_38 : i32 to index
        %swap3A_53 = arith.constant 16 : index
        %swap3A_54 = tpu.vector_load %arg16[%swap3A_52, %swap3A_53] {strides = array<i32>} : memref<80x128xf32, #tpu.memory_space<vmem>>, vector<1x16xf32>,
        %swap3A_55 = vector.shape_cast %swap3A_54 : vector<1x16xf32> to vector<16xf32>
        %swap3A_56 = vector.shape_cast %broadcast_in_dim3A_51 : vector<16xf32> to vector<1x16xf32>
        tpu.vector_store %arg16[%swap3A_52, %swap3A_53], %swap3A_56 {strides = array<i32>} : memref<80x128xf32, #tpu.memory_space<vmem>>, vector<1x16xf32>,
        %get3A_57 = arith.index_cast %scan3A_38 : i32 to index
        %get3A_58 = tpu.vector_load %arg13[%get3A_57] {strides = array<i32>} : memref<96xf32, #tpu.memory_space<vmem>>, vector<16xf32>,
        %get3A_59 = vector.shape_cast %get3A_58 : vector<16xf32> to vector<16xf32>
        %slice3A_60 = vector.extract_strided_slice %get3A_59 {offsets = [0], sizes = [1], strides = [1]} : vector<16xf32> to vector<1xf32>
        %squeeze3A_61 = vector.extract %slice3A_60[0] : f32 from vector<1xf32>
        %broadcast_in_dim3A_62 = vector.broadcast %squeeze3A_61 : f32 to vector<16xf32>
        %swap3A_63 = arith.index_cast %scan3A_38 : i32 to index
        %swap3A_64 = arith.constant 32 : index
        %swap3A_65 = tpu.vector_load %arg16[%swap3A_63, %swap3A_64] {strides = array<i32>} : memref<80x128xf32, #tpu.memory_space<vmem>>, vector<1x16xf32>,
        %swap3A_66 = vector.shape_cast %swap3A_65 : vector<1x16xf32> to vector<16xf32>
        %swap3A_67 = vector.shape_cast %broadcast_in_dim3A_62 : vector<16xf32> to vector<1x16xf32>
        tpu.vector_store %arg16[%swap3A_63, %swap3A_64], %swap3A_67 {strides = array<i32>} : memref<80x128xf32, #tpu.memory_space<vmem>>, vector<1x16xf32>,
        %get3A_68 = arith.index_cast %scan3A_38 : i32 to index
        %get3A_69 = tpu.vector_load %arg14[%get3A_68] {strides = array<i32>} : memref<96xf32, #tpu.memory_space<vmem>>, vector<16xf32>,
        %get3A_70 = vector.shape_cast %get3A_69 : vector<16xf32> to vector<16xf32>
        %slice3A_71 = vector.extract_strided_slice %get3A_70 {offsets = [0], sizes = [1], strides = [1]} : vector<16xf32> to vector<1xf32>
        %squeeze3A_72 = vector.extract %slice3A_71[0] : f32 from vector<1xf32>
        %broadcast_in_dim3A_73 = vector.broadcast %squeeze3A_72 : f32 to vector<16xf32>
        %swap3A_74 = arith.index_cast %scan3A_38 : i32 to index
        %swap3A_75 = arith.constant 48 : index
        %swap3A_76 = tpu.vector_load %arg16[%swap3A_74, %swap3A_75] {strides = array<i32>} : memref<80x128xf32, #tpu.memory_space<vmem>>, vector<1x16xf32>,
        %swap3A_77 = vector.shape_cast %swap3A_76 : vector<1x16xf32> to vector<16xf32>
        %swap3A_78 = vector.shape_cast %broadcast_in_dim3A_73 : vector<16xf32> to vector<1x16xf32>
        tpu.vector_store %arg16[%swap3A_74, %swap3A_75], %swap3A_78 {strides = array<i32>} : memref<80x128xf32, #tpu.memory_space<vmem>>, vector<1x16xf32>,
        %get3A_79 = arith.index_cast %scan3A_38 : i32 to index
        %get3A_80 = tpu.vector_load %arg15[%get3A_79] {strides = array<i32>} : memref<96xf32, #tpu.memory_space<vmem>>, vector<16xf32>,
        %get3A_81 = vector.shape_cast %get3A_80 : vector<16xf32> to vector<16xf32>
        %slice3A_82 = vector.extract_strided_slice %get3A_81 {offsets = [0], sizes = [1], strides = [1]} : vector<16xf32> to vector<1xf32>
        %squeeze3A_83 = vector.extract %slice3A_82[0] : f32 from vector<1xf32>
        %broadcast_in_dim3A_84 = vector.broadcast %squeeze3A_83 : f32 to vector<16xf32>
        %swap3A_85 = arith.index_cast %scan3A_38 : i32 to index
        %swap3A_86 = arith.constant 64 : index
        %swap3A_87 = tpu.vector_load %arg16[%swap3A_85, %swap3A_86] {strides = array<i32>} : memref<80x128xf32, #tpu.memory_space<vmem>>, vector<1x16xf32>,
        %swap3A_88 = vector.shape_cast %swap3A_87 : vector<1x16xf32> to vector<16xf32>
        %swap3A_89 = vector.shape_cast %broadcast_in_dim3A_84 : vector<16xf32> to vector<1x16xf32>
        tpu.vector_store %arg16[%swap3A_85, %swap3A_86], %swap3A_89 {strides = array<i32>} : memref<80x128xf32, #tpu.memory_space<vmem>>, vector<1x16xf32>,
        %scan3A_90 = arith.constant 0 : i32
        scf.yield %scan3A_90 : i32
      }
      %scan3A_36 = arith.constant 80 : i32
      "tpu.region"() ({
        %run_scoped3A = tpu.sem_alloc : memref<!tpu.dma_semaphore, #tpu.memory_space<semaphore_mem>>
        %dma_start3A = arith.constant 0 : i32
        %dma_start3A_38 = arith.constant 0 : i32
        %dma_start3A_39 = tpu.memref_slice %arg17[%dma_start3A, %dma_start3A_38] : memref<10240x128xf32, #tpu.memory_space<vmem_shared>> -> memref<10240x128xf32, #tpu.memory_space<vmem_shared>>
        tpu.enqueue_indirect_dma source(%arg16 : memref<80x128xf32, #tpu.memory_space<vmem>>) target(%dma_start3A_39 : memref<10240x128xf32, #tpu.memory_space<vmem_shared>>) offsets(%arg10 : memref<80xi32, #tpu.memory_space<vmem>>) semaphore(%run_scoped3A : memref<!tpu.dma_semaphore, #tpu.memory_space<semaphore_mem>>) {add = true}
        %dma_wait3A = arith.constant 0 : i32
        %dma_wait3A_40 = arith.constant 0 : i32
        %dma_wait3A_41 = tpu.memref_slice %arg17[%dma_wait3A, %dma_wait3A_40] : memref<10240x128xf32, #tpu.memory_space<vmem_shared>> -> memref<10240x128xf32, #tpu.memory_space<vmem_shared>>
        tpu.wait_indirect_dma semaphore(%run_scoped3A : memref<!tpu.dma_semaphore, #tpu.memory_space<semaphore_mem>>) src(%arg16 : memref<80x128xf32, #tpu.memory_space<vmem>>) dst(%dma_wait3A_41 : memref<10240x128xf32, #tpu.memory_space<vmem_shared>>)
        tpu.yield
      }) : () -> ()
      %scan3A_37 = arith.constant 0 : i32
      scf.yield %scan3A_37 : i32
    }
    %scan3A_17 = arith.constant 125 : i32
    %barrier3A_18 = arith.constant 0 : index
    tpu.barrier barrier_id(%barrier3A_18)
    %mul3A_19 = arith.constant 640 : i32
    %mul3A_20 = arith.muli %arg1, %mul3A_19 : i32
    %mul3A_21 = arith.constant 640 : i32
    %mul3A_22 = arith.muli %arg1, %mul3A_21 : i32
    "tpu.region"() ({
      %run_scoped3A = tpu.sem_alloc : memref<!tpu.dma_semaphore, #tpu.memory_space<semaphore_mem>>
      %dma_start3A = arith.constant 0 : i32
      %dma_start3A_23 = tpu.memref_slice %arg9[%arg0, %mul3A_22, %dma_start3A] : memref<2x10240x128xf32, #tpu.memory_space<hbm>> -> memref<1x640x128xf32, #tpu.memory_space<hbm>>
      %dma_start3A_24 = tpu.memref_squeeze %dma_start3A_23 : memref<1x640x128xf32, #tpu.memory_space<hbm>> -> memref<640x128xf32, #tpu.memory_space<hbm>>
      %dma_start3A_25 = arith.constant 0 : i32
      %dma_start3A_26 = tpu.memref_slice %arg17[%mul3A_20, %dma_start3A_25] : memref<10240x128xf32, #tpu.memory_space<vmem_shared>> -> memref<640x128xf32, #tpu.memory_space<vmem_shared>>
      tpu.enqueue_dma source(%dma_start3A_26 : memref<640x128xf32, #tpu.memory_space<vmem_shared>>) target(%dma_start3A_24 : memref<640x128xf32, #tpu.memory_space<hbm>>) target_semaphore(%run_scoped3A : memref<!tpu.dma_semaphore, #tpu.memory_space<semaphore_mem>>)
      %dma_wait3A = arith.constant 0 : i32
      %dma_wait3A_27 = tpu.memref_slice %arg9[%arg0, %mul3A_22, %dma_wait3A] : memref<2x10240x128xf32, #tpu.memory_space<hbm>> -> memref<1x640x128xf32, #tpu.memory_space<hbm>>
      %dma_wait3A_28 = tpu.memref_squeeze %dma_wait3A_27 : memref<1x640x128xf32, #tpu.memory_space<hbm>> -> memref<640x128xf32, #tpu.memory_space<hbm>>
      %dma_wait3A_29 = arith.constant 0 : i32
      %dma_wait3A_30 = tpu.memref_slice %arg17[%mul3A_20, %dma_wait3A_29] : memref<10240x128xf32, #tpu.memory_space<vmem_shared>> -> memref<640x128xf32, #tpu.memory_space<vmem_shared>>
      tpu.wait_dma2 semaphore(%run_scoped3A : memref<!tpu.dma_semaphore, #tpu.memory_space<semaphore_mem>>) src(%dma_wait3A_30 : memref<640x128xf32, #tpu.memory_space<vmem_shared>>) dst(%dma_wait3A_28 : memref<640x128xf32, #tpu.memory_space<hbm>>)
      tpu.yield
    }) : () -> ()
    return
  }
}

#map = affine_map<(d0, d1) -> (0)>
#map1 = affine_map<(d0, d1) -> (0, 0)>
#map2 = affine_map<(d0, d1) -> (0, 0, 0)>
module attributes {stable_mosaic.version = 14 : i64} {
  func.func @_sc_agg_body(%arg0: i32, %arg1: i32, %arg2: memref<320000xi32, #tpu.memory_space<hbm>>, %arg3: memref<320000xi32, #tpu.memory_space<hbm>>, %arg4: memref<320000xf32, #tpu.memory_space<hbm>>, %arg5: memref<10000x128xf32, #tpu.memory_space<hbm>>, %arg6: memref<10240x128xf32, #tpu.memory_space<hbm>>, %arg7: memref<2x10240x128xf32, #tpu.memory_space<hbm>>, %arg8: memref<80xi32, #tpu.memory_space<vmem>>, %arg9: memref<80xi32, #tpu.memory_space<vmem>>, %arg10: memref<96xf32, #tpu.memory_space<vmem>>, %arg11: memref<80x128xf32, #tpu.memory_space<vmem>>, %arg12: memref<10240x128xf32, #tpu.memory_space<vmem_shared>>, %arg13: memref<!tpu.dma_semaphore, #tpu.memory_space<semaphore_mem>>) attributes {dimension_semantics = [#tpu.dimension_semantics<core_parallel>, #tpu.dimension_semantics<subcore_parallel>], iteration_bounds = array<i64: 2, 16>, scalar_prefetch = 0 : i64, scratch_operands = 6 : i64, tpu.core_type = #tpu.core_type<sc_vector_subcore>, window_params = [{transform_indices = #map}, {transform_indices = #map}, {transform_indices = #map}, {transform_indices = #map1}, {transform_indices = #map1}, {transform_indices = #map2}]} {
    %mul3A = arith.constant 2 : i32
    %mul3A_0 = arith.muli %arg1, %mul3A : i32
    %add3A = arith.addi %mul3A_0, %arg0 : i32
    %mul3A_1 = arith.constant 640 : i32
    %mul3A_2 = arith.muli %arg1, %mul3A_1 : i32
    %mul3A_3 = arith.constant 640 : i32
    %mul3A_4 = arith.muli %arg1, %mul3A_3 : i32
    "tpu.region"() ({
      %run_scoped3A = tpu.sem_alloc : memref<!tpu.dma_semaphore, #tpu.memory_space<semaphore_mem>>
      %dma_start3A = arith.constant 0 : i32
      %dma_start3A_16 = tpu.memref_slice %arg12[%mul3A_4, %dma_start3A] : memref<10240x128xf32, #tpu.memory_space<vmem_shared>> -> memref<640x128xf32, #tpu.memory_space<vmem_shared>>
      %dma_start3A_17 = arith.constant 0 : i32
      %dma_start3A_18 = tpu.memref_slice %arg6[%mul3A_2, %dma_start3A_17] : memref<10240x128xf32, #tpu.memory_space<hbm>> -> memref<640x128xf32, #tpu.memory_space<hbm>>
      tpu.enqueue_dma source(%dma_start3A_18 : memref<640x128xf32, #tpu.memory_space<hbm>>) target(%dma_start3A_16 : memref<640x128xf32, #tpu.memory_space<vmem_shared>>) target_semaphore(%run_scoped3A : memref<!tpu.dma_semaphore, #tpu.memory_space<semaphore_mem>>)
      %dma_wait3A = arith.constant 0 : i32
      %dma_wait3A_19 = tpu.memref_slice %arg12[%mul3A_4, %dma_wait3A] : memref<10240x128xf32, #tpu.memory_space<vmem_shared>> -> memref<640x128xf32, #tpu.memory_space<vmem_shared>>
      %dma_wait3A_20 = arith.constant 0 : i32
      %dma_wait3A_21 = tpu.memref_slice %arg6[%mul3A_2, %dma_wait3A_20] : memref<10240x128xf32, #tpu.memory_space<hbm>> -> memref<640x128xf32, #tpu.memory_space<hbm>>
      tpu.wait_dma2 semaphore(%run_scoped3A : memref<!tpu.dma_semaphore, #tpu.memory_space<semaphore_mem>>) src(%dma_wait3A_21 : memref<640x128xf32, #tpu.memory_space<hbm>>) dst(%dma_wait3A_19 : memref<640x128xf32, #tpu.memory_space<vmem_shared>>)
      tpu.yield
    }) : () -> ()
    %barrier3A = arith.constant 0 : index
    tpu.barrier barrier_id(%barrier3A)
    %scan3A = arith.constant 0 : i32
    %scan3A_5 = arith.constant 0 : i32
    %scan3A_6 = arith.constant 125 : i32
    %scan3A_7 = arith.addi %scan3A_5, %scan3A_6 : i32
    %scan3A_8 = arith.constant 1 : i32
    %scan3A_9 = scf.for %scan3A_16 = %scan3A_5 to %scan3A_7 step %scan3A_8 iter_args(%scan3A_17 = %scan3A) -> (i32)  : i32 {
      %mul3A_18 = arith.constant 10000 : i32
      %mul3A_19 = arith.muli %add3A, %mul3A_18 : i32
      %mul3A_20 = arith.constant 80 : i32
      %mul3A_21 = arith.muli %scan3A_16, %mul3A_20 : i32
      %add3A_22 = arith.addi %mul3A_19, %mul3A_21 : i32
      "tpu.region"() ({
        %run_scoped3A = tpu.sem_alloc : memref<!tpu.dma_semaphore, #tpu.memory_space<semaphore_mem>>
        %dma_start3A_35 = tpu.memref_slice %arg2[%add3A_22] : memref<320000xi32, #tpu.memory_space<hbm>> -> memref<80xi32, #tpu.memory_space<hbm>>
        %dma_start3A_36 = tpu.memref_slice %arg2[%add3A_22] : memref<320000xi32, #tpu.memory_space<hbm>> -> memref<80xi32, #tpu.memory_space<hbm>>
        tpu.enqueue_dma source(%dma_start3A_36 : memref<80xi32, #tpu.memory_space<hbm>>) target(%arg8 : memref<80xi32, #tpu.memory_space<vmem>>) target_semaphore(%run_scoped3A : memref<!tpu.dma_semaphore, #tpu.memory_space<semaphore_mem>>)
        %dma_wait3A_37 = tpu.memref_slice %arg2[%add3A_22] : memref<320000xi32, #tpu.memory_space<hbm>> -> memref<80xi32, #tpu.memory_space<hbm>>
        %dma_wait3A_38 = tpu.memref_slice %arg2[%add3A_22] : memref<320000xi32, #tpu.memory_space<hbm>> -> memref<80xi32, #tpu.memory_space<hbm>>
        tpu.wait_dma2 semaphore(%run_scoped3A : memref<!tpu.dma_semaphore, #tpu.memory_space<semaphore_mem>>) src(%dma_wait3A_38 : memref<80xi32, #tpu.memory_space<hbm>>) dst(%arg8 : memref<80xi32, #tpu.memory_space<vmem>>)
        tpu.yield
      }) : () -> ()
      "tpu.region"() ({
        %run_scoped3A = tpu.sem_alloc : memref<!tpu.dma_semaphore, #tpu.memory_space<semaphore_mem>>
        %dma_start3A_35 = tpu.memref_slice %arg3[%add3A_22] : memref<320000xi32, #tpu.memory_space<hbm>> -> memref<80xi32, #tpu.memory_space<hbm>>
        %dma_start3A_36 = tpu.memref_slice %arg3[%add3A_22] : memref<320000xi32, #tpu.memory_space<hbm>> -> memref<80xi32, #tpu.memory_space<hbm>>
        tpu.enqueue_dma source(%dma_start3A_36 : memref<80xi32, #tpu.memory_space<hbm>>) target(%arg9 : memref<80xi32, #tpu.memory_space<vmem>>) target_semaphore(%run_scoped3A : memref<!tpu.dma_semaphore, #tpu.memory_space<semaphore_mem>>)
        %dma_wait3A_37 = tpu.memref_slice %arg3[%add3A_22] : memref<320000xi32, #tpu.memory_space<hbm>> -> memref<80xi32, #tpu.memory_space<hbm>>
        %dma_wait3A_38 = tpu.memref_slice %arg3[%add3A_22] : memref<320000xi32, #tpu.memory_space<hbm>> -> memref<80xi32, #tpu.memory_space<hbm>>
        tpu.wait_dma2 semaphore(%run_scoped3A : memref<!tpu.dma_semaphore, #tpu.memory_space<semaphore_mem>>) src(%dma_wait3A_38 : memref<80xi32, #tpu.memory_space<hbm>>) dst(%arg9 : memref<80xi32, #tpu.memory_space<vmem>>)
        tpu.yield
      }) : () -> ()
      "tpu.region"() ({
        %run_scoped3A = tpu.sem_alloc : memref<!tpu.dma_semaphore, #tpu.memory_space<semaphore_mem>>
        %dma_start3A_35 = arith.constant 0 : i32
        %dma_start3A_36 = tpu.memref_slice %arg10[%dma_start3A_35] : memref<96xf32, #tpu.memory_space<vmem>> -> memref<80xf32, #tpu.memory_space<vmem>>
        %dma_start3A_37 = tpu.memref_slice %arg4[%add3A_22] : memref<320000xf32, #tpu.memory_space<hbm>> -> memref<80xf32, #tpu.memory_space<hbm>>
        %dma_start3A_38 = arith.constant 0 : i32
        %dma_start3A_39 = tpu.memref_slice %arg10[%dma_start3A_38] : memref<96xf32, #tpu.memory_space<vmem>> -> memref<80xf32, #tpu.memory_space<vmem>>
        %dma_start3A_40 = tpu.memref_slice %arg4[%add3A_22] : memref<320000xf32, #tpu.memory_space<hbm>> -> memref<80xf32, #tpu.memory_space<hbm>>
        tpu.enqueue_dma source(%dma_start3A_40 : memref<80xf32, #tpu.memory_space<hbm>>) target(%dma_start3A_39 : memref<80xf32, #tpu.memory_space<vmem>>) target_semaphore(%run_scoped3A : memref<!tpu.dma_semaphore, #tpu.memory_space<semaphore_mem>>)
        %dma_wait3A_41 = arith.constant 0 : i32
        %dma_wait3A_42 = tpu.memref_slice %arg10[%dma_wait3A_41] : memref<96xf32, #tpu.memory_space<vmem>> -> memref<80xf32, #tpu.memory_space<vmem>>
        %dma_wait3A_43 = tpu.memref_slice %arg4[%add3A_22] : memref<320000xf32, #tpu.memory_space<hbm>> -> memref<80xf32, #tpu.memory_space<hbm>>
        %dma_wait3A_44 = arith.constant 0 : i32
        %dma_wait3A_45 = tpu.memref_slice %arg10[%dma_wait3A_44] : memref<96xf32, #tpu.memory_space<vmem>> -> memref<80xf32, #tpu.memory_space<vmem>>
        %dma_wait3A_46 = tpu.memref_slice %arg4[%add3A_22] : memref<320000xf32, #tpu.memory_space<hbm>> -> memref<80xf32, #tpu.memory_space<hbm>>
        tpu.wait_dma2 semaphore(%run_scoped3A : memref<!tpu.dma_semaphore, #tpu.memory_space<semaphore_mem>>) src(%dma_wait3A_46 : memref<80xf32, #tpu.memory_space<hbm>>) dst(%dma_wait3A_45 : memref<80xf32, #tpu.memory_space<vmem>>)
        tpu.yield
      }) : () -> ()
      %dma_start3A = arith.constant 0 : i32
      %dma_start3A_23 = arith.constant 0 : i32
      %dma_start3A_24 = tpu.memref_slice %arg5[%dma_start3A, %dma_start3A_23] : memref<10000x128xf32, #tpu.memory_space<hbm>> -> memref<10000x128xf32, #tpu.memory_space<hbm>>
      tpu.enqueue_indirect_dma source(%dma_start3A_24 : memref<10000x128xf32, #tpu.memory_space<hbm>>) target(%arg11 : memref<80x128xf32, #tpu.memory_space<vmem>>) offsets(%arg8 : memref<80xi32, #tpu.memory_space<vmem>>) semaphore(%arg13 : memref<!tpu.dma_semaphore, #tpu.memory_space<semaphore_mem>>)
      %dma_wait3A = arith.constant 0 : i32
      %dma_wait3A_25 = arith.constant 0 : i32
      %dma_wait3A_26 = tpu.memref_slice %arg5[%dma_wait3A, %dma_wait3A_25] : memref<10000x128xf32, #tpu.memory_space<hbm>> -> memref<10000x128xf32, #tpu.memory_space<hbm>>
      tpu.wait_indirect_dma semaphore(%arg13 : memref<!tpu.dma_semaphore, #tpu.memory_space<semaphore_mem>>) src(%dma_wait3A_26 : memref<10000x128xf32, #tpu.memory_space<hbm>>) dst(%arg11 : memref<80x128xf32, #tpu.memory_space<vmem>>)
      %scan3A_27 = arith.constant 0 : i32
      %scan3A_28 = arith.constant 0 : i32
      %scan3A_29 = arith.constant 80 : i32
      %scan3A_30 = arith.addi %scan3A_28, %scan3A_29 : i32
      %scan3A_31 = arith.constant 1 : i32
      %scan3A_32 = scf.for %scan3A_35 = %scan3A_28 to %scan3A_30 step %scan3A_31 iter_args(%scan3A_36 = %scan3A_27) -> (i32)  : i32 {
        %get3A = arith.index_cast %scan3A_35 : i32 to index
        %get3A_37 = tpu.vector_load %arg10[%get3A] {strides = array<i32>} : memref<96xf32, #tpu.memory_space<vmem>>, vector<16xf32>,
        %get3A_38 = vector.shape_cast %get3A_37 : vector<16xf32> to vector<16xf32>
        %slice3A = vector.extract_strided_slice %get3A_38 {offsets = [0], sizes = [1], strides = [1]} : vector<16xf32> to vector<1xf32>
        %squeeze3A = vector.extract %slice3A[0] : f32 from vector<1xf32>
        %broadcast_in_dim3A = vector.broadcast %squeeze3A : f32 to vector<16xf32>
        %get3A_39 = arith.index_cast %scan3A_35 : i32 to index
        %get3A_40 = arith.constant 0 : index
        %get3A_41 = tpu.vector_load %arg11[%get3A_39, %get3A_40] {strides = array<i32>} : memref<80x128xf32, #tpu.memory_space<vmem>>, vector<1x16xf32>,
        %get3A_42 = vector.shape_cast %get3A_41 : vector<1x16xf32> to vector<16xf32>
        %mul3A_43 = arith.mulf %get3A_42, %broadcast_in_dim3A : vector<16xf32>
        %swap3A = arith.index_cast %scan3A_35 : i32 to index
        %swap3A_44 = arith.constant 0 : index
        %swap3A_45 = tpu.vector_load %arg11[%swap3A, %swap3A_44] {strides = array<i32>} : memref<80x128xf32, #tpu.memory_space<vmem>>, vector<1x16xf32>,
        %swap3A_46 = vector.shape_cast %swap3A_45 : vector<1x16xf32> to vector<16xf32>
        %swap3A_47 = vector.shape_cast %mul3A_43 : vector<16xf32> to vector<1x16xf32>
        tpu.vector_store %arg11[%swap3A, %swap3A_44], %swap3A_47 {strides = array<i32>} : memref<80x128xf32, #tpu.memory_space<vmem>>, vector<1x16xf32>,
        %get3A_48 = arith.index_cast %scan3A_35 : i32 to index
        %get3A_49 = arith.constant 16 : index
        %get3A_50 = tpu.vector_load %arg11[%get3A_48, %get3A_49] {strides = array<i32>} : memref<80x128xf32, #tpu.memory_space<vmem>>, vector<1x16xf32>,
        %get3A_51 = vector.shape_cast %get3A_50 : vector<1x16xf32> to vector<16xf32>
        %mul3A_52 = arith.mulf %get3A_51, %broadcast_in_dim3A : vector<16xf32>
        %swap3A_53 = arith.index_cast %scan3A_35 : i32 to index
        %swap3A_54 = arith.constant 16 : index
        %swap3A_55 = tpu.vector_load %arg11[%swap3A_53, %swap3A_54] {strides = array<i32>} : memref<80x128xf32, #tpu.memory_space<vmem>>, vector<1x16xf32>,
        %swap3A_56 = vector.shape_cast %swap3A_55 : vector<1x16xf32> to vector<16xf32>
        %swap3A_57 = vector.shape_cast %mul3A_52 : vector<16xf32> to vector<1x16xf32>
        tpu.vector_store %arg11[%swap3A_53, %swap3A_54], %swap3A_57 {strides = array<i32>} : memref<80x128xf32, #tpu.memory_space<vmem>>, vector<1x16xf32>,
        %get3A_58 = arith.index_cast %scan3A_35 : i32 to index
        %get3A_59 = arith.constant 32 : index
        %get3A_60 = tpu.vector_load %arg11[%get3A_58, %get3A_59] {strides = array<i32>} : memref<80x128xf32, #tpu.memory_space<vmem>>, vector<1x16xf32>,
        %get3A_61 = vector.shape_cast %get3A_60 : vector<1x16xf32> to vector<16xf32>
        %mul3A_62 = arith.mulf %get3A_61, %broadcast_in_dim3A : vector<16xf32>
        %swap3A_63 = arith.index_cast %scan3A_35 : i32 to index
        %swap3A_64 = arith.constant 32 : index
        %swap3A_65 = tpu.vector_load %arg11[%swap3A_63, %swap3A_64] {strides = array<i32>} : memref<80x128xf32, #tpu.memory_space<vmem>>, vector<1x16xf32>,
        %swap3A_66 = vector.shape_cast %swap3A_65 : vector<1x16xf32> to vector<16xf32>
        %swap3A_67 = vector.shape_cast %mul3A_62 : vector<16xf32> to vector<1x16xf32>
        tpu.vector_store %arg11[%swap3A_63, %swap3A_64], %swap3A_67 {strides = array<i32>} : memref<80x128xf32, #tpu.memory_space<vmem>>, vector<1x16xf32>,
        %get3A_68 = arith.index_cast %scan3A_35 : i32 to index
        %get3A_69 = arith.constant 48 : index
        %get3A_70 = tpu.vector_load %arg11[%get3A_68, %get3A_69] {strides = array<i32>} : memref<80x128xf32, #tpu.memory_space<vmem>>, vector<1x16xf32>,
        %get3A_71 = vector.shape_cast %get3A_70 : vector<1x16xf32> to vector<16xf32>
        %mul3A_72 = arith.mulf %get3A_71, %broadcast_in_dim3A : vector<16xf32>
        %swap3A_73 = arith.index_cast %scan3A_35 : i32 to index
        %swap3A_74 = arith.constant 48 : index
        %swap3A_75 = tpu.vector_load %arg11[%swap3A_73, %swap3A_74] {strides = array<i32>} : memref<80x128xf32, #tpu.memory_space<vmem>>, vector<1x16xf32>,
        %swap3A_76 = vector.shape_cast %swap3A_75 : vector<1x16xf32> to vector<16xf32>
        %swap3A_77 = vector.shape_cast %mul3A_72 : vector<16xf32> to vector<1x16xf32>
        tpu.vector_store %arg11[%swap3A_73, %swap3A_74], %swap3A_77 {strides = array<i32>} : memref<80x128xf32, #tpu.memory_space<vmem>>, vector<1x16xf32>,
        %get3A_78 = arith.index_cast %scan3A_35 : i32 to index
        %get3A_79 = arith.constant 64 : index
        %get3A_80 = tpu.vector_load %arg11[%get3A_78, %get3A_79] {strides = array<i32>} : memref<80x128xf32, #tpu.memory_space<vmem>>, vector<1x16xf32>,
        %get3A_81 = vector.shape_cast %get3A_80 : vector<1x16xf32> to vector<16xf32>
        %mul3A_82 = arith.mulf %get3A_81, %broadcast_in_dim3A : vector<16xf32>
        %swap3A_83 = arith.index_cast %scan3A_35 : i32 to index
        %swap3A_84 = arith.constant 64 : index
        %swap3A_85 = tpu.vector_load %arg11[%swap3A_83, %swap3A_84] {strides = array<i32>} : memref<80x128xf32, #tpu.memory_space<vmem>>, vector<1x16xf32>,
        %swap3A_86 = vector.shape_cast %swap3A_85 : vector<1x16xf32> to vector<16xf32>
        %swap3A_87 = vector.shape_cast %mul3A_82 : vector<16xf32> to vector<1x16xf32>
        tpu.vector_store %arg11[%swap3A_83, %swap3A_84], %swap3A_87 {strides = array<i32>} : memref<80x128xf32, #tpu.memory_space<vmem>>, vector<1x16xf32>,
        %get3A_88 = arith.index_cast %scan3A_35 : i32 to index
        %get3A_89 = arith.constant 80 : index
        %get3A_90 = tpu.vector_load %arg11[%get3A_88, %get3A_89] {strides = array<i32>} : memref<80x128xf32, #tpu.memory_space<vmem>>, vector<1x16xf32>,
        %get3A_91 = vector.shape_cast %get3A_90 : vector<1x16xf32> to vector<16xf32>
        %mul3A_92 = arith.mulf %get3A_91, %broadcast_in_dim3A : vector<16xf32>
        %swap3A_93 = arith.index_cast %scan3A_35 : i32 to index
        %swap3A_94 = arith.constant 80 : index
        %swap3A_95 = tpu.vector_load %arg11[%swap3A_93, %swap3A_94] {strides = array<i32>} : memref<80x128xf32, #tpu.memory_space<vmem>>, vector<1x16xf32>,
        %swap3A_96 = vector.shape_cast %swap3A_95 : vector<1x16xf32> to vector<16xf32>
        %swap3A_97 = vector.shape_cast %mul3A_92 : vector<16xf32> to vector<1x16xf32>
        tpu.vector_store %arg11[%swap3A_93, %swap3A_94], %swap3A_97 {strides = array<i32>} : memref<80x128xf32, #tpu.memory_space<vmem>>, vector<1x16xf32>,
        %get3A_98 = arith.index_cast %scan3A_35 : i32 to index
        %get3A_99 = arith.constant 96 : index
        %get3A_100 = tpu.vector_load %arg11[%get3A_98, %get3A_99] {strides = array<i32>} : memref<80x128xf32, #tpu.memory_space<vmem>>, vector<1x16xf32>,
        %get3A_101 = vector.shape_cast %get3A_100 : vector<1x16xf32> to vector<16xf32>
        %mul3A_102 = arith.mulf %get3A_101, %broadcast_in_dim3A : vector<16xf32>
        %swap3A_103 = arith.index_cast %scan3A_35 : i32 to index
        %swap3A_104 = arith.constant 96 : index
        %swap3A_105 = tpu.vector_load %arg11[%swap3A_103, %swap3A_104] {strides = array<i32>} : memref<80x128xf32, #tpu.memory_space<vmem>>, vector<1x16xf32>,
        %swap3A_106 = vector.shape_cast %swap3A_105 : vector<1x16xf32> to vector<16xf32>
        %swap3A_107 = vector.shape_cast %mul3A_102 : vector<16xf32> to vector<1x16xf32>
        tpu.vector_store %arg11[%swap3A_103, %swap3A_104], %swap3A_107 {strides = array<i32>} : memref<80x128xf32, #tpu.memory_space<vmem>>, vector<1x16xf32>,
        %get3A_108 = arith.index_cast %scan3A_35 : i32 to index
        %get3A_109 = arith.constant 112 : index
        %get3A_110 = tpu.vector_load %arg11[%get3A_108, %get3A_109] {strides = array<i32>} : memref<80x128xf32, #tpu.memory_space<vmem>>, vector<1x16xf32>,
        %get3A_111 = vector.shape_cast %get3A_110 : vector<1x16xf32> to vector<16xf32>
        %mul3A_112 = arith.mulf %get3A_111, %broadcast_in_dim3A : vector<16xf32>
        %swap3A_113 = arith.index_cast %scan3A_35 : i32 to index
        %swap3A_114 = arith.constant 112 : index
        %swap3A_115 = tpu.vector_load %arg11[%swap3A_113, %swap3A_114] {strides = array<i32>} : memref<80x128xf32, #tpu.memory_space<vmem>>, vector<1x16xf32>,
        %swap3A_116 = vector.shape_cast %swap3A_115 : vector<1x16xf32> to vector<16xf32>
        %swap3A_117 = vector.shape_cast %mul3A_112 : vector<16xf32> to vector<1x16xf32>
        tpu.vector_store %arg11[%swap3A_113, %swap3A_114], %swap3A_117 {strides = array<i32>} : memref<80x128xf32, #tpu.memory_space<vmem>>, vector<1x16xf32>,
        %scan3A_118 = arith.constant 0 : i32
        scf.yield %scan3A_118 : i32
      }
      %scan3A_33 = arith.constant 80 : i32
      "tpu.region"() ({
        %run_scoped3A = tpu.sem_alloc : memref<!tpu.dma_semaphore, #tpu.memory_space<semaphore_mem>>
        %dma_start3A_35 = arith.constant 0 : i32
        %dma_start3A_36 = arith.constant 0 : i32
        %dma_start3A_37 = tpu.memref_slice %arg12[%dma_start3A_35, %dma_start3A_36] : memref<10240x128xf32, #tpu.memory_space<vmem_shared>> -> memref<10240x128xf32, #tpu.memory_space<vmem_shared>>
        tpu.enqueue_indirect_dma source(%arg11 : memref<80x128xf32, #tpu.memory_space<vmem>>) target(%dma_start3A_37 : memref<10240x128xf32, #tpu.memory_space<vmem_shared>>) offsets(%arg9 : memref<80xi32, #tpu.memory_space<vmem>>) semaphore(%run_scoped3A : memref<!tpu.dma_semaphore, #tpu.memory_space<semaphore_mem>>) {add = true}
        %dma_wait3A_38 = arith.constant 0 : i32
        %dma_wait3A_39 = arith.constant 0 : i32
        %dma_wait3A_40 = tpu.memref_slice %arg12[%dma_wait3A_38, %dma_wait3A_39] : memref<10240x128xf32, #tpu.memory_space<vmem_shared>> -> memref<10240x128xf32, #tpu.memory_space<vmem_shared>>
        tpu.wait_indirect_dma semaphore(%run_scoped3A : memref<!tpu.dma_semaphore, #tpu.memory_space<semaphore_mem>>) src(%arg11 : memref<80x128xf32, #tpu.memory_space<vmem>>) dst(%dma_wait3A_40 : memref<10240x128xf32, #tpu.memory_space<vmem_shared>>)
        tpu.yield
      }) : () -> ()
      %scan3A_34 = arith.constant 0 : i32
      scf.yield %scan3A_34 : i32
    }
    %scan3A_10 = arith.constant 125 : i32
    %barrier3A_11 = arith.constant 0 : index
    tpu.barrier barrier_id(%barrier3A_11)
    %mul3A_12 = arith.constant 640 : i32
    %mul3A_13 = arith.muli %arg1, %mul3A_12 : i32
    %mul3A_14 = arith.constant 640 : i32
    %mul3A_15 = arith.muli %arg1, %mul3A_14 : i32
    "tpu.region"() ({
      %run_scoped3A = tpu.sem_alloc : memref<!tpu.dma_semaphore, #tpu.memory_space<semaphore_mem>>
      %dma_start3A = arith.constant 0 : i32
      %dma_start3A_16 = tpu.memref_slice %arg7[%arg0, %mul3A_15, %dma_start3A] : memref<2x10240x128xf32, #tpu.memory_space<hbm>> -> memref<1x640x128xf32, #tpu.memory_space<hbm>>
      %dma_start3A_17 = tpu.memref_squeeze %dma_start3A_16 : memref<1x640x128xf32, #tpu.memory_space<hbm>> -> memref<640x128xf32, #tpu.memory_space<hbm>>
      %dma_start3A_18 = arith.constant 0 : i32
      %dma_start3A_19 = tpu.memref_slice %arg12[%mul3A_13, %dma_start3A_18] : memref<10240x128xf32, #tpu.memory_space<vmem_shared>> -> memref<640x128xf32, #tpu.memory_space<vmem_shared>>
      tpu.enqueue_dma source(%dma_start3A_19 : memref<640x128xf32, #tpu.memory_space<vmem_shared>>) target(%dma_start3A_17 : memref<640x128xf32, #tpu.memory_space<hbm>>) target_semaphore(%run_scoped3A : memref<!tpu.dma_semaphore, #tpu.memory_space<semaphore_mem>>)
      %dma_wait3A = arith.constant 0 : i32
      %dma_wait3A_20 = tpu.memref_slice %arg7[%arg0, %mul3A_15, %dma_wait3A] : memref<2x10240x128xf32, #tpu.memory_space<hbm>> -> memref<1x640x128xf32, #tpu.memory_space<hbm>>
      %dma_wait3A_21 = tpu.memref_squeeze %dma_wait3A_20 : memref<1x640x128xf32, #tpu.memory_space<hbm>> -> memref<640x128xf32, #tpu.memory_space<hbm>>
      %dma_wait3A_22 = arith.constant 0 : i32
      %dma_wait3A_23 = tpu.memref_slice %arg12[%mul3A_13, %dma_wait3A_22] : memref<10240x128xf32, #tpu.memory_space<vmem_shared>> -> memref<640x128xf32, #tpu.memory_space<vmem_shared>>
      tpu.wait_dma2 semaphore(%run_scoped3A : memref<!tpu.dma_semaphore, #tpu.memory_space<semaphore_mem>>) src(%dma_wait3A_23 : memref<640x128xf32, #tpu.memory_space<vmem_shared>>) dst(%dma_wait3A_21 : memref<640x128xf32, #tpu.memory_space<hbm>>)
      tpu.yield
    }) : () -> ()
    return
  }
}

#map = affine_map<(d0, d1) -> (0)>
#map1 = affine_map<(d0, d1) -> (0, 0)>
#map2 = affine_map<(d0, d1) -> (0, 0, 0)>
module attributes {stable_mosaic.version = 14 : i64} {
  func.func @_sc_agg_body(%arg0: i32, %arg1: i32, %arg2: memref<320000xi32, #tpu.memory_space<hbm>>, %arg3: memref<320000xi32, #tpu.memory_space<hbm>>, %arg4: memref<320000xf32, #tpu.memory_space<hbm>>, %arg5: memref<10000x128xf32, #tpu.memory_space<hbm>>, %arg6: memref<10240x128xf32, #tpu.memory_space<hbm>>, %arg7: memref<2x10240x128xf32, #tpu.memory_space<hbm>>, %arg8: memref<80xi32, #tpu.memory_space<vmem>>, %arg9: memref<80xi32, #tpu.memory_space<vmem>>, %arg10: memref<96xf32, #tpu.memory_space<vmem>>, %arg11: memref<80x128xf32, #tpu.memory_space<vmem>>, %arg12: memref<10240x128xf32, #tpu.memory_space<vmem_shared>>, %arg13: memref<!tpu.dma_semaphore, #tpu.memory_space<semaphore_mem>>) attributes {dimension_semantics = [#tpu.dimension_semantics<core_parallel>, #tpu.dimension_semantics<subcore_parallel>], iteration_bounds = array<i64: 2, 16>, scalar_prefetch = 0 : i64, scratch_operands = 6 : i64, tpu.core_type = #tpu.core_type<sc_vector_subcore>, window_params = [{transform_indices = #map}, {transform_indices = #map}, {transform_indices = #map}, {transform_indices = #map1}, {transform_indices = #map1}, {transform_indices = #map2}]} {
    %mul3A = arith.constant 2 : i32
    %mul3A_0 = arith.muli %arg1, %mul3A : i32
    %add3A = arith.addi %mul3A_0, %arg0 : i32
    %mul3A_1 = arith.constant 640 : i32
    %mul3A_2 = arith.muli %arg1, %mul3A_1 : i32
    %mul3A_3 = arith.constant 640 : i32
    %mul3A_4 = arith.muli %arg1, %mul3A_3 : i32
    "tpu.region"() ({
      %run_scoped3A = tpu.sem_alloc : memref<!tpu.dma_semaphore, #tpu.memory_space<semaphore_mem>>
      %dma_start3A = arith.constant 0 : i32
      %dma_start3A_16 = tpu.memref_slice %arg12[%mul3A_4, %dma_start3A] : memref<10240x128xf32, #tpu.memory_space<vmem_shared>> -> memref<640x128xf32, #tpu.memory_space<vmem_shared>>
      %dma_start3A_17 = arith.constant 0 : i32
      %dma_start3A_18 = tpu.memref_slice %arg6[%mul3A_2, %dma_start3A_17] : memref<10240x128xf32, #tpu.memory_space<hbm>> -> memref<640x128xf32, #tpu.memory_space<hbm>>
      tpu.enqueue_dma source(%dma_start3A_18 : memref<640x128xf32, #tpu.memory_space<hbm>>) target(%dma_start3A_16 : memref<640x128xf32, #tpu.memory_space<vmem_shared>>) target_semaphore(%run_scoped3A : memref<!tpu.dma_semaphore, #tpu.memory_space<semaphore_mem>>)
      %dma_wait3A = arith.constant 0 : i32
      %dma_wait3A_19 = tpu.memref_slice %arg12[%mul3A_4, %dma_wait3A] : memref<10240x128xf32, #tpu.memory_space<vmem_shared>> -> memref<640x128xf32, #tpu.memory_space<vmem_shared>>
      %dma_wait3A_20 = arith.constant 0 : i32
      %dma_wait3A_21 = tpu.memref_slice %arg6[%mul3A_2, %dma_wait3A_20] : memref<10240x128xf32, #tpu.memory_space<hbm>> -> memref<640x128xf32, #tpu.memory_space<hbm>>
      tpu.wait_dma2 semaphore(%run_scoped3A : memref<!tpu.dma_semaphore, #tpu.memory_space<semaphore_mem>>) src(%dma_wait3A_21 : memref<640x128xf32, #tpu.memory_space<hbm>>) dst(%dma_wait3A_19 : memref<640x128xf32, #tpu.memory_space<vmem_shared>>)
      tpu.yield
    }) : () -> ()
    %barrier3A = arith.constant 0 : index
    tpu.barrier barrier_id(%barrier3A)
    %scan3A = arith.constant 0 : i32
    %scan3A_5 = arith.constant 0 : i32
    %scan3A_6 = arith.constant 125 : i32
    %scan3A_7 = arith.addi %scan3A_5, %scan3A_6 : i32
    %scan3A_8 = arith.constant 1 : i32
    %scan3A_9 = scf.for %scan3A_16 = %scan3A_5 to %scan3A_7 step %scan3A_8 iter_args(%scan3A_17 = %scan3A) -> (i32)  : i32 {
      %mul3A_18 = arith.constant 10000 : i32
      %mul3A_19 = arith.muli %add3A, %mul3A_18 : i32
      %mul3A_20 = arith.constant 80 : i32
      %mul3A_21 = arith.muli %scan3A_16, %mul3A_20 : i32
      %add3A_22 = arith.addi %mul3A_19, %mul3A_21 : i32
      "tpu.region"() ({
        %run_scoped3A = tpu.sem_alloc : memref<!tpu.dma_semaphore, #tpu.memory_space<semaphore_mem>>
        %dma_start3A_35 = tpu.memref_slice %arg2[%add3A_22] : memref<320000xi32, #tpu.memory_space<hbm>> -> memref<80xi32, #tpu.memory_space<hbm>>
        %dma_start3A_36 = tpu.memref_slice %arg2[%add3A_22] : memref<320000xi32, #tpu.memory_space<hbm>> -> memref<80xi32, #tpu.memory_space<hbm>>
        tpu.enqueue_dma source(%dma_start3A_36 : memref<80xi32, #tpu.memory_space<hbm>>) target(%arg8 : memref<80xi32, #tpu.memory_space<vmem>>) target_semaphore(%run_scoped3A : memref<!tpu.dma_semaphore, #tpu.memory_space<semaphore_mem>>)
        %dma_wait3A_37 = tpu.memref_slice %arg2[%add3A_22] : memref<320000xi32, #tpu.memory_space<hbm>> -> memref<80xi32, #tpu.memory_space<hbm>>
        %dma_wait3A_38 = tpu.memref_slice %arg2[%add3A_22] : memref<320000xi32, #tpu.memory_space<hbm>> -> memref<80xi32, #tpu.memory_space<hbm>>
        tpu.wait_dma2 semaphore(%run_scoped3A : memref<!tpu.dma_semaphore, #tpu.memory_space<semaphore_mem>>) src(%dma_wait3A_38 : memref<80xi32, #tpu.memory_space<hbm>>) dst(%arg8 : memref<80xi32, #tpu.memory_space<vmem>>)
        tpu.yield
      }) : () -> ()
      "tpu.region"() ({
        %run_scoped3A = tpu.sem_alloc : memref<!tpu.dma_semaphore, #tpu.memory_space<semaphore_mem>>
        %dma_start3A_35 = tpu.memref_slice %arg3[%add3A_22] : memref<320000xi32, #tpu.memory_space<hbm>> -> memref<80xi32, #tpu.memory_space<hbm>>
        %dma_start3A_36 = tpu.memref_slice %arg3[%add3A_22] : memref<320000xi32, #tpu.memory_space<hbm>> -> memref<80xi32, #tpu.memory_space<hbm>>
        tpu.enqueue_dma source(%dma_start3A_36 : memref<80xi32, #tpu.memory_space<hbm>>) target(%arg9 : memref<80xi32, #tpu.memory_space<vmem>>) target_semaphore(%run_scoped3A : memref<!tpu.dma_semaphore, #tpu.memory_space<semaphore_mem>>)
        %dma_wait3A_37 = tpu.memref_slice %arg3[%add3A_22] : memref<320000xi32, #tpu.memory_space<hbm>> -> memref<80xi32, #tpu.memory_space<hbm>>
        %dma_wait3A_38 = tpu.memref_slice %arg3[%add3A_22] : memref<320000xi32, #tpu.memory_space<hbm>> -> memref<80xi32, #tpu.memory_space<hbm>>
        tpu.wait_dma2 semaphore(%run_scoped3A : memref<!tpu.dma_semaphore, #tpu.memory_space<semaphore_mem>>) src(%dma_wait3A_38 : memref<80xi32, #tpu.memory_space<hbm>>) dst(%arg9 : memref<80xi32, #tpu.memory_space<vmem>>)
        tpu.yield
      }) : () -> ()
      "tpu.region"() ({
        %run_scoped3A = tpu.sem_alloc : memref<!tpu.dma_semaphore, #tpu.memory_space<semaphore_mem>>
        %dma_start3A_35 = arith.constant 0 : i32
        %dma_start3A_36 = tpu.memref_slice %arg10[%dma_start3A_35] : memref<96xf32, #tpu.memory_space<vmem>> -> memref<80xf32, #tpu.memory_space<vmem>>
        %dma_start3A_37 = tpu.memref_slice %arg4[%add3A_22] : memref<320000xf32, #tpu.memory_space<hbm>> -> memref<80xf32, #tpu.memory_space<hbm>>
        %dma_start3A_38 = arith.constant 0 : i32
        %dma_start3A_39 = tpu.memref_slice %arg10[%dma_start3A_38] : memref<96xf32, #tpu.memory_space<vmem>> -> memref<80xf32, #tpu.memory_space<vmem>>
        %dma_start3A_40 = tpu.memref_slice %arg4[%add3A_22] : memref<320000xf32, #tpu.memory_space<hbm>> -> memref<80xf32, #tpu.memory_space<hbm>>
        tpu.enqueue_dma source(%dma_start3A_40 : memref<80xf32, #tpu.memory_space<hbm>>) target(%dma_start3A_39 : memref<80xf32, #tpu.memory_space<vmem>>) target_semaphore(%run_scoped3A : memref<!tpu.dma_semaphore, #tpu.memory_space<semaphore_mem>>)
        %dma_wait3A_41 = arith.constant 0 : i32
        %dma_wait3A_42 = tpu.memref_slice %arg10[%dma_wait3A_41] : memref<96xf32, #tpu.memory_space<vmem>> -> memref<80xf32, #tpu.memory_space<vmem>>
        %dma_wait3A_43 = tpu.memref_slice %arg4[%add3A_22] : memref<320000xf32, #tpu.memory_space<hbm>> -> memref<80xf32, #tpu.memory_space<hbm>>
        %dma_wait3A_44 = arith.constant 0 : i32
        %dma_wait3A_45 = tpu.memref_slice %arg10[%dma_wait3A_44] : memref<96xf32, #tpu.memory_space<vmem>> -> memref<80xf32, #tpu.memory_space<vmem>>
        %dma_wait3A_46 = tpu.memref_slice %arg4[%add3A_22] : memref<320000xf32, #tpu.memory_space<hbm>> -> memref<80xf32, #tpu.memory_space<hbm>>
        tpu.wait_dma2 semaphore(%run_scoped3A : memref<!tpu.dma_semaphore, #tpu.memory_space<semaphore_mem>>) src(%dma_wait3A_46 : memref<80xf32, #tpu.memory_space<hbm>>) dst(%dma_wait3A_45 : memref<80xf32, #tpu.memory_space<vmem>>)
        tpu.yield
      }) : () -> ()
      %dma_start3A = arith.constant 0 : i32
      %dma_start3A_23 = arith.constant 0 : i32
      %dma_start3A_24 = tpu.memref_slice %arg5[%dma_start3A, %dma_start3A_23] : memref<10000x128xf32, #tpu.memory_space<hbm>> -> memref<10000x128xf32, #tpu.memory_space<hbm>>
      tpu.enqueue_indirect_dma source(%dma_start3A_24 : memref<10000x128xf32, #tpu.memory_space<hbm>>) target(%arg11 : memref<80x128xf32, #tpu.memory_space<vmem>>) offsets(%arg8 : memref<80xi32, #tpu.memory_space<vmem>>) semaphore(%arg13 : memref<!tpu.dma_semaphore, #tpu.memory_space<semaphore_mem>>)
      %dma_wait3A = arith.constant 0 : i32
      %dma_wait3A_25 = arith.constant 0 : i32
      %dma_wait3A_26 = tpu.memref_slice %arg5[%dma_wait3A, %dma_wait3A_25] : memref<10000x128xf32, #tpu.memory_space<hbm>> -> memref<10000x128xf32, #tpu.memory_space<hbm>>
      tpu.wait_indirect_dma semaphore(%arg13 : memref<!tpu.dma_semaphore, #tpu.memory_space<semaphore_mem>>) src(%dma_wait3A_26 : memref<10000x128xf32, #tpu.memory_space<hbm>>) dst(%arg11 : memref<80x128xf32, #tpu.memory_space<vmem>>)
      %scan3A_27 = arith.constant 0 : i32
      %scan3A_28 = arith.constant 0 : i32
      %scan3A_29 = arith.constant 80 : i32
      %scan3A_30 = arith.addi %scan3A_28, %scan3A_29 : i32
      %scan3A_31 = arith.constant 1 : i32
      %scan3A_32 = scf.for %scan3A_35 = %scan3A_28 to %scan3A_30 step %scan3A_31 iter_args(%scan3A_36 = %scan3A_27) -> (i32)  : i32 {
        %get3A = arith.index_cast %scan3A_35 : i32 to index
        %get3A_37 = tpu.vector_load %arg10[%get3A] {strides = array<i32>} : memref<96xf32, #tpu.memory_space<vmem>>, vector<16xf32>,
        %get3A_38 = vector.shape_cast %get3A_37 : vector<16xf32> to vector<16xf32>
        %slice3A = vector.extract_strided_slice %get3A_38 {offsets = [0], sizes = [1], strides = [1]} : vector<16xf32> to vector<1xf32>
        %squeeze3A = vector.extract %slice3A[0] : f32 from vector<1xf32>
        %broadcast_in_dim3A = vector.broadcast %squeeze3A : f32 to vector<16xf32>
        %get3A_39 = arith.index_cast %scan3A_35 : i32 to index
        %get3A_40 = arith.constant 0 : index
        %get3A_41 = tpu.vector_load %arg11[%get3A_39, %get3A_40] {strides = array<i32>} : memref<80x128xf32, #tpu.memory_space<vmem>>, vector<1x16xf32>,
        %get3A_42 = vector.shape_cast %get3A_41 : vector<1x16xf32> to vector<16xf32>
        %mul3A_43 = arith.mulf %get3A_42, %broadcast_in_dim3A : vector<16xf32>
        %swap3A = arith.index_cast %scan3A_35 : i32 to index
        %swap3A_44 = arith.constant 0 : index
        %swap3A_45 = tpu.vector_load %arg11[%swap3A, %swap3A_44] {strides = array<i32>} : memref<80x128xf32, #tpu.memory_space<vmem>>, vector<1x16xf32>,
        %swap3A_46 = vector.shape_cast %swap3A_45 : vector<1x16xf32> to vector<16xf32>
        %swap3A_47 = vector.shape_cast %mul3A_43 : vector<16xf32> to vector<1x16xf32>
        tpu.vector_store %arg11[%swap3A, %swap3A_44], %swap3A_47 {strides = array<i32>} : memref<80x128xf32, #tpu.memory_space<vmem>>, vector<1x16xf32>,
        %get3A_48 = arith.index_cast %scan3A_35 : i32 to index
        %get3A_49 = arith.constant 16 : index
        %get3A_50 = tpu.vector_load %arg11[%get3A_48, %get3A_49] {strides = array<i32>} : memref<80x128xf32, #tpu.memory_space<vmem>>, vector<1x16xf32>,
        %get3A_51 = vector.shape_cast %get3A_50 : vector<1x16xf32> to vector<16xf32>
        %mul3A_52 = arith.mulf %get3A_51, %broadcast_in_dim3A : vector<16xf32>
        %swap3A_53 = arith.index_cast %scan3A_35 : i32 to index
        %swap3A_54 = arith.constant 16 : index
        %swap3A_55 = tpu.vector_load %arg11[%swap3A_53, %swap3A_54] {strides = array<i32>} : memref<80x128xf32, #tpu.memory_space<vmem>>, vector<1x16xf32>,
        %swap3A_56 = vector.shape_cast %swap3A_55 : vector<1x16xf32> to vector<16xf32>
        %swap3A_57 = vector.shape_cast %mul3A_52 : vector<16xf32> to vector<1x16xf32>
        tpu.vector_store %arg11[%swap3A_53, %swap3A_54], %swap3A_57 {strides = array<i32>} : memref<80x128xf32, #tpu.memory_space<vmem>>, vector<1x16xf32>,
        %get3A_58 = arith.index_cast %scan3A_35 : i32 to index
        %get3A_59 = arith.constant 32 : index
        %get3A_60 = tpu.vector_load %arg11[%get3A_58, %get3A_59] {strides = array<i32>} : memref<80x128xf32, #tpu.memory_space<vmem>>, vector<1x16xf32>,
        %get3A_61 = vector.shape_cast %get3A_60 : vector<1x16xf32> to vector<16xf32>
        %mul3A_62 = arith.mulf %get3A_61, %broadcast_in_dim3A : vector<16xf32>
        %swap3A_63 = arith.index_cast %scan3A_35 : i32 to index
        %swap3A_64 = arith.constant 32 : index
        %swap3A_65 = tpu.vector_load %arg11[%swap3A_63, %swap3A_64] {strides = array<i32>} : memref<80x128xf32, #tpu.memory_space<vmem>>, vector<1x16xf32>,
        %swap3A_66 = vector.shape_cast %swap3A_65 : vector<1x16xf32> to vector<16xf32>
        %swap3A_67 = vector.shape_cast %mul3A_62 : vector<16xf32> to vector<1x16xf32>
        tpu.vector_store %arg11[%swap3A_63, %swap3A_64], %swap3A_67 {strides = array<i32>} : memref<80x128xf32, #tpu.memory_space<vmem>>, vector<1x16xf32>,
        %get3A_68 = arith.index_cast %scan3A_35 : i32 to index
        %get3A_69 = arith.constant 48 : index
        %get3A_70 = tpu.vector_load %arg11[%get3A_68, %get3A_69] {strides = array<i32>} : memref<80x128xf32, #tpu.memory_space<vmem>>, vector<1x16xf32>,
        %get3A_71 = vector.shape_cast %get3A_70 : vector<1x16xf32> to vector<16xf32>
        %mul3A_72 = arith.mulf %get3A_71, %broadcast_in_dim3A : vector<16xf32>
        %swap3A_73 = arith.index_cast %scan3A_35 : i32 to index
        %swap3A_74 = arith.constant 48 : index
        %swap3A_75 = tpu.vector_load %arg11[%swap3A_73, %swap3A_74] {strides = array<i32>} : memref<80x128xf32, #tpu.memory_space<vmem>>, vector<1x16xf32>,
        %swap3A_76 = vector.shape_cast %swap3A_75 : vector<1x16xf32> to vector<16xf32>
        %swap3A_77 = vector.shape_cast %mul3A_72 : vector<16xf32> to vector<1x16xf32>
        tpu.vector_store %arg11[%swap3A_73, %swap3A_74], %swap3A_77 {strides = array<i32>} : memref<80x128xf32, #tpu.memory_space<vmem>>, vector<1x16xf32>,
        %get3A_78 = arith.index_cast %scan3A_35 : i32 to index
        %get3A_79 = arith.constant 64 : index
        %get3A_80 = tpu.vector_load %arg11[%get3A_78, %get3A_79] {strides = array<i32>} : memref<80x128xf32, #tpu.memory_space<vmem>>, vector<1x16xf32>,
        %get3A_81 = vector.shape_cast %get3A_80 : vector<1x16xf32> to vector<16xf32>
        %mul3A_82 = arith.mulf %get3A_81, %broadcast_in_dim3A : vector<16xf32>
        %swap3A_83 = arith.index_cast %scan3A_35 : i32 to index
        %swap3A_84 = arith.constant 64 : index
        %swap3A_85 = tpu.vector_load %arg11[%swap3A_83, %swap3A_84] {strides = array<i32>} : memref<80x128xf32, #tpu.memory_space<vmem>>, vector<1x16xf32>,
        %swap3A_86 = vector.shape_cast %swap3A_85 : vector<1x16xf32> to vector<16xf32>
        %swap3A_87 = vector.shape_cast %mul3A_82 : vector<16xf32> to vector<1x16xf32>
        tpu.vector_store %arg11[%swap3A_83, %swap3A_84], %swap3A_87 {strides = array<i32>} : memref<80x128xf32, #tpu.memory_space<vmem>>, vector<1x16xf32>,
        %get3A_88 = arith.index_cast %scan3A_35 : i32 to index
        %get3A_89 = arith.constant 80 : index
        %get3A_90 = tpu.vector_load %arg11[%get3A_88, %get3A_89] {strides = array<i32>} : memref<80x128xf32, #tpu.memory_space<vmem>>, vector<1x16xf32>,
        %get3A_91 = vector.shape_cast %get3A_90 : vector<1x16xf32> to vector<16xf32>
        %mul3A_92 = arith.mulf %get3A_91, %broadcast_in_dim3A : vector<16xf32>
        %swap3A_93 = arith.index_cast %scan3A_35 : i32 to index
        %swap3A_94 = arith.constant 80 : index
        %swap3A_95 = tpu.vector_load %arg11[%swap3A_93, %swap3A_94] {strides = array<i32>} : memref<80x128xf32, #tpu.memory_space<vmem>>, vector<1x16xf32>,
        %swap3A_96 = vector.shape_cast %swap3A_95 : vector<1x16xf32> to vector<16xf32>
        %swap3A_97 = vector.shape_cast %mul3A_92 : vector<16xf32> to vector<1x16xf32>
        tpu.vector_store %arg11[%swap3A_93, %swap3A_94], %swap3A_97 {strides = array<i32>} : memref<80x128xf32, #tpu.memory_space<vmem>>, vector<1x16xf32>,
        %get3A_98 = arith.index_cast %scan3A_35 : i32 to index
        %get3A_99 = arith.constant 96 : index
        %get3A_100 = tpu.vector_load %arg11[%get3A_98, %get3A_99] {strides = array<i32>} : memref<80x128xf32, #tpu.memory_space<vmem>>, vector<1x16xf32>,
        %get3A_101 = vector.shape_cast %get3A_100 : vector<1x16xf32> to vector<16xf32>
        %mul3A_102 = arith.mulf %get3A_101, %broadcast_in_dim3A : vector<16xf32>
        %swap3A_103 = arith.index_cast %scan3A_35 : i32 to index
        %swap3A_104 = arith.constant 96 : index
        %swap3A_105 = tpu.vector_load %arg11[%swap3A_103, %swap3A_104] {strides = array<i32>} : memref<80x128xf32, #tpu.memory_space<vmem>>, vector<1x16xf32>,
        %swap3A_106 = vector.shape_cast %swap3A_105 : vector<1x16xf32> to vector<16xf32>
        %swap3A_107 = vector.shape_cast %mul3A_102 : vector<16xf32> to vector<1x16xf32>
        tpu.vector_store %arg11[%swap3A_103, %swap3A_104], %swap3A_107 {strides = array<i32>} : memref<80x128xf32, #tpu.memory_space<vmem>>, vector<1x16xf32>,
        %get3A_108 = arith.index_cast %scan3A_35 : i32 to index
        %get3A_109 = arith.constant 112 : index
        %get3A_110 = tpu.vector_load %arg11[%get3A_108, %get3A_109] {strides = array<i32>} : memref<80x128xf32, #tpu.memory_space<vmem>>, vector<1x16xf32>,
        %get3A_111 = vector.shape_cast %get3A_110 : vector<1x16xf32> to vector<16xf32>
        %mul3A_112 = arith.mulf %get3A_111, %broadcast_in_dim3A : vector<16xf32>
        %swap3A_113 = arith.index_cast %scan3A_35 : i32 to index
        %swap3A_114 = arith.constant 112 : index
        %swap3A_115 = tpu.vector_load %arg11[%swap3A_113, %swap3A_114] {strides = array<i32>} : memref<80x128xf32, #tpu.memory_space<vmem>>, vector<1x16xf32>,
        %swap3A_116 = vector.shape_cast %swap3A_115 : vector<1x16xf32> to vector<16xf32>
        %swap3A_117 = vector.shape_cast %mul3A_112 : vector<16xf32> to vector<1x16xf32>
        tpu.vector_store %arg11[%swap3A_113, %swap3A_114], %swap3A_117 {strides = array<i32>} : memref<80x128xf32, #tpu.memory_space<vmem>>, vector<1x16xf32>,
        %scan3A_118 = arith.constant 0 : i32
        scf.yield %scan3A_118 : i32
      }
      %scan3A_33 = arith.constant 80 : i32
      "tpu.region"() ({
        %run_scoped3A = tpu.sem_alloc : memref<!tpu.dma_semaphore, #tpu.memory_space<semaphore_mem>>
        %dma_start3A_35 = arith.constant 0 : i32
        %dma_start3A_36 = arith.constant 0 : i32
        %dma_start3A_37 = tpu.memref_slice %arg12[%dma_start3A_35, %dma_start3A_36] : memref<10240x128xf32, #tpu.memory_space<vmem_shared>> -> memref<10240x128xf32, #tpu.memory_space<vmem_shared>>
        tpu.enqueue_indirect_dma source(%arg11 : memref<80x128xf32, #tpu.memory_space<vmem>>) target(%dma_start3A_37 : memref<10240x128xf32, #tpu.memory_space<vmem_shared>>) offsets(%arg9 : memref<80xi32, #tpu.memory_space<vmem>>) semaphore(%run_scoped3A : memref<!tpu.dma_semaphore, #tpu.memory_space<semaphore_mem>>) {add = true}
        %dma_wait3A_38 = arith.constant 0 : i32
        %dma_wait3A_39 = arith.constant 0 : i32
        %dma_wait3A_40 = tpu.memref_slice %arg12[%dma_wait3A_38, %dma_wait3A_39] : memref<10240x128xf32, #tpu.memory_space<vmem_shared>> -> memref<10240x128xf32, #tpu.memory_space<vmem_shared>>
        tpu.wait_indirect_dma semaphore(%run_scoped3A : memref<!tpu.dma_semaphore, #tpu.memory_space<semaphore_mem>>) src(%arg11 : memref<80x128xf32, #tpu.memory_space<vmem>>) dst(%dma_wait3A_40 : memref<10240x128xf32, #tpu.memory_space<vmem_shared>>)
        tpu.yield
      }) : () -> ()
      %scan3A_34 = arith.constant 0 : i32
      scf.yield %scan3A_34 : i32
    }
    %scan3A_10 = arith.constant 125 : i32
    %barrier3A_11 = arith.constant 0 : index
    tpu.barrier barrier_id(%barrier3A_11)
    %mul3A_12 = arith.constant 640 : i32
    %mul3A_13 = arith.muli %arg1, %mul3A_12 : i32
    %mul3A_14 = arith.constant 640 : i32
    %mul3A_15 = arith.muli %arg1, %mul3A_14 : i32
    "tpu.region"() ({
      %run_scoped3A = tpu.sem_alloc : memref<!tpu.dma_semaphore, #tpu.memory_space<semaphore_mem>>
      %dma_start3A = arith.constant 0 : i32
      %dma_start3A_16 = tpu.memref_slice %arg7[%arg0, %mul3A_15, %dma_start3A] : memref<2x10240x128xf32, #tpu.memory_space<hbm>> -> memref<1x640x128xf32, #tpu.memory_space<hbm>>
      %dma_start3A_17 = tpu.memref_squeeze %dma_start3A_16 : memref<1x640x128xf32, #tpu.memory_space<hbm>> -> memref<640x128xf32, #tpu.memory_space<hbm>>
      %dma_start3A_18 = arith.constant 0 : i32
      %dma_start3A_19 = tpu.memref_slice %arg12[%mul3A_13, %dma_start3A_18] : memref<10240x128xf32, #tpu.memory_space<vmem_shared>> -> memref<640x128xf32, #tpu.memory_space<vmem_shared>>
      tpu.enqueue_dma source(%dma_start3A_19 : memref<640x128xf32, #tpu.memory_space<vmem_shared>>) target(%dma_start3A_17 : memref<640x128xf32, #tpu.memory_space<hbm>>) target_semaphore(%run_scoped3A : memref<!tpu.dma_semaphore, #tpu.memory_space<semaphore_mem>>)
      %dma_wait3A = arith.constant 0 : i32
      %dma_wait3A_20 = tpu.memref_slice %arg7[%arg0, %mul3A_15, %dma_wait3A] : memref<2x10240x128xf32, #tpu.memory_space<hbm>> -> memref<1x640x128xf32, #tpu.memory_space<hbm>>
      %dma_wait3A_21 = tpu.memref_squeeze %dma_wait3A_20 : memref<1x640x128xf32, #tpu.memory_space<hbm>> -> memref<640x128xf32, #tpu.memory_space<hbm>>
      %dma_wait3A_22 = arith.constant 0 : i32
      %dma_wait3A_23 = tpu.memref_slice %arg12[%mul3A_13, %dma_wait3A_22] : memref<10240x128xf32, #tpu.memory_space<vmem_shared>> -> memref<640x128xf32, #tpu.memory_space<vmem_shared>>
      tpu.wait_dma2 semaphore(%run_scoped3A : memref<!tpu.dma_semaphore, #tpu.memory_space<semaphore_mem>>) src(%dma_wait3A_23 : memref<640x128xf32, #tpu.memory_space<vmem_shared>>) dst(%dma_wait3A_21 : memref<640x128xf32, #tpu.memory_space<hbm>>)
      tpu.yield
    }) : () -> ()
    return
  }
}

#map = affine_map<(d0, d1) -> (0)>
#map1 = affine_map<(d0, d1) -> (0, 0)>
#map2 = affine_map<(d0, d1) -> (0, 0, 0)>
module attributes {stable_mosaic.version = 14 : i64} {
  func.func @_sc_agg_body(%arg0: i32, %arg1: i32, %arg2: memref<320000xi32, #tpu.memory_space<hbm>>, %arg3: memref<320000xi32, #tpu.memory_space<hbm>>, %arg4: memref<320000xf32, #tpu.memory_space<hbm>>, %arg5: memref<10000x128xf32, #tpu.memory_space<hbm>>, %arg6: memref<10240x128xf32, #tpu.memory_space<hbm>>, %arg7: memref<2x10240x128xf32, #tpu.memory_space<hbm>>, %arg8: memref<80xi32, #tpu.memory_space<vmem>>, %arg9: memref<80xi32, #tpu.memory_space<vmem>>, %arg10: memref<96xf32, #tpu.memory_space<vmem>>, %arg11: memref<80x128xf32, #tpu.memory_space<vmem>>, %arg12: memref<10240x128xf32, #tpu.memory_space<vmem_shared>>, %arg13: memref<!tpu.dma_semaphore, #tpu.memory_space<semaphore_mem>>) attributes {dimension_semantics = [#tpu.dimension_semantics<core_parallel>, #tpu.dimension_semantics<subcore_parallel>], iteration_bounds = array<i64: 2, 16>, scalar_prefetch = 0 : i64, scratch_operands = 6 : i64, tpu.core_type = #tpu.core_type<sc_vector_subcore>, window_params = [{transform_indices = #map}, {transform_indices = #map}, {transform_indices = #map}, {transform_indices = #map1}, {transform_indices = #map1}, {transform_indices = #map2}]} {
    %mul3A = arith.constant 2 : i32
    %mul3A_0 = arith.muli %arg1, %mul3A : i32
    %add3A = arith.addi %mul3A_0, %arg0 : i32
    %mul3A_1 = arith.constant 640 : i32
    %mul3A_2 = arith.muli %arg1, %mul3A_1 : i32
    %mul3A_3 = arith.constant 640 : i32
    %mul3A_4 = arith.muli %arg1, %mul3A_3 : i32
    "tpu.region"() ({
      %run_scoped3A = tpu.sem_alloc : memref<!tpu.dma_semaphore, #tpu.memory_space<semaphore_mem>>
      %dma_start3A = arith.constant 0 : i32
      %dma_start3A_16 = tpu.memref_slice %arg12[%mul3A_4, %dma_start3A] : memref<10240x128xf32, #tpu.memory_space<vmem_shared>> -> memref<640x128xf32, #tpu.memory_space<vmem_shared>>
      %dma_start3A_17 = arith.constant 0 : i32
      %dma_start3A_18 = tpu.memref_slice %arg6[%mul3A_2, %dma_start3A_17] : memref<10240x128xf32, #tpu.memory_space<hbm>> -> memref<640x128xf32, #tpu.memory_space<hbm>>
      tpu.enqueue_dma source(%dma_start3A_18 : memref<640x128xf32, #tpu.memory_space<hbm>>) target(%dma_start3A_16 : memref<640x128xf32, #tpu.memory_space<vmem_shared>>) target_semaphore(%run_scoped3A : memref<!tpu.dma_semaphore, #tpu.memory_space<semaphore_mem>>)
      %dma_wait3A = arith.constant 0 : i32
      %dma_wait3A_19 = tpu.memref_slice %arg12[%mul3A_4, %dma_wait3A] : memref<10240x128xf32, #tpu.memory_space<vmem_shared>> -> memref<640x128xf32, #tpu.memory_space<vmem_shared>>
      %dma_wait3A_20 = arith.constant 0 : i32
      %dma_wait3A_21 = tpu.memref_slice %arg6[%mul3A_2, %dma_wait3A_20] : memref<10240x128xf32, #tpu.memory_space<hbm>> -> memref<640x128xf32, #tpu.memory_space<hbm>>
      tpu.wait_dma2 semaphore(%run_scoped3A : memref<!tpu.dma_semaphore, #tpu.memory_space<semaphore_mem>>) src(%dma_wait3A_21 : memref<640x128xf32, #tpu.memory_space<hbm>>) dst(%dma_wait3A_19 : memref<640x128xf32, #tpu.memory_space<vmem_shared>>)
      tpu.yield
    }) : () -> ()
    %barrier3A = arith.constant 0 : index
    tpu.barrier barrier_id(%barrier3A)
    %scan3A = arith.constant 0 : i32
    %scan3A_5 = arith.constant 0 : i32
    %scan3A_6 = arith.constant 125 : i32
    %scan3A_7 = arith.addi %scan3A_5, %scan3A_6 : i32
    %scan3A_8 = arith.constant 1 : i32
    %scan3A_9 = scf.for %scan3A_16 = %scan3A_5 to %scan3A_7 step %scan3A_8 iter_args(%scan3A_17 = %scan3A) -> (i32)  : i32 {
      %mul3A_18 = arith.constant 10000 : i32
      %mul3A_19 = arith.muli %add3A, %mul3A_18 : i32
      %mul3A_20 = arith.constant 80 : i32
      %mul3A_21 = arith.muli %scan3A_16, %mul3A_20 : i32
      %add3A_22 = arith.addi %mul3A_19, %mul3A_21 : i32
      "tpu.region"() ({
        %run_scoped3A = tpu.sem_alloc : memref<!tpu.dma_semaphore, #tpu.memory_space<semaphore_mem>>
        %dma_start3A_35 = tpu.memref_slice %arg2[%add3A_22] : memref<320000xi32, #tpu.memory_space<hbm>> -> memref<80xi32, #tpu.memory_space<hbm>>
        %dma_start3A_36 = tpu.memref_slice %arg2[%add3A_22] : memref<320000xi32, #tpu.memory_space<hbm>> -> memref<80xi32, #tpu.memory_space<hbm>>
        tpu.enqueue_dma source(%dma_start3A_36 : memref<80xi32, #tpu.memory_space<hbm>>) target(%arg8 : memref<80xi32, #tpu.memory_space<vmem>>) target_semaphore(%run_scoped3A : memref<!tpu.dma_semaphore, #tpu.memory_space<semaphore_mem>>)
        %dma_wait3A_37 = tpu.memref_slice %arg2[%add3A_22] : memref<320000xi32, #tpu.memory_space<hbm>> -> memref<80xi32, #tpu.memory_space<hbm>>
        %dma_wait3A_38 = tpu.memref_slice %arg2[%add3A_22] : memref<320000xi32, #tpu.memory_space<hbm>> -> memref<80xi32, #tpu.memory_space<hbm>>
        tpu.wait_dma2 semaphore(%run_scoped3A : memref<!tpu.dma_semaphore, #tpu.memory_space<semaphore_mem>>) src(%dma_wait3A_38 : memref<80xi32, #tpu.memory_space<hbm>>) dst(%arg8 : memref<80xi32, #tpu.memory_space<vmem>>)
        tpu.yield
      }) : () -> ()
      "tpu.region"() ({
        %run_scoped3A = tpu.sem_alloc : memref<!tpu.dma_semaphore, #tpu.memory_space<semaphore_mem>>
        %dma_start3A_35 = tpu.memref_slice %arg3[%add3A_22] : memref<320000xi32, #tpu.memory_space<hbm>> -> memref<80xi32, #tpu.memory_space<hbm>>
        %dma_start3A_36 = tpu.memref_slice %arg3[%add3A_22] : memref<320000xi32, #tpu.memory_space<hbm>> -> memref<80xi32, #tpu.memory_space<hbm>>
        tpu.enqueue_dma source(%dma_start3A_36 : memref<80xi32, #tpu.memory_space<hbm>>) target(%arg9 : memref<80xi32, #tpu.memory_space<vmem>>) target_semaphore(%run_scoped3A : memref<!tpu.dma_semaphore, #tpu.memory_space<semaphore_mem>>)
        %dma_wait3A_37 = tpu.memref_slice %arg3[%add3A_22] : memref<320000xi32, #tpu.memory_space<hbm>> -> memref<80xi32, #tpu.memory_space<hbm>>
        %dma_wait3A_38 = tpu.memref_slice %arg3[%add3A_22] : memref<320000xi32, #tpu.memory_space<hbm>> -> memref<80xi32, #tpu.memory_space<hbm>>
        tpu.wait_dma2 semaphore(%run_scoped3A : memref<!tpu.dma_semaphore, #tpu.memory_space<semaphore_mem>>) src(%dma_wait3A_38 : memref<80xi32, #tpu.memory_space<hbm>>) dst(%arg9 : memref<80xi32, #tpu.memory_space<vmem>>)
        tpu.yield
      }) : () -> ()
      "tpu.region"() ({
        %run_scoped3A = tpu.sem_alloc : memref<!tpu.dma_semaphore, #tpu.memory_space<semaphore_mem>>
        %dma_start3A_35 = arith.constant 0 : i32
        %dma_start3A_36 = tpu.memref_slice %arg10[%dma_start3A_35] : memref<96xf32, #tpu.memory_space<vmem>> -> memref<80xf32, #tpu.memory_space<vmem>>
        %dma_start3A_37 = tpu.memref_slice %arg4[%add3A_22] : memref<320000xf32, #tpu.memory_space<hbm>> -> memref<80xf32, #tpu.memory_space<hbm>>
        %dma_start3A_38 = arith.constant 0 : i32
        %dma_start3A_39 = tpu.memref_slice %arg10[%dma_start3A_38] : memref<96xf32, #tpu.memory_space<vmem>> -> memref<80xf32, #tpu.memory_space<vmem>>
        %dma_start3A_40 = tpu.memref_slice %arg4[%add3A_22] : memref<320000xf32, #tpu.memory_space<hbm>> -> memref<80xf32, #tpu.memory_space<hbm>>
        tpu.enqueue_dma source(%dma_start3A_40 : memref<80xf32, #tpu.memory_space<hbm>>) target(%dma_start3A_39 : memref<80xf32, #tpu.memory_space<vmem>>) target_semaphore(%run_scoped3A : memref<!tpu.dma_semaphore, #tpu.memory_space<semaphore_mem>>)
        %dma_wait3A_41 = arith.constant 0 : i32
        %dma_wait3A_42 = tpu.memref_slice %arg10[%dma_wait3A_41] : memref<96xf32, #tpu.memory_space<vmem>> -> memref<80xf32, #tpu.memory_space<vmem>>
        %dma_wait3A_43 = tpu.memref_slice %arg4[%add3A_22] : memref<320000xf32, #tpu.memory_space<hbm>> -> memref<80xf32, #tpu.memory_space<hbm>>
        %dma_wait3A_44 = arith.constant 0 : i32
        %dma_wait3A_45 = tpu.memref_slice %arg10[%dma_wait3A_44] : memref<96xf32, #tpu.memory_space<vmem>> -> memref<80xf32, #tpu.memory_space<vmem>>
        %dma_wait3A_46 = tpu.memref_slice %arg4[%add3A_22] : memref<320000xf32, #tpu.memory_space<hbm>> -> memref<80xf32, #tpu.memory_space<hbm>>
        tpu.wait_dma2 semaphore(%run_scoped3A : memref<!tpu.dma_semaphore, #tpu.memory_space<semaphore_mem>>) src(%dma_wait3A_46 : memref<80xf32, #tpu.memory_space<hbm>>) dst(%dma_wait3A_45 : memref<80xf32, #tpu.memory_space<vmem>>)
        tpu.yield
      }) : () -> ()
      %dma_start3A = arith.constant 0 : i32
      %dma_start3A_23 = arith.constant 0 : i32
      %dma_start3A_24 = tpu.memref_slice %arg5[%dma_start3A, %dma_start3A_23] : memref<10000x128xf32, #tpu.memory_space<hbm>> -> memref<10000x128xf32, #tpu.memory_space<hbm>>
      tpu.enqueue_indirect_dma source(%dma_start3A_24 : memref<10000x128xf32, #tpu.memory_space<hbm>>) target(%arg11 : memref<80x128xf32, #tpu.memory_space<vmem>>) offsets(%arg8 : memref<80xi32, #tpu.memory_space<vmem>>) semaphore(%arg13 : memref<!tpu.dma_semaphore, #tpu.memory_space<semaphore_mem>>)
      %dma_wait3A = arith.constant 0 : i32
      %dma_wait3A_25 = arith.constant 0 : i32
      %dma_wait3A_26 = tpu.memref_slice %arg5[%dma_wait3A, %dma_wait3A_25] : memref<10000x128xf32, #tpu.memory_space<hbm>> -> memref<10000x128xf32, #tpu.memory_space<hbm>>
      tpu.wait_indirect_dma semaphore(%arg13 : memref<!tpu.dma_semaphore, #tpu.memory_space<semaphore_mem>>) src(%dma_wait3A_26 : memref<10000x128xf32, #tpu.memory_space<hbm>>) dst(%arg11 : memref<80x128xf32, #tpu.memory_space<vmem>>)
      %scan3A_27 = arith.constant 0 : i32
      %scan3A_28 = arith.constant 0 : i32
      %scan3A_29 = arith.constant 80 : i32
      %scan3A_30 = arith.addi %scan3A_28, %scan3A_29 : i32
      %scan3A_31 = arith.constant 1 : i32
      %scan3A_32 = scf.for %scan3A_35 = %scan3A_28 to %scan3A_30 step %scan3A_31 iter_args(%scan3A_36 = %scan3A_27) -> (i32)  : i32 {
        %get3A = arith.index_cast %scan3A_35 : i32 to index
        %get3A_37 = tpu.vector_load %arg10[%get3A] {strides = array<i32>} : memref<96xf32, #tpu.memory_space<vmem>>, vector<16xf32>,
        %get3A_38 = vector.shape_cast %get3A_37 : vector<16xf32> to vector<16xf32>
        %slice3A = vector.extract_strided_slice %get3A_38 {offsets = [0], sizes = [1], strides = [1]} : vector<16xf32> to vector<1xf32>
        %squeeze3A = vector.extract %slice3A[0] : f32 from vector<1xf32>
        %broadcast_in_dim3A = vector.broadcast %squeeze3A : f32 to vector<16xf32>
        %get3A_39 = arith.index_cast %scan3A_35 : i32 to index
        %get3A_40 = arith.constant 0 : index
        %get3A_41 = tpu.vector_load %arg11[%get3A_39, %get3A_40] {strides = array<i32>} : memref<80x128xf32, #tpu.memory_space<vmem>>, vector<1x16xf32>,
        %get3A_42 = vector.shape_cast %get3A_41 : vector<1x16xf32> to vector<16xf32>
        %mul3A_43 = arith.mulf %get3A_42, %broadcast_in_dim3A : vector<16xf32>
        %swap3A = arith.index_cast %scan3A_35 : i32 to index
        %swap3A_44 = arith.constant 0 : index
        %swap3A_45 = tpu.vector_load %arg11[%swap3A, %swap3A_44] {strides = array<i32>} : memref<80x128xf32, #tpu.memory_space<vmem>>, vector<1x16xf32>,
        %swap3A_46 = vector.shape_cast %swap3A_45 : vector<1x16xf32> to vector<16xf32>
        %swap3A_47 = vector.shape_cast %mul3A_43 : vector<16xf32> to vector<1x16xf32>
        tpu.vector_store %arg11[%swap3A, %swap3A_44], %swap3A_47 {strides = array<i32>} : memref<80x128xf32, #tpu.memory_space<vmem>>, vector<1x16xf32>,
        %get3A_48 = arith.index_cast %scan3A_35 : i32 to index
        %get3A_49 = arith.constant 16 : index
        %get3A_50 = tpu.vector_load %arg11[%get3A_48, %get3A_49] {strides = array<i32>} : memref<80x128xf32, #tpu.memory_space<vmem>>, vector<1x16xf32>,
        %get3A_51 = vector.shape_cast %get3A_50 : vector<1x16xf32> to vector<16xf32>
        %mul3A_52 = arith.mulf %get3A_51, %broadcast_in_dim3A : vector<16xf32>
        %swap3A_53 = arith.index_cast %scan3A_35 : i32 to index
        %swap3A_54 = arith.constant 16 : index
        %swap3A_55 = tpu.vector_load %arg11[%swap3A_53, %swap3A_54] {strides = array<i32>} : memref<80x128xf32, #tpu.memory_space<vmem>>, vector<1x16xf32>,
        %swap3A_56 = vector.shape_cast %swap3A_55 : vector<1x16xf32> to vector<16xf32>
        %swap3A_57 = vector.shape_cast %mul3A_52 : vector<16xf32> to vector<1x16xf32>
        tpu.vector_store %arg11[%swap3A_53, %swap3A_54], %swap3A_57 {strides = array<i32>} : memref<80x128xf32, #tpu.memory_space<vmem>>, vector<1x16xf32>,
        %get3A_58 = arith.index_cast %scan3A_35 : i32 to index
        %get3A_59 = arith.constant 32 : index
        %get3A_60 = tpu.vector_load %arg11[%get3A_58, %get3A_59] {strides = array<i32>} : memref<80x128xf32, #tpu.memory_space<vmem>>, vector<1x16xf32>,
        %get3A_61 = vector.shape_cast %get3A_60 : vector<1x16xf32> to vector<16xf32>
        %mul3A_62 = arith.mulf %get3A_61, %broadcast_in_dim3A : vector<16xf32>
        %swap3A_63 = arith.index_cast %scan3A_35 : i32 to index
        %swap3A_64 = arith.constant 32 : index
        %swap3A_65 = tpu.vector_load %arg11[%swap3A_63, %swap3A_64] {strides = array<i32>} : memref<80x128xf32, #tpu.memory_space<vmem>>, vector<1x16xf32>,
        %swap3A_66 = vector.shape_cast %swap3A_65 : vector<1x16xf32> to vector<16xf32>
        %swap3A_67 = vector.shape_cast %mul3A_62 : vector<16xf32> to vector<1x16xf32>
        tpu.vector_store %arg11[%swap3A_63, %swap3A_64], %swap3A_67 {strides = array<i32>} : memref<80x128xf32, #tpu.memory_space<vmem>>, vector<1x16xf32>,
        %get3A_68 = arith.index_cast %scan3A_35 : i32 to index
        %get3A_69 = arith.constant 48 : index
        %get3A_70 = tpu.vector_load %arg11[%get3A_68, %get3A_69] {strides = array<i32>} : memref<80x128xf32, #tpu.memory_space<vmem>>, vector<1x16xf32>,
        %get3A_71 = vector.shape_cast %get3A_70 : vector<1x16xf32> to vector<16xf32>
        %mul3A_72 = arith.mulf %get3A_71, %broadcast_in_dim3A : vector<16xf32>
        %swap3A_73 = arith.index_cast %scan3A_35 : i32 to index
        %swap3A_74 = arith.constant 48 : index
        %swap3A_75 = tpu.vector_load %arg11[%swap3A_73, %swap3A_74] {strides = array<i32>} : memref<80x128xf32, #tpu.memory_space<vmem>>, vector<1x16xf32>,
        %swap3A_76 = vector.shape_cast %swap3A_75 : vector<1x16xf32> to vector<16xf32>
        %swap3A_77 = vector.shape_cast %mul3A_72 : vector<16xf32> to vector<1x16xf32>
        tpu.vector_store %arg11[%swap3A_73, %swap3A_74], %swap3A_77 {strides = array<i32>} : memref<80x128xf32, #tpu.memory_space<vmem>>, vector<1x16xf32>,
        %get3A_78 = arith.index_cast %scan3A_35 : i32 to index
        %get3A_79 = arith.constant 64 : index
        %get3A_80 = tpu.vector_load %arg11[%get3A_78, %get3A_79] {strides = array<i32>} : memref<80x128xf32, #tpu.memory_space<vmem>>, vector<1x16xf32>,
        %get3A_81 = vector.shape_cast %get3A_80 : vector<1x16xf32> to vector<16xf32>
        %mul3A_82 = arith.mulf %get3A_81, %broadcast_in_dim3A : vector<16xf32>
        %swap3A_83 = arith.index_cast %scan3A_35 : i32 to index
        %swap3A_84 = arith.constant 64 : index
        %swap3A_85 = tpu.vector_load %arg11[%swap3A_83, %swap3A_84] {strides = array<i32>} : memref<80x128xf32, #tpu.memory_space<vmem>>, vector<1x16xf32>,
        %swap3A_86 = vector.shape_cast %swap3A_85 : vector<1x16xf32> to vector<16xf32>
        %swap3A_87 = vector.shape_cast %mul3A_82 : vector<16xf32> to vector<1x16xf32>
        tpu.vector_store %arg11[%swap3A_83, %swap3A_84], %swap3A_87 {strides = array<i32>} : memref<80x128xf32, #tpu.memory_space<vmem>>, vector<1x16xf32>,
        %get3A_88 = arith.index_cast %scan3A_35 : i32 to index
        %get3A_89 = arith.constant 80 : index
        %get3A_90 = tpu.vector_load %arg11[%get3A_88, %get3A_89] {strides = array<i32>} : memref<80x128xf32, #tpu.memory_space<vmem>>, vector<1x16xf32>,
        %get3A_91 = vector.shape_cast %get3A_90 : vector<1x16xf32> to vector<16xf32>
        %mul3A_92 = arith.mulf %get3A_91, %broadcast_in_dim3A : vector<16xf32>
        %swap3A_93 = arith.index_cast %scan3A_35 : i32 to index
        %swap3A_94 = arith.constant 80 : index
        %swap3A_95 = tpu.vector_load %arg11[%swap3A_93, %swap3A_94] {strides = array<i32>} : memref<80x128xf32, #tpu.memory_space<vmem>>, vector<1x16xf32>,
        %swap3A_96 = vector.shape_cast %swap3A_95 : vector<1x16xf32> to vector<16xf32>
        %swap3A_97 = vector.shape_cast %mul3A_92 : vector<16xf32> to vector<1x16xf32>
        tpu.vector_store %arg11[%swap3A_93, %swap3A_94], %swap3A_97 {strides = array<i32>} : memref<80x128xf32, #tpu.memory_space<vmem>>, vector<1x16xf32>,
        %get3A_98 = arith.index_cast %scan3A_35 : i32 to index
        %get3A_99 = arith.constant 96 : index
        %get3A_100 = tpu.vector_load %arg11[%get3A_98, %get3A_99] {strides = array<i32>} : memref<80x128xf32, #tpu.memory_space<vmem>>, vector<1x16xf32>,
        %get3A_101 = vector.shape_cast %get3A_100 : vector<1x16xf32> to vector<16xf32>
        %mul3A_102 = arith.mulf %get3A_101, %broadcast_in_dim3A : vector<16xf32>
        %swap3A_103 = arith.index_cast %scan3A_35 : i32 to index
        %swap3A_104 = arith.constant 96 : index
        %swap3A_105 = tpu.vector_load %arg11[%swap3A_103, %swap3A_104] {strides = array<i32>} : memref<80x128xf32, #tpu.memory_space<vmem>>, vector<1x16xf32>,
        %swap3A_106 = vector.shape_cast %swap3A_105 : vector<1x16xf32> to vector<16xf32>
        %swap3A_107 = vector.shape_cast %mul3A_102 : vector<16xf32> to vector<1x16xf32>
        tpu.vector_store %arg11[%swap3A_103, %swap3A_104], %swap3A_107 {strides = array<i32>} : memref<80x128xf32, #tpu.memory_space<vmem>>, vector<1x16xf32>,
        %get3A_108 = arith.index_cast %scan3A_35 : i32 to index
        %get3A_109 = arith.constant 112 : index
        %get3A_110 = tpu.vector_load %arg11[%get3A_108, %get3A_109] {strides = array<i32>} : memref<80x128xf32, #tpu.memory_space<vmem>>, vector<1x16xf32>,
        %get3A_111 = vector.shape_cast %get3A_110 : vector<1x16xf32> to vector<16xf32>
        %mul3A_112 = arith.mulf %get3A_111, %broadcast_in_dim3A : vector<16xf32>
        %swap3A_113 = arith.index_cast %scan3A_35 : i32 to index
        %swap3A_114 = arith.constant 112 : index
        %swap3A_115 = tpu.vector_load %arg11[%swap3A_113, %swap3A_114] {strides = array<i32>} : memref<80x128xf32, #tpu.memory_space<vmem>>, vector<1x16xf32>,
        %swap3A_116 = vector.shape_cast %swap3A_115 : vector<1x16xf32> to vector<16xf32>
        %swap3A_117 = vector.shape_cast %mul3A_112 : vector<16xf32> to vector<1x16xf32>
        tpu.vector_store %arg11[%swap3A_113, %swap3A_114], %swap3A_117 {strides = array<i32>} : memref<80x128xf32, #tpu.memory_space<vmem>>, vector<1x16xf32>,
        %scan3A_118 = arith.constant 0 : i32
        scf.yield %scan3A_118 : i32
      }
      %scan3A_33 = arith.constant 80 : i32
      "tpu.region"() ({
        %run_scoped3A = tpu.sem_alloc : memref<!tpu.dma_semaphore, #tpu.memory_space<semaphore_mem>>
        %dma_start3A_35 = arith.constant 0 : i32
        %dma_start3A_36 = arith.constant 0 : i32
        %dma_start3A_37 = tpu.memref_slice %arg12[%dma_start3A_35, %dma_start3A_36] : memref<10240x128xf32, #tpu.memory_space<vmem_shared>> -> memref<10240x128xf32, #tpu.memory_space<vmem_shared>>
        tpu.enqueue_indirect_dma source(%arg11 : memref<80x128xf32, #tpu.memory_space<vmem>>) target(%dma_start3A_37 : memref<10240x128xf32, #tpu.memory_space<vmem_shared>>) offsets(%arg9 : memref<80xi32, #tpu.memory_space<vmem>>) semaphore(%run_scoped3A : memref<!tpu.dma_semaphore, #tpu.memory_space<semaphore_mem>>) {add = true}
        %dma_wait3A_38 = arith.constant 0 : i32
        %dma_wait3A_39 = arith.constant 0 : i32
        %dma_wait3A_40 = tpu.memref_slice %arg12[%dma_wait3A_38, %dma_wait3A_39] : memref<10240x128xf32, #tpu.memory_space<vmem_shared>> -> memref<10240x128xf32, #tpu.memory_space<vmem_shared>>
        tpu.wait_indirect_dma semaphore(%run_scoped3A : memref<!tpu.dma_semaphore, #tpu.memory_space<semaphore_mem>>) src(%arg11 : memref<80x128xf32, #tpu.memory_space<vmem>>) dst(%dma_wait3A_40 : memref<10240x128xf32, #tpu.memory_space<vmem_shared>>)
        tpu.yield
      }) : () -> ()
      %scan3A_34 = arith.constant 0 : i32
      scf.yield %scan3A_34 : i32
    }
    %scan3A_10 = arith.constant 125 : i32
    %barrier3A_11 = arith.constant 0 : index
    tpu.barrier barrier_id(%barrier3A_11)
    %mul3A_12 = arith.constant 640 : i32
    %mul3A_13 = arith.muli %arg1, %mul3A_12 : i32
    %mul3A_14 = arith.constant 640 : i32
    %mul3A_15 = arith.muli %arg1, %mul3A_14 : i32
    "tpu.region"() ({
      %run_scoped3A = tpu.sem_alloc : memref<!tpu.dma_semaphore, #tpu.memory_space<semaphore_mem>>
      %dma_start3A = arith.constant 0 : i32
      %dma_start3A_16 = tpu.memref_slice %arg7[%arg0, %mul3A_15, %dma_start3A] : memref<2x10240x128xf32, #tpu.memory_space<hbm>> -> memref<1x640x128xf32, #tpu.memory_space<hbm>>
      %dma_start3A_17 = tpu.memref_squeeze %dma_start3A_16 : memref<1x640x128xf32, #tpu.memory_space<hbm>> -> memref<640x128xf32, #tpu.memory_space<hbm>>
      %dma_start3A_18 = arith.constant 0 : i32
      %dma_start3A_19 = tpu.memref_slice %arg12[%mul3A_13, %dma_start3A_18] : memref<10240x128xf32, #tpu.memory_space<vmem_shared>> -> memref<640x128xf32, #tpu.memory_space<vmem_shared>>
      tpu.enqueue_dma source(%dma_start3A_19 : memref<640x128xf32, #tpu.memory_space<vmem_shared>>) target(%dma_start3A_17 : memref<640x128xf32, #tpu.memory_space<hbm>>) target_semaphore(%run_scoped3A : memref<!tpu.dma_semaphore, #tpu.memory_space<semaphore_mem>>)
      %dma_wait3A = arith.constant 0 : i32
      %dma_wait3A_20 = tpu.memref_slice %arg7[%arg0, %mul3A_15, %dma_wait3A] : memref<2x10240x128xf32, #tpu.memory_space<hbm>> -> memref<1x640x128xf32, #tpu.memory_space<hbm>>
      %dma_wait3A_21 = tpu.memref_squeeze %dma_wait3A_20 : memref<1x640x128xf32, #tpu.memory_space<hbm>> -> memref<640x128xf32, #tpu.memory_space<hbm>>
      %dma_wait3A_22 = arith.constant 0 : i32
      %dma_wait3A_23 = tpu.memref_slice %arg12[%mul3A_13, %dma_wait3A_22] : memref<10240x128xf32, #tpu.memory_space<vmem_shared>> -> memref<640x128xf32, #tpu.memory_space<vmem_shared>>
      tpu.wait_dma2 semaphore(%run_scoped3A : memref<!tpu.dma_semaphore, #tpu.memory_space<semaphore_mem>>) src(%dma_wait3A_23 : memref<640x128xf32, #tpu.memory_space<vmem_shared>>) dst(%dma_wait3A_21 : memref<640x128xf32, #tpu.memory_space<hbm>>)
      tpu.yield
    }) : () -> ()
    return
  }
}

#map = affine_map<(d0, d1) -> (0)>
#map1 = affine_map<(d0, d1) -> (0, 0)>
#map2 = affine_map<(d0, d1) -> (0, 0, 0)>
module attributes {stable_mosaic.version = 14 : i64} {
  func.func @_sc_agg_body(%arg0: i32, %arg1: i32, %arg2: memref<320000xi32, #tpu.memory_space<hbm>>, %arg3: memref<320000xi32, #tpu.memory_space<hbm>>, %arg4: memref<320000xf32, #tpu.memory_space<hbm>>, %arg5: memref<10000x128xf32, #tpu.memory_space<hbm>>, %arg6: memref<10240x128xf32, #tpu.memory_space<hbm>>, %arg7: memref<2x10240x128xf32, #tpu.memory_space<hbm>>, %arg8: memref<80xi32, #tpu.memory_space<vmem>>, %arg9: memref<80xi32, #tpu.memory_space<vmem>>, %arg10: memref<96xf32, #tpu.memory_space<vmem>>, %arg11: memref<80x128xf32, #tpu.memory_space<vmem>>, %arg12: memref<10240x128xf32, #tpu.memory_space<vmem_shared>>, %arg13: memref<!tpu.dma_semaphore, #tpu.memory_space<semaphore_mem>>) attributes {dimension_semantics = [#tpu.dimension_semantics<core_parallel>, #tpu.dimension_semantics<subcore_parallel>], iteration_bounds = array<i64: 2, 16>, scalar_prefetch = 0 : i64, scratch_operands = 6 : i64, tpu.core_type = #tpu.core_type<sc_vector_subcore>, window_params = [{transform_indices = #map}, {transform_indices = #map}, {transform_indices = #map}, {transform_indices = #map1}, {transform_indices = #map1}, {transform_indices = #map2}]} {
    %mul3A = arith.constant 2 : i32
    %mul3A_0 = arith.muli %arg1, %mul3A : i32
    %add3A = arith.addi %mul3A_0, %arg0 : i32
    %mul3A_1 = arith.constant 640 : i32
    %mul3A_2 = arith.muli %arg1, %mul3A_1 : i32
    %mul3A_3 = arith.constant 640 : i32
    %mul3A_4 = arith.muli %arg1, %mul3A_3 : i32
    "tpu.region"() ({
      %run_scoped3A = tpu.sem_alloc : memref<!tpu.dma_semaphore, #tpu.memory_space<semaphore_mem>>
      %dma_start3A = arith.constant 0 : i32
      %dma_start3A_16 = tpu.memref_slice %arg12[%mul3A_4, %dma_start3A] : memref<10240x128xf32, #tpu.memory_space<vmem_shared>> -> memref<640x128xf32, #tpu.memory_space<vmem_shared>>
      %dma_start3A_17 = arith.constant 0 : i32
      %dma_start3A_18 = tpu.memref_slice %arg6[%mul3A_2, %dma_start3A_17] : memref<10240x128xf32, #tpu.memory_space<hbm>> -> memref<640x128xf32, #tpu.memory_space<hbm>>
      tpu.enqueue_dma source(%dma_start3A_18 : memref<640x128xf32, #tpu.memory_space<hbm>>) target(%dma_start3A_16 : memref<640x128xf32, #tpu.memory_space<vmem_shared>>) target_semaphore(%run_scoped3A : memref<!tpu.dma_semaphore, #tpu.memory_space<semaphore_mem>>)
      %dma_wait3A = arith.constant 0 : i32
      %dma_wait3A_19 = tpu.memref_slice %arg12[%mul3A_4, %dma_wait3A] : memref<10240x128xf32, #tpu.memory_space<vmem_shared>> -> memref<640x128xf32, #tpu.memory_space<vmem_shared>>
      %dma_wait3A_20 = arith.constant 0 : i32
      %dma_wait3A_21 = tpu.memref_slice %arg6[%mul3A_2, %dma_wait3A_20] : memref<10240x128xf32, #tpu.memory_space<hbm>> -> memref<640x128xf32, #tpu.memory_space<hbm>>
      tpu.wait_dma2 semaphore(%run_scoped3A : memref<!tpu.dma_semaphore, #tpu.memory_space<semaphore_mem>>) src(%dma_wait3A_21 : memref<640x128xf32, #tpu.memory_space<hbm>>) dst(%dma_wait3A_19 : memref<640x128xf32, #tpu.memory_space<vmem_shared>>)
      tpu.yield
    }) : () -> ()
    %barrier3A = arith.constant 0 : index
    tpu.barrier barrier_id(%barrier3A)
    %scan3A = arith.constant 0 : i32
    %scan3A_5 = arith.constant 0 : i32
    %scan3A_6 = arith.constant 125 : i32
    %scan3A_7 = arith.addi %scan3A_5, %scan3A_6 : i32
    %scan3A_8 = arith.constant 1 : i32
    %scan3A_9 = scf.for %scan3A_16 = %scan3A_5 to %scan3A_7 step %scan3A_8 iter_args(%scan3A_17 = %scan3A) -> (i32)  : i32 {
      %mul3A_18 = arith.constant 10000 : i32
      %mul3A_19 = arith.muli %add3A, %mul3A_18 : i32
      %mul3A_20 = arith.constant 80 : i32
      %mul3A_21 = arith.muli %scan3A_16, %mul3A_20 : i32
      %add3A_22 = arith.addi %mul3A_19, %mul3A_21 : i32
      "tpu.region"() ({
        %run_scoped3A = tpu.sem_alloc : memref<!tpu.dma_semaphore, #tpu.memory_space<semaphore_mem>>
        %dma_start3A_35 = tpu.memref_slice %arg2[%add3A_22] : memref<320000xi32, #tpu.memory_space<hbm>> -> memref<80xi32, #tpu.memory_space<hbm>>
        %dma_start3A_36 = tpu.memref_slice %arg2[%add3A_22] : memref<320000xi32, #tpu.memory_space<hbm>> -> memref<80xi32, #tpu.memory_space<hbm>>
        tpu.enqueue_dma source(%dma_start3A_36 : memref<80xi32, #tpu.memory_space<hbm>>) target(%arg8 : memref<80xi32, #tpu.memory_space<vmem>>) target_semaphore(%run_scoped3A : memref<!tpu.dma_semaphore, #tpu.memory_space<semaphore_mem>>)
        %dma_wait3A_37 = tpu.memref_slice %arg2[%add3A_22] : memref<320000xi32, #tpu.memory_space<hbm>> -> memref<80xi32, #tpu.memory_space<hbm>>
        %dma_wait3A_38 = tpu.memref_slice %arg2[%add3A_22] : memref<320000xi32, #tpu.memory_space<hbm>> -> memref<80xi32, #tpu.memory_space<hbm>>
        tpu.wait_dma2 semaphore(%run_scoped3A : memref<!tpu.dma_semaphore, #tpu.memory_space<semaphore_mem>>) src(%dma_wait3A_38 : memref<80xi32, #tpu.memory_space<hbm>>) dst(%arg8 : memref<80xi32, #tpu.memory_space<vmem>>)
        tpu.yield
      }) : () -> ()
      "tpu.region"() ({
        %run_scoped3A = tpu.sem_alloc : memref<!tpu.dma_semaphore, #tpu.memory_space<semaphore_mem>>
        %dma_start3A_35 = tpu.memref_slice %arg3[%add3A_22] : memref<320000xi32, #tpu.memory_space<hbm>> -> memref<80xi32, #tpu.memory_space<hbm>>
        %dma_start3A_36 = tpu.memref_slice %arg3[%add3A_22] : memref<320000xi32, #tpu.memory_space<hbm>> -> memref<80xi32, #tpu.memory_space<hbm>>
        tpu.enqueue_dma source(%dma_start3A_36 : memref<80xi32, #tpu.memory_space<hbm>>) target(%arg9 : memref<80xi32, #tpu.memory_space<vmem>>) target_semaphore(%run_scoped3A : memref<!tpu.dma_semaphore, #tpu.memory_space<semaphore_mem>>)
        %dma_wait3A_37 = tpu.memref_slice %arg3[%add3A_22] : memref<320000xi32, #tpu.memory_space<hbm>> -> memref<80xi32, #tpu.memory_space<hbm>>
        %dma_wait3A_38 = tpu.memref_slice %arg3[%add3A_22] : memref<320000xi32, #tpu.memory_space<hbm>> -> memref<80xi32, #tpu.memory_space<hbm>>
        tpu.wait_dma2 semaphore(%run_scoped3A : memref<!tpu.dma_semaphore, #tpu.memory_space<semaphore_mem>>) src(%dma_wait3A_38 : memref<80xi32, #tpu.memory_space<hbm>>) dst(%arg9 : memref<80xi32, #tpu.memory_space<vmem>>)
        tpu.yield
      }) : () -> ()
      "tpu.region"() ({
        %run_scoped3A = tpu.sem_alloc : memref<!tpu.dma_semaphore, #tpu.memory_space<semaphore_mem>>
        %dma_start3A_35 = arith.constant 0 : i32
        %dma_start3A_36 = tpu.memref_slice %arg10[%dma_start3A_35] : memref<96xf32, #tpu.memory_space<vmem>> -> memref<80xf32, #tpu.memory_space<vmem>>
        %dma_start3A_37 = tpu.memref_slice %arg4[%add3A_22] : memref<320000xf32, #tpu.memory_space<hbm>> -> memref<80xf32, #tpu.memory_space<hbm>>
        %dma_start3A_38 = arith.constant 0 : i32
        %dma_start3A_39 = tpu.memref_slice %arg10[%dma_start3A_38] : memref<96xf32, #tpu.memory_space<vmem>> -> memref<80xf32, #tpu.memory_space<vmem>>
        %dma_start3A_40 = tpu.memref_slice %arg4[%add3A_22] : memref<320000xf32, #tpu.memory_space<hbm>> -> memref<80xf32, #tpu.memory_space<hbm>>
        tpu.enqueue_dma source(%dma_start3A_40 : memref<80xf32, #tpu.memory_space<hbm>>) target(%dma_start3A_39 : memref<80xf32, #tpu.memory_space<vmem>>) target_semaphore(%run_scoped3A : memref<!tpu.dma_semaphore, #tpu.memory_space<semaphore_mem>>)
        %dma_wait3A_41 = arith.constant 0 : i32
        %dma_wait3A_42 = tpu.memref_slice %arg10[%dma_wait3A_41] : memref<96xf32, #tpu.memory_space<vmem>> -> memref<80xf32, #tpu.memory_space<vmem>>
        %dma_wait3A_43 = tpu.memref_slice %arg4[%add3A_22] : memref<320000xf32, #tpu.memory_space<hbm>> -> memref<80xf32, #tpu.memory_space<hbm>>
        %dma_wait3A_44 = arith.constant 0 : i32
        %dma_wait3A_45 = tpu.memref_slice %arg10[%dma_wait3A_44] : memref<96xf32, #tpu.memory_space<vmem>> -> memref<80xf32, #tpu.memory_space<vmem>>
        %dma_wait3A_46 = tpu.memref_slice %arg4[%add3A_22] : memref<320000xf32, #tpu.memory_space<hbm>> -> memref<80xf32, #tpu.memory_space<hbm>>
        tpu.wait_dma2 semaphore(%run_scoped3A : memref<!tpu.dma_semaphore, #tpu.memory_space<semaphore_mem>>) src(%dma_wait3A_46 : memref<80xf32, #tpu.memory_space<hbm>>) dst(%dma_wait3A_45 : memref<80xf32, #tpu.memory_space<vmem>>)
        tpu.yield
      }) : () -> ()
      %dma_start3A = arith.constant 0 : i32
      %dma_start3A_23 = arith.constant 0 : i32
      %dma_start3A_24 = tpu.memref_slice %arg5[%dma_start3A, %dma_start3A_23] : memref<10000x128xf32, #tpu.memory_space<hbm>> -> memref<10000x128xf32, #tpu.memory_space<hbm>>
      tpu.enqueue_indirect_dma source(%dma_start3A_24 : memref<10000x128xf32, #tpu.memory_space<hbm>>) target(%arg11 : memref<80x128xf32, #tpu.memory_space<vmem>>) offsets(%arg8 : memref<80xi32, #tpu.memory_space<vmem>>) semaphore(%arg13 : memref<!tpu.dma_semaphore, #tpu.memory_space<semaphore_mem>>)
      %dma_wait3A = arith.constant 0 : i32
      %dma_wait3A_25 = arith.constant 0 : i32
      %dma_wait3A_26 = tpu.memref_slice %arg5[%dma_wait3A, %dma_wait3A_25] : memref<10000x128xf32, #tpu.memory_space<hbm>> -> memref<10000x128xf32, #tpu.memory_space<hbm>>
      tpu.wait_indirect_dma semaphore(%arg13 : memref<!tpu.dma_semaphore, #tpu.memory_space<semaphore_mem>>) src(%dma_wait3A_26 : memref<10000x128xf32, #tpu.memory_space<hbm>>) dst(%arg11 : memref<80x128xf32, #tpu.memory_space<vmem>>)
      %scan3A_27 = arith.constant 0 : i32
      %scan3A_28 = arith.constant 0 : i32
      %scan3A_29 = arith.constant 80 : i32
      %scan3A_30 = arith.addi %scan3A_28, %scan3A_29 : i32
      %scan3A_31 = arith.constant 1 : i32
      %scan3A_32 = scf.for %scan3A_35 = %scan3A_28 to %scan3A_30 step %scan3A_31 iter_args(%scan3A_36 = %scan3A_27) -> (i32)  : i32 {
        %get3A = arith.index_cast %scan3A_35 : i32 to index
        %get3A_37 = tpu.vector_load %arg10[%get3A] {strides = array<i32>} : memref<96xf32, #tpu.memory_space<vmem>>, vector<16xf32>,
        %get3A_38 = vector.shape_cast %get3A_37 : vector<16xf32> to vector<16xf32>
        %slice3A = vector.extract_strided_slice %get3A_38 {offsets = [0], sizes = [1], strides = [1]} : vector<16xf32> to vector<1xf32>
        %squeeze3A = vector.extract %slice3A[0] : f32 from vector<1xf32>
        %broadcast_in_dim3A = vector.broadcast %squeeze3A : f32 to vector<16xf32>
        %get3A_39 = arith.index_cast %scan3A_35 : i32 to index
        %get3A_40 = arith.constant 0 : index
        %get3A_41 = tpu.vector_load %arg11[%get3A_39, %get3A_40] {strides = array<i32>} : memref<80x128xf32, #tpu.memory_space<vmem>>, vector<1x16xf32>,
        %get3A_42 = vector.shape_cast %get3A_41 : vector<1x16xf32> to vector<16xf32>
        %mul3A_43 = arith.mulf %get3A_42, %broadcast_in_dim3A : vector<16xf32>
        %swap3A = arith.index_cast %scan3A_35 : i32 to index
        %swap3A_44 = arith.constant 0 : index
        %swap3A_45 = tpu.vector_load %arg11[%swap3A, %swap3A_44] {strides = array<i32>} : memref<80x128xf32, #tpu.memory_space<vmem>>, vector<1x16xf32>,
        %swap3A_46 = vector.shape_cast %swap3A_45 : vector<1x16xf32> to vector<16xf32>
        %swap3A_47 = vector.shape_cast %mul3A_43 : vector<16xf32> to vector<1x16xf32>
        tpu.vector_store %arg11[%swap3A, %swap3A_44], %swap3A_47 {strides = array<i32>} : memref<80x128xf32, #tpu.memory_space<vmem>>, vector<1x16xf32>,
        %get3A_48 = arith.index_cast %scan3A_35 : i32 to index
        %get3A_49 = arith.constant 16 : index
        %get3A_50 = tpu.vector_load %arg11[%get3A_48, %get3A_49] {strides = array<i32>} : memref<80x128xf32, #tpu.memory_space<vmem>>, vector<1x16xf32>,
        %get3A_51 = vector.shape_cast %get3A_50 : vector<1x16xf32> to vector<16xf32>
        %mul3A_52 = arith.mulf %get3A_51, %broadcast_in_dim3A : vector<16xf32>
        %swap3A_53 = arith.index_cast %scan3A_35 : i32 to index
        %swap3A_54 = arith.constant 16 : index
        %swap3A_55 = tpu.vector_load %arg11[%swap3A_53, %swap3A_54] {strides = array<i32>} : memref<80x128xf32, #tpu.memory_space<vmem>>, vector<1x16xf32>,
        %swap3A_56 = vector.shape_cast %swap3A_55 : vector<1x16xf32> to vector<16xf32>
        %swap3A_57 = vector.shape_cast %mul3A_52 : vector<16xf32> to vector<1x16xf32>
        tpu.vector_store %arg11[%swap3A_53, %swap3A_54], %swap3A_57 {strides = array<i32>} : memref<80x128xf32, #tpu.memory_space<vmem>>, vector<1x16xf32>,
        %get3A_58 = arith.index_cast %scan3A_35 : i32 to index
        %get3A_59 = arith.constant 32 : index
        %get3A_60 = tpu.vector_load %arg11[%get3A_58, %get3A_59] {strides = array<i32>} : memref<80x128xf32, #tpu.memory_space<vmem>>, vector<1x16xf32>,
        %get3A_61 = vector.shape_cast %get3A_60 : vector<1x16xf32> to vector<16xf32>
        %mul3A_62 = arith.mulf %get3A_61, %broadcast_in_dim3A : vector<16xf32>
        %swap3A_63 = arith.index_cast %scan3A_35 : i32 to index
        %swap3A_64 = arith.constant 32 : index
        %swap3A_65 = tpu.vector_load %arg11[%swap3A_63, %swap3A_64] {strides = array<i32>} : memref<80x128xf32, #tpu.memory_space<vmem>>, vector<1x16xf32>,
        %swap3A_66 = vector.shape_cast %swap3A_65 : vector<1x16xf32> to vector<16xf32>
        %swap3A_67 = vector.shape_cast %mul3A_62 : vector<16xf32> to vector<1x16xf32>
        tpu.vector_store %arg11[%swap3A_63, %swap3A_64], %swap3A_67 {strides = array<i32>} : memref<80x128xf32, #tpu.memory_space<vmem>>, vector<1x16xf32>,
        %get3A_68 = arith.index_cast %scan3A_35 : i32 to index
        %get3A_69 = arith.constant 48 : index
        %get3A_70 = tpu.vector_load %arg11[%get3A_68, %get3A_69] {strides = array<i32>} : memref<80x128xf32, #tpu.memory_space<vmem>>, vector<1x16xf32>,
        %get3A_71 = vector.shape_cast %get3A_70 : vector<1x16xf32> to vector<16xf32>
        %mul3A_72 = arith.mulf %get3A_71, %broadcast_in_dim3A : vector<16xf32>
        %swap3A_73 = arith.index_cast %scan3A_35 : i32 to index
        %swap3A_74 = arith.constant 48 : index
        %swap3A_75 = tpu.vector_load %arg11[%swap3A_73, %swap3A_74] {strides = array<i32>} : memref<80x128xf32, #tpu.memory_space<vmem>>, vector<1x16xf32>,
        %swap3A_76 = vector.shape_cast %swap3A_75 : vector<1x16xf32> to vector<16xf32>
        %swap3A_77 = vector.shape_cast %mul3A_72 : vector<16xf32> to vector<1x16xf32>
        tpu.vector_store %arg11[%swap3A_73, %swap3A_74], %swap3A_77 {strides = array<i32>} : memref<80x128xf32, #tpu.memory_space<vmem>>, vector<1x16xf32>,
        %get3A_78 = arith.index_cast %scan3A_35 : i32 to index
        %get3A_79 = arith.constant 64 : index
        %get3A_80 = tpu.vector_load %arg11[%get3A_78, %get3A_79] {strides = array<i32>} : memref<80x128xf32, #tpu.memory_space<vmem>>, vector<1x16xf32>,
        %get3A_81 = vector.shape_cast %get3A_80 : vector<1x16xf32> to vector<16xf32>
        %mul3A_82 = arith.mulf %get3A_81, %broadcast_in_dim3A : vector<16xf32>
        %swap3A_83 = arith.index_cast %scan3A_35 : i32 to index
        %swap3A_84 = arith.constant 64 : index
        %swap3A_85 = tpu.vector_load %arg11[%swap3A_83, %swap3A_84] {strides = array<i32>} : memref<80x128xf32, #tpu.memory_space<vmem>>, vector<1x16xf32>,
        %swap3A_86 = vector.shape_cast %swap3A_85 : vector<1x16xf32> to vector<16xf32>
        %swap3A_87 = vector.shape_cast %mul3A_82 : vector<16xf32> to vector<1x16xf32>
        tpu.vector_store %arg11[%swap3A_83, %swap3A_84], %swap3A_87 {strides = array<i32>} : memref<80x128xf32, #tpu.memory_space<vmem>>, vector<1x16xf32>,
        %get3A_88 = arith.index_cast %scan3A_35 : i32 to index
        %get3A_89 = arith.constant 80 : index
        %get3A_90 = tpu.vector_load %arg11[%get3A_88, %get3A_89] {strides = array<i32>} : memref<80x128xf32, #tpu.memory_space<vmem>>, vector<1x16xf32>,
        %get3A_91 = vector.shape_cast %get3A_90 : vector<1x16xf32> to vector<16xf32>
        %mul3A_92 = arith.mulf %get3A_91, %broadcast_in_dim3A : vector<16xf32>
        %swap3A_93 = arith.index_cast %scan3A_35 : i32 to index
        %swap3A_94 = arith.constant 80 : index
        %swap3A_95 = tpu.vector_load %arg11[%swap3A_93, %swap3A_94] {strides = array<i32>} : memref<80x128xf32, #tpu.memory_space<vmem>>, vector<1x16xf32>,
        %swap3A_96 = vector.shape_cast %swap3A_95 : vector<1x16xf32> to vector<16xf32>
        %swap3A_97 = vector.shape_cast %mul3A_92 : vector<16xf32> to vector<1x16xf32>
        tpu.vector_store %arg11[%swap3A_93, %swap3A_94], %swap3A_97 {strides = array<i32>} : memref<80x128xf32, #tpu.memory_space<vmem>>, vector<1x16xf32>,
        %get3A_98 = arith.index_cast %scan3A_35 : i32 to index
        %get3A_99 = arith.constant 96 : index
        %get3A_100 = tpu.vector_load %arg11[%get3A_98, %get3A_99] {strides = array<i32>} : memref<80x128xf32, #tpu.memory_space<vmem>>, vector<1x16xf32>,
        %get3A_101 = vector.shape_cast %get3A_100 : vector<1x16xf32> to vector<16xf32>
        %mul3A_102 = arith.mulf %get3A_101, %broadcast_in_dim3A : vector<16xf32>
        %swap3A_103 = arith.index_cast %scan3A_35 : i32 to index
        %swap3A_104 = arith.constant 96 : index
        %swap3A_105 = tpu.vector_load %arg11[%swap3A_103, %swap3A_104] {strides = array<i32>} : memref<80x128xf32, #tpu.memory_space<vmem>>, vector<1x16xf32>,
        %swap3A_106 = vector.shape_cast %swap3A_105 : vector<1x16xf32> to vector<16xf32>
        %swap3A_107 = vector.shape_cast %mul3A_102 : vector<16xf32> to vector<1x16xf32>
        tpu.vector_store %arg11[%swap3A_103, %swap3A_104], %swap3A_107 {strides = array<i32>} : memref<80x128xf32, #tpu.memory_space<vmem>>, vector<1x16xf32>,
        %get3A_108 = arith.index_cast %scan3A_35 : i32 to index
        %get3A_109 = arith.constant 112 : index
        %get3A_110 = tpu.vector_load %arg11[%get3A_108, %get3A_109] {strides = array<i32>} : memref<80x128xf32, #tpu.memory_space<vmem>>, vector<1x16xf32>,
        %get3A_111 = vector.shape_cast %get3A_110 : vector<1x16xf32> to vector<16xf32>
        %mul3A_112 = arith.mulf %get3A_111, %broadcast_in_dim3A : vector<16xf32>
        %swap3A_113 = arith.index_cast %scan3A_35 : i32 to index
        %swap3A_114 = arith.constant 112 : index
        %swap3A_115 = tpu.vector_load %arg11[%swap3A_113, %swap3A_114] {strides = array<i32>} : memref<80x128xf32, #tpu.memory_space<vmem>>, vector<1x16xf32>,
        %swap3A_116 = vector.shape_cast %swap3A_115 : vector<1x16xf32> to vector<16xf32>
        %swap3A_117 = vector.shape_cast %mul3A_112 : vector<16xf32> to vector<1x16xf32>
        tpu.vector_store %arg11[%swap3A_113, %swap3A_114], %swap3A_117 {strides = array<i32>} : memref<80x128xf32, #tpu.memory_space<vmem>>, vector<1x16xf32>,
        %scan3A_118 = arith.constant 0 : i32
        scf.yield %scan3A_118 : i32
      }
      %scan3A_33 = arith.constant 80 : i32
      "tpu.region"() ({
        %run_scoped3A = tpu.sem_alloc : memref<!tpu.dma_semaphore, #tpu.memory_space<semaphore_mem>>
        %dma_start3A_35 = arith.constant 0 : i32
        %dma_start3A_36 = arith.constant 0 : i32
        %dma_start3A_37 = tpu.memref_slice %arg12[%dma_start3A_35, %dma_start3A_36] : memref<10240x128xf32, #tpu.memory_space<vmem_shared>> -> memref<10240x128xf32, #tpu.memory_space<vmem_shared>>
        tpu.enqueue_indirect_dma source(%arg11 : memref<80x128xf32, #tpu.memory_space<vmem>>) target(%dma_start3A_37 : memref<10240x128xf32, #tpu.memory_space<vmem_shared>>) offsets(%arg9 : memref<80xi32, #tpu.memory_space<vmem>>) semaphore(%run_scoped3A : memref<!tpu.dma_semaphore, #tpu.memory_space<semaphore_mem>>) {add = true}
        %dma_wait3A_38 = arith.constant 0 : i32
        %dma_wait3A_39 = arith.constant 0 : i32
        %dma_wait3A_40 = tpu.memref_slice %arg12[%dma_wait3A_38, %dma_wait3A_39] : memref<10240x128xf32, #tpu.memory_space<vmem_shared>> -> memref<10240x128xf32, #tpu.memory_space<vmem_shared>>
        tpu.wait_indirect_dma semaphore(%run_scoped3A : memref<!tpu.dma_semaphore, #tpu.memory_space<semaphore_mem>>) src(%arg11 : memref<80x128xf32, #tpu.memory_space<vmem>>) dst(%dma_wait3A_40 : memref<10240x128xf32, #tpu.memory_space<vmem_shared>>)
        tpu.yield
      }) : () -> ()
      %scan3A_34 = arith.constant 0 : i32
      scf.yield %scan3A_34 : i32
    }
    %scan3A_10 = arith.constant 125 : i32
    %barrier3A_11 = arith.constant 0 : index
    tpu.barrier barrier_id(%barrier3A_11)
    %mul3A_12 = arith.constant 640 : i32
    %mul3A_13 = arith.muli %arg1, %mul3A_12 : i32
    %mul3A_14 = arith.constant 640 : i32
    %mul3A_15 = arith.muli %arg1, %mul3A_14 : i32
    "tpu.region"() ({
      %run_scoped3A = tpu.sem_alloc : memref<!tpu.dma_semaphore, #tpu.memory_space<semaphore_mem>>
      %dma_start3A = arith.constant 0 : i32
      %dma_start3A_16 = tpu.memref_slice %arg7[%arg0, %mul3A_15, %dma_start3A] : memref<2x10240x128xf32, #tpu.memory_space<hbm>> -> memref<1x640x128xf32, #tpu.memory_space<hbm>>
      %dma_start3A_17 = tpu.memref_squeeze %dma_start3A_16 : memref<1x640x128xf32, #tpu.memory_space<hbm>> -> memref<640x128xf32, #tpu.memory_space<hbm>>
      %dma_start3A_18 = arith.constant 0 : i32
      %dma_start3A_19 = tpu.memref_slice %arg12[%mul3A_13, %dma_start3A_18] : memref<10240x128xf32, #tpu.memory_space<vmem_shared>> -> memref<640x128xf32, #tpu.memory_space<vmem_shared>>
      tpu.enqueue_dma source(%dma_start3A_19 : memref<640x128xf32, #tpu.memory_space<vmem_shared>>) target(%dma_start3A_17 : memref<640x128xf32, #tpu.memory_space<hbm>>) target_semaphore(%run_scoped3A : memref<!tpu.dma_semaphore, #tpu.memory_space<semaphore_mem>>)
      %dma_wait3A = arith.constant 0 : i32
      %dma_wait3A_20 = tpu.memref_slice %arg7[%arg0, %mul3A_15, %dma_wait3A] : memref<2x10240x128xf32, #tpu.memory_space<hbm>> -> memref<1x640x128xf32, #tpu.memory_space<hbm>>
      %dma_wait3A_21 = tpu.memref_squeeze %dma_wait3A_20 : memref<1x640x128xf32, #tpu.memory_space<hbm>> -> memref<640x128xf32, #tpu.memory_space<hbm>>
      %dma_wait3A_22 = arith.constant 0 : i32
      %dma_wait3A_23 = tpu.memref_slice %arg12[%mul3A_13, %dma_wait3A_22] : memref<10240x128xf32, #tpu.memory_space<vmem_shared>> -> memref<640x128xf32, #tpu.memory_space<vmem_shared>>
      tpu.wait_dma2 semaphore(%run_scoped3A : memref<!tpu.dma_semaphore, #tpu.memory_space<semaphore_mem>>) src(%dma_wait3A_23 : memref<640x128xf32, #tpu.memory_space<vmem_shared>>) dst(%dma_wait3A_21 : memref<640x128xf32, #tpu.memory_space<hbm>>)
      tpu.yield
    }) : () -> ()
    return
  }
}

module attributes {stable_mosaic.version = 14 : i64} {
  func.func @_edge_mlp_body(%arg0: i32, %arg1: memref<8000x16xf32, #tpu.memory_space<vmem>>, %arg2: memref<5x16x16xf32, #tpu.memory_space<vmem>>, %arg3: memref<5x16xf32, #tpu.memory_space<vmem>>, %arg4: memref<5x16x1xf32, #tpu.memory_space<vmem>>, %arg5: memref<5x1xf32, #tpu.memory_space<vmem>>, %arg6: memref<1x1x8000xf32, #tpu.memory_space<vmem>>, %arg7: memref<1x1x8000xf32, #tpu.memory_space<vmem>>, %arg8: memref<1x1x8000xf32, #tpu.memory_space<vmem>>, %arg9: memref<1x1x8000xf32, #tpu.memory_space<vmem>>, %arg10: memref<1x1x8000xf32, #tpu.memory_space<vmem>>) attributes {dimension_semantics = [#tpu.dimension_semantics<arbitrary>], iteration_bounds = array<i64: 40>, scalar_prefetch = 0 : i64, scratch_operands = 0 : i64, tpu.core_type = #tpu.core_type<tc>, window_params = [{transform_indices = @transform_0, window_bounds = array<i64: 8000, 16>}, {pipeline_mode = #tpu.pipeline_mode<synchronous>, transform_indices = @transform_1, window_bounds = array<i64: 5, 16, 16>}, {pipeline_mode = #tpu.pipeline_mode<synchronous>, transform_indices = @transform_2, window_bounds = array<i64: 5, 16>}, {pipeline_mode = #tpu.pipeline_mode<synchronous>, transform_indices = @transform_3, window_bounds = array<i64: 5, 16, 1>}, {pipeline_mode = #tpu.pipeline_mode<synchronous>, transform_indices = @transform_4, window_bounds = array<i64: 5, 1>}, {transform_indices = @transform_5, window_bounds = array<i64: 1, 1, 8000>}, {transform_indices = @transform_6, window_bounds = array<i64: 1, 1, 8000>}, {transform_indices = @transform_7, window_bounds = array<i64: 1, 1, 8000>}, {transform_indices = @transform_8, window_bounds = array<i64: 1, 1, 8000>}, {transform_indices = @transform_9, window_bounds = array<i64: 1, 1, 8000>}]} {
    %get3A = arith.constant 0 : index
    %get3A_0 = arith.constant 0 : index
    %get3A_1 = vector.load %arg1[%get3A, %get3A_0] : memref<8000x16xf32, #tpu.memory_space<vmem>>, vector<8000x16xf32>
    %get3A_2 = arith.constant 0 : index
    %get3A_3 = arith.constant 0 : index
    %get3A_4 = arith.constant 0 : index
    %get3A_5 = vector.load %arg2[%get3A_2, %get3A_3, %get3A_4] : memref<5x16x16xf32, #tpu.memory_space<vmem>>, vector<1x16x16xf32>
    %get3A_6 = vector.shape_cast %get3A_5 : vector<1x16x16xf32> to vector<16x16xf32>
    %dot_general3A = arith.constant dense<0.000000e+00> : vector<8000x16xf32>
    %dot_general3A_7 = tpu.matmul %get3A_1, %get3A_6, %dot_general3A {dimension_numbers = #tpu.dot_dimension_numbers<[1], [0], [0], [1], [0, 0, 1, 1], [], []>, transpose_lhs_hint = false} : vector<8000x16xf32>, vector<16x16xf32>, vector<8000x16xf32> -> vector<8000x16xf32>
    %get3A_8 = arith.constant 0 : index
    %get3A_9 = arith.constant 0 : index
    %get3A_10 = vector.load %arg3[%get3A_8, %get3A_9] : memref<5x16xf32, #tpu.memory_space<vmem>>, vector<1x16xf32>
    %get3A_11 = vector.shape_cast %get3A_10 : vector<1x16xf32> to vector<16xf32>
    %broadcast_in_dim3A = vector.shape_cast %get3A_11 : vector<16xf32> to vector<1x16xf32>
    %add3A = vector.broadcast %broadcast_in_dim3A : vector<1x16xf32> to vector<8000x16xf32>
    %add3A_12 = arith.addf %dot_general3A_7, %add3A : vector<8000x16xf32>
    %max3A = arith.constant 0.000000e+00 : f32
    %max3A_13 = vector.broadcast %max3A : f32 to vector<8000x16xf32>
    %max3A_14 = arith.maximumf %add3A_12, %max3A_13 : vector<8000x16xf32>
    %get3A_15 = arith.constant 0 : index
    %get3A_16 = arith.constant 0 : index
    %get3A_17 = arith.constant 0 : index
    %get3A_18 = vector.load %arg4[%get3A_15, %get3A_16, %get3A_17] : memref<5x16x1xf32, #tpu.memory_space<vmem>>, vector<1x16x1xf32>
    %get3A_19 = vector.shape_cast %get3A_18 : vector<1x16x1xf32> to vector<16x1xf32>
    %dot_general3A_20 = arith.constant dense<0.000000e+00> : vector<8000x1xf32>
    %dot_general3A_21 = tpu.matmul %max3A_14, %get3A_19, %dot_general3A_20 {dimension_numbers = #tpu.dot_dimension_numbers<[1], [0], [0], [1], [0, 0, 1, 1], [], []>, transpose_lhs_hint = false} : vector<8000x16xf32>, vector<16x1xf32>, vector<8000x1xf32> -> vector<8000x1xf32>
    %get3A_22 = arith.constant 0 : index
    %get3A_23 = arith.constant 0 : index
    %get3A_24 = vector.load %arg5[%get3A_22, %get3A_23] : memref<5x1xf32, #tpu.memory_space<vmem>>, vector<1x1xf32>
    %get3A_25 = vector.shape_cast %get3A_24 : vector<1x1xf32> to vector<1xf32>
    %broadcast_in_dim3A_26 = vector.shape_cast %get3A_25 : vector<1xf32> to vector<1x1xf32>
    %add3A_27 = vector.broadcast %broadcast_in_dim3A_26 : vector<1x1xf32> to vector<8000x1xf32>
    %add3A_28 = arith.addf %dot_general3A_21, %add3A_27 : vector<8000x1xf32>
    %logistic3A = arith.negf %add3A_28 : vector<8000x1xf32>
    %logistic3A_29 = math.exp %logistic3A : vector<8000x1xf32>
    %logistic3A_30 = arith.constant 1.000000e+00 : f32
    %logistic3A_31 = vector.broadcast %logistic3A_30 : f32 to vector<8000x1xf32>
    %logistic3A_32 = arith.addf %logistic3A_31, %logistic3A_29 : vector<8000x1xf32>
    %logistic3A_33 = arith.divf %logistic3A_31, %logistic3A_32 : vector<8000x1xf32>
    %squeeze3A = vector.shape_cast %logistic3A_33 : vector<8000x1xf32> to vector<8000xf32>
    %swap3A = arith.constant 0 : index
    %swap3A_34 = arith.constant 0 : index
    %swap3A_35 = arith.constant 0 : index
    %swap3A_36 = vector.load %arg6[%swap3A, %swap3A_34, %swap3A_35] : memref<1x1x8000xf32, #tpu.memory_space<vmem>>, vector<1x1x8000xf32>
    %swap3A_37 = vector.shape_cast %swap3A_36 : vector<1x1x8000xf32> to vector<8000xf32>
    %swap3A_38 = vector.shape_cast %squeeze3A : vector<8000xf32> to vector<1x1x8000xf32>
    tpu.vector_store %arg6[%swap3A, %swap3A_34, %swap3A_35], %swap3A_38 {strides = array<i32>} : memref<1x1x8000xf32, #tpu.memory_space<vmem>>, vector<1x1x8000xf32>,
    %get3A_39 = arith.constant 1 : index
    %get3A_40 = arith.constant 0 : index
    %get3A_41 = arith.constant 0 : index
    %get3A_42 = vector.load %arg2[%get3A_39, %get3A_40, %get3A_41] : memref<5x16x16xf32, #tpu.memory_space<vmem>>, vector<1x16x16xf32>
    %get3A_43 = vector.shape_cast %get3A_42 : vector<1x16x16xf32> to vector<16x16xf32>
    %dot_general3A_44 = arith.constant dense<0.000000e+00> : vector<8000x16xf32>
    %dot_general3A_45 = tpu.matmul %get3A_1, %get3A_43, %dot_general3A_44 {dimension_numbers = #tpu.dot_dimension_numbers<[1], [0], [0], [1], [0, 0, 1, 1], [], []>, transpose_lhs_hint = false} : vector<8000x16xf32>, vector<16x16xf32>, vector<8000x16xf32> -> vector<8000x16xf32>
    %get3A_46 = arith.constant 1 : index
    %get3A_47 = arith.constant 0 : index
    %get3A_48 = vector.load %arg3[%get3A_46, %get3A_47] : memref<5x16xf32, #tpu.memory_space<vmem>>, vector<1x16xf32>
    %get3A_49 = vector.shape_cast %get3A_48 : vector<1x16xf32> to vector<16xf32>
    %broadcast_in_dim3A_50 = vector.shape_cast %get3A_49 : vector<16xf32> to vector<1x16xf32>
    %add3A_51 = vector.broadcast %broadcast_in_dim3A_50 : vector<1x16xf32> to vector<8000x16xf32>
    %add3A_52 = arith.addf %dot_general3A_45, %add3A_51 : vector<8000x16xf32>
    %max3A_53 = arith.constant 0.000000e+00 : f32
    %max3A_54 = vector.broadcast %max3A_53 : f32 to vector<8000x16xf32>
    %max3A_55 = arith.maximumf %add3A_52, %max3A_54 : vector<8000x16xf32>
    %get3A_56 = arith.constant 1 : index
    %get3A_57 = arith.constant 0 : index
    %get3A_58 = arith.constant 0 : index
    %get3A_59 = vector.load %arg4[%get3A_56, %get3A_57, %get3A_58] : memref<5x16x1xf32, #tpu.memory_space<vmem>>, vector<1x16x1xf32>
    %get3A_60 = vector.shape_cast %get3A_59 : vector<1x16x1xf32> to vector<16x1xf32>
    %dot_general3A_61 = arith.constant dense<0.000000e+00> : vector<8000x1xf32>
    %dot_general3A_62 = tpu.matmul %max3A_55, %get3A_60, %dot_general3A_61 {dimension_numbers = #tpu.dot_dimension_numbers<[1], [0], [0], [1], [0, 0, 1, 1], [], []>, transpose_lhs_hint = false} : vector<8000x16xf32>, vector<16x1xf32>, vector<8000x1xf32> -> vector<8000x1xf32>
    %get3A_63 = arith.constant 1 : index
    %get3A_64 = arith.constant 0 : index
    %get3A_65 = vector.load %arg5[%get3A_63, %get3A_64] : memref<5x1xf32, #tpu.memory_space<vmem>>, vector<1x1xf32>
    %get3A_66 = vector.shape_cast %get3A_65 : vector<1x1xf32> to vector<1xf32>
    %broadcast_in_dim3A_67 = vector.shape_cast %get3A_66 : vector<1xf32> to vector<1x1xf32>
    %add3A_68 = vector.broadcast %broadcast_in_dim3A_67 : vector<1x1xf32> to vector<8000x1xf32>
    %add3A_69 = arith.addf %dot_general3A_62, %add3A_68 : vector<8000x1xf32>
    %logistic3A_70 = arith.negf %add3A_69 : vector<8000x1xf32>
    %logistic3A_71 = math.exp %logistic3A_70 : vector<8000x1xf32>
    %logistic3A_72 = arith.constant 1.000000e+00 : f32
    %logistic3A_73 = vector.broadcast %logistic3A_72 : f32 to vector<8000x1xf32>
    %logistic3A_74 = arith.addf %logistic3A_73, %logistic3A_71 : vector<8000x1xf32>
    %logistic3A_75 = arith.divf %logistic3A_73, %logistic3A_74 : vector<8000x1xf32>
    %squeeze3A_76 = vector.shape_cast %logistic3A_75 : vector<8000x1xf32> to vector<8000xf32>
    %swap3A_77 = arith.constant 0 : index
    %swap3A_78 = arith.constant 0 : index
    %swap3A_79 = arith.constant 0 : index
    %swap3A_80 = vector.load %arg7[%swap3A_77, %swap3A_78, %swap3A_79] : memref<1x1x8000xf32, #tpu.memory_space<vmem>>, vector<1x1x8000xf32>
    %swap3A_81 = vector.shape_cast %swap3A_80 : vector<1x1x8000xf32> to vector<8000xf32>
    %swap3A_82 = vector.shape_cast %squeeze3A_76 : vector<8000xf32> to vector<1x1x8000xf32>
    tpu.vector_store %arg7[%swap3A_77, %swap3A_78, %swap3A_79], %swap3A_82 {strides = array<i32>} : memref<1x1x8000xf32, #tpu.memory_space<vmem>>, vector<1x1x8000xf32>,
    %get3A_83 = arith.constant 2 : index
    %get3A_84 = arith.constant 0 : index
    %get3A_85 = arith.constant 0 : index
    %get3A_86 = vector.load %arg2[%get3A_83, %get3A_84, %get3A_85] : memref<5x16x16xf32, #tpu.memory_space<vmem>>, vector<1x16x16xf32>
    %get3A_87 = vector.shape_cast %get3A_86 : vector<1x16x16xf32> to vector<16x16xf32>
    %dot_general3A_88 = arith.constant dense<0.000000e+00> : vector<8000x16xf32>
    %dot_general3A_89 = tpu.matmul %get3A_1, %get3A_87, %dot_general3A_88 {dimension_numbers = #tpu.dot_dimension_numbers<[1], [0], [0], [1], [0, 0, 1, 1], [], []>, transpose_lhs_hint = false} : vector<8000x16xf32>, vector<16x16xf32>, vector<8000x16xf32> -> vector<8000x16xf32>
    %get3A_90 = arith.constant 2 : index
    %get3A_91 = arith.constant 0 : index
    %get3A_92 = vector.load %arg3[%get3A_90, %get3A_91] : memref<5x16xf32, #tpu.memory_space<vmem>>, vector<1x16xf32>
    %get3A_93 = vector.shape_cast %get3A_92 : vector<1x16xf32> to vector<16xf32>
    %broadcast_in_dim3A_94 = vector.shape_cast %get3A_93 : vector<16xf32> to vector<1x16xf32>
    %add3A_95 = vector.broadcast %broadcast_in_dim3A_94 : vector<1x16xf32> to vector<8000x16xf32>
    %add3A_96 = arith.addf %dot_general3A_89, %add3A_95 : vector<8000x16xf32>
    %max3A_97 = arith.constant 0.000000e+00 : f32
    %max3A_98 = vector.broadcast %max3A_97 : f32 to vector<8000x16xf32>
    %max3A_99 = arith.maximumf %add3A_96, %max3A_98 : vector<8000x16xf32>
    %get3A_100 = arith.constant 2 : index
    %get3A_101 = arith.constant 0 : index
    %get3A_102 = arith.constant 0 : index
    %get3A_103 = vector.load %arg4[%get3A_100, %get3A_101, %get3A_102] : memref<5x16x1xf32, #tpu.memory_space<vmem>>, vector<1x16x1xf32>
    %get3A_104 = vector.shape_cast %get3A_103 : vector<1x16x1xf32> to vector<16x1xf32>
    %dot_general3A_105 = arith.constant dense<0.000000e+00> : vector<8000x1xf32>
    %dot_general3A_106 = tpu.matmul %max3A_99, %get3A_104, %dot_general3A_105 {dimension_numbers = #tpu.dot_dimension_numbers<[1], [0], [0], [1], [0, 0, 1, 1], [], []>, transpose_lhs_hint = false} : vector<8000x16xf32>, vector<16x1xf32>, vector<8000x1xf32> -> vector<8000x1xf32>
    %get3A_107 = arith.constant 2 : index
    %get3A_108 = arith.constant 0 : index
    %get3A_109 = vector.load %arg5[%get3A_107, %get3A_108] : memref<5x1xf32, #tpu.memory_space<vmem>>, vector<1x1xf32>
    %get3A_110 = vector.shape_cast %get3A_109 : vector<1x1xf32> to vector<1xf32>
    %broadcast_in_dim3A_111 = vector.shape_cast %get3A_110 : vector<1xf32> to vector<1x1xf32>
    %add3A_112 = vector.broadcast %broadcast_in_dim3A_111 : vector<1x1xf32> to vector<8000x1xf32>
    %add3A_113 = arith.addf %dot_general3A_106, %add3A_112 : vector<8000x1xf32>
    %logistic3A_114 = arith.negf %add3A_113 : vector<8000x1xf32>
    %logistic3A_115 = math.exp %logistic3A_114 : vector<8000x1xf32>
    %logistic3A_116 = arith.constant 1.000000e+00 : f32
    %logistic3A_117 = vector.broadcast %logistic3A_116 : f32 to vector<8000x1xf32>
    %logistic3A_118 = arith.addf %logistic3A_117, %logistic3A_115 : vector<8000x1xf32>
    %logistic3A_119 = arith.divf %logistic3A_117, %logistic3A_118 : vector<8000x1xf32>
    %squeeze3A_120 = vector.shape_cast %logistic3A_119 : vector<8000x1xf32> to vector<8000xf32>
    %swap3A_121 = arith.constant 0 : index
    %swap3A_122 = arith.constant 0 : index
    %swap3A_123 = arith.constant 0 : index
    %swap3A_124 = vector.load %arg8[%swap3A_121, %swap3A_122, %swap3A_123] : memref<1x1x8000xf32, #tpu.memory_space<vmem>>, vector<1x1x8000xf32>
    %swap3A_125 = vector.shape_cast %swap3A_124 : vector<1x1x8000xf32> to vector<8000xf32>
    %swap3A_126 = vector.shape_cast %squeeze3A_120 : vector<8000xf32> to vector<1x1x8000xf32>
    tpu.vector_store %arg8[%swap3A_121, %swap3A_122, %swap3A_123], %swap3A_126 {strides = array<i32>} : memref<1x1x8000xf32, #tpu.memory_space<vmem>>, vector<1x1x8000xf32>,
    %get3A_127 = arith.constant 3 : index
    %get3A_128 = arith.constant 0 : index
    %get3A_129 = arith.constant 0 : index
    %get3A_130 = vector.load %arg2[%get3A_127, %get3A_128, %get3A_129] : memref<5x16x16xf32, #tpu.memory_space<vmem>>, vector<1x16x16xf32>
    %get3A_131 = vector.shape_cast %get3A_130 : vector<1x16x16xf32> to vector<16x16xf32>
    %dot_general3A_132 = arith.constant dense<0.000000e+00> : vector<8000x16xf32>
    %dot_general3A_133 = tpu.matmul %get3A_1, %get3A_131, %dot_general3A_132 {dimension_numbers = #tpu.dot_dimension_numbers<[1], [0], [0], [1], [0, 0, 1, 1], [], []>, transpose_lhs_hint = false} : vector<8000x16xf32>, vector<16x16xf32>, vector<8000x16xf32> -> vector<8000x16xf32>
    %get3A_134 = arith.constant 3 : index
    %get3A_135 = arith.constant 0 : index
    %get3A_136 = vector.load %arg3[%get3A_134, %get3A_135] : memref<5x16xf32, #tpu.memory_space<vmem>>, vector<1x16xf32>
    %get3A_137 = vector.shape_cast %get3A_136 : vector<1x16xf32> to vector<16xf32>
    %broadcast_in_dim3A_138 = vector.shape_cast %get3A_137 : vector<16xf32> to vector<1x16xf32>
    %add3A_139 = vector.broadcast %broadcast_in_dim3A_138 : vector<1x16xf32> to vector<8000x16xf32>
    %add3A_140 = arith.addf %dot_general3A_133, %add3A_139 : vector<8000x16xf32>
    %max3A_141 = arith.constant 0.000000e+00 : f32
    %max3A_142 = vector.broadcast %max3A_141 : f32 to vector<8000x16xf32>
    %max3A_143 = arith.maximumf %add3A_140, %max3A_142 : vector<8000x16xf32>
    %get3A_144 = arith.constant 3 : index
    %get3A_145 = arith.constant 0 : index
    %get3A_146 = arith.constant 0 : index
    %get3A_147 = vector.load %arg4[%get3A_144, %get3A_145, %get3A_146] : memref<5x16x1xf32, #tpu.memory_space<vmem>>, vector<1x16x1xf32>
    %get3A_148 = vector.shape_cast %get3A_147 : vector<1x16x1xf32> to vector<16x1xf32>
    %dot_general3A_149 = arith.constant dense<0.000000e+00> : vector<8000x1xf32>
    %dot_general3A_150 = tpu.matmul %max3A_143, %get3A_148, %dot_general3A_149 {dimension_numbers = #tpu.dot_dimension_numbers<[1], [0], [0], [1], [0, 0, 1, 1], [], []>, transpose_lhs_hint = false} : vector<8000x16xf32>, vector<16x1xf32>, vector<8000x1xf32> -> vector<8000x1xf32>
    %get3A_151 = arith.constant 3 : index
    %get3A_152 = arith.constant 0 : index
    %get3A_153 = vector.load %arg5[%get3A_151, %get3A_152] : memref<5x1xf32, #tpu.memory_space<vmem>>, vector<1x1xf32>
    %get3A_154 = vector.shape_cast %get3A_153 : vector<1x1xf32> to vector<1xf32>
    %broadcast_in_dim3A_155 = vector.shape_cast %get3A_154 : vector<1xf32> to vector<1x1xf32>
    %add3A_156 = vector.broadcast %broadcast_in_dim3A_155 : vector<1x1xf32> to vector<8000x1xf32>
    %add3A_157 = arith.addf %dot_general3A_150, %add3A_156 : vector<8000x1xf32>
    %logistic3A_158 = arith.negf %add3A_157 : vector<8000x1xf32>
    %logistic3A_159 = math.exp %logistic3A_158 : vector<8000x1xf32>
    %logistic3A_160 = arith.constant 1.000000e+00 : f32
    %logistic3A_161 = vector.broadcast %logistic3A_160 : f32 to vector<8000x1xf32>
    %logistic3A_162 = arith.addf %logistic3A_161, %logistic3A_159 : vector<8000x1xf32>
    %logistic3A_163 = arith.divf %logistic3A_161, %logistic3A_162 : vector<8000x1xf32>
    %squeeze3A_164 = vector.shape_cast %logistic3A_163 : vector<8000x1xf32> to vector<8000xf32>
    %swap3A_165 = arith.constant 0 : index
    %swap3A_166 = arith.constant 0 : index
    %swap3A_167 = arith.constant 0 : index
    %swap3A_168 = vector.load %arg9[%swap3A_165, %swap3A_166, %swap3A_167] : memref<1x1x8000xf32, #tpu.memory_space<vmem>>, vector<1x1x8000xf32>
    %swap3A_169 = vector.shape_cast %swap3A_168 : vector<1x1x8000xf32> to vector<8000xf32>
    %swap3A_170 = vector.shape_cast %squeeze3A_164 : vector<8000xf32> to vector<1x1x8000xf32>
    tpu.vector_store %arg9[%swap3A_165, %swap3A_166, %swap3A_167], %swap3A_170 {strides = array<i32>} : memref<1x1x8000xf32, #tpu.memory_space<vmem>>, vector<1x1x8000xf32>,
    %get3A_171 = arith.constant 4 : index
    %get3A_172 = arith.constant 0 : index
    %get3A_173 = arith.constant 0 : index
    %get3A_174 = vector.load %arg2[%get3A_171, %get3A_172, %get3A_173] : memref<5x16x16xf32, #tpu.memory_space<vmem>>, vector<1x16x16xf32>
    %get3A_175 = vector.shape_cast %get3A_174 : vector<1x16x16xf32> to vector<16x16xf32>
    %dot_general3A_176 = arith.constant dense<0.000000e+00> : vector<8000x16xf32>
    %dot_general3A_177 = tpu.matmul %get3A_1, %get3A_175, %dot_general3A_176 {dimension_numbers = #tpu.dot_dimension_numbers<[1], [0], [0], [1], [0, 0, 1, 1], [], []>, transpose_lhs_hint = false} : vector<8000x16xf32>, vector<16x16xf32>, vector<8000x16xf32> -> vector<8000x16xf32>
    %get3A_178 = arith.constant 4 : index
    %get3A_179 = arith.constant 0 : index
    %get3A_180 = vector.load %arg3[%get3A_178, %get3A_179] : memref<5x16xf32, #tpu.memory_space<vmem>>, vector<1x16xf32>
    %get3A_181 = vector.shape_cast %get3A_180 : vector<1x16xf32> to vector<16xf32>
    %broadcast_in_dim3A_182 = vector.shape_cast %get3A_181 : vector<16xf32> to vector<1x16xf32>
    %add3A_183 = vector.broadcast %broadcast_in_dim3A_182 : vector<1x16xf32> to vector<8000x16xf32>
    %add3A_184 = arith.addf %dot_general3A_177, %add3A_183 : vector<8000x16xf32>
    %max3A_185 = arith.constant 0.000000e+00 : f32
    %max3A_186 = vector.broadcast %max3A_185 : f32 to vector<8000x16xf32>
    %max3A_187 = arith.maximumf %add3A_184, %max3A_186 : vector<8000x16xf32>
    %get3A_188 = arith.constant 4 : index
    %get3A_189 = arith.constant 0 : index
    %get3A_190 = arith.constant 0 : index
    %get3A_191 = vector.load %arg4[%get3A_188, %get3A_189, %get3A_190] : memref<5x16x1xf32, #tpu.memory_space<vmem>>, vector<1x16x1xf32>
    %get3A_192 = vector.shape_cast %get3A_191 : vector<1x16x1xf32> to vector<16x1xf32>
    %dot_general3A_193 = arith.constant dense<0.000000e+00> : vector<8000x1xf32>
    %dot_general3A_194 = tpu.matmul %max3A_187, %get3A_192, %dot_general3A_193 {dimension_numbers = #tpu.dot_dimension_numbers<[1], [0], [0], [1], [0, 0, 1, 1], [], []>, transpose_lhs_hint = false} : vector<8000x16xf32>, vector<16x1xf32>, vector<8000x1xf32> -> vector<8000x1xf32>
    %get3A_195 = arith.constant 4 : index
    %get3A_196 = arith.constant 0 : index
    %get3A_197 = vector.load %arg5[%get3A_195, %get3A_196] : memref<5x1xf32, #tpu.memory_space<vmem>>, vector<1x1xf32>
    %get3A_198 = vector.shape_cast %get3A_197 : vector<1x1xf32> to vector<1xf32>
    %broadcast_in_dim3A_199 = vector.shape_cast %get3A_198 : vector<1xf32> to vector<1x1xf32>
    %add3A_200 = vector.broadcast %broadcast_in_dim3A_199 : vector<1x1xf32> to vector<8000x1xf32>
    %add3A_201 = arith.addf %dot_general3A_194, %add3A_200 : vector<8000x1xf32>
    %logistic3A_202 = arith.negf %add3A_201 : vector<8000x1xf32>
    %logistic3A_203 = math.exp %logistic3A_202 : vector<8000x1xf32>
    %logistic3A_204 = arith.constant 1.000000e+00 : f32
    %logistic3A_205 = vector.broadcast %logistic3A_204 : f32 to vector<8000x1xf32>
    %logistic3A_206 = arith.addf %logistic3A_205, %logistic3A_203 : vector<8000x1xf32>
    %logistic3A_207 = arith.divf %logistic3A_205, %logistic3A_206 : vector<8000x1xf32>
    %squeeze3A_208 = vector.shape_cast %logistic3A_207 : vector<8000x1xf32> to vector<8000xf32>
    %swap3A_209 = arith.constant 0 : index
    %swap3A_210 = arith.constant 0 : index
    %swap3A_211 = arith.constant 0 : index
    %swap3A_212 = vector.load %arg10[%swap3A_209, %swap3A_210, %swap3A_211] : memref<1x1x8000xf32, #tpu.memory_space<vmem>>, vector<1x1x8000xf32>
    %swap3A_213 = vector.shape_cast %swap3A_212 : vector<1x1x8000xf32> to vector<8000xf32>
    %swap3A_214 = vector.shape_cast %squeeze3A_208 : vector<8000xf32> to vector<1x1x8000xf32>
    tpu.vector_store %arg10[%swap3A_209, %swap3A_210, %swap3A_211], %swap3A_214 {strides = array<i32>} : memref<1x1x8000xf32, #tpu.memory_space<vmem>>, vector<1x1x8000xf32>,
    return
  }
  func.func @transform_0(%arg0: i32) -> (i32, i32) {
    %c0_i32 = arith.constant 0 : i32
    %c0_i32_0 = arith.constant 0 : i32
    return %arg0, %c0_i32 : i32, i32
  }
  func.func @transform_1(%arg0: i32) -> (i32, i32, i32) {
    %c0_i32 = arith.constant 0 : i32
    %c0_i32_0 = arith.constant 0 : i32
    %c0_i32_1 = arith.constant 0 : i32
    %c0_i32_2 = arith.constant 0 : i32
    return %c0_i32, %c0_i32_0, %c0_i32_1 : i32, i32, i32
  }
  func.func @transform_2(%arg0: i32) -> (i32, i32) {
    %c0_i32 = arith.constant 0 : i32
    %c0_i32_0 = arith.constant 0 : i32
    %c0_i32_1 = arith.constant 0 : i32
    return %c0_i32, %c0_i32_0 : i32, i32
  }
  func.func @transform_3(%arg0: i32) -> (i32, i32, i32) {
    %c0_i32 = arith.constant 0 : i32
    %c0_i32_0 = arith.constant 0 : i32
    %c0_i32_1 = arith.constant 0 : i32
    %c0_i32_2 = arith.constant 0 : i32
    return %c0_i32, %c0_i32_0, %c0_i32_1 : i32, i32, i32
  }
  func.func @transform_4(%arg0: i32) -> (i32, i32) {
    %c0_i32 = arith.constant 0 : i32
    %c0_i32_0 = arith.constant 0 : i32
    %c0_i32_1 = arith.constant 0 : i32
    return %c0_i32, %c0_i32_0 : i32, i32
  }
  func.func @transform_5(%arg0: i32) -> (i32, i32, i32) {
    %c0_i32 = arith.constant 0 : i32
    %c0_i32_0 = arith.constant 0 : i32
    %c0_i32_1 = arith.constant 0 : i32
    return %arg0, %c0_i32, %c0_i32_0 : i32, i32, i32
  }
  func.func @transform_6(%arg0: i32) -> (i32, i32, i32) {
    %c0_i32 = arith.constant 0 : i32
    %c0_i32_0 = arith.constant 0 : i32
    %c0_i32_1 = arith.constant 0 : i32
    return %arg0, %c0_i32, %c0_i32_0 : i32, i32, i32
  }
  func.func @transform_7(%arg0: i32) -> (i32, i32, i32) {
    %c0_i32 = arith.constant 0 : i32
    %c0_i32_0 = arith.constant 0 : i32
    %c0_i32_1 = arith.constant 0 : i32
    return %arg0, %c0_i32, %c0_i32_0 : i32, i32, i32
  }
  func.func @transform_8(%arg0: i32) -> (i32, i32, i32) {
    %c0_i32 = arith.constant 0 : i32
    %c0_i32_0 = arith.constant 0 : i32
    %c0_i32_1 = arith.constant 0 : i32
    return %arg0, %c0_i32, %c0_i32_0 : i32, i32, i32
  }
  func.func @transform_9(%arg0: i32) -> (i32, i32, i32) {
    %c0_i32 = arith.constant 0 : i32
    %c0_i32_0 = arith.constant 0 : i32
    %c0_i32_1 = arith.constant 0 : i32
    return %arg0, %c0_i32, %c0_i32_0 : i32, i32, i32
  }
}

module attributes {stable_mosaic.version = 14 : i64} {
  func.func @_dinv_body(%arg0: memref<2x10240x128xf32, #tpu.memory_space<vmem>>, %arg1: memref<10240x128xf32, #tpu.memory_space<vmem>>) attributes {dimension_semantics = [], scalar_prefetch = 0 : i64, scratch_operands = 0 : i64, tpu.core_type = #tpu.core_type<tc>} {
    %get3A = arith.constant 0 : index
    %get3A_0 = arith.constant 0 : index
    %get3A_1 = arith.constant 0 : index
    %get3A_2 = vector.load %arg0[%get3A, %get3A_0, %get3A_1] : memref<2x10240x128xf32, #tpu.memory_space<vmem>>, vector<1x10240x128xf32>
    %get3A_3 = vector.shape_cast %get3A_2 : vector<1x10240x128xf32> to vector<10240x128xf32>
    %add3A = arith.constant 1.000000e+00 : f32
    %add3A_4 = vector.broadcast %add3A : f32 to vector<10240x128xf32>
    %add3A_5 = arith.addf %add3A_4, %get3A_3 : vector<10240x128xf32>
    %get3A_6 = arith.constant 1 : index
    %get3A_7 = arith.constant 0 : index
    %get3A_8 = arith.constant 0 : index
    %get3A_9 = vector.load %arg0[%get3A_6, %get3A_7, %get3A_8] : memref<2x10240x128xf32, #tpu.memory_space<vmem>>, vector<1x10240x128xf32>
    %get3A_10 = vector.shape_cast %get3A_9 : vector<1x10240x128xf32> to vector<10240x128xf32>
    %add3A_11 = arith.addf %add3A_5, %get3A_10 : vector<10240x128xf32>
    %rsqrt3A = math.rsqrt %add3A_11 : vector<10240x128xf32>
    %swap3A = arith.constant 0 : index
    %swap3A_12 = arith.constant 0 : index
    %swap3A_13 = vector.load %arg1[%swap3A, %swap3A_12] : memref<10240x128xf32, #tpu.memory_space<vmem>>, vector<10240x128xf32>
    tpu.vector_store %arg1[%swap3A, %swap3A_12], %rsqrt3A {strides = array<i32>} : memref<10240x128xf32, #tpu.memory_space<vmem>>, vector<10240x128xf32>,
    return
  }
}

module attributes {stable_mosaic.version = 14 : i64} {
  func.func @_y0_body(%arg0: i32, %arg1: memref<2000x128xf32, #tpu.memory_space<vmem>>, %arg2: memref<128x128xf32, #tpu.memory_space<vmem>>, %arg3: memref<2000x128xf32, #tpu.memory_space<vmem>>, %arg4: memref<2000x128xf32, #tpu.memory_space<vmem>>) attributes {dimension_semantics = [#tpu.dimension_semantics<arbitrary>], iteration_bounds = array<i64: 5>, scalar_prefetch = 0 : i64, scratch_operands = 0 : i64, tpu.core_type = #tpu.core_type<tc>, window_params = [{transform_indices = @transform_0, window_bounds = array<i64: 2000, 128>}, {pipeline_mode = #tpu.pipeline_mode<synchronous>, transform_indices = @transform_1, window_bounds = array<i64: 128, 128>}, {transform_indices = @transform_2, window_bounds = array<i64: 2000, 128>}, {transform_indices = @transform_3, window_bounds = array<i64: 2000, 128>}]} {
    %get3A = arith.constant 0 : index
    %get3A_0 = arith.constant 0 : index
    %get3A_1 = vector.load %arg1[%get3A, %get3A_0] : memref<2000x128xf32, #tpu.memory_space<vmem>>, vector<2000x128xf32>
    %get3A_2 = arith.constant 0 : index
    %get3A_3 = arith.constant 0 : index
    %get3A_4 = vector.load %arg2[%get3A_2, %get3A_3] : memref<128x128xf32, #tpu.memory_space<vmem>>, vector<128x128xf32>
    %dot_general3A = arith.constant dense<0.000000e+00> : vector<2000x128xf32>
    %dot_general3A_5 = tpu.matmul %get3A_1, %get3A_4, %dot_general3A {dimension_numbers = #tpu.dot_dimension_numbers<[1], [0], [0], [1], [0, 0, 1, 1], [], []>, transpose_lhs_hint = false} : vector<2000x128xf32>, vector<128x128xf32>, vector<2000x128xf32> -> vector<2000x128xf32>
    %get3A_6 = arith.constant 0 : index
    %get3A_7 = arith.constant 0 : index
    %get3A_8 = vector.load %arg3[%get3A_6, %get3A_7] : memref<2000x128xf32, #tpu.memory_space<vmem>>, vector<2000x1xf32>
    %mul3A = vector.broadcast %get3A_8 : vector<2000x1xf32> to vector<2000x128xf32>
    %mul3A_9 = arith.mulf %dot_general3A_5, %mul3A : vector<2000x128xf32>
    %swap3A = arith.constant 0 : index
    %swap3A_10 = arith.constant 0 : index
    %swap3A_11 = vector.load %arg4[%swap3A, %swap3A_10] : memref<2000x128xf32, #tpu.memory_space<vmem>>, vector<2000x128xf32>
    tpu.vector_store %arg4[%swap3A, %swap3A_10], %mul3A_9 {strides = array<i32>} : memref<2000x128xf32, #tpu.memory_space<vmem>>, vector<2000x128xf32>,
    return
  }
  func.func @transform_0(%arg0: i32) -> (i32, i32) {
    %c0_i32 = arith.constant 0 : i32
    %c0_i32_0 = arith.constant 0 : i32
    return %arg0, %c0_i32 : i32, i32
  }
  func.func @transform_1(%arg0: i32) -> (i32, i32) {
    %c0_i32 = arith.constant 0 : i32
    %c0_i32_0 = arith.constant 0 : i32
    %c0_i32_1 = arith.constant 0 : i32
    return %c0_i32, %c0_i32_0 : i32, i32
  }
  func.func @transform_2(%arg0: i32) -> (i32, i32) {
    %c0_i32 = arith.constant 0 : i32
    %c0_i32_0 = arith.constant 0 : i32
    return %arg0, %c0_i32 : i32, i32
  }
  func.func @transform_3(%arg0: i32) -> (i32, i32) {
    %c0_i32 = arith.constant 0 : i32
    %c0_i32_0 = arith.constant 0 : i32
    return %arg0, %c0_i32 : i32, i32
  }
}

module attributes {stable_mosaic.version = 14 : i64} {
  func.func @_comb_body(%arg0: i32, %arg1: memref<2x2000x128xf32, #tpu.memory_space<vmem>>, %arg2: memref<2000x128xf32, #tpu.memory_space<vmem>>, %arg3: memref<2000x128xf32, #tpu.memory_space<vmem>>, %arg4: memref<2000x128xf32, #tpu.memory_space<vmem>>, %arg5: memref<2x128xf32, #tpu.memory_space<vmem>>, %arg6: memref<2x128xf32, #tpu.memory_space<vmem>>) attributes {dimension_semantics = [#tpu.dimension_semantics<arbitrary>], iteration_bounds = array<i64: 5>, scalar_prefetch = 0 : i64, scratch_operands = 1 : i64, tpu.core_type = #tpu.core_type<tc>, window_params = [{transform_indices = @transform_0, window_bounds = array<i64: 2, 2000, 128>}, {transform_indices = @transform_1, window_bounds = array<i64: 2000, 128>}, {transform_indices = @transform_2, window_bounds = array<i64: 2000, 128>}, {transform_indices = @transform_3, window_bounds = array<i64: 2000, 128>}, {pipeline_mode = #tpu.pipeline_mode<synchronous>, transform_indices = @transform_4, window_bounds = array<i64: 2, 128>}]} {
    %get3A = arith.constant 0 : index
    %get3A_0 = arith.constant 0 : index
    %get3A_1 = arith.constant 0 : index
    %get3A_2 = vector.load %arg1[%get3A, %get3A_0, %get3A_1] : memref<2x2000x128xf32, #tpu.memory_space<vmem>>, vector<1x2000x128xf32>
    %get3A_3 = vector.shape_cast %get3A_2 : vector<1x2000x128xf32> to vector<2000x128xf32>
    %get3A_4 = arith.constant 1 : index
    %get3A_5 = arith.constant 0 : index
    %get3A_6 = arith.constant 0 : index
    %get3A_7 = vector.load %arg1[%get3A_4, %get3A_5, %get3A_6] : memref<2x2000x128xf32, #tpu.memory_space<vmem>>, vector<1x2000x128xf32>
    %get3A_8 = vector.shape_cast %get3A_7 : vector<1x2000x128xf32> to vector<2000x128xf32>
    %add3A = arith.addf %get3A_3, %get3A_8 : vector<2000x128xf32>
    %get3A_9 = arith.constant 0 : index
    %get3A_10 = arith.constant 0 : index
    %get3A_11 = vector.load %arg2[%get3A_9, %get3A_10] : memref<2000x128xf32, #tpu.memory_space<vmem>>, vector<2000x128xf32>
    %add3A_12 = arith.addf %add3A, %get3A_11 : vector<2000x128xf32>
    %get3A_13 = arith.constant 0 : index
    %get3A_14 = arith.constant 0 : index
    %get3A_15 = vector.load %arg3[%get3A_13, %get3A_14] : memref<2000x128xf32, #tpu.memory_space<vmem>>, vector<2000x1xf32>
    %mul3A = vector.broadcast %get3A_15 : vector<2000x1xf32> to vector<2000x128xf32>
    %mul3A_16 = arith.mulf %add3A_12, %mul3A : vector<2000x128xf32>
    %swap3A = arith.constant 0 : index
    %swap3A_17 = arith.constant 0 : index
    %swap3A_18 = vector.load %arg4[%swap3A, %swap3A_17] : memref<2000x128xf32, #tpu.memory_space<vmem>>, vector<2000x128xf32>
    tpu.vector_store %arg4[%swap3A, %swap3A_17], %mul3A_16 {strides = array<i32>} : memref<2000x128xf32, #tpu.memory_space<vmem>>, vector<2000x128xf32>,
    %eq3A = arith.constant 0 : i32
    %eq3A_19 = arith.cmpi eq, %arg0, %eq3A : i32
    %convert_element_type3A = arith.extui %eq3A_19 : i1 to i32
    %cond3A = arith.constant 0 : i32
    %cond3A_20 = arith.cmpi ne, %convert_element_type3A, %cond3A : i32
    scf.if %cond3A_20 {
      %broadcast_in_dim3A = arith.constant 0.000000e+00 : f32
      %broadcast_in_dim3A_50 = vector.broadcast %broadcast_in_dim3A : f32 to vector<2x128xf32>
      %swap3A_51 = arith.constant 0 : index
      %swap3A_52 = arith.constant 0 : index
      %swap3A_53 = vector.load %arg6[%swap3A_51, %swap3A_52] : memref<2x128xf32, #tpu.memory_space<vmem>>, vector<2x128xf32>
      tpu.vector_store %arg6[%swap3A_51, %swap3A_52], %broadcast_in_dim3A_50 {strides = array<i32>} : memref<2x128xf32, #tpu.memory_space<vmem>>, vector<2x128xf32>,
    } else {
    }
    %get3A_21 = arith.constant 0 : index
    %get3A_22 = arith.constant 0 : index
    %get3A_23 = vector.load %arg6[%get3A_21, %get3A_22] : memref<2x128xf32, #tpu.memory_space<vmem>>, vector<1x128xf32>
    %get3A_24 = vector.shape_cast %get3A_23 : vector<1x128xf32> to vector<128xf32>
    %reduce_sum3A = arith.constant dense<0.000000e+00> : vector<128xf32>
    %reduce_sum3A_25 = vector.multi_reduction <add>, %mul3A_16, %reduce_sum3A [0] : vector<2000x128xf32> to vector<128xf32>
    %add3A_26 = arith.addf %get3A_24, %reduce_sum3A_25 : vector<128xf32>
    %swap3A_27 = arith.constant 0 : index
    %swap3A_28 = arith.constant 0 : index
    %swap3A_29 = vector.load %arg6[%swap3A_27, %swap3A_28] : memref<2x128xf32, #tpu.memory_space<vmem>>, vector<1x128xf32>
    %swap3A_30 = vector.shape_cast %swap3A_29 : vector<1x128xf32> to vector<128xf32>
    %swap3A_31 = vector.shape_cast %add3A_26 : vector<128xf32> to vector<1x128xf32>
    tpu.vector_store %arg6[%swap3A_27, %swap3A_28], %swap3A_31 {strides = array<i32>} : memref<2x128xf32, #tpu.memory_space<vmem>>, vector<1x128xf32>,
    %get3A_32 = arith.constant 1 : index
    %get3A_33 = arith.constant 0 : index
    %get3A_34 = vector.load %arg6[%get3A_32, %get3A_33] : memref<2x128xf32, #tpu.memory_space<vmem>>, vector<1x128xf32>
    %get3A_35 = vector.shape_cast %get3A_34 : vector<1x128xf32> to vector<128xf32>
    %mul3A_36 = arith.mulf %mul3A_16, %mul3A_16 : vector<2000x128xf32>
    %reduce_sum3A_37 = arith.constant dense<0.000000e+00> : vector<128xf32>
    %reduce_sum3A_38 = vector.multi_reduction <add>, %mul3A_36, %reduce_sum3A_37 [0] : vector<2000x128xf32> to vector<128xf32>
    %add3A_39 = arith.addf %get3A_35, %reduce_sum3A_38 : vector<128xf32>
    %swap3A_40 = arith.constant 1 : index
    %swap3A_41 = arith.constant 0 : index
    %swap3A_42 = vector.load %arg6[%swap3A_40, %swap3A_41] : memref<2x128xf32, #tpu.memory_space<vmem>>, vector<1x128xf32>
    %swap3A_43 = vector.shape_cast %swap3A_42 : vector<1x128xf32> to vector<128xf32>
    %swap3A_44 = vector.shape_cast %add3A_39 : vector<128xf32> to vector<1x128xf32>
    tpu.vector_store %arg6[%swap3A_40, %swap3A_41], %swap3A_44 {strides = array<i32>} : memref<2x128xf32, #tpu.memory_space<vmem>>, vector<1x128xf32>,
    %eq3A_45 = arith.constant 4 : i32
    %eq3A_46 = arith.cmpi eq, %arg0, %eq3A_45 : i32
    %convert_element_type3A_47 = arith.extui %eq3A_46 : i1 to i32
    %cond3A_48 = arith.constant 0 : i32
    %cond3A_49 = arith.cmpi ne, %convert_element_type3A_47, %cond3A_48 : i32
    scf.if %cond3A_49 {
      %get3A_50 = arith.constant 0 : index
      %get3A_51 = arith.constant 0 : index
      %get3A_52 = vector.load %arg6[%get3A_50, %get3A_51] : memref<2x128xf32, #tpu.memory_space<vmem>>, vector<2x128xf32>
      %swap3A_53 = arith.constant 0 : index
      %swap3A_54 = arith.constant 0 : index
      %swap3A_55 = vector.load %arg5[%swap3A_53, %swap3A_54] : memref<2x128xf32, #tpu.memory_space<vmem>>, vector<2x128xf32>
      tpu.vector_store %arg5[%swap3A_53, %swap3A_54], %get3A_52 {strides = array<i32>} : memref<2x128xf32, #tpu.memory_space<vmem>>, vector<2x128xf32>,
    } else {
    }
    return
  }
  func.func @transform_0(%arg0: i32) -> (i32, i32, i32) {
    %c0_i32 = arith.constant 0 : i32
    %c0_i32_0 = arith.constant 0 : i32
    %c0_i32_1 = arith.constant 0 : i32
    return %c0_i32, %arg0, %c0_i32_0 : i32, i32, i32
  }
  func.func @transform_1(%arg0: i32) -> (i32, i32) {
    %c0_i32 = arith.constant 0 : i32
    %c0_i32_0 = arith.constant 0 : i32
    return %arg0, %c0_i32 : i32, i32
  }
  func.func @transform_2(%arg0: i32) -> (i32, i32) {
    %c0_i32 = arith.constant 0 : i32
    %c0_i32_0 = arith.constant 0 : i32
    return %arg0, %c0_i32 : i32, i32
  }
  func.func @transform_3(%arg0: i32) -> (i32, i32) {
    %c0_i32 = arith.constant 0 : i32
    %c0_i32_0 = arith.constant 0 : i32
    return %arg0, %c0_i32 : i32, i32
  }
  func.func @transform_4(%arg0: i32) -> (i32, i32) {
    %c0_i32 = arith.constant 0 : i32
    %c0_i32_0 = arith.constant 0 : i32
    %c0_i32_1 = arith.constant 0 : i32
    return %c0_i32, %c0_i32_0 : i32, i32
  }
}

module attributes {stable_mosaic.version = 14 : i64} {
  func.func @_y_bn_body(%arg0: i32, %arg1: memref<2000x128xf32, #tpu.memory_space<vmem>>, %arg2: memref<2x128xf32, #tpu.memory_space<vmem>>, %arg3: memref<128x128xf32, #tpu.memory_space<vmem>>, %arg4: memref<2000x128xf32, #tpu.memory_space<vmem>>, %arg5: memref<2000x128xf32, #tpu.memory_space<vmem>>) attributes {dimension_semantics = [#tpu.dimension_semantics<arbitrary>], iteration_bounds = array<i64: 5>, scalar_prefetch = 0 : i64, scratch_operands = 0 : i64, tpu.core_type = #tpu.core_type<tc>, window_params = [{transform_indices = @transform_0, window_bounds = array<i64: 2000, 128>}, {pipeline_mode = #tpu.pipeline_mode<synchronous>, transform_indices = @transform_1, window_bounds = array<i64: 2, 128>}, {pipeline_mode = #tpu.pipeline_mode<synchronous>, transform_indices = @transform_2, window_bounds = array<i64: 128, 128>}, {transform_indices = @transform_3, window_bounds = array<i64: 2000, 128>}, {transform_indices = @transform_4, window_bounds = array<i64: 2000, 128>}]} {
    %get3A = arith.constant 0 : index
    %get3A_0 = arith.constant 0 : index
    %get3A_1 = vector.load %arg2[%get3A, %get3A_0] : memref<2x128xf32, #tpu.memory_space<vmem>>, vector<1x128xf32>
    %get3A_2 = vector.shape_cast %get3A_1 : vector<1x128xf32> to vector<128xf32>
    %div3A = arith.constant 1.000000e+04 : f32
    %div3A_3 = vector.broadcast %div3A : f32 to vector<128xf32>
    %div3A_4 = arith.divf %get3A_2, %div3A_3 : vector<128xf32>
    %get3A_5 = arith.constant 1 : index
    %get3A_6 = arith.constant 0 : index
    %get3A_7 = vector.load %arg2[%get3A_5, %get3A_6] : memref<2x128xf32, #tpu.memory_space<vmem>>, vector<1x128xf32>
    %get3A_8 = vector.shape_cast %get3A_7 : vector<1x128xf32> to vector<128xf32>
    %div3A_9 = arith.constant 1.000000e+04 : f32
    %div3A_10 = vector.broadcast %div3A_9 : f32 to vector<128xf32>
    %div3A_11 = arith.divf %get3A_8, %div3A_10 : vector<128xf32>
    %mul3A = arith.mulf %div3A_4, %div3A_4 : vector<128xf32>
    %sub3A = arith.subf %div3A_11, %mul3A : vector<128xf32>
    %get3A_12 = arith.constant 0 : index
    %get3A_13 = arith.constant 0 : index
    %get3A_14 = vector.load %arg1[%get3A_12, %get3A_13] : memref<2000x128xf32, #tpu.memory_space<vmem>>, vector<2000x128xf32>
    %broadcast_in_dim3A = vector.shape_cast %div3A_4 : vector<128xf32> to vector<1x128xf32>
    %sub3A_15 = vector.broadcast %broadcast_in_dim3A : vector<1x128xf32> to vector<2000x128xf32>
    %sub3A_16 = arith.subf %get3A_14, %sub3A_15 : vector<2000x128xf32>
    %add3A = arith.constant 9.99999974E-6 : f32
    %add3A_17 = vector.broadcast %add3A : f32 to vector<128xf32>
    %add3A_18 = arith.addf %sub3A, %add3A_17 : vector<128xf32>
    %rsqrt3A = math.rsqrt %add3A_18 : vector<128xf32>
    %broadcast_in_dim3A_19 = vector.shape_cast %rsqrt3A : vector<128xf32> to vector<1x128xf32>
    %mul3A_20 = vector.broadcast %broadcast_in_dim3A_19 : vector<1x128xf32> to vector<2000x128xf32>
    %mul3A_21 = arith.mulf %sub3A_16, %mul3A_20 : vector<2000x128xf32>
    %max3A = arith.constant 0.000000e+00 : f32
    %max3A_22 = vector.broadcast %max3A : f32 to vector<2000x128xf32>
    %max3A_23 = arith.maximumf %mul3A_21, %max3A_22 : vector<2000x128xf32>
    %get3A_24 = arith.constant 0 : index
    %get3A_25 = arith.constant 0 : index
    %get3A_26 = vector.load %arg3[%get3A_24, %get3A_25] : memref<128x128xf32, #tpu.memory_space<vmem>>, vector<128x128xf32>
    %dot_general3A = arith.constant dense<0.000000e+00> : vector<2000x128xf32>
    %dot_general3A_27 = tpu.matmul %max3A_23, %get3A_26, %dot_general3A {dimension_numbers = #tpu.dot_dimension_numbers<[1], [0], [0], [1], [0, 0, 1, 1], [], []>, transpose_lhs_hint = false} : vector<2000x128xf32>, vector<128x128xf32>, vector<2000x128xf32> -> vector<2000x128xf32>
    %get3A_28 = arith.constant 0 : index
    %get3A_29 = arith.constant 16 : index
    %get3A_30 = vector.load %arg4[%get3A_28, %get3A_29] : memref<2000x128xf32, #tpu.memory_space<vmem>>, vector<2000x1xf32>
    %mul3A_31 = vector.broadcast %get3A_30 : vector<2000x1xf32> to vector<2000x128xf32>
    %mul3A_32 = arith.mulf %dot_general3A_27, %mul3A_31 : vector<2000x128xf32>
    %swap3A = arith.constant 0 : index
    %swap3A_33 = arith.constant 0 : index
    %swap3A_34 = vector.load %arg5[%swap3A, %swap3A_33] : memref<2000x128xf32, #tpu.memory_space<vmem>>, vector<2000x128xf32>
    tpu.vector_store %arg5[%swap3A, %swap3A_33], %mul3A_32 {strides = array<i32>} : memref<2000x128xf32, #tpu.memory_space<vmem>>, vector<2000x128xf32>,
    return
  }
  func.func @transform_0(%arg0: i32) -> (i32, i32) {
    %c0_i32 = arith.constant 0 : i32
    %c0_i32_0 = arith.constant 0 : i32
    return %arg0, %c0_i32 : i32, i32
  }
  func.func @transform_1(%arg0: i32) -> (i32, i32) {
    %c0_i32 = arith.constant 0 : i32
    %c0_i32_0 = arith.constant 0 : i32
    %c0_i32_1 = arith.constant 0 : i32
    return %c0_i32, %c0_i32_0 : i32, i32
  }
  func.func @transform_2(%arg0: i32) -> (i32, i32) {
    %c0_i32 = arith.constant 0 : i32
    %c0_i32_0 = arith.constant 0 : i32
    %c0_i32_1 = arith.constant 0 : i32
    return %c0_i32, %c0_i32_0 : i32, i32
  }
  func.func @transform_3(%arg0: i32) -> (i32, i32) {
    %c0_i32 = arith.constant 0 : i32
    %c0_i32_0 = arith.constant 0 : i32
    return %arg0, %c0_i32 : i32, i32
  }
  func.func @transform_4(%arg0: i32) -> (i32, i32) {
    %c0_i32 = arith.constant 0 : i32
    %c0_i32_0 = arith.constant 0 : i32
    return %arg0, %c0_i32 : i32, i32
  }
}

module attributes {stable_mosaic.version = 14 : i64} {
  func.func @_comb_body(%arg0: i32, %arg1: memref<2x2000x128xf32, #tpu.memory_space<vmem>>, %arg2: memref<2000x128xf32, #tpu.memory_space<vmem>>, %arg3: memref<2000x128xf32, #tpu.memory_space<vmem>>, %arg4: memref<2000x128xf32, #tpu.memory_space<vmem>>, %arg5: memref<2x128xf32, #tpu.memory_space<vmem>>, %arg6: memref<2x128xf32, #tpu.memory_space<vmem>>) attributes {dimension_semantics = [#tpu.dimension_semantics<arbitrary>], iteration_bounds = array<i64: 5>, scalar_prefetch = 0 : i64, scratch_operands = 1 : i64, tpu.core_type = #tpu.core_type<tc>, window_params = [{transform_indices = @transform_0, window_bounds = array<i64: 2, 2000, 128>}, {transform_indices = @transform_1, window_bounds = array<i64: 2000, 128>}, {transform_indices = @transform_2, window_bounds = array<i64: 2000, 128>}, {transform_indices = @transform_3, window_bounds = array<i64: 2000, 128>}, {pipeline_mode = #tpu.pipeline_mode<synchronous>, transform_indices = @transform_4, window_bounds = array<i64: 2, 128>}]} {
    %get3A = arith.constant 0 : index
    %get3A_0 = arith.constant 0 : index
    %get3A_1 = arith.constant 0 : index
    %get3A_2 = vector.load %arg1[%get3A, %get3A_0, %get3A_1] : memref<2x2000x128xf32, #tpu.memory_space<vmem>>, vector<1x2000x128xf32>
    %get3A_3 = vector.shape_cast %get3A_2 : vector<1x2000x128xf32> to vector<2000x128xf32>
    %get3A_4 = arith.constant 1 : index
    %get3A_5 = arith.constant 0 : index
    %get3A_6 = arith.constant 0 : index
    %get3A_7 = vector.load %arg1[%get3A_4, %get3A_5, %get3A_6] : memref<2x2000x128xf32, #tpu.memory_space<vmem>>, vector<1x2000x128xf32>
    %get3A_8 = vector.shape_cast %get3A_7 : vector<1x2000x128xf32> to vector<2000x128xf32>
    %add3A = arith.addf %get3A_3, %get3A_8 : vector<2000x128xf32>
    %get3A_9 = arith.constant 0 : index
    %get3A_10 = arith.constant 0 : index
    %get3A_11 = vector.load %arg2[%get3A_9, %get3A_10] : memref<2000x128xf32, #tpu.memory_space<vmem>>, vector<2000x128xf32>
    %add3A_12 = arith.addf %add3A, %get3A_11 : vector<2000x128xf32>
    %get3A_13 = arith.constant 0 : index
    %get3A_14 = arith.constant 16 : index
    %get3A_15 = vector.load %arg3[%get3A_13, %get3A_14] : memref<2000x128xf32, #tpu.memory_space<vmem>>, vector<2000x1xf32>
    %mul3A = vector.broadcast %get3A_15 : vector<2000x1xf32> to vector<2000x128xf32>
    %mul3A_16 = arith.mulf %add3A_12, %mul3A : vector<2000x128xf32>
    %swap3A = arith.constant 0 : index
    %swap3A_17 = arith.constant 0 : index
    %swap3A_18 = vector.load %arg4[%swap3A, %swap3A_17] : memref<2000x128xf32, #tpu.memory_space<vmem>>, vector<2000x128xf32>
    tpu.vector_store %arg4[%swap3A, %swap3A_17], %mul3A_16 {strides = array<i32>} : memref<2000x128xf32, #tpu.memory_space<vmem>>, vector<2000x128xf32>,
    %eq3A = arith.constant 0 : i32
    %eq3A_19 = arith.cmpi eq, %arg0, %eq3A : i32
    %convert_element_type3A = arith.extui %eq3A_19 : i1 to i32
    %cond3A = arith.constant 0 : i32
    %cond3A_20 = arith.cmpi ne, %convert_element_type3A, %cond3A : i32
    scf.if %cond3A_20 {
      %broadcast_in_dim3A = arith.constant 0.000000e+00 : f32
      %broadcast_in_dim3A_50 = vector.broadcast %broadcast_in_dim3A : f32 to vector<2x128xf32>
      %swap3A_51 = arith.constant 0 : index
      %swap3A_52 = arith.constant 0 : index
      %swap3A_53 = vector.load %arg6[%swap3A_51, %swap3A_52] : memref<2x128xf32, #tpu.memory_space<vmem>>, vector<2x128xf32>
      tpu.vector_store %arg6[%swap3A_51, %swap3A_52], %broadcast_in_dim3A_50 {strides = array<i32>} : memref<2x128xf32, #tpu.memory_space<vmem>>, vector<2x128xf32>,
    } else {
    }
    %get3A_21 = arith.constant 0 : index
    %get3A_22 = arith.constant 0 : index
    %get3A_23 = vector.load %arg6[%get3A_21, %get3A_22] : memref<2x128xf32, #tpu.memory_space<vmem>>, vector<1x128xf32>
    %get3A_24 = vector.shape_cast %get3A_23 : vector<1x128xf32> to vector<128xf32>
    %reduce_sum3A = arith.constant dense<0.000000e+00> : vector<128xf32>
    %reduce_sum3A_25 = vector.multi_reduction <add>, %mul3A_16, %reduce_sum3A [0] : vector<2000x128xf32> to vector<128xf32>
    %add3A_26 = arith.addf %get3A_24, %reduce_sum3A_25 : vector<128xf32>
    %swap3A_27 = arith.constant 0 : index
    %swap3A_28 = arith.constant 0 : index
    %swap3A_29 = vector.load %arg6[%swap3A_27, %swap3A_28] : memref<2x128xf32, #tpu.memory_space<vmem>>, vector<1x128xf32>
    %swap3A_30 = vector.shape_cast %swap3A_29 : vector<1x128xf32> to vector<128xf32>
    %swap3A_31 = vector.shape_cast %add3A_26 : vector<128xf32> to vector<1x128xf32>
    tpu.vector_store %arg6[%swap3A_27, %swap3A_28], %swap3A_31 {strides = array<i32>} : memref<2x128xf32, #tpu.memory_space<vmem>>, vector<1x128xf32>,
    %get3A_32 = arith.constant 1 : index
    %get3A_33 = arith.constant 0 : index
    %get3A_34 = vector.load %arg6[%get3A_32, %get3A_33] : memref<2x128xf32, #tpu.memory_space<vmem>>, vector<1x128xf32>
    %get3A_35 = vector.shape_cast %get3A_34 : vector<1x128xf32> to vector<128xf32>
    %mul3A_36 = arith.mulf %mul3A_16, %mul3A_16 : vector<2000x128xf32>
    %reduce_sum3A_37 = arith.constant dense<0.000000e+00> : vector<128xf32>
    %reduce_sum3A_38 = vector.multi_reduction <add>, %mul3A_36, %reduce_sum3A_37 [0] : vector<2000x128xf32> to vector<128xf32>
    %add3A_39 = arith.addf %get3A_35, %reduce_sum3A_38 : vector<128xf32>
    %swap3A_40 = arith.constant 1 : index
    %swap3A_41 = arith.constant 0 : index
    %swap3A_42 = vector.load %arg6[%swap3A_40, %swap3A_41] : memref<2x128xf32, #tpu.memory_space<vmem>>, vector<1x128xf32>
    %swap3A_43 = vector.shape_cast %swap3A_42 : vector<1x128xf32> to vector<128xf32>
    %swap3A_44 = vector.shape_cast %add3A_39 : vector<128xf32> to vector<1x128xf32>
    tpu.vector_store %arg6[%swap3A_40, %swap3A_41], %swap3A_44 {strides = array<i32>} : memref<2x128xf32, #tpu.memory_space<vmem>>, vector<1x128xf32>,
    %eq3A_45 = arith.constant 4 : i32
    %eq3A_46 = arith.cmpi eq, %arg0, %eq3A_45 : i32
    %convert_element_type3A_47 = arith.extui %eq3A_46 : i1 to i32
    %cond3A_48 = arith.constant 0 : i32
    %cond3A_49 = arith.cmpi ne, %convert_element_type3A_47, %cond3A_48 : i32
    scf.if %cond3A_49 {
      %get3A_50 = arith.constant 0 : index
      %get3A_51 = arith.constant 0 : index
      %get3A_52 = vector.load %arg6[%get3A_50, %get3A_51] : memref<2x128xf32, #tpu.memory_space<vmem>>, vector<2x128xf32>
      %swap3A_53 = arith.constant 0 : index
      %swap3A_54 = arith.constant 0 : index
      %swap3A_55 = vector.load %arg5[%swap3A_53, %swap3A_54] : memref<2x128xf32, #tpu.memory_space<vmem>>, vector<2x128xf32>
      tpu.vector_store %arg5[%swap3A_53, %swap3A_54], %get3A_52 {strides = array<i32>} : memref<2x128xf32, #tpu.memory_space<vmem>>, vector<2x128xf32>,
    } else {
    }
    return
  }
  func.func @transform_0(%arg0: i32) -> (i32, i32, i32) {
    %c0_i32 = arith.constant 0 : i32
    %c0_i32_0 = arith.constant 0 : i32
    %c0_i32_1 = arith.constant 0 : i32
    return %c0_i32, %arg0, %c0_i32_0 : i32, i32, i32
  }
  func.func @transform_1(%arg0: i32) -> (i32, i32) {
    %c0_i32 = arith.constant 0 : i32
    %c0_i32_0 = arith.constant 0 : i32
    return %arg0, %c0_i32 : i32, i32
  }
  func.func @transform_2(%arg0: i32) -> (i32, i32) {
    %c0_i32 = arith.constant 0 : i32
    %c0_i32_0 = arith.constant 0 : i32
    return %arg0, %c0_i32 : i32, i32
  }
  func.func @transform_3(%arg0: i32) -> (i32, i32) {
    %c0_i32 = arith.constant 0 : i32
    %c0_i32_0 = arith.constant 0 : i32
    return %arg0, %c0_i32 : i32, i32
  }
  func.func @transform_4(%arg0: i32) -> (i32, i32) {
    %c0_i32 = arith.constant 0 : i32
    %c0_i32_0 = arith.constant 0 : i32
    %c0_i32_1 = arith.constant 0 : i32
    return %c0_i32, %c0_i32_0 : i32, i32
  }
}

module attributes {stable_mosaic.version = 14 : i64} {
  func.func @_y_bn_body(%arg0: i32, %arg1: memref<2000x128xf32, #tpu.memory_space<vmem>>, %arg2: memref<2x128xf32, #tpu.memory_space<vmem>>, %arg3: memref<128x128xf32, #tpu.memory_space<vmem>>, %arg4: memref<2000x128xf32, #tpu.memory_space<vmem>>, %arg5: memref<2000x128xf32, #tpu.memory_space<vmem>>) attributes {dimension_semantics = [#tpu.dimension_semantics<arbitrary>], iteration_bounds = array<i64: 5>, scalar_prefetch = 0 : i64, scratch_operands = 0 : i64, tpu.core_type = #tpu.core_type<tc>, window_params = [{transform_indices = @transform_0, window_bounds = array<i64: 2000, 128>}, {pipeline_mode = #tpu.pipeline_mode<synchronous>, transform_indices = @transform_1, window_bounds = array<i64: 2, 128>}, {pipeline_mode = #tpu.pipeline_mode<synchronous>, transform_indices = @transform_2, window_bounds = array<i64: 128, 128>}, {transform_indices = @transform_3, window_bounds = array<i64: 2000, 128>}, {transform_indices = @transform_4, window_bounds = array<i64: 2000, 128>}]} {
    %get3A = arith.constant 0 : index
    %get3A_0 = arith.constant 0 : index
    %get3A_1 = vector.load %arg2[%get3A, %get3A_0] : memref<2x128xf32, #tpu.memory_space<vmem>>, vector<1x128xf32>
    %get3A_2 = vector.shape_cast %get3A_1 : vector<1x128xf32> to vector<128xf32>
    %div3A = arith.constant 1.000000e+04 : f32
    %div3A_3 = vector.broadcast %div3A : f32 to vector<128xf32>
    %div3A_4 = arith.divf %get3A_2, %div3A_3 : vector<128xf32>
    %get3A_5 = arith.constant 1 : index
    %get3A_6 = arith.constant 0 : index
    %get3A_7 = vector.load %arg2[%get3A_5, %get3A_6] : memref<2x128xf32, #tpu.memory_space<vmem>>, vector<1x128xf32>
    %get3A_8 = vector.shape_cast %get3A_7 : vector<1x128xf32> to vector<128xf32>
    %div3A_9 = arith.constant 1.000000e+04 : f32
    %div3A_10 = vector.broadcast %div3A_9 : f32 to vector<128xf32>
    %div3A_11 = arith.divf %get3A_8, %div3A_10 : vector<128xf32>
    %mul3A = arith.mulf %div3A_4, %div3A_4 : vector<128xf32>
    %sub3A = arith.subf %div3A_11, %mul3A : vector<128xf32>
    %get3A_12 = arith.constant 0 : index
    %get3A_13 = arith.constant 0 : index
    %get3A_14 = vector.load %arg1[%get3A_12, %get3A_13] : memref<2000x128xf32, #tpu.memory_space<vmem>>, vector<2000x128xf32>
    %broadcast_in_dim3A = vector.shape_cast %div3A_4 : vector<128xf32> to vector<1x128xf32>
    %sub3A_15 = vector.broadcast %broadcast_in_dim3A : vector<1x128xf32> to vector<2000x128xf32>
    %sub3A_16 = arith.subf %get3A_14, %sub3A_15 : vector<2000x128xf32>
    %add3A = arith.constant 9.99999974E-6 : f32
    %add3A_17 = vector.broadcast %add3A : f32 to vector<128xf32>
    %add3A_18 = arith.addf %sub3A, %add3A_17 : vector<128xf32>
    %rsqrt3A = math.rsqrt %add3A_18 : vector<128xf32>
    %broadcast_in_dim3A_19 = vector.shape_cast %rsqrt3A : vector<128xf32> to vector<1x128xf32>
    %mul3A_20 = vector.broadcast %broadcast_in_dim3A_19 : vector<1x128xf32> to vector<2000x128xf32>
    %mul3A_21 = arith.mulf %sub3A_16, %mul3A_20 : vector<2000x128xf32>
    %max3A = arith.constant 0.000000e+00 : f32
    %max3A_22 = vector.broadcast %max3A : f32 to vector<2000x128xf32>
    %max3A_23 = arith.maximumf %mul3A_21, %max3A_22 : vector<2000x128xf32>
    %get3A_24 = arith.constant 0 : index
    %get3A_25 = arith.constant 0 : index
    %get3A_26 = vector.load %arg3[%get3A_24, %get3A_25] : memref<128x128xf32, #tpu.memory_space<vmem>>, vector<128x128xf32>
    %dot_general3A = arith.constant dense<0.000000e+00> : vector<2000x128xf32>
    %dot_general3A_27 = tpu.matmul %max3A_23, %get3A_26, %dot_general3A {dimension_numbers = #tpu.dot_dimension_numbers<[1], [0], [0], [1], [0, 0, 1, 1], [], []>, transpose_lhs_hint = false} : vector<2000x128xf32>, vector<128x128xf32>, vector<2000x128xf32> -> vector<2000x128xf32>
    %get3A_28 = arith.constant 0 : index
    %get3A_29 = arith.constant 32 : index
    %get3A_30 = vector.load %arg4[%get3A_28, %get3A_29] : memref<2000x128xf32, #tpu.memory_space<vmem>>, vector<2000x1xf32>
    %mul3A_31 = vector.broadcast %get3A_30 : vector<2000x1xf32> to vector<2000x128xf32>
    %mul3A_32 = arith.mulf %dot_general3A_27, %mul3A_31 : vector<2000x128xf32>
    %swap3A = arith.constant 0 : index
    %swap3A_33 = arith.constant 0 : index
    %swap3A_34 = vector.load %arg5[%swap3A, %swap3A_33] : memref<2000x128xf32, #tpu.memory_space<vmem>>, vector<2000x128xf32>
    tpu.vector_store %arg5[%swap3A, %swap3A_33], %mul3A_32 {strides = array<i32>} : memref<2000x128xf32, #tpu.memory_space<vmem>>, vector<2000x128xf32>,
    return
  }
  func.func @transform_0(%arg0: i32) -> (i32, i32) {
    %c0_i32 = arith.constant 0 : i32
    %c0_i32_0 = arith.constant 0 : i32
    return %arg0, %c0_i32 : i32, i32
  }
  func.func @transform_1(%arg0: i32) -> (i32, i32) {
    %c0_i32 = arith.constant 0 : i32
    %c0_i32_0 = arith.constant 0 : i32
    %c0_i32_1 = arith.constant 0 : i32
    return %c0_i32, %c0_i32_0 : i32, i32
  }
  func.func @transform_2(%arg0: i32) -> (i32, i32) {
    %c0_i32 = arith.constant 0 : i32
    %c0_i32_0 = arith.constant 0 : i32
    %c0_i32_1 = arith.constant 0 : i32
    return %c0_i32, %c0_i32_0 : i32, i32
  }
  func.func @transform_3(%arg0: i32) -> (i32, i32) {
    %c0_i32 = arith.constant 0 : i32
    %c0_i32_0 = arith.constant 0 : i32
    return %arg0, %c0_i32 : i32, i32
  }
  func.func @transform_4(%arg0: i32) -> (i32, i32) {
    %c0_i32 = arith.constant 0 : i32
    %c0_i32_0 = arith.constant 0 : i32
    return %arg0, %c0_i32 : i32, i32
  }
}

module attributes {stable_mosaic.version = 14 : i64} {
  func.func @_comb_body(%arg0: i32, %arg1: memref<2x2000x128xf32, #tpu.memory_space<vmem>>, %arg2: memref<2000x128xf32, #tpu.memory_space<vmem>>, %arg3: memref<2000x128xf32, #tpu.memory_space<vmem>>, %arg4: memref<2000x128xf32, #tpu.memory_space<vmem>>, %arg5: memref<2000x128xf32, #tpu.memory_space<vmem>>, %arg6: memref<2x128xf32, #tpu.memory_space<vmem>>, %arg7: memref<2x128xf32, #tpu.memory_space<vmem>>) attributes {dimension_semantics = [#tpu.dimension_semantics<arbitrary>], iteration_bounds = array<i64: 5>, scalar_prefetch = 0 : i64, scratch_operands = 1 : i64, tpu.core_type = #tpu.core_type<tc>, window_params = [{transform_indices = @transform_0, window_bounds = array<i64: 2, 2000, 128>}, {transform_indices = @transform_1, window_bounds = array<i64: 2000, 128>}, {transform_indices = @transform_2, window_bounds = array<i64: 2000, 128>}, {transform_indices = @transform_3, window_bounds = array<i64: 2000, 128>}, {transform_indices = @transform_4, window_bounds = array<i64: 2000, 128>}, {pipeline_mode = #tpu.pipeline_mode<synchronous>, transform_indices = @transform_5, window_bounds = array<i64: 2, 128>}]} {
    %get3A = arith.constant 0 : index
    %get3A_0 = arith.constant 0 : index
    %get3A_1 = arith.constant 0 : index
    %get3A_2 = vector.load %arg1[%get3A, %get3A_0, %get3A_1] : memref<2x2000x128xf32, #tpu.memory_space<vmem>>, vector<1x2000x128xf32>
    %get3A_3 = vector.shape_cast %get3A_2 : vector<1x2000x128xf32> to vector<2000x128xf32>
    %get3A_4 = arith.constant 1 : index
    %get3A_5 = arith.constant 0 : index
    %get3A_6 = arith.constant 0 : index
    %get3A_7 = vector.load %arg1[%get3A_4, %get3A_5, %get3A_6] : memref<2x2000x128xf32, #tpu.memory_space<vmem>>, vector<1x2000x128xf32>
    %get3A_8 = vector.shape_cast %get3A_7 : vector<1x2000x128xf32> to vector<2000x128xf32>
    %add3A = arith.addf %get3A_3, %get3A_8 : vector<2000x128xf32>
    %get3A_9 = arith.constant 0 : index
    %get3A_10 = arith.constant 0 : index
    %get3A_11 = vector.load %arg2[%get3A_9, %get3A_10] : memref<2000x128xf32, #tpu.memory_space<vmem>>, vector<2000x128xf32>
    %add3A_12 = arith.addf %add3A, %get3A_11 : vector<2000x128xf32>
    %get3A_13 = arith.constant 0 : index
    %get3A_14 = arith.constant 32 : index
    %get3A_15 = vector.load %arg3[%get3A_13, %get3A_14] : memref<2000x128xf32, #tpu.memory_space<vmem>>, vector<2000x1xf32>
    %mul3A = vector.broadcast %get3A_15 : vector<2000x1xf32> to vector<2000x128xf32>
    %mul3A_16 = arith.mulf %add3A_12, %mul3A : vector<2000x128xf32>
    %get3A_17 = arith.constant 0 : index
    %get3A_18 = arith.constant 0 : index
    %get3A_19 = vector.load %arg4[%get3A_17, %get3A_18] : memref<2000x128xf32, #tpu.memory_space<vmem>>, vector<2000x128xf32>
    %add3A_20 = arith.addf %mul3A_16, %get3A_19 : vector<2000x128xf32>
    %swap3A = arith.constant 0 : index
    %swap3A_21 = arith.constant 0 : index
    %swap3A_22 = vector.load %arg5[%swap3A, %swap3A_21] : memref<2000x128xf32, #tpu.memory_space<vmem>>, vector<2000x128xf32>
    tpu.vector_store %arg5[%swap3A, %swap3A_21], %add3A_20 {strides = array<i32>} : memref<2000x128xf32, #tpu.memory_space<vmem>>, vector<2000x128xf32>,
    %eq3A = arith.constant 0 : i32
    %eq3A_23 = arith.cmpi eq, %arg0, %eq3A : i32
    %convert_element_type3A = arith.extui %eq3A_23 : i1 to i32
    %cond3A = arith.constant 0 : i32
    %cond3A_24 = arith.cmpi ne, %convert_element_type3A, %cond3A : i32
    scf.if %cond3A_24 {
      %broadcast_in_dim3A = arith.constant 0.000000e+00 : f32
      %broadcast_in_dim3A_54 = vector.broadcast %broadcast_in_dim3A : f32 to vector<2x128xf32>
      %swap3A_55 = arith.constant 0 : index
      %swap3A_56 = arith.constant 0 : index
      %swap3A_57 = vector.load %arg7[%swap3A_55, %swap3A_56] : memref<2x128xf32, #tpu.memory_space<vmem>>, vector<2x128xf32>
      tpu.vector_store %arg7[%swap3A_55, %swap3A_56], %broadcast_in_dim3A_54 {strides = array<i32>} : memref<2x128xf32, #tpu.memory_space<vmem>>, vector<2x128xf32>,
    } else {
    }
    %get3A_25 = arith.constant 0 : index
    %get3A_26 = arith.constant 0 : index
    %get3A_27 = vector.load %arg7[%get3A_25, %get3A_26] : memref<2x128xf32, #tpu.memory_space<vmem>>, vector<1x128xf32>
    %get3A_28 = vector.shape_cast %get3A_27 : vector<1x128xf32> to vector<128xf32>
    %reduce_sum3A = arith.constant dense<0.000000e+00> : vector<128xf32>
    %reduce_sum3A_29 = vector.multi_reduction <add>, %add3A_20, %reduce_sum3A [0] : vector<2000x128xf32> to vector<128xf32>
    %add3A_30 = arith.addf %get3A_28, %reduce_sum3A_29 : vector<128xf32>
    %swap3A_31 = arith.constant 0 : index
    %swap3A_32 = arith.constant 0 : index
    %swap3A_33 = vector.load %arg7[%swap3A_31, %swap3A_32] : memref<2x128xf32, #tpu.memory_space<vmem>>, vector<1x128xf32>
    %swap3A_34 = vector.shape_cast %swap3A_33 : vector<1x128xf32> to vector<128xf32>
    %swap3A_35 = vector.shape_cast %add3A_30 : vector<128xf32> to vector<1x128xf32>
    tpu.vector_store %arg7[%swap3A_31, %swap3A_32], %swap3A_35 {strides = array<i32>} : memref<2x128xf32, #tpu.memory_space<vmem>>, vector<1x128xf32>,
    %get3A_36 = arith.constant 1 : index
    %get3A_37 = arith.constant 0 : index
    %get3A_38 = vector.load %arg7[%get3A_36, %get3A_37] : memref<2x128xf32, #tpu.memory_space<vmem>>, vector<1x128xf32>
    %get3A_39 = vector.shape_cast %get3A_38 : vector<1x128xf32> to vector<128xf32>
    %mul3A_40 = arith.mulf %add3A_20, %add3A_20 : vector<2000x128xf32>
    %reduce_sum3A_41 = arith.constant dense<0.000000e+00> : vector<128xf32>
    %reduce_sum3A_42 = vector.multi_reduction <add>, %mul3A_40, %reduce_sum3A_41 [0] : vector<2000x128xf32> to vector<128xf32>
    %add3A_43 = arith.addf %get3A_39, %reduce_sum3A_42 : vector<128xf32>
    %swap3A_44 = arith.constant 1 : index
    %swap3A_45 = arith.constant 0 : index
    %swap3A_46 = vector.load %arg7[%swap3A_44, %swap3A_45] : memref<2x128xf32, #tpu.memory_space<vmem>>, vector<1x128xf32>
    %swap3A_47 = vector.shape_cast %swap3A_46 : vector<1x128xf32> to vector<128xf32>
    %swap3A_48 = vector.shape_cast %add3A_43 : vector<128xf32> to vector<1x128xf32>
    tpu.vector_store %arg7[%swap3A_44, %swap3A_45], %swap3A_48 {strides = array<i32>} : memref<2x128xf32, #tpu.memory_space<vmem>>, vector<1x128xf32>,
    %eq3A_49 = arith.constant 4 : i32
    %eq3A_50 = arith.cmpi eq, %arg0, %eq3A_49 : i32
    %convert_element_type3A_51 = arith.extui %eq3A_50 : i1 to i32
    %cond3A_52 = arith.constant 0 : i32
    %cond3A_53 = arith.cmpi ne, %convert_element_type3A_51, %cond3A_52 : i32
    scf.if %cond3A_53 {
      %get3A_54 = arith.constant 0 : index
      %get3A_55 = arith.constant 0 : index
      %get3A_56 = vector.load %arg7[%get3A_54, %get3A_55] : memref<2x128xf32, #tpu.memory_space<vmem>>, vector<2x128xf32>
      %swap3A_57 = arith.constant 0 : index
      %swap3A_58 = arith.constant 0 : index
      %swap3A_59 = vector.load %arg6[%swap3A_57, %swap3A_58] : memref<2x128xf32, #tpu.memory_space<vmem>>, vector<2x128xf32>
      tpu.vector_store %arg6[%swap3A_57, %swap3A_58], %get3A_56 {strides = array<i32>} : memref<2x128xf32, #tpu.memory_space<vmem>>, vector<2x128xf32>,
    } else {
    }
    return
  }
  func.func @transform_0(%arg0: i32) -> (i32, i32, i32) {
    %c0_i32 = arith.constant 0 : i32
    %c0_i32_0 = arith.constant 0 : i32
    %c0_i32_1 = arith.constant 0 : i32
    return %c0_i32, %arg0, %c0_i32_0 : i32, i32, i32
  }
  func.func @transform_1(%arg0: i32) -> (i32, i32) {
    %c0_i32 = arith.constant 0 : i32
    %c0_i32_0 = arith.constant 0 : i32
    return %arg0, %c0_i32 : i32, i32
  }
  func.func @transform_2(%arg0: i32) -> (i32, i32) {
    %c0_i32 = arith.constant 0 : i32
    %c0_i32_0 = arith.constant 0 : i32
    return %arg0, %c0_i32 : i32, i32
  }
  func.func @transform_3(%arg0: i32) -> (i32, i32) {
    %c0_i32 = arith.constant 0 : i32
    %c0_i32_0 = arith.constant 0 : i32
    return %arg0, %c0_i32 : i32, i32
  }
  func.func @transform_4(%arg0: i32) -> (i32, i32) {
    %c0_i32 = arith.constant 0 : i32
    %c0_i32_0 = arith.constant 0 : i32
    return %arg0, %c0_i32 : i32, i32
  }
  func.func @transform_5(%arg0: i32) -> (i32, i32) {
    %c0_i32 = arith.constant 0 : i32
    %c0_i32_0 = arith.constant 0 : i32
    %c0_i32_1 = arith.constant 0 : i32
    return %c0_i32, %c0_i32_0 : i32, i32
  }
}

module attributes {stable_mosaic.version = 14 : i64} {
  func.func @_y_bn_body(%arg0: i32, %arg1: memref<2000x128xf32, #tpu.memory_space<vmem>>, %arg2: memref<2x128xf32, #tpu.memory_space<vmem>>, %arg3: memref<128x128xf32, #tpu.memory_space<vmem>>, %arg4: memref<2000x128xf32, #tpu.memory_space<vmem>>, %arg5: memref<2000x128xf32, #tpu.memory_space<vmem>>) attributes {dimension_semantics = [#tpu.dimension_semantics<arbitrary>], iteration_bounds = array<i64: 5>, scalar_prefetch = 0 : i64, scratch_operands = 0 : i64, tpu.core_type = #tpu.core_type<tc>, window_params = [{transform_indices = @transform_0, window_bounds = array<i64: 2000, 128>}, {pipeline_mode = #tpu.pipeline_mode<synchronous>, transform_indices = @transform_1, window_bounds = array<i64: 2, 128>}, {pipeline_mode = #tpu.pipeline_mode<synchronous>, transform_indices = @transform_2, window_bounds = array<i64: 128, 128>}, {transform_indices = @transform_3, window_bounds = array<i64: 2000, 128>}, {transform_indices = @transform_4, window_bounds = array<i64: 2000, 128>}]} {
    %get3A = arith.constant 0 : index
    %get3A_0 = arith.constant 0 : index
    %get3A_1 = vector.load %arg2[%get3A, %get3A_0] : memref<2x128xf32, #tpu.memory_space<vmem>>, vector<1x128xf32>
    %get3A_2 = vector.shape_cast %get3A_1 : vector<1x128xf32> to vector<128xf32>
    %div3A = arith.constant 1.000000e+04 : f32
    %div3A_3 = vector.broadcast %div3A : f32 to vector<128xf32>
    %div3A_4 = arith.divf %get3A_2, %div3A_3 : vector<128xf32>
    %get3A_5 = arith.constant 1 : index
    %get3A_6 = arith.constant 0 : index
    %get3A_7 = vector.load %arg2[%get3A_5, %get3A_6] : memref<2x128xf32, #tpu.memory_space<vmem>>, vector<1x128xf32>
    %get3A_8 = vector.shape_cast %get3A_7 : vector<1x128xf32> to vector<128xf32>
    %div3A_9 = arith.constant 1.000000e+04 : f32
    %div3A_10 = vector.broadcast %div3A_9 : f32 to vector<128xf32>
    %div3A_11 = arith.divf %get3A_8, %div3A_10 : vector<128xf32>
    %mul3A = arith.mulf %div3A_4, %div3A_4 : vector<128xf32>
    %sub3A = arith.subf %div3A_11, %mul3A : vector<128xf32>
    %get3A_12 = arith.constant 0 : index
    %get3A_13 = arith.constant 0 : index
    %get3A_14 = vector.load %arg1[%get3A_12, %get3A_13] : memref<2000x128xf32, #tpu.memory_space<vmem>>, vector<2000x128xf32>
    %broadcast_in_dim3A = vector.shape_cast %div3A_4 : vector<128xf32> to vector<1x128xf32>
    %sub3A_15 = vector.broadcast %broadcast_in_dim3A : vector<1x128xf32> to vector<2000x128xf32>
    %sub3A_16 = arith.subf %get3A_14, %sub3A_15 : vector<2000x128xf32>
    %add3A = arith.constant 9.99999974E-6 : f32
    %add3A_17 = vector.broadcast %add3A : f32 to vector<128xf32>
    %add3A_18 = arith.addf %sub3A, %add3A_17 : vector<128xf32>
    %rsqrt3A = math.rsqrt %add3A_18 : vector<128xf32>
    %broadcast_in_dim3A_19 = vector.shape_cast %rsqrt3A : vector<128xf32> to vector<1x128xf32>
    %mul3A_20 = vector.broadcast %broadcast_in_dim3A_19 : vector<1x128xf32> to vector<2000x128xf32>
    %mul3A_21 = arith.mulf %sub3A_16, %mul3A_20 : vector<2000x128xf32>
    %max3A = arith.constant 0.000000e+00 : f32
    %max3A_22 = vector.broadcast %max3A : f32 to vector<2000x128xf32>
    %max3A_23 = arith.maximumf %mul3A_21, %max3A_22 : vector<2000x128xf32>
    %get3A_24 = arith.constant 0 : index
    %get3A_25 = arith.constant 0 : index
    %get3A_26 = vector.load %arg3[%get3A_24, %get3A_25] : memref<128x128xf32, #tpu.memory_space<vmem>>, vector<128x128xf32>
    %dot_general3A = arith.constant dense<0.000000e+00> : vector<2000x128xf32>
    %dot_general3A_27 = tpu.matmul %max3A_23, %get3A_26, %dot_general3A {dimension_numbers = #tpu.dot_dimension_numbers<[1], [0], [0], [1], [0, 0, 1, 1], [], []>, transpose_lhs_hint = false} : vector<2000x128xf32>, vector<128x128xf32>, vector<2000x128xf32> -> vector<2000x128xf32>
    %get3A_28 = arith.constant 0 : index
    %get3A_29 = arith.constant 48 : index
    %get3A_30 = vector.load %arg4[%get3A_28, %get3A_29] : memref<2000x128xf32, #tpu.memory_space<vmem>>, vector<2000x1xf32>
    %mul3A_31 = vector.broadcast %get3A_30 : vector<2000x1xf32> to vector<2000x128xf32>
    %mul3A_32 = arith.mulf %dot_general3A_27, %mul3A_31 : vector<2000x128xf32>
    %swap3A = arith.constant 0 : index
    %swap3A_33 = arith.constant 0 : index
    %swap3A_34 = vector.load %arg5[%swap3A, %swap3A_33] : memref<2000x128xf32, #tpu.memory_space<vmem>>, vector<2000x128xf32>
    tpu.vector_store %arg5[%swap3A, %swap3A_33], %mul3A_32 {strides = array<i32>} : memref<2000x128xf32, #tpu.memory_space<vmem>>, vector<2000x128xf32>,
    return
  }
  func.func @transform_0(%arg0: i32) -> (i32, i32) {
    %c0_i32 = arith.constant 0 : i32
    %c0_i32_0 = arith.constant 0 : i32
    return %arg0, %c0_i32 : i32, i32
  }
  func.func @transform_1(%arg0: i32) -> (i32, i32) {
    %c0_i32 = arith.constant 0 : i32
    %c0_i32_0 = arith.constant 0 : i32
    %c0_i32_1 = arith.constant 0 : i32
    return %c0_i32, %c0_i32_0 : i32, i32
  }
  func.func @transform_2(%arg0: i32) -> (i32, i32) {
    %c0_i32 = arith.constant 0 : i32
    %c0_i32_0 = arith.constant 0 : i32
    %c0_i32_1 = arith.constant 0 : i32
    return %c0_i32, %c0_i32_0 : i32, i32
  }
  func.func @transform_3(%arg0: i32) -> (i32, i32) {
    %c0_i32 = arith.constant 0 : i32
    %c0_i32_0 = arith.constant 0 : i32
    return %arg0, %c0_i32 : i32, i32
  }
  func.func @transform_4(%arg0: i32) -> (i32, i32) {
    %c0_i32 = arith.constant 0 : i32
    %c0_i32_0 = arith.constant 0 : i32
    return %arg0, %c0_i32 : i32, i32
  }
}

module attributes {stable_mosaic.version = 14 : i64} {
  func.func @_comb_body(%arg0: i32, %arg1: memref<2x2000x128xf32, #tpu.memory_space<vmem>>, %arg2: memref<2000x128xf32, #tpu.memory_space<vmem>>, %arg3: memref<2000x128xf32, #tpu.memory_space<vmem>>, %arg4: memref<2000x128xf32, #tpu.memory_space<vmem>>, %arg5: memref<2x128xf32, #tpu.memory_space<vmem>>, %arg6: memref<2x128xf32, #tpu.memory_space<vmem>>) attributes {dimension_semantics = [#tpu.dimension_semantics<arbitrary>], iteration_bounds = array<i64: 5>, scalar_prefetch = 0 : i64, scratch_operands = 1 : i64, tpu.core_type = #tpu.core_type<tc>, window_params = [{transform_indices = @transform_0, window_bounds = array<i64: 2, 2000, 128>}, {transform_indices = @transform_1, window_bounds = array<i64: 2000, 128>}, {transform_indices = @transform_2, window_bounds = array<i64: 2000, 128>}, {transform_indices = @transform_3, window_bounds = array<i64: 2000, 128>}, {pipeline_mode = #tpu.pipeline_mode<synchronous>, transform_indices = @transform_4, window_bounds = array<i64: 2, 128>}]} {
    %get3A = arith.constant 0 : index
    %get3A_0 = arith.constant 0 : index
    %get3A_1 = arith.constant 0 : index
    %get3A_2 = vector.load %arg1[%get3A, %get3A_0, %get3A_1] : memref<2x2000x128xf32, #tpu.memory_space<vmem>>, vector<1x2000x128xf32>
    %get3A_3 = vector.shape_cast %get3A_2 : vector<1x2000x128xf32> to vector<2000x128xf32>
    %get3A_4 = arith.constant 1 : index
    %get3A_5 = arith.constant 0 : index
    %get3A_6 = arith.constant 0 : index
    %get3A_7 = vector.load %arg1[%get3A_4, %get3A_5, %get3A_6] : memref<2x2000x128xf32, #tpu.memory_space<vmem>>, vector<1x2000x128xf32>
    %get3A_8 = vector.shape_cast %get3A_7 : vector<1x2000x128xf32> to vector<2000x128xf32>
    %add3A = arith.addf %get3A_3, %get3A_8 : vector<2000x128xf32>
    %get3A_9 = arith.constant 0 : index
    %get3A_10 = arith.constant 0 : index
    %get3A_11 = vector.load %arg2[%get3A_9, %get3A_10] : memref<2000x128xf32, #tpu.memory_space<vmem>>, vector<2000x128xf32>
    %add3A_12 = arith.addf %add3A, %get3A_11 : vector<2000x128xf32>
    %get3A_13 = arith.constant 0 : index
    %get3A_14 = arith.constant 48 : index
    %get3A_15 = vector.load %arg3[%get3A_13, %get3A_14] : memref<2000x128xf32, #tpu.memory_space<vmem>>, vector<2000x1xf32>
    %mul3A = vector.broadcast %get3A_15 : vector<2000x1xf32> to vector<2000x128xf32>
    %mul3A_16 = arith.mulf %add3A_12, %mul3A : vector<2000x128xf32>
    %swap3A = arith.constant 0 : index
    %swap3A_17 = arith.constant 0 : index
    %swap3A_18 = vector.load %arg4[%swap3A, %swap3A_17] : memref<2000x128xf32, #tpu.memory_space<vmem>>, vector<2000x128xf32>
    tpu.vector_store %arg4[%swap3A, %swap3A_17], %mul3A_16 {strides = array<i32>} : memref<2000x128xf32, #tpu.memory_space<vmem>>, vector<2000x128xf32>,
    %eq3A = arith.constant 0 : i32
    %eq3A_19 = arith.cmpi eq, %arg0, %eq3A : i32
    %convert_element_type3A = arith.extui %eq3A_19 : i1 to i32
    %cond3A = arith.constant 0 : i32
    %cond3A_20 = arith.cmpi ne, %convert_element_type3A, %cond3A : i32
    scf.if %cond3A_20 {
      %broadcast_in_dim3A = arith.constant 0.000000e+00 : f32
      %broadcast_in_dim3A_50 = vector.broadcast %broadcast_in_dim3A : f32 to vector<2x128xf32>
      %swap3A_51 = arith.constant 0 : index
      %swap3A_52 = arith.constant 0 : index
      %swap3A_53 = vector.load %arg6[%swap3A_51, %swap3A_52] : memref<2x128xf32, #tpu.memory_space<vmem>>, vector<2x128xf32>
      tpu.vector_store %arg6[%swap3A_51, %swap3A_52], %broadcast_in_dim3A_50 {strides = array<i32>} : memref<2x128xf32, #tpu.memory_space<vmem>>, vector<2x128xf32>,
    } else {
    }
    %get3A_21 = arith.constant 0 : index
    %get3A_22 = arith.constant 0 : index
    %get3A_23 = vector.load %arg6[%get3A_21, %get3A_22] : memref<2x128xf32, #tpu.memory_space<vmem>>, vector<1x128xf32>
    %get3A_24 = vector.shape_cast %get3A_23 : vector<1x128xf32> to vector<128xf32>
    %reduce_sum3A = arith.constant dense<0.000000e+00> : vector<128xf32>
    %reduce_sum3A_25 = vector.multi_reduction <add>, %mul3A_16, %reduce_sum3A [0] : vector<2000x128xf32> to vector<128xf32>
    %add3A_26 = arith.addf %get3A_24, %reduce_sum3A_25 : vector<128xf32>
    %swap3A_27 = arith.constant 0 : index
    %swap3A_28 = arith.constant 0 : index
    %swap3A_29 = vector.load %arg6[%swap3A_27, %swap3A_28] : memref<2x128xf32, #tpu.memory_space<vmem>>, vector<1x128xf32>
    %swap3A_30 = vector.shape_cast %swap3A_29 : vector<1x128xf32> to vector<128xf32>
    %swap3A_31 = vector.shape_cast %add3A_26 : vector<128xf32> to vector<1x128xf32>
    tpu.vector_store %arg6[%swap3A_27, %swap3A_28], %swap3A_31 {strides = array<i32>} : memref<2x128xf32, #tpu.memory_space<vmem>>, vector<1x128xf32>,
    %get3A_32 = arith.constant 1 : index
    %get3A_33 = arith.constant 0 : index
    %get3A_34 = vector.load %arg6[%get3A_32, %get3A_33] : memref<2x128xf32, #tpu.memory_space<vmem>>, vector<1x128xf32>
    %get3A_35 = vector.shape_cast %get3A_34 : vector<1x128xf32> to vector<128xf32>
    %mul3A_36 = arith.mulf %mul3A_16, %mul3A_16 : vector<2000x128xf32>
    %reduce_sum3A_37 = arith.constant dense<0.000000e+00> : vector<128xf32>
    %reduce_sum3A_38 = vector.multi_reduction <add>, %mul3A_36, %reduce_sum3A_37 [0] : vector<2000x128xf32> to vector<128xf32>
    %add3A_39 = arith.addf %get3A_35, %reduce_sum3A_38 : vector<128xf32>
    %swap3A_40 = arith.constant 1 : index
    %swap3A_41 = arith.constant 0 : index
    %swap3A_42 = vector.load %arg6[%swap3A_40, %swap3A_41] : memref<2x128xf32, #tpu.memory_space<vmem>>, vector<1x128xf32>
    %swap3A_43 = vector.shape_cast %swap3A_42 : vector<1x128xf32> to vector<128xf32>
    %swap3A_44 = vector.shape_cast %add3A_39 : vector<128xf32> to vector<1x128xf32>
    tpu.vector_store %arg6[%swap3A_40, %swap3A_41], %swap3A_44 {strides = array<i32>} : memref<2x128xf32, #tpu.memory_space<vmem>>, vector<1x128xf32>,
    %eq3A_45 = arith.constant 4 : i32
    %eq3A_46 = arith.cmpi eq, %arg0, %eq3A_45 : i32
    %convert_element_type3A_47 = arith.extui %eq3A_46 : i1 to i32
    %cond3A_48 = arith.constant 0 : i32
    %cond3A_49 = arith.cmpi ne, %convert_element_type3A_47, %cond3A_48 : i32
    scf.if %cond3A_49 {
      %get3A_50 = arith.constant 0 : index
      %get3A_51 = arith.constant 0 : index
      %get3A_52 = vector.load %arg6[%get3A_50, %get3A_51] : memref<2x128xf32, #tpu.memory_space<vmem>>, vector<2x128xf32>
      %swap3A_53 = arith.constant 0 : index
      %swap3A_54 = arith.constant 0 : index
      %swap3A_55 = vector.load %arg5[%swap3A_53, %swap3A_54] : memref<2x128xf32, #tpu.memory_space<vmem>>, vector<2x128xf32>
      tpu.vector_store %arg5[%swap3A_53, %swap3A_54], %get3A_52 {strides = array<i32>} : memref<2x128xf32, #tpu.memory_space<vmem>>, vector<2x128xf32>,
    } else {
    }
    return
  }
  func.func @transform_0(%arg0: i32) -> (i32, i32, i32) {
    %c0_i32 = arith.constant 0 : i32
    %c0_i32_0 = arith.constant 0 : i32
    %c0_i32_1 = arith.constant 0 : i32
    return %c0_i32, %arg0, %c0_i32_0 : i32, i32, i32
  }
  func.func @transform_1(%arg0: i32) -> (i32, i32) {
    %c0_i32 = arith.constant 0 : i32
    %c0_i32_0 = arith.constant 0 : i32
    return %arg0, %c0_i32 : i32, i32
  }
  func.func @transform_2(%arg0: i32) -> (i32, i32) {
    %c0_i32 = arith.constant 0 : i32
    %c0_i32_0 = arith.constant 0 : i32
    return %arg0, %c0_i32 : i32, i32
  }
  func.func @transform_3(%arg0: i32) -> (i32, i32) {
    %c0_i32 = arith.constant 0 : i32
    %c0_i32_0 = arith.constant 0 : i32
    return %arg0, %c0_i32 : i32, i32
  }
  func.func @transform_4(%arg0: i32) -> (i32, i32) {
    %c0_i32 = arith.constant 0 : i32
    %c0_i32_0 = arith.constant 0 : i32
    %c0_i32_1 = arith.constant 0 : i32
    return %c0_i32, %c0_i32_0 : i32, i32
  }
}

module attributes {stable_mosaic.version = 14 : i64} {
  func.func @_y_bn_body(%arg0: i32, %arg1: memref<2000x128xf32, #tpu.memory_space<vmem>>, %arg2: memref<2x128xf32, #tpu.memory_space<vmem>>, %arg3: memref<128x128xf32, #tpu.memory_space<vmem>>, %arg4: memref<2000x128xf32, #tpu.memory_space<vmem>>, %arg5: memref<2000x128xf32, #tpu.memory_space<vmem>>) attributes {dimension_semantics = [#tpu.dimension_semantics<arbitrary>], iteration_bounds = array<i64: 5>, scalar_prefetch = 0 : i64, scratch_operands = 0 : i64, tpu.core_type = #tpu.core_type<tc>, window_params = [{transform_indices = @transform_0, window_bounds = array<i64: 2000, 128>}, {pipeline_mode = #tpu.pipeline_mode<synchronous>, transform_indices = @transform_1, window_bounds = array<i64: 2, 128>}, {pipeline_mode = #tpu.pipeline_mode<synchronous>, transform_indices = @transform_2, window_bounds = array<i64: 128, 128>}, {transform_indices = @transform_3, window_bounds = array<i64: 2000, 128>}, {transform_indices = @transform_4, window_bounds = array<i64: 2000, 128>}]} {
    %get3A = arith.constant 0 : index
    %get3A_0 = arith.constant 0 : index
    %get3A_1 = vector.load %arg2[%get3A, %get3A_0] : memref<2x128xf32, #tpu.memory_space<vmem>>, vector<1x128xf32>
    %get3A_2 = vector.shape_cast %get3A_1 : vector<1x128xf32> to vector<128xf32>
    %div3A = arith.constant 1.000000e+04 : f32
    %div3A_3 = vector.broadcast %div3A : f32 to vector<128xf32>
    %div3A_4 = arith.divf %get3A_2, %div3A_3 : vector<128xf32>
    %get3A_5 = arith.constant 1 : index
    %get3A_6 = arith.constant 0 : index
    %get3A_7 = vector.load %arg2[%get3A_5, %get3A_6] : memref<2x128xf32, #tpu.memory_space<vmem>>, vector<1x128xf32>
    %get3A_8 = vector.shape_cast %get3A_7 : vector<1x128xf32> to vector<128xf32>
    %div3A_9 = arith.constant 1.000000e+04 : f32
    %div3A_10 = vector.broadcast %div3A_9 : f32 to vector<128xf32>
    %div3A_11 = arith.divf %get3A_8, %div3A_10 : vector<128xf32>
    %mul3A = arith.mulf %div3A_4, %div3A_4 : vector<128xf32>
    %sub3A = arith.subf %div3A_11, %mul3A : vector<128xf32>
    %get3A_12 = arith.constant 0 : index
    %get3A_13 = arith.constant 0 : index
    %get3A_14 = vector.load %arg1[%get3A_12, %get3A_13] : memref<2000x128xf32, #tpu.memory_space<vmem>>, vector<2000x128xf32>
    %broadcast_in_dim3A = vector.shape_cast %div3A_4 : vector<128xf32> to vector<1x128xf32>
    %sub3A_15 = vector.broadcast %broadcast_in_dim3A : vector<1x128xf32> to vector<2000x128xf32>
    %sub3A_16 = arith.subf %get3A_14, %sub3A_15 : vector<2000x128xf32>
    %add3A = arith.constant 9.99999974E-6 : f32
    %add3A_17 = vector.broadcast %add3A : f32 to vector<128xf32>
    %add3A_18 = arith.addf %sub3A, %add3A_17 : vector<128xf32>
    %rsqrt3A = math.rsqrt %add3A_18 : vector<128xf32>
    %broadcast_in_dim3A_19 = vector.shape_cast %rsqrt3A : vector<128xf32> to vector<1x128xf32>
    %mul3A_20 = vector.broadcast %broadcast_in_dim3A_19 : vector<1x128xf32> to vector<2000x128xf32>
    %mul3A_21 = arith.mulf %sub3A_16, %mul3A_20 : vector<2000x128xf32>
    %max3A = arith.constant 0.000000e+00 : f32
    %max3A_22 = vector.broadcast %max3A : f32 to vector<2000x128xf32>
    %max3A_23 = arith.maximumf %mul3A_21, %max3A_22 : vector<2000x128xf32>
    %get3A_24 = arith.constant 0 : index
    %get3A_25 = arith.constant 0 : index
    %get3A_26 = vector.load %arg3[%get3A_24, %get3A_25] : memref<128x128xf32, #tpu.memory_space<vmem>>, vector<128x128xf32>
    %dot_general3A = arith.constant dense<0.000000e+00> : vector<2000x128xf32>
    %dot_general3A_27 = tpu.matmul %max3A_23, %get3A_26, %dot_general3A {dimension_numbers = #tpu.dot_dimension_numbers<[1], [0], [0], [1], [0, 0, 1, 1], [], []>, transpose_lhs_hint = false} : vector<2000x128xf32>, vector<128x128xf32>, vector<2000x128xf32> -> vector<2000x128xf32>
    %get3A_28 = arith.constant 0 : index
    %get3A_29 = arith.constant 64 : index
    %get3A_30 = vector.load %arg4[%get3A_28, %get3A_29] : memref<2000x128xf32, #tpu.memory_space<vmem>>, vector<2000x1xf32>
    %mul3A_31 = vector.broadcast %get3A_30 : vector<2000x1xf32> to vector<2000x128xf32>
    %mul3A_32 = arith.mulf %dot_general3A_27, %mul3A_31 : vector<2000x128xf32>
    %swap3A = arith.constant 0 : index
    %swap3A_33 = arith.constant 0 : index
    %swap3A_34 = vector.load %arg5[%swap3A, %swap3A_33] : memref<2000x128xf32, #tpu.memory_space<vmem>>, vector<2000x128xf32>
    tpu.vector_store %arg5[%swap3A, %swap3A_33], %mul3A_32 {strides = array<i32>} : memref<2000x128xf32, #tpu.memory_space<vmem>>, vector<2000x128xf32>,
    return
  }
  func.func @transform_0(%arg0: i32) -> (i32, i32) {
    %c0_i32 = arith.constant 0 : i32
    %c0_i32_0 = arith.constant 0 : i32
    return %arg0, %c0_i32 : i32, i32
  }
  func.func @transform_1(%arg0: i32) -> (i32, i32) {
    %c0_i32 = arith.constant 0 : i32
    %c0_i32_0 = arith.constant 0 : i32
    %c0_i32_1 = arith.constant 0 : i32
    return %c0_i32, %c0_i32_0 : i32, i32
  }
  func.func @transform_2(%arg0: i32) -> (i32, i32) {
    %c0_i32 = arith.constant 0 : i32
    %c0_i32_0 = arith.constant 0 : i32
    %c0_i32_1 = arith.constant 0 : i32
    return %c0_i32, %c0_i32_0 : i32, i32
  }
  func.func @transform_3(%arg0: i32) -> (i32, i32) {
    %c0_i32 = arith.constant 0 : i32
    %c0_i32_0 = arith.constant 0 : i32
    return %arg0, %c0_i32 : i32, i32
  }
  func.func @transform_4(%arg0: i32) -> (i32, i32) {
    %c0_i32 = arith.constant 0 : i32
    %c0_i32_0 = arith.constant 0 : i32
    return %arg0, %c0_i32 : i32, i32
  }
}

module attributes {stable_mosaic.version = 14 : i64} {
  func.func @_comb_body(%arg0: i32, %arg1: memref<2x2000x128xf32, #tpu.memory_space<vmem>>, %arg2: memref<2000x128xf32, #tpu.memory_space<vmem>>, %arg3: memref<2000x128xf32, #tpu.memory_space<vmem>>, %arg4: memref<2000x128xf32, #tpu.memory_space<vmem>>, %arg5: memref<2000x128xf32, #tpu.memory_space<vmem>>, %arg6: memref<2000x128xf32, #tpu.memory_space<vmem>>) attributes {dimension_semantics = [#tpu.dimension_semantics<arbitrary>], iteration_bounds = array<i64: 5>, scalar_prefetch = 0 : i64, scratch_operands = 0 : i64, tpu.core_type = #tpu.core_type<tc>, window_params = [{transform_indices = @transform_0, window_bounds = array<i64: 2, 2000, 128>}, {transform_indices = @transform_1, window_bounds = array<i64: 2000, 128>}, {transform_indices = @transform_2, window_bounds = array<i64: 2000, 128>}, {transform_indices = @transform_3, window_bounds = array<i64: 2000, 128>}, {transform_indices = @transform_4, window_bounds = array<i64: 2000, 128>}, {transform_indices = @transform_5, window_bounds = array<i64: 2000, 128>}]} {
    %get3A = arith.constant 0 : index
    %get3A_0 = arith.constant 0 : index
    %get3A_1 = arith.constant 0 : index
    %get3A_2 = vector.load %arg1[%get3A, %get3A_0, %get3A_1] : memref<2x2000x128xf32, #tpu.memory_space<vmem>>, vector<1x2000x128xf32>
    %get3A_3 = vector.shape_cast %get3A_2 : vector<1x2000x128xf32> to vector<2000x128xf32>
    %get3A_4 = arith.constant 1 : index
    %get3A_5 = arith.constant 0 : index
    %get3A_6 = arith.constant 0 : index
    %get3A_7 = vector.load %arg1[%get3A_4, %get3A_5, %get3A_6] : memref<2x2000x128xf32, #tpu.memory_space<vmem>>, vector<1x2000x128xf32>
    %get3A_8 = vector.shape_cast %get3A_7 : vector<1x2000x128xf32> to vector<2000x128xf32>
    %add3A = arith.addf %get3A_3, %get3A_8 : vector<2000x128xf32>
    %get3A_9 = arith.constant 0 : index
    %get3A_10 = arith.constant 0 : index
    %get3A_11 = vector.load %arg2[%get3A_9, %get3A_10] : memref<2000x128xf32, #tpu.memory_space<vmem>>, vector<2000x128xf32>
    %add3A_12 = arith.addf %add3A, %get3A_11 : vector<2000x128xf32>
    %get3A_13 = arith.constant 0 : index
    %get3A_14 = arith.constant 64 : index
    %get3A_15 = vector.load %arg3[%get3A_13, %get3A_14] : memref<2000x128xf32, #tpu.memory_space<vmem>>, vector<2000x1xf32>
    %mul3A = vector.broadcast %get3A_15 : vector<2000x1xf32> to vector<2000x128xf32>
    %mul3A_16 = arith.mulf %add3A_12, %mul3A : vector<2000x128xf32>
    %get3A_17 = arith.constant 0 : index
    %get3A_18 = arith.constant 0 : index
    %get3A_19 = vector.load %arg4[%get3A_17, %get3A_18] : memref<2000x128xf32, #tpu.memory_space<vmem>>, vector<2000x128xf32>
    %add3A_20 = arith.addf %mul3A_16, %get3A_19 : vector<2000x128xf32>
    %get3A_21 = arith.constant 0 : index
    %get3A_22 = arith.constant 0 : index
    %get3A_23 = vector.load %arg5[%get3A_21, %get3A_22] : memref<2000x128xf32, #tpu.memory_space<vmem>>, vector<2000x128xf32>
    %add3A_24 = arith.addf %add3A_20, %get3A_23 : vector<2000x128xf32>
    %swap3A = arith.constant 0 : index
    %swap3A_25 = arith.constant 0 : index
    %swap3A_26 = vector.load %arg6[%swap3A, %swap3A_25] : memref<2000x128xf32, #tpu.memory_space<vmem>>, vector<2000x128xf32>
    tpu.vector_store %arg6[%swap3A, %swap3A_25], %add3A_24 {strides = array<i32>} : memref<2000x128xf32, #tpu.memory_space<vmem>>, vector<2000x128xf32>,
    return
  }
  func.func @transform_0(%arg0: i32) -> (i32, i32, i32) {
    %c0_i32 = arith.constant 0 : i32
    %c0_i32_0 = arith.constant 0 : i32
    %c0_i32_1 = arith.constant 0 : i32
    return %c0_i32, %arg0, %c0_i32_0 : i32, i32, i32
  }
  func.func @transform_1(%arg0: i32) -> (i32, i32) {
    %c0_i32 = arith.constant 0 : i32
    %c0_i32_0 = arith.constant 0 : i32
    return %arg0, %c0_i32 : i32, i32
  }
  func.func @transform_2(%arg0: i32) -> (i32, i32) {
    %c0_i32 = arith.constant 0 : i32
    %c0_i32_0 = arith.constant 0 : i32
    return %arg0, %c0_i32 : i32, i32
  }
  func.func @transform_3(%arg0: i32) -> (i32, i32) {
    %c0_i32 = arith.constant 0 : i32
    %c0_i32_0 = arith.constant 0 : i32
    return %arg0, %c0_i32 : i32, i32
  }
  func.func @transform_4(%arg0: i32) -> (i32, i32) {
    %c0_i32 = arith.constant 0 : i32
    %c0_i32_0 = arith.constant 0 : i32
    return %arg0, %c0_i32 : i32, i32
  }
  func.func @transform_5(%arg0: i32) -> (i32, i32) {
    %c0_i32 = arith.constant 0 : i32
    %c0_i32_0 = arith.constant 0 : i32
    return %arg0, %c0_i32 : i32, i32
  }
}

module attributes {stable_mosaic.version = 14 : i64} {
  func.func @_pool_body(%arg0: i32, %arg1: memref<2000x128xf32, #tpu.memory_space<vmem>>, %arg2: memref<2000x1xi32, #tpu.memory_space<vmem>>, %arg3: memref<128x40xf32, #tpu.memory_space<vmem>>, %arg4: memref<1x40xf32, #tpu.memory_space<vmem>>, %arg5: memref<64x40xf32, #tpu.memory_space<vmem>>, %arg6: memref<64x128xf32, #tpu.memory_space<vmem>>) attributes {dimension_semantics = [#tpu.dimension_semantics<arbitrary>], iteration_bounds = array<i64: 5>, scalar_prefetch = 0 : i64, scratch_operands = 1 : i64, tpu.core_type = #tpu.core_type<tc>, window_params = [{transform_indices = @transform_0, window_bounds = array<i64: 2000, 128>}, {transform_indices = @transform_1, window_bounds = array<i64: 2000, 1>}, {pipeline_mode = #tpu.pipeline_mode<synchronous>, transform_indices = @transform_2, window_bounds = array<i64: 128, 40>}, {pipeline_mode = #tpu.pipeline_mode<synchronous>, transform_indices = @transform_3, window_bounds = array<i64: 1, 40>}, {pipeline_mode = #tpu.pipeline_mode<synchronous>, transform_indices = @transform_4, window_bounds = array<i64: 64, 40>}]} {
    %eq3A = arith.constant 0 : i32
    %eq3A_0 = arith.cmpi eq, %arg0, %eq3A : i32
    %convert_element_type3A = arith.extui %eq3A_0 : i1 to i32
    %cond3A = arith.constant 0 : i32
    %cond3A_1 = arith.cmpi ne, %convert_element_type3A, %cond3A : i32
    scf.if %cond3A_1 {
      %broadcast_in_dim3A_1289 = arith.constant 0xFF800000 : f32
      %broadcast_in_dim3A_1290 = vector.broadcast %broadcast_in_dim3A_1289 : f32 to vector<64x128xf32>
      %swap3A_1291 = arith.constant 0 : index
      %swap3A_1292 = arith.constant 0 : index
      %swap3A_1293 = vector.load %arg6[%swap3A_1291, %swap3A_1292] : memref<64x128xf32, #tpu.memory_space<vmem>>, vector<64x128xf32>
      tpu.vector_store %arg6[%swap3A_1291, %swap3A_1292], %broadcast_in_dim3A_1290 {strides = array<i32>} : memref<64x128xf32, #tpu.memory_space<vmem>>, vector<64x128xf32>,
    } else {
    }
    %get3A = arith.constant 0 : index
    %get3A_2 = arith.constant 0 : index
    %get3A_3 = vector.load %arg1[%get3A, %get3A_2] : memref<2000x128xf32, #tpu.memory_space<vmem>>, vector<2000x128xf32>
    %max3A = arith.constant 0.000000e+00 : f32
    %max3A_4 = vector.broadcast %max3A : f32 to vector<2000x128xf32>
    %max3A_5 = arith.maximumf %get3A_3, %max3A_4 : vector<2000x128xf32>
    %get3A_6 = arith.constant 0 : index
    %get3A_7 = arith.constant 0 : index
    %get3A_8 = vector.load %arg2[%get3A_6, %get3A_7] : memref<2000x1xi32, #tpu.memory_space<vmem>>, vector<2000x1xi32>
    %eq3A_9 = arith.constant 0 : i32
    %eq3A_10 = vector.broadcast %eq3A_9 : i32 to vector<2000x1xi32>
    %eq3A_11 = arith.cmpi eq, %get3A_8, %eq3A_10 : vector<2000x1xi32>
    %jit3A = arith.constant 0xFF800000 : f32
    %broadcast_in_dim3A = vector.shape_cast %eq3A_11 : vector<2000x1xi1> to vector<2000x1xi1>
    %broadcast_in_dim3A_12 = vector.broadcast %broadcast_in_dim3A : vector<2000x1xi1> to vector<2000x128xi1>
    %broadcast_in_dim3A_13 = vector.broadcast %jit3A : f32 to vector<2000x128xf32>
    %select_n3A = arith.select %broadcast_in_dim3A_12, %max3A_5, %broadcast_in_dim3A_13 : vector<2000x128xi1>, vector<2000x128xf32>
    %reduce_max3A = arith.constant dense<0xFF800000> : vector<128xf32>
    %reduce_max3A_14 = vector.multi_reduction <maximumf>, %select_n3A, %reduce_max3A [0] : vector<2000x128xf32> to vector<128xf32>
    %get3A_15 = arith.constant 0 : index
    %get3A_16 = arith.constant 0 : index
    %get3A_17 = vector.load %arg6[%get3A_15, %get3A_16] : memref<64x128xf32, #tpu.memory_space<vmem>>, vector<1x128xf32>
    %get3A_18 = vector.shape_cast %get3A_17 : vector<1x128xf32> to vector<128xf32>
    %max3A_19 = arith.maximumf %get3A_18, %reduce_max3A_14 : vector<128xf32>
    %swap3A = arith.constant 0 : index
    %swap3A_20 = arith.constant 0 : index
    %swap3A_21 = vector.load %arg6[%swap3A, %swap3A_20] : memref<64x128xf32, #tpu.memory_space<vmem>>, vector<1x128xf32>
    %swap3A_22 = vector.shape_cast %swap3A_21 : vector<1x128xf32> to vector<128xf32>
    %swap3A_23 = vector.shape_cast %max3A_19 : vector<128xf32> to vector<1x128xf32>
    tpu.vector_store %arg6[%swap3A, %swap3A_20], %swap3A_23 {strides = array<i32>} : memref<64x128xf32, #tpu.memory_space<vmem>>, vector<1x128xf32>,
    %eq3A_24 = arith.constant 1 : i32
    %eq3A_25 = vector.broadcast %eq3A_24 : i32 to vector<2000x1xi32>
    %eq3A_26 = arith.cmpi eq, %get3A_8, %eq3A_25 : vector<2000x1xi32>
    %jit3A_27 = arith.constant 0xFF800000 : f32
    %broadcast_in_dim3A_28 = vector.shape_cast %eq3A_26 : vector<2000x1xi1> to vector<2000x1xi1>
    %broadcast_in_dim3A_29 = vector.broadcast %broadcast_in_dim3A_28 : vector<2000x1xi1> to vector<2000x128xi1>
    %broadcast_in_dim3A_30 = vector.broadcast %jit3A_27 : f32 to vector<2000x128xf32>
    %select_n3A_31 = arith.select %broadcast_in_dim3A_29, %max3A_5, %broadcast_in_dim3A_30 : vector<2000x128xi1>, vector<2000x128xf32>
    %reduce_max3A_32 = arith.constant dense<0xFF800000> : vector<128xf32>
    %reduce_max3A_33 = vector.multi_reduction <maximumf>, %select_n3A_31, %reduce_max3A_32 [0] : vector<2000x128xf32> to vector<128xf32>
    %get3A_34 = arith.constant 1 : index
    %get3A_35 = arith.constant 0 : index
    %get3A_36 = vector.load %arg6[%get3A_34, %get3A_35] : memref<64x128xf32, #tpu.memory_space<vmem>>, vector<1x128xf32>
    %get3A_37 = vector.shape_cast %get3A_36 : vector<1x128xf32> to vector<128xf32>
    %max3A_38 = arith.maximumf %get3A_37, %reduce_max3A_33 : vector<128xf32>
    %swap3A_39 = arith.constant 1 : index
    %swap3A_40 = arith.constant 0 : index
    %swap3A_41 = vector.load %arg6[%swap3A_39, %swap3A_40] : memref<64x128xf32, #tpu.memory_space<vmem>>, vector<1x128xf32>
    %swap3A_42 = vector.shape_cast %swap3A_41 : vector<1x128xf32> to vector<128xf32>
    %swap3A_43 = vector.shape_cast %max3A_38 : vector<128xf32> to vector<1x128xf32>
    tpu.vector_store %arg6[%swap3A_39, %swap3A_40], %swap3A_43 {strides = array<i32>} : memref<64x128xf32, #tpu.memory_space<vmem>>, vector<1x128xf32>,
    %eq3A_44 = arith.constant 2 : i32
    %eq3A_45 = vector.broadcast %eq3A_44 : i32 to vector<2000x1xi32>
    %eq3A_46 = arith.cmpi eq, %get3A_8, %eq3A_45 : vector<2000x1xi32>
    %jit3A_47 = arith.constant 0xFF800000 : f32
    %broadcast_in_dim3A_48 = vector.shape_cast %eq3A_46 : vector<2000x1xi1> to vector<2000x1xi1>
    %broadcast_in_dim3A_49 = vector.broadcast %broadcast_in_dim3A_48 : vector<2000x1xi1> to vector<2000x128xi1>
    %broadcast_in_dim3A_50 = vector.broadcast %jit3A_47 : f32 to vector<2000x128xf32>
    %select_n3A_51 = arith.select %broadcast_in_dim3A_49, %max3A_5, %broadcast_in_dim3A_50 : vector<2000x128xi1>, vector<2000x128xf32>
    %reduce_max3A_52 = arith.constant dense<0xFF800000> : vector<128xf32>
    %reduce_max3A_53 = vector.multi_reduction <maximumf>, %select_n3A_51, %reduce_max3A_52 [0] : vector<2000x128xf32> to vector<128xf32>
    %get3A_54 = arith.constant 2 : index
    %get3A_55 = arith.constant 0 : index
    %get3A_56 = vector.load %arg6[%get3A_54, %get3A_55] : memref<64x128xf32, #tpu.memory_space<vmem>>, vector<1x128xf32>
    %get3A_57 = vector.shape_cast %get3A_56 : vector<1x128xf32> to vector<128xf32>
    %max3A_58 = arith.maximumf %get3A_57, %reduce_max3A_53 : vector<128xf32>
    %swap3A_59 = arith.constant 2 : index
    %swap3A_60 = arith.constant 0 : index
    %swap3A_61 = vector.load %arg6[%swap3A_59, %swap3A_60] : memref<64x128xf32, #tpu.memory_space<vmem>>, vector<1x128xf32>
    %swap3A_62 = vector.shape_cast %swap3A_61 : vector<1x128xf32> to vector<128xf32>
    %swap3A_63 = vector.shape_cast %max3A_58 : vector<128xf32> to vector<1x128xf32>
    tpu.vector_store %arg6[%swap3A_59, %swap3A_60], %swap3A_63 {strides = array<i32>} : memref<64x128xf32, #tpu.memory_space<vmem>>, vector<1x128xf32>,
    %eq3A_64 = arith.constant 3 : i32
    %eq3A_65 = vector.broadcast %eq3A_64 : i32 to vector<2000x1xi32>
    %eq3A_66 = arith.cmpi eq, %get3A_8, %eq3A_65 : vector<2000x1xi32>
    %jit3A_67 = arith.constant 0xFF800000 : f32
    %broadcast_in_dim3A_68 = vector.shape_cast %eq3A_66 : vector<2000x1xi1> to vector<2000x1xi1>
    %broadcast_in_dim3A_69 = vector.broadcast %broadcast_in_dim3A_68 : vector<2000x1xi1> to vector<2000x128xi1>
    %broadcast_in_dim3A_70 = vector.broadcast %jit3A_67 : f32 to vector<2000x128xf32>
    %select_n3A_71 = arith.select %broadcast_in_dim3A_69, %max3A_5, %broadcast_in_dim3A_70 : vector<2000x128xi1>, vector<2000x128xf32>
    %reduce_max3A_72 = arith.constant dense<0xFF800000> : vector<128xf32>
    %reduce_max3A_73 = vector.multi_reduction <maximumf>, %select_n3A_71, %reduce_max3A_72 [0] : vector<2000x128xf32> to vector<128xf32>
    %get3A_74 = arith.constant 3 : index
    %get3A_75 = arith.constant 0 : index
    %get3A_76 = vector.load %arg6[%get3A_74, %get3A_75] : memref<64x128xf32, #tpu.memory_space<vmem>>, vector<1x128xf32>
    %get3A_77 = vector.shape_cast %get3A_76 : vector<1x128xf32> to vector<128xf32>
    %max3A_78 = arith.maximumf %get3A_77, %reduce_max3A_73 : vector<128xf32>
    %swap3A_79 = arith.constant 3 : index
    %swap3A_80 = arith.constant 0 : index
    %swap3A_81 = vector.load %arg6[%swap3A_79, %swap3A_80] : memref<64x128xf32, #tpu.memory_space<vmem>>, vector<1x128xf32>
    %swap3A_82 = vector.shape_cast %swap3A_81 : vector<1x128xf32> to vector<128xf32>
    %swap3A_83 = vector.shape_cast %max3A_78 : vector<128xf32> to vector<1x128xf32>
    tpu.vector_store %arg6[%swap3A_79, %swap3A_80], %swap3A_83 {strides = array<i32>} : memref<64x128xf32, #tpu.memory_space<vmem>>, vector<1x128xf32>,
    %eq3A_84 = arith.constant 4 : i32
    %eq3A_85 = vector.broadcast %eq3A_84 : i32 to vector<2000x1xi32>
    %eq3A_86 = arith.cmpi eq, %get3A_8, %eq3A_85 : vector<2000x1xi32>
    %jit3A_87 = arith.constant 0xFF800000 : f32
    %broadcast_in_dim3A_88 = vector.shape_cast %eq3A_86 : vector<2000x1xi1> to vector<2000x1xi1>
    %broadcast_in_dim3A_89 = vector.broadcast %broadcast_in_dim3A_88 : vector<2000x1xi1> to vector<2000x128xi1>
    %broadcast_in_dim3A_90 = vector.broadcast %jit3A_87 : f32 to vector<2000x128xf32>
    %select_n3A_91 = arith.select %broadcast_in_dim3A_89, %max3A_5, %broadcast_in_dim3A_90 : vector<2000x128xi1>, vector<2000x128xf32>
    %reduce_max3A_92 = arith.constant dense<0xFF800000> : vector<128xf32>
    %reduce_max3A_93 = vector.multi_reduction <maximumf>, %select_n3A_91, %reduce_max3A_92 [0] : vector<2000x128xf32> to vector<128xf32>
    %get3A_94 = arith.constant 4 : index
    %get3A_95 = arith.constant 0 : index
    %get3A_96 = vector.load %arg6[%get3A_94, %get3A_95] : memref<64x128xf32, #tpu.memory_space<vmem>>, vector<1x128xf32>
    %get3A_97 = vector.shape_cast %get3A_96 : vector<1x128xf32> to vector<128xf32>
    %max3A_98 = arith.maximumf %get3A_97, %reduce_max3A_93 : vector<128xf32>
    %swap3A_99 = arith.constant 4 : index
    %swap3A_100 = arith.constant 0 : index
    %swap3A_101 = vector.load %arg6[%swap3A_99, %swap3A_100] : memref<64x128xf32, #tpu.memory_space<vmem>>, vector<1x128xf32>
    %swap3A_102 = vector.shape_cast %swap3A_101 : vector<1x128xf32> to vector<128xf32>
    %swap3A_103 = vector.shape_cast %max3A_98 : vector<128xf32> to vector<1x128xf32>
    tpu.vector_store %arg6[%swap3A_99, %swap3A_100], %swap3A_103 {strides = array<i32>} : memref<64x128xf32, #tpu.memory_space<vmem>>, vector<1x128xf32>,
    %eq3A_104 = arith.constant 5 : i32
    %eq3A_105 = vector.broadcast %eq3A_104 : i32 to vector<2000x1xi32>
    %eq3A_106 = arith.cmpi eq, %get3A_8, %eq3A_105 : vector<2000x1xi32>
    %jit3A_107 = arith.constant 0xFF800000 : f32
    %broadcast_in_dim3A_108 = vector.shape_cast %eq3A_106 : vector<2000x1xi1> to vector<2000x1xi1>
    %broadcast_in_dim3A_109 = vector.broadcast %broadcast_in_dim3A_108 : vector<2000x1xi1> to vector<2000x128xi1>
    %broadcast_in_dim3A_110 = vector.broadcast %jit3A_107 : f32 to vector<2000x128xf32>
    %select_n3A_111 = arith.select %broadcast_in_dim3A_109, %max3A_5, %broadcast_in_dim3A_110 : vector<2000x128xi1>, vector<2000x128xf32>
    %reduce_max3A_112 = arith.constant dense<0xFF800000> : vector<128xf32>
    %reduce_max3A_113 = vector.multi_reduction <maximumf>, %select_n3A_111, %reduce_max3A_112 [0] : vector<2000x128xf32> to vector<128xf32>
    %get3A_114 = arith.constant 5 : index
    %get3A_115 = arith.constant 0 : index
    %get3A_116 = vector.load %arg6[%get3A_114, %get3A_115] : memref<64x128xf32, #tpu.memory_space<vmem>>, vector<1x128xf32>
    %get3A_117 = vector.shape_cast %get3A_116 : vector<1x128xf32> to vector<128xf32>
    %max3A_118 = arith.maximumf %get3A_117, %reduce_max3A_113 : vector<128xf32>
    %swap3A_119 = arith.constant 5 : index
    %swap3A_120 = arith.constant 0 : index
    %swap3A_121 = vector.load %arg6[%swap3A_119, %swap3A_120] : memref<64x128xf32, #tpu.memory_space<vmem>>, vector<1x128xf32>
    %swap3A_122 = vector.shape_cast %swap3A_121 : vector<1x128xf32> to vector<128xf32>
    %swap3A_123 = vector.shape_cast %max3A_118 : vector<128xf32> to vector<1x128xf32>
    tpu.vector_store %arg6[%swap3A_119, %swap3A_120], %swap3A_123 {strides = array<i32>} : memref<64x128xf32, #tpu.memory_space<vmem>>, vector<1x128xf32>,
    %eq3A_124 = arith.constant 6 : i32
    %eq3A_125 = vector.broadcast %eq3A_124 : i32 to vector<2000x1xi32>
    %eq3A_126 = arith.cmpi eq, %get3A_8, %eq3A_125 : vector<2000x1xi32>
    %jit3A_127 = arith.constant 0xFF800000 : f32
    %broadcast_in_dim3A_128 = vector.shape_cast %eq3A_126 : vector<2000x1xi1> to vector<2000x1xi1>
    %broadcast_in_dim3A_129 = vector.broadcast %broadcast_in_dim3A_128 : vector<2000x1xi1> to vector<2000x128xi1>
    %broadcast_in_dim3A_130 = vector.broadcast %jit3A_127 : f32 to vector<2000x128xf32>
    %select_n3A_131 = arith.select %broadcast_in_dim3A_129, %max3A_5, %broadcast_in_dim3A_130 : vector<2000x128xi1>, vector<2000x128xf32>
    %reduce_max3A_132 = arith.constant dense<0xFF800000> : vector<128xf32>
    %reduce_max3A_133 = vector.multi_reduction <maximumf>, %select_n3A_131, %reduce_max3A_132 [0] : vector<2000x128xf32> to vector<128xf32>
    %get3A_134 = arith.constant 6 : index
    %get3A_135 = arith.constant 0 : index
    %get3A_136 = vector.load %arg6[%get3A_134, %get3A_135] : memref<64x128xf32, #tpu.memory_space<vmem>>, vector<1x128xf32>
    %get3A_137 = vector.shape_cast %get3A_136 : vector<1x128xf32> to vector<128xf32>
    %max3A_138 = arith.maximumf %get3A_137, %reduce_max3A_133 : vector<128xf32>
    %swap3A_139 = arith.constant 6 : index
    %swap3A_140 = arith.constant 0 : index
    %swap3A_141 = vector.load %arg6[%swap3A_139, %swap3A_140] : memref<64x128xf32, #tpu.memory_space<vmem>>, vector<1x128xf32>
    %swap3A_142 = vector.shape_cast %swap3A_141 : vector<1x128xf32> to vector<128xf32>
    %swap3A_143 = vector.shape_cast %max3A_138 : vector<128xf32> to vector<1x128xf32>
    tpu.vector_store %arg6[%swap3A_139, %swap3A_140], %swap3A_143 {strides = array<i32>} : memref<64x128xf32, #tpu.memory_space<vmem>>, vector<1x128xf32>,
    %eq3A_144 = arith.constant 7 : i32
    %eq3A_145 = vector.broadcast %eq3A_144 : i32 to vector<2000x1xi32>
    %eq3A_146 = arith.cmpi eq, %get3A_8, %eq3A_145 : vector<2000x1xi32>
    %jit3A_147 = arith.constant 0xFF800000 : f32
    %broadcast_in_dim3A_148 = vector.shape_cast %eq3A_146 : vector<2000x1xi1> to vector<2000x1xi1>
    %broadcast_in_dim3A_149 = vector.broadcast %broadcast_in_dim3A_148 : vector<2000x1xi1> to vector<2000x128xi1>
    %broadcast_in_dim3A_150 = vector.broadcast %jit3A_147 : f32 to vector<2000x128xf32>
    %select_n3A_151 = arith.select %broadcast_in_dim3A_149, %max3A_5, %broadcast_in_dim3A_150 : vector<2000x128xi1>, vector<2000x128xf32>
    %reduce_max3A_152 = arith.constant dense<0xFF800000> : vector<128xf32>
    %reduce_max3A_153 = vector.multi_reduction <maximumf>, %select_n3A_151, %reduce_max3A_152 [0] : vector<2000x128xf32> to vector<128xf32>
    %get3A_154 = arith.constant 7 : index
    %get3A_155 = arith.constant 0 : index
    %get3A_156 = vector.load %arg6[%get3A_154, %get3A_155] : memref<64x128xf32, #tpu.memory_space<vmem>>, vector<1x128xf32>
    %get3A_157 = vector.shape_cast %get3A_156 : vector<1x128xf32> to vector<128xf32>
    %max3A_158 = arith.maximumf %get3A_157, %reduce_max3A_153 : vector<128xf32>
    %swap3A_159 = arith.constant 7 : index
    %swap3A_160 = arith.constant 0 : index
    %swap3A_161 = vector.load %arg6[%swap3A_159, %swap3A_160] : memref<64x128xf32, #tpu.memory_space<vmem>>, vector<1x128xf32>
    %swap3A_162 = vector.shape_cast %swap3A_161 : vector<1x128xf32> to vector<128xf32>
    %swap3A_163 = vector.shape_cast %max3A_158 : vector<128xf32> to vector<1x128xf32>
    tpu.vector_store %arg6[%swap3A_159, %swap3A_160], %swap3A_163 {strides = array<i32>} : memref<64x128xf32, #tpu.memory_space<vmem>>, vector<1x128xf32>,
    %eq3A_164 = arith.constant 8 : i32
    %eq3A_165 = vector.broadcast %eq3A_164 : i32 to vector<2000x1xi32>
    %eq3A_166 = arith.cmpi eq, %get3A_8, %eq3A_165 : vector<2000x1xi32>
    %jit3A_167 = arith.constant 0xFF800000 : f32
    %broadcast_in_dim3A_168 = vector.shape_cast %eq3A_166 : vector<2000x1xi1> to vector<2000x1xi1>
    %broadcast_in_dim3A_169 = vector.broadcast %broadcast_in_dim3A_168 : vector<2000x1xi1> to vector<2000x128xi1>
    %broadcast_in_dim3A_170 = vector.broadcast %jit3A_167 : f32 to vector<2000x128xf32>
    %select_n3A_171 = arith.select %broadcast_in_dim3A_169, %max3A_5, %broadcast_in_dim3A_170 : vector<2000x128xi1>, vector<2000x128xf32>
    %reduce_max3A_172 = arith.constant dense<0xFF800000> : vector<128xf32>
    %reduce_max3A_173 = vector.multi_reduction <maximumf>, %select_n3A_171, %reduce_max3A_172 [0] : vector<2000x128xf32> to vector<128xf32>
    %get3A_174 = arith.constant 8 : index
    %get3A_175 = arith.constant 0 : index
    %get3A_176 = vector.load %arg6[%get3A_174, %get3A_175] : memref<64x128xf32, #tpu.memory_space<vmem>>, vector<1x128xf32>
    %get3A_177 = vector.shape_cast %get3A_176 : vector<1x128xf32> to vector<128xf32>
    %max3A_178 = arith.maximumf %get3A_177, %reduce_max3A_173 : vector<128xf32>
    %swap3A_179 = arith.constant 8 : index
    %swap3A_180 = arith.constant 0 : index
    %swap3A_181 = vector.load %arg6[%swap3A_179, %swap3A_180] : memref<64x128xf32, #tpu.memory_space<vmem>>, vector<1x128xf32>
    %swap3A_182 = vector.shape_cast %swap3A_181 : vector<1x128xf32> to vector<128xf32>
    %swap3A_183 = vector.shape_cast %max3A_178 : vector<128xf32> to vector<1x128xf32>
    tpu.vector_store %arg6[%swap3A_179, %swap3A_180], %swap3A_183 {strides = array<i32>} : memref<64x128xf32, #tpu.memory_space<vmem>>, vector<1x128xf32>,
    %eq3A_184 = arith.constant 9 : i32
    %eq3A_185 = vector.broadcast %eq3A_184 : i32 to vector<2000x1xi32>
    %eq3A_186 = arith.cmpi eq, %get3A_8, %eq3A_185 : vector<2000x1xi32>
    %jit3A_187 = arith.constant 0xFF800000 : f32
    %broadcast_in_dim3A_188 = vector.shape_cast %eq3A_186 : vector<2000x1xi1> to vector<2000x1xi1>
    %broadcast_in_dim3A_189 = vector.broadcast %broadcast_in_dim3A_188 : vector<2000x1xi1> to vector<2000x128xi1>
    %broadcast_in_dim3A_190 = vector.broadcast %jit3A_187 : f32 to vector<2000x128xf32>
    %select_n3A_191 = arith.select %broadcast_in_dim3A_189, %max3A_5, %broadcast_in_dim3A_190 : vector<2000x128xi1>, vector<2000x128xf32>
    %reduce_max3A_192 = arith.constant dense<0xFF800000> : vector<128xf32>
    %reduce_max3A_193 = vector.multi_reduction <maximumf>, %select_n3A_191, %reduce_max3A_192 [0] : vector<2000x128xf32> to vector<128xf32>
    %get3A_194 = arith.constant 9 : index
    %get3A_195 = arith.constant 0 : index
    %get3A_196 = vector.load %arg6[%get3A_194, %get3A_195] : memref<64x128xf32, #tpu.memory_space<vmem>>, vector<1x128xf32>
    %get3A_197 = vector.shape_cast %get3A_196 : vector<1x128xf32> to vector<128xf32>
    %max3A_198 = arith.maximumf %get3A_197, %reduce_max3A_193 : vector<128xf32>
    %swap3A_199 = arith.constant 9 : index
    %swap3A_200 = arith.constant 0 : index
    %swap3A_201 = vector.load %arg6[%swap3A_199, %swap3A_200] : memref<64x128xf32, #tpu.memory_space<vmem>>, vector<1x128xf32>
    %swap3A_202 = vector.shape_cast %swap3A_201 : vector<1x128xf32> to vector<128xf32>
    %swap3A_203 = vector.shape_cast %max3A_198 : vector<128xf32> to vector<1x128xf32>
    tpu.vector_store %arg6[%swap3A_199, %swap3A_200], %swap3A_203 {strides = array<i32>} : memref<64x128xf32, #tpu.memory_space<vmem>>, vector<1x128xf32>,
    %eq3A_204 = arith.constant 10 : i32
    %eq3A_205 = vector.broadcast %eq3A_204 : i32 to vector<2000x1xi32>
    %eq3A_206 = arith.cmpi eq, %get3A_8, %eq3A_205 : vector<2000x1xi32>
    %jit3A_207 = arith.constant 0xFF800000 : f32
    %broadcast_in_dim3A_208 = vector.shape_cast %eq3A_206 : vector<2000x1xi1> to vector<2000x1xi1>
    %broadcast_in_dim3A_209 = vector.broadcast %broadcast_in_dim3A_208 : vector<2000x1xi1> to vector<2000x128xi1>
    %broadcast_in_dim3A_210 = vector.broadcast %jit3A_207 : f32 to vector<2000x128xf32>
    %select_n3A_211 = arith.select %broadcast_in_dim3A_209, %max3A_5, %broadcast_in_dim3A_210 : vector<2000x128xi1>, vector<2000x128xf32>
    %reduce_max3A_212 = arith.constant dense<0xFF800000> : vector<128xf32>
    %reduce_max3A_213 = vector.multi_reduction <maximumf>, %select_n3A_211, %reduce_max3A_212 [0] : vector<2000x128xf32> to vector<128xf32>
    %get3A_214 = arith.constant 10 : index
    %get3A_215 = arith.constant 0 : index
    %get3A_216 = vector.load %arg6[%get3A_214, %get3A_215] : memref<64x128xf32, #tpu.memory_space<vmem>>, vector<1x128xf32>
    %get3A_217 = vector.shape_cast %get3A_216 : vector<1x128xf32> to vector<128xf32>
    %max3A_218 = arith.maximumf %get3A_217, %reduce_max3A_213 : vector<128xf32>
    %swap3A_219 = arith.constant 10 : index
    %swap3A_220 = arith.constant 0 : index
    %swap3A_221 = vector.load %arg6[%swap3A_219, %swap3A_220] : memref<64x128xf32, #tpu.memory_space<vmem>>, vector<1x128xf32>
    %swap3A_222 = vector.shape_cast %swap3A_221 : vector<1x128xf32> to vector<128xf32>
    %swap3A_223 = vector.shape_cast %max3A_218 : vector<128xf32> to vector<1x128xf32>
    tpu.vector_store %arg6[%swap3A_219, %swap3A_220], %swap3A_223 {strides = array<i32>} : memref<64x128xf32, #tpu.memory_space<vmem>>, vector<1x128xf32>,
    %eq3A_224 = arith.constant 11 : i32
    %eq3A_225 = vector.broadcast %eq3A_224 : i32 to vector<2000x1xi32>
    %eq3A_226 = arith.cmpi eq, %get3A_8, %eq3A_225 : vector<2000x1xi32>
    %jit3A_227 = arith.constant 0xFF800000 : f32
    %broadcast_in_dim3A_228 = vector.shape_cast %eq3A_226 : vector<2000x1xi1> to vector<2000x1xi1>
    %broadcast_in_dim3A_229 = vector.broadcast %broadcast_in_dim3A_228 : vector<2000x1xi1> to vector<2000x128xi1>
    %broadcast_in_dim3A_230 = vector.broadcast %jit3A_227 : f32 to vector<2000x128xf32>
    %select_n3A_231 = arith.select %broadcast_in_dim3A_229, %max3A_5, %broadcast_in_dim3A_230 : vector<2000x128xi1>, vector<2000x128xf32>
    %reduce_max3A_232 = arith.constant dense<0xFF800000> : vector<128xf32>
    %reduce_max3A_233 = vector.multi_reduction <maximumf>, %select_n3A_231, %reduce_max3A_232 [0] : vector<2000x128xf32> to vector<128xf32>
    %get3A_234 = arith.constant 11 : index
    %get3A_235 = arith.constant 0 : index
    %get3A_236 = vector.load %arg6[%get3A_234, %get3A_235] : memref<64x128xf32, #tpu.memory_space<vmem>>, vector<1x128xf32>
    %get3A_237 = vector.shape_cast %get3A_236 : vector<1x128xf32> to vector<128xf32>
    %max3A_238 = arith.maximumf %get3A_237, %reduce_max3A_233 : vector<128xf32>
    %swap3A_239 = arith.constant 11 : index
    %swap3A_240 = arith.constant 0 : index
    %swap3A_241 = vector.load %arg6[%swap3A_239, %swap3A_240] : memref<64x128xf32, #tpu.memory_space<vmem>>, vector<1x128xf32>
    %swap3A_242 = vector.shape_cast %swap3A_241 : vector<1x128xf32> to vector<128xf32>
    %swap3A_243 = vector.shape_cast %max3A_238 : vector<128xf32> to vector<1x128xf32>
    tpu.vector_store %arg6[%swap3A_239, %swap3A_240], %swap3A_243 {strides = array<i32>} : memref<64x128xf32, #tpu.memory_space<vmem>>, vector<1x128xf32>,
    %eq3A_244 = arith.constant 12 : i32
    %eq3A_245 = vector.broadcast %eq3A_244 : i32 to vector<2000x1xi32>
    %eq3A_246 = arith.cmpi eq, %get3A_8, %eq3A_245 : vector<2000x1xi32>
    %jit3A_247 = arith.constant 0xFF800000 : f32
    %broadcast_in_dim3A_248 = vector.shape_cast %eq3A_246 : vector<2000x1xi1> to vector<2000x1xi1>
    %broadcast_in_dim3A_249 = vector.broadcast %broadcast_in_dim3A_248 : vector<2000x1xi1> to vector<2000x128xi1>
    %broadcast_in_dim3A_250 = vector.broadcast %jit3A_247 : f32 to vector<2000x128xf32>
    %select_n3A_251 = arith.select %broadcast_in_dim3A_249, %max3A_5, %broadcast_in_dim3A_250 : vector<2000x128xi1>, vector<2000x128xf32>
    %reduce_max3A_252 = arith.constant dense<0xFF800000> : vector<128xf32>
    %reduce_max3A_253 = vector.multi_reduction <maximumf>, %select_n3A_251, %reduce_max3A_252 [0] : vector<2000x128xf32> to vector<128xf32>
    %get3A_254 = arith.constant 12 : index
    %get3A_255 = arith.constant 0 : index
    %get3A_256 = vector.load %arg6[%get3A_254, %get3A_255] : memref<64x128xf32, #tpu.memory_space<vmem>>, vector<1x128xf32>
    %get3A_257 = vector.shape_cast %get3A_256 : vector<1x128xf32> to vector<128xf32>
    %max3A_258 = arith.maximumf %get3A_257, %reduce_max3A_253 : vector<128xf32>
    %swap3A_259 = arith.constant 12 : index
    %swap3A_260 = arith.constant 0 : index
    %swap3A_261 = vector.load %arg6[%swap3A_259, %swap3A_260] : memref<64x128xf32, #tpu.memory_space<vmem>>, vector<1x128xf32>
    %swap3A_262 = vector.shape_cast %swap3A_261 : vector<1x128xf32> to vector<128xf32>
    %swap3A_263 = vector.shape_cast %max3A_258 : vector<128xf32> to vector<1x128xf32>
    tpu.vector_store %arg6[%swap3A_259, %swap3A_260], %swap3A_263 {strides = array<i32>} : memref<64x128xf32, #tpu.memory_space<vmem>>, vector<1x128xf32>,
    %eq3A_264 = arith.constant 13 : i32
    %eq3A_265 = vector.broadcast %eq3A_264 : i32 to vector<2000x1xi32>
    %eq3A_266 = arith.cmpi eq, %get3A_8, %eq3A_265 : vector<2000x1xi32>
    %jit3A_267 = arith.constant 0xFF800000 : f32
    %broadcast_in_dim3A_268 = vector.shape_cast %eq3A_266 : vector<2000x1xi1> to vector<2000x1xi1>
    %broadcast_in_dim3A_269 = vector.broadcast %broadcast_in_dim3A_268 : vector<2000x1xi1> to vector<2000x128xi1>
    %broadcast_in_dim3A_270 = vector.broadcast %jit3A_267 : f32 to vector<2000x128xf32>
    %select_n3A_271 = arith.select %broadcast_in_dim3A_269, %max3A_5, %broadcast_in_dim3A_270 : vector<2000x128xi1>, vector<2000x128xf32>
    %reduce_max3A_272 = arith.constant dense<0xFF800000> : vector<128xf32>
    %reduce_max3A_273 = vector.multi_reduction <maximumf>, %select_n3A_271, %reduce_max3A_272 [0] : vector<2000x128xf32> to vector<128xf32>
    %get3A_274 = arith.constant 13 : index
    %get3A_275 = arith.constant 0 : index
    %get3A_276 = vector.load %arg6[%get3A_274, %get3A_275] : memref<64x128xf32, #tpu.memory_space<vmem>>, vector<1x128xf32>
    %get3A_277 = vector.shape_cast %get3A_276 : vector<1x128xf32> to vector<128xf32>
    %max3A_278 = arith.maximumf %get3A_277, %reduce_max3A_273 : vector<128xf32>
    %swap3A_279 = arith.constant 13 : index
    %swap3A_280 = arith.constant 0 : index
    %swap3A_281 = vector.load %arg6[%swap3A_279, %swap3A_280] : memref<64x128xf32, #tpu.memory_space<vmem>>, vector<1x128xf32>
    %swap3A_282 = vector.shape_cast %swap3A_281 : vector<1x128xf32> to vector<128xf32>
    %swap3A_283 = vector.shape_cast %max3A_278 : vector<128xf32> to vector<1x128xf32>
    tpu.vector_store %arg6[%swap3A_279, %swap3A_280], %swap3A_283 {strides = array<i32>} : memref<64x128xf32, #tpu.memory_space<vmem>>, vector<1x128xf32>,
    %eq3A_284 = arith.constant 14 : i32
    %eq3A_285 = vector.broadcast %eq3A_284 : i32 to vector<2000x1xi32>
    %eq3A_286 = arith.cmpi eq, %get3A_8, %eq3A_285 : vector<2000x1xi32>
    %jit3A_287 = arith.constant 0xFF800000 : f32
    %broadcast_in_dim3A_288 = vector.shape_cast %eq3A_286 : vector<2000x1xi1> to vector<2000x1xi1>
    %broadcast_in_dim3A_289 = vector.broadcast %broadcast_in_dim3A_288 : vector<2000x1xi1> to vector<2000x128xi1>
    %broadcast_in_dim3A_290 = vector.broadcast %jit3A_287 : f32 to vector<2000x128xf32>
    %select_n3A_291 = arith.select %broadcast_in_dim3A_289, %max3A_5, %broadcast_in_dim3A_290 : vector<2000x128xi1>, vector<2000x128xf32>
    %reduce_max3A_292 = arith.constant dense<0xFF800000> : vector<128xf32>
    %reduce_max3A_293 = vector.multi_reduction <maximumf>, %select_n3A_291, %reduce_max3A_292 [0] : vector<2000x128xf32> to vector<128xf32>
    %get3A_294 = arith.constant 14 : index
    %get3A_295 = arith.constant 0 : index
    %get3A_296 = vector.load %arg6[%get3A_294, %get3A_295] : memref<64x128xf32, #tpu.memory_space<vmem>>, vector<1x128xf32>
    %get3A_297 = vector.shape_cast %get3A_296 : vector<1x128xf32> to vector<128xf32>
    %max3A_298 = arith.maximumf %get3A_297, %reduce_max3A_293 : vector<128xf32>
    %swap3A_299 = arith.constant 14 : index
    %swap3A_300 = arith.constant 0 : index
    %swap3A_301 = vector.load %arg6[%swap3A_299, %swap3A_300] : memref<64x128xf32, #tpu.memory_space<vmem>>, vector<1x128xf32>
    %swap3A_302 = vector.shape_cast %swap3A_301 : vector<1x128xf32> to vector<128xf32>
    %swap3A_303 = vector.shape_cast %max3A_298 : vector<128xf32> to vector<1x128xf32>
    tpu.vector_store %arg6[%swap3A_299, %swap3A_300], %swap3A_303 {strides = array<i32>} : memref<64x128xf32, #tpu.memory_space<vmem>>, vector<1x128xf32>,
    %eq3A_304 = arith.constant 15 : i32
    %eq3A_305 = vector.broadcast %eq3A_304 : i32 to vector<2000x1xi32>
    %eq3A_306 = arith.cmpi eq, %get3A_8, %eq3A_305 : vector<2000x1xi32>
    %jit3A_307 = arith.constant 0xFF800000 : f32
    %broadcast_in_dim3A_308 = vector.shape_cast %eq3A_306 : vector<2000x1xi1> to vector<2000x1xi1>
    %broadcast_in_dim3A_309 = vector.broadcast %broadcast_in_dim3A_308 : vector<2000x1xi1> to vector<2000x128xi1>
    %broadcast_in_dim3A_310 = vector.broadcast %jit3A_307 : f32 to vector<2000x128xf32>
    %select_n3A_311 = arith.select %broadcast_in_dim3A_309, %max3A_5, %broadcast_in_dim3A_310 : vector<2000x128xi1>, vector<2000x128xf32>
    %reduce_max3A_312 = arith.constant dense<0xFF800000> : vector<128xf32>
    %reduce_max3A_313 = vector.multi_reduction <maximumf>, %select_n3A_311, %reduce_max3A_312 [0] : vector<2000x128xf32> to vector<128xf32>
    %get3A_314 = arith.constant 15 : index
    %get3A_315 = arith.constant 0 : index
    %get3A_316 = vector.load %arg6[%get3A_314, %get3A_315] : memref<64x128xf32, #tpu.memory_space<vmem>>, vector<1x128xf32>
    %get3A_317 = vector.shape_cast %get3A_316 : vector<1x128xf32> to vector<128xf32>
    %max3A_318 = arith.maximumf %get3A_317, %reduce_max3A_313 : vector<128xf32>
    %swap3A_319 = arith.constant 15 : index
    %swap3A_320 = arith.constant 0 : index
    %swap3A_321 = vector.load %arg6[%swap3A_319, %swap3A_320] : memref<64x128xf32, #tpu.memory_space<vmem>>, vector<1x128xf32>
    %swap3A_322 = vector.shape_cast %swap3A_321 : vector<1x128xf32> to vector<128xf32>
    %swap3A_323 = vector.shape_cast %max3A_318 : vector<128xf32> to vector<1x128xf32>
    tpu.vector_store %arg6[%swap3A_319, %swap3A_320], %swap3A_323 {strides = array<i32>} : memref<64x128xf32, #tpu.memory_space<vmem>>, vector<1x128xf32>,
    %eq3A_324 = arith.constant 16 : i32
    %eq3A_325 = vector.broadcast %eq3A_324 : i32 to vector<2000x1xi32>
    %eq3A_326 = arith.cmpi eq, %get3A_8, %eq3A_325 : vector<2000x1xi32>
    %jit3A_327 = arith.constant 0xFF800000 : f32
    %broadcast_in_dim3A_328 = vector.shape_cast %eq3A_326 : vector<2000x1xi1> to vector<2000x1xi1>
    %broadcast_in_dim3A_329 = vector.broadcast %broadcast_in_dim3A_328 : vector<2000x1xi1> to vector<2000x128xi1>
    %broadcast_in_dim3A_330 = vector.broadcast %jit3A_327 : f32 to vector<2000x128xf32>
    %select_n3A_331 = arith.select %broadcast_in_dim3A_329, %max3A_5, %broadcast_in_dim3A_330 : vector<2000x128xi1>, vector<2000x128xf32>
    %reduce_max3A_332 = arith.constant dense<0xFF800000> : vector<128xf32>
    %reduce_max3A_333 = vector.multi_reduction <maximumf>, %select_n3A_331, %reduce_max3A_332 [0] : vector<2000x128xf32> to vector<128xf32>
    %get3A_334 = arith.constant 16 : index
    %get3A_335 = arith.constant 0 : index
    %get3A_336 = vector.load %arg6[%get3A_334, %get3A_335] : memref<64x128xf32, #tpu.memory_space<vmem>>, vector<1x128xf32>
    %get3A_337 = vector.shape_cast %get3A_336 : vector<1x128xf32> to vector<128xf32>
    %max3A_338 = arith.maximumf %get3A_337, %reduce_max3A_333 : vector<128xf32>
    %swap3A_339 = arith.constant 16 : index
    %swap3A_340 = arith.constant 0 : index
    %swap3A_341 = vector.load %arg6[%swap3A_339, %swap3A_340] : memref<64x128xf32, #tpu.memory_space<vmem>>, vector<1x128xf32>
    %swap3A_342 = vector.shape_cast %swap3A_341 : vector<1x128xf32> to vector<128xf32>
    %swap3A_343 = vector.shape_cast %max3A_338 : vector<128xf32> to vector<1x128xf32>
    tpu.vector_store %arg6[%swap3A_339, %swap3A_340], %swap3A_343 {strides = array<i32>} : memref<64x128xf32, #tpu.memory_space<vmem>>, vector<1x128xf32>,
    %eq3A_344 = arith.constant 17 : i32
    %eq3A_345 = vector.broadcast %eq3A_344 : i32 to vector<2000x1xi32>
    %eq3A_346 = arith.cmpi eq, %get3A_8, %eq3A_345 : vector<2000x1xi32>
    %jit3A_347 = arith.constant 0xFF800000 : f32
    %broadcast_in_dim3A_348 = vector.shape_cast %eq3A_346 : vector<2000x1xi1> to vector<2000x1xi1>
    %broadcast_in_dim3A_349 = vector.broadcast %broadcast_in_dim3A_348 : vector<2000x1xi1> to vector<2000x128xi1>
    %broadcast_in_dim3A_350 = vector.broadcast %jit3A_347 : f32 to vector<2000x128xf32>
    %select_n3A_351 = arith.select %broadcast_in_dim3A_349, %max3A_5, %broadcast_in_dim3A_350 : vector<2000x128xi1>, vector<2000x128xf32>
    %reduce_max3A_352 = arith.constant dense<0xFF800000> : vector<128xf32>
    %reduce_max3A_353 = vector.multi_reduction <maximumf>, %select_n3A_351, %reduce_max3A_352 [0] : vector<2000x128xf32> to vector<128xf32>
    %get3A_354 = arith.constant 17 : index
    %get3A_355 = arith.constant 0 : index
    %get3A_356 = vector.load %arg6[%get3A_354, %get3A_355] : memref<64x128xf32, #tpu.memory_space<vmem>>, vector<1x128xf32>
    %get3A_357 = vector.shape_cast %get3A_356 : vector<1x128xf32> to vector<128xf32>
    %max3A_358 = arith.maximumf %get3A_357, %reduce_max3A_353 : vector<128xf32>
    %swap3A_359 = arith.constant 17 : index
    %swap3A_360 = arith.constant 0 : index
    %swap3A_361 = vector.load %arg6[%swap3A_359, %swap3A_360] : memref<64x128xf32, #tpu.memory_space<vmem>>, vector<1x128xf32>
    %swap3A_362 = vector.shape_cast %swap3A_361 : vector<1x128xf32> to vector<128xf32>
    %swap3A_363 = vector.shape_cast %max3A_358 : vector<128xf32> to vector<1x128xf32>
    tpu.vector_store %arg6[%swap3A_359, %swap3A_360], %swap3A_363 {strides = array<i32>} : memref<64x128xf32, #tpu.memory_space<vmem>>, vector<1x128xf32>,
    %eq3A_364 = arith.constant 18 : i32
    %eq3A_365 = vector.broadcast %eq3A_364 : i32 to vector<2000x1xi32>
    %eq3A_366 = arith.cmpi eq, %get3A_8, %eq3A_365 : vector<2000x1xi32>
    %jit3A_367 = arith.constant 0xFF800000 : f32
    %broadcast_in_dim3A_368 = vector.shape_cast %eq3A_366 : vector<2000x1xi1> to vector<2000x1xi1>
    %broadcast_in_dim3A_369 = vector.broadcast %broadcast_in_dim3A_368 : vector<2000x1xi1> to vector<2000x128xi1>
    %broadcast_in_dim3A_370 = vector.broadcast %jit3A_367 : f32 to vector<2000x128xf32>
    %select_n3A_371 = arith.select %broadcast_in_dim3A_369, %max3A_5, %broadcast_in_dim3A_370 : vector<2000x128xi1>, vector<2000x128xf32>
    %reduce_max3A_372 = arith.constant dense<0xFF800000> : vector<128xf32>
    %reduce_max3A_373 = vector.multi_reduction <maximumf>, %select_n3A_371, %reduce_max3A_372 [0] : vector<2000x128xf32> to vector<128xf32>
    %get3A_374 = arith.constant 18 : index
    %get3A_375 = arith.constant 0 : index
    %get3A_376 = vector.load %arg6[%get3A_374, %get3A_375] : memref<64x128xf32, #tpu.memory_space<vmem>>, vector<1x128xf32>
    %get3A_377 = vector.shape_cast %get3A_376 : vector<1x128xf32> to vector<128xf32>
    %max3A_378 = arith.maximumf %get3A_377, %reduce_max3A_373 : vector<128xf32>
    %swap3A_379 = arith.constant 18 : index
    %swap3A_380 = arith.constant 0 : index
    %swap3A_381 = vector.load %arg6[%swap3A_379, %swap3A_380] : memref<64x128xf32, #tpu.memory_space<vmem>>, vector<1x128xf32>
    %swap3A_382 = vector.shape_cast %swap3A_381 : vector<1x128xf32> to vector<128xf32>
    %swap3A_383 = vector.shape_cast %max3A_378 : vector<128xf32> to vector<1x128xf32>
    tpu.vector_store %arg6[%swap3A_379, %swap3A_380], %swap3A_383 {strides = array<i32>} : memref<64x128xf32, #tpu.memory_space<vmem>>, vector<1x128xf32>,
    %eq3A_384 = arith.constant 19 : i32
    %eq3A_385 = vector.broadcast %eq3A_384 : i32 to vector<2000x1xi32>
    %eq3A_386 = arith.cmpi eq, %get3A_8, %eq3A_385 : vector<2000x1xi32>
    %jit3A_387 = arith.constant 0xFF800000 : f32
    %broadcast_in_dim3A_388 = vector.shape_cast %eq3A_386 : vector<2000x1xi1> to vector<2000x1xi1>
    %broadcast_in_dim3A_389 = vector.broadcast %broadcast_in_dim3A_388 : vector<2000x1xi1> to vector<2000x128xi1>
    %broadcast_in_dim3A_390 = vector.broadcast %jit3A_387 : f32 to vector<2000x128xf32>
    %select_n3A_391 = arith.select %broadcast_in_dim3A_389, %max3A_5, %broadcast_in_dim3A_390 : vector<2000x128xi1>, vector<2000x128xf32>
    %reduce_max3A_392 = arith.constant dense<0xFF800000> : vector<128xf32>
    %reduce_max3A_393 = vector.multi_reduction <maximumf>, %select_n3A_391, %reduce_max3A_392 [0] : vector<2000x128xf32> to vector<128xf32>
    %get3A_394 = arith.constant 19 : index
    %get3A_395 = arith.constant 0 : index
    %get3A_396 = vector.load %arg6[%get3A_394, %get3A_395] : memref<64x128xf32, #tpu.memory_space<vmem>>, vector<1x128xf32>
    %get3A_397 = vector.shape_cast %get3A_396 : vector<1x128xf32> to vector<128xf32>
    %max3A_398 = arith.maximumf %get3A_397, %reduce_max3A_393 : vector<128xf32>
    %swap3A_399 = arith.constant 19 : index
    %swap3A_400 = arith.constant 0 : index
    %swap3A_401 = vector.load %arg6[%swap3A_399, %swap3A_400] : memref<64x128xf32, #tpu.memory_space<vmem>>, vector<1x128xf32>
    %swap3A_402 = vector.shape_cast %swap3A_401 : vector<1x128xf32> to vector<128xf32>
    %swap3A_403 = vector.shape_cast %max3A_398 : vector<128xf32> to vector<1x128xf32>
    tpu.vector_store %arg6[%swap3A_399, %swap3A_400], %swap3A_403 {strides = array<i32>} : memref<64x128xf32, #tpu.memory_space<vmem>>, vector<1x128xf32>,
    %eq3A_404 = arith.constant 20 : i32
    %eq3A_405 = vector.broadcast %eq3A_404 : i32 to vector<2000x1xi32>
    %eq3A_406 = arith.cmpi eq, %get3A_8, %eq3A_405 : vector<2000x1xi32>
    %jit3A_407 = arith.constant 0xFF800000 : f32
    %broadcast_in_dim3A_408 = vector.shape_cast %eq3A_406 : vector<2000x1xi1> to vector<2000x1xi1>
    %broadcast_in_dim3A_409 = vector.broadcast %broadcast_in_dim3A_408 : vector<2000x1xi1> to vector<2000x128xi1>
    %broadcast_in_dim3A_410 = vector.broadcast %jit3A_407 : f32 to vector<2000x128xf32>
    %select_n3A_411 = arith.select %broadcast_in_dim3A_409, %max3A_5, %broadcast_in_dim3A_410 : vector<2000x128xi1>, vector<2000x128xf32>
    %reduce_max3A_412 = arith.constant dense<0xFF800000> : vector<128xf32>
    %reduce_max3A_413 = vector.multi_reduction <maximumf>, %select_n3A_411, %reduce_max3A_412 [0] : vector<2000x128xf32> to vector<128xf32>
    %get3A_414 = arith.constant 20 : index
    %get3A_415 = arith.constant 0 : index
    %get3A_416 = vector.load %arg6[%get3A_414, %get3A_415] : memref<64x128xf32, #tpu.memory_space<vmem>>, vector<1x128xf32>
    %get3A_417 = vector.shape_cast %get3A_416 : vector<1x128xf32> to vector<128xf32>
    %max3A_418 = arith.maximumf %get3A_417, %reduce_max3A_413 : vector<128xf32>
    %swap3A_419 = arith.constant 20 : index
    %swap3A_420 = arith.constant 0 : index
    %swap3A_421 = vector.load %arg6[%swap3A_419, %swap3A_420] : memref<64x128xf32, #tpu.memory_space<vmem>>, vector<1x128xf32>
    %swap3A_422 = vector.shape_cast %swap3A_421 : vector<1x128xf32> to vector<128xf32>
    %swap3A_423 = vector.shape_cast %max3A_418 : vector<128xf32> to vector<1x128xf32>
    tpu.vector_store %arg6[%swap3A_419, %swap3A_420], %swap3A_423 {strides = array<i32>} : memref<64x128xf32, #tpu.memory_space<vmem>>, vector<1x128xf32>,
    %eq3A_424 = arith.constant 21 : i32
    %eq3A_425 = vector.broadcast %eq3A_424 : i32 to vector<2000x1xi32>
    %eq3A_426 = arith.cmpi eq, %get3A_8, %eq3A_425 : vector<2000x1xi32>
    %jit3A_427 = arith.constant 0xFF800000 : f32
    %broadcast_in_dim3A_428 = vector.shape_cast %eq3A_426 : vector<2000x1xi1> to vector<2000x1xi1>
    %broadcast_in_dim3A_429 = vector.broadcast %broadcast_in_dim3A_428 : vector<2000x1xi1> to vector<2000x128xi1>
    %broadcast_in_dim3A_430 = vector.broadcast %jit3A_427 : f32 to vector<2000x128xf32>
    %select_n3A_431 = arith.select %broadcast_in_dim3A_429, %max3A_5, %broadcast_in_dim3A_430 : vector<2000x128xi1>, vector<2000x128xf32>
    %reduce_max3A_432 = arith.constant dense<0xFF800000> : vector<128xf32>
    %reduce_max3A_433 = vector.multi_reduction <maximumf>, %select_n3A_431, %reduce_max3A_432 [0] : vector<2000x128xf32> to vector<128xf32>
    %get3A_434 = arith.constant 21 : index
    %get3A_435 = arith.constant 0 : index
    %get3A_436 = vector.load %arg6[%get3A_434, %get3A_435] : memref<64x128xf32, #tpu.memory_space<vmem>>, vector<1x128xf32>
    %get3A_437 = vector.shape_cast %get3A_436 : vector<1x128xf32> to vector<128xf32>
    %max3A_438 = arith.maximumf %get3A_437, %reduce_max3A_433 : vector<128xf32>
    %swap3A_439 = arith.constant 21 : index
    %swap3A_440 = arith.constant 0 : index
    %swap3A_441 = vector.load %arg6[%swap3A_439, %swap3A_440] : memref<64x128xf32, #tpu.memory_space<vmem>>, vector<1x128xf32>
    %swap3A_442 = vector.shape_cast %swap3A_441 : vector<1x128xf32> to vector<128xf32>
    %swap3A_443 = vector.shape_cast %max3A_438 : vector<128xf32> to vector<1x128xf32>
    tpu.vector_store %arg6[%swap3A_439, %swap3A_440], %swap3A_443 {strides = array<i32>} : memref<64x128xf32, #tpu.memory_space<vmem>>, vector<1x128xf32>,
    %eq3A_444 = arith.constant 22 : i32
    %eq3A_445 = vector.broadcast %eq3A_444 : i32 to vector<2000x1xi32>
    %eq3A_446 = arith.cmpi eq, %get3A_8, %eq3A_445 : vector<2000x1xi32>
    %jit3A_447 = arith.constant 0xFF800000 : f32
    %broadcast_in_dim3A_448 = vector.shape_cast %eq3A_446 : vector<2000x1xi1> to vector<2000x1xi1>
    %broadcast_in_dim3A_449 = vector.broadcast %broadcast_in_dim3A_448 : vector<2000x1xi1> to vector<2000x128xi1>
    %broadcast_in_dim3A_450 = vector.broadcast %jit3A_447 : f32 to vector<2000x128xf32>
    %select_n3A_451 = arith.select %broadcast_in_dim3A_449, %max3A_5, %broadcast_in_dim3A_450 : vector<2000x128xi1>, vector<2000x128xf32>
    %reduce_max3A_452 = arith.constant dense<0xFF800000> : vector<128xf32>
    %reduce_max3A_453 = vector.multi_reduction <maximumf>, %select_n3A_451, %reduce_max3A_452 [0] : vector<2000x128xf32> to vector<128xf32>
    %get3A_454 = arith.constant 22 : index
    %get3A_455 = arith.constant 0 : index
    %get3A_456 = vector.load %arg6[%get3A_454, %get3A_455] : memref<64x128xf32, #tpu.memory_space<vmem>>, vector<1x128xf32>
    %get3A_457 = vector.shape_cast %get3A_456 : vector<1x128xf32> to vector<128xf32>
    %max3A_458 = arith.maximumf %get3A_457, %reduce_max3A_453 : vector<128xf32>
    %swap3A_459 = arith.constant 22 : index
    %swap3A_460 = arith.constant 0 : index
    %swap3A_461 = vector.load %arg6[%swap3A_459, %swap3A_460] : memref<64x128xf32, #tpu.memory_space<vmem>>, vector<1x128xf32>
    %swap3A_462 = vector.shape_cast %swap3A_461 : vector<1x128xf32> to vector<128xf32>
    %swap3A_463 = vector.shape_cast %max3A_458 : vector<128xf32> to vector<1x128xf32>
    tpu.vector_store %arg6[%swap3A_459, %swap3A_460], %swap3A_463 {strides = array<i32>} : memref<64x128xf32, #tpu.memory_space<vmem>>, vector<1x128xf32>,
    %eq3A_464 = arith.constant 23 : i32
    %eq3A_465 = vector.broadcast %eq3A_464 : i32 to vector<2000x1xi32>
    %eq3A_466 = arith.cmpi eq, %get3A_8, %eq3A_465 : vector<2000x1xi32>
    %jit3A_467 = arith.constant 0xFF800000 : f32
    %broadcast_in_dim3A_468 = vector.shape_cast %eq3A_466 : vector<2000x1xi1> to vector<2000x1xi1>
    %broadcast_in_dim3A_469 = vector.broadcast %broadcast_in_dim3A_468 : vector<2000x1xi1> to vector<2000x128xi1>
    %broadcast_in_dim3A_470 = vector.broadcast %jit3A_467 : f32 to vector<2000x128xf32>
    %select_n3A_471 = arith.select %broadcast_in_dim3A_469, %max3A_5, %broadcast_in_dim3A_470 : vector<2000x128xi1>, vector<2000x128xf32>
    %reduce_max3A_472 = arith.constant dense<0xFF800000> : vector<128xf32>
    %reduce_max3A_473 = vector.multi_reduction <maximumf>, %select_n3A_471, %reduce_max3A_472 [0] : vector<2000x128xf32> to vector<128xf32>
    %get3A_474 = arith.constant 23 : index
    %get3A_475 = arith.constant 0 : index
    %get3A_476 = vector.load %arg6[%get3A_474, %get3A_475] : memref<64x128xf32, #tpu.memory_space<vmem>>, vector<1x128xf32>
    %get3A_477 = vector.shape_cast %get3A_476 : vector<1x128xf32> to vector<128xf32>
    %max3A_478 = arith.maximumf %get3A_477, %reduce_max3A_473 : vector<128xf32>
    %swap3A_479 = arith.constant 23 : index
    %swap3A_480 = arith.constant 0 : index
    %swap3A_481 = vector.load %arg6[%swap3A_479, %swap3A_480] : memref<64x128xf32, #tpu.memory_space<vmem>>, vector<1x128xf32>
    %swap3A_482 = vector.shape_cast %swap3A_481 : vector<1x128xf32> to vector<128xf32>
    %swap3A_483 = vector.shape_cast %max3A_478 : vector<128xf32> to vector<1x128xf32>
    tpu.vector_store %arg6[%swap3A_479, %swap3A_480], %swap3A_483 {strides = array<i32>} : memref<64x128xf32, #tpu.memory_space<vmem>>, vector<1x128xf32>,
    %eq3A_484 = arith.constant 24 : i32
    %eq3A_485 = vector.broadcast %eq3A_484 : i32 to vector<2000x1xi32>
    %eq3A_486 = arith.cmpi eq, %get3A_8, %eq3A_485 : vector<2000x1xi32>
    %jit3A_487 = arith.constant 0xFF800000 : f32
    %broadcast_in_dim3A_488 = vector.shape_cast %eq3A_486 : vector<2000x1xi1> to vector<2000x1xi1>
    %broadcast_in_dim3A_489 = vector.broadcast %broadcast_in_dim3A_488 : vector<2000x1xi1> to vector<2000x128xi1>
    %broadcast_in_dim3A_490 = vector.broadcast %jit3A_487 : f32 to vector<2000x128xf32>
    %select_n3A_491 = arith.select %broadcast_in_dim3A_489, %max3A_5, %broadcast_in_dim3A_490 : vector<2000x128xi1>, vector<2000x128xf32>
    %reduce_max3A_492 = arith.constant dense<0xFF800000> : vector<128xf32>
    %reduce_max3A_493 = vector.multi_reduction <maximumf>, %select_n3A_491, %reduce_max3A_492 [0] : vector<2000x128xf32> to vector<128xf32>
    %get3A_494 = arith.constant 24 : index
    %get3A_495 = arith.constant 0 : index
    %get3A_496 = vector.load %arg6[%get3A_494, %get3A_495] : memref<64x128xf32, #tpu.memory_space<vmem>>, vector<1x128xf32>
    %get3A_497 = vector.shape_cast %get3A_496 : vector<1x128xf32> to vector<128xf32>
    %max3A_498 = arith.maximumf %get3A_497, %reduce_max3A_493 : vector<128xf32>
    %swap3A_499 = arith.constant 24 : index
    %swap3A_500 = arith.constant 0 : index
    %swap3A_501 = vector.load %arg6[%swap3A_499, %swap3A_500] : memref<64x128xf32, #tpu.memory_space<vmem>>, vector<1x128xf32>
    %swap3A_502 = vector.shape_cast %swap3A_501 : vector<1x128xf32> to vector<128xf32>
    %swap3A_503 = vector.shape_cast %max3A_498 : vector<128xf32> to vector<1x128xf32>
    tpu.vector_store %arg6[%swap3A_499, %swap3A_500], %swap3A_503 {strides = array<i32>} : memref<64x128xf32, #tpu.memory_space<vmem>>, vector<1x128xf32>,
    %eq3A_504 = arith.constant 25 : i32
    %eq3A_505 = vector.broadcast %eq3A_504 : i32 to vector<2000x1xi32>
    %eq3A_506 = arith.cmpi eq, %get3A_8, %eq3A_505 : vector<2000x1xi32>
    %jit3A_507 = arith.constant 0xFF800000 : f32
    %broadcast_in_dim3A_508 = vector.shape_cast %eq3A_506 : vector<2000x1xi1> to vector<2000x1xi1>
    %broadcast_in_dim3A_509 = vector.broadcast %broadcast_in_dim3A_508 : vector<2000x1xi1> to vector<2000x128xi1>
    %broadcast_in_dim3A_510 = vector.broadcast %jit3A_507 : f32 to vector<2000x128xf32>
    %select_n3A_511 = arith.select %broadcast_in_dim3A_509, %max3A_5, %broadcast_in_dim3A_510 : vector<2000x128xi1>, vector<2000x128xf32>
    %reduce_max3A_512 = arith.constant dense<0xFF800000> : vector<128xf32>
    %reduce_max3A_513 = vector.multi_reduction <maximumf>, %select_n3A_511, %reduce_max3A_512 [0] : vector<2000x128xf32> to vector<128xf32>
    %get3A_514 = arith.constant 25 : index
    %get3A_515 = arith.constant 0 : index
    %get3A_516 = vector.load %arg6[%get3A_514, %get3A_515] : memref<64x128xf32, #tpu.memory_space<vmem>>, vector<1x128xf32>
    %get3A_517 = vector.shape_cast %get3A_516 : vector<1x128xf32> to vector<128xf32>
    %max3A_518 = arith.maximumf %get3A_517, %reduce_max3A_513 : vector<128xf32>
    %swap3A_519 = arith.constant 25 : index
    %swap3A_520 = arith.constant 0 : index
    %swap3A_521 = vector.load %arg6[%swap3A_519, %swap3A_520] : memref<64x128xf32, #tpu.memory_space<vmem>>, vector<1x128xf32>
    %swap3A_522 = vector.shape_cast %swap3A_521 : vector<1x128xf32> to vector<128xf32>
    %swap3A_523 = vector.shape_cast %max3A_518 : vector<128xf32> to vector<1x128xf32>
    tpu.vector_store %arg6[%swap3A_519, %swap3A_520], %swap3A_523 {strides = array<i32>} : memref<64x128xf32, #tpu.memory_space<vmem>>, vector<1x128xf32>,
    %eq3A_524 = arith.constant 26 : i32
    %eq3A_525 = vector.broadcast %eq3A_524 : i32 to vector<2000x1xi32>
    %eq3A_526 = arith.cmpi eq, %get3A_8, %eq3A_525 : vector<2000x1xi32>
    %jit3A_527 = arith.constant 0xFF800000 : f32
    %broadcast_in_dim3A_528 = vector.shape_cast %eq3A_526 : vector<2000x1xi1> to vector<2000x1xi1>
    %broadcast_in_dim3A_529 = vector.broadcast %broadcast_in_dim3A_528 : vector<2000x1xi1> to vector<2000x128xi1>
    %broadcast_in_dim3A_530 = vector.broadcast %jit3A_527 : f32 to vector<2000x128xf32>
    %select_n3A_531 = arith.select %broadcast_in_dim3A_529, %max3A_5, %broadcast_in_dim3A_530 : vector<2000x128xi1>, vector<2000x128xf32>
    %reduce_max3A_532 = arith.constant dense<0xFF800000> : vector<128xf32>
    %reduce_max3A_533 = vector.multi_reduction <maximumf>, %select_n3A_531, %reduce_max3A_532 [0] : vector<2000x128xf32> to vector<128xf32>
    %get3A_534 = arith.constant 26 : index
    %get3A_535 = arith.constant 0 : index
    %get3A_536 = vector.load %arg6[%get3A_534, %get3A_535] : memref<64x128xf32, #tpu.memory_space<vmem>>, vector<1x128xf32>
    %get3A_537 = vector.shape_cast %get3A_536 : vector<1x128xf32> to vector<128xf32>
    %max3A_538 = arith.maximumf %get3A_537, %reduce_max3A_533 : vector<128xf32>
    %swap3A_539 = arith.constant 26 : index
    %swap3A_540 = arith.constant 0 : index
    %swap3A_541 = vector.load %arg6[%swap3A_539, %swap3A_540] : memref<64x128xf32, #tpu.memory_space<vmem>>, vector<1x128xf32>
    %swap3A_542 = vector.shape_cast %swap3A_541 : vector<1x128xf32> to vector<128xf32>
    %swap3A_543 = vector.shape_cast %max3A_538 : vector<128xf32> to vector<1x128xf32>
    tpu.vector_store %arg6[%swap3A_539, %swap3A_540], %swap3A_543 {strides = array<i32>} : memref<64x128xf32, #tpu.memory_space<vmem>>, vector<1x128xf32>,
    %eq3A_544 = arith.constant 27 : i32
    %eq3A_545 = vector.broadcast %eq3A_544 : i32 to vector<2000x1xi32>
    %eq3A_546 = arith.cmpi eq, %get3A_8, %eq3A_545 : vector<2000x1xi32>
    %jit3A_547 = arith.constant 0xFF800000 : f32
    %broadcast_in_dim3A_548 = vector.shape_cast %eq3A_546 : vector<2000x1xi1> to vector<2000x1xi1>
    %broadcast_in_dim3A_549 = vector.broadcast %broadcast_in_dim3A_548 : vector<2000x1xi1> to vector<2000x128xi1>
    %broadcast_in_dim3A_550 = vector.broadcast %jit3A_547 : f32 to vector<2000x128xf32>
    %select_n3A_551 = arith.select %broadcast_in_dim3A_549, %max3A_5, %broadcast_in_dim3A_550 : vector<2000x128xi1>, vector<2000x128xf32>
    %reduce_max3A_552 = arith.constant dense<0xFF800000> : vector<128xf32>
    %reduce_max3A_553 = vector.multi_reduction <maximumf>, %select_n3A_551, %reduce_max3A_552 [0] : vector<2000x128xf32> to vector<128xf32>
    %get3A_554 = arith.constant 27 : index
    %get3A_555 = arith.constant 0 : index
    %get3A_556 = vector.load %arg6[%get3A_554, %get3A_555] : memref<64x128xf32, #tpu.memory_space<vmem>>, vector<1x128xf32>
    %get3A_557 = vector.shape_cast %get3A_556 : vector<1x128xf32> to vector<128xf32>
    %max3A_558 = arith.maximumf %get3A_557, %reduce_max3A_553 : vector<128xf32>
    %swap3A_559 = arith.constant 27 : index
    %swap3A_560 = arith.constant 0 : index
    %swap3A_561 = vector.load %arg6[%swap3A_559, %swap3A_560] : memref<64x128xf32, #tpu.memory_space<vmem>>, vector<1x128xf32>
    %swap3A_562 = vector.shape_cast %swap3A_561 : vector<1x128xf32> to vector<128xf32>
    %swap3A_563 = vector.shape_cast %max3A_558 : vector<128xf32> to vector<1x128xf32>
    tpu.vector_store %arg6[%swap3A_559, %swap3A_560], %swap3A_563 {strides = array<i32>} : memref<64x128xf32, #tpu.memory_space<vmem>>, vector<1x128xf32>,
    %eq3A_564 = arith.constant 28 : i32
    %eq3A_565 = vector.broadcast %eq3A_564 : i32 to vector<2000x1xi32>
    %eq3A_566 = arith.cmpi eq, %get3A_8, %eq3A_565 : vector<2000x1xi32>
    %jit3A_567 = arith.constant 0xFF800000 : f32
    %broadcast_in_dim3A_568 = vector.shape_cast %eq3A_566 : vector<2000x1xi1> to vector<2000x1xi1>
    %broadcast_in_dim3A_569 = vector.broadcast %broadcast_in_dim3A_568 : vector<2000x1xi1> to vector<2000x128xi1>
    %broadcast_in_dim3A_570 = vector.broadcast %jit3A_567 : f32 to vector<2000x128xf32>
    %select_n3A_571 = arith.select %broadcast_in_dim3A_569, %max3A_5, %broadcast_in_dim3A_570 : vector<2000x128xi1>, vector<2000x128xf32>
    %reduce_max3A_572 = arith.constant dense<0xFF800000> : vector<128xf32>
    %reduce_max3A_573 = vector.multi_reduction <maximumf>, %select_n3A_571, %reduce_max3A_572 [0] : vector<2000x128xf32> to vector<128xf32>
    %get3A_574 = arith.constant 28 : index
    %get3A_575 = arith.constant 0 : index
    %get3A_576 = vector.load %arg6[%get3A_574, %get3A_575] : memref<64x128xf32, #tpu.memory_space<vmem>>, vector<1x128xf32>
    %get3A_577 = vector.shape_cast %get3A_576 : vector<1x128xf32> to vector<128xf32>
    %max3A_578 = arith.maximumf %get3A_577, %reduce_max3A_573 : vector<128xf32>
    %swap3A_579 = arith.constant 28 : index
    %swap3A_580 = arith.constant 0 : index
    %swap3A_581 = vector.load %arg6[%swap3A_579, %swap3A_580] : memref<64x128xf32, #tpu.memory_space<vmem>>, vector<1x128xf32>
    %swap3A_582 = vector.shape_cast %swap3A_581 : vector<1x128xf32> to vector<128xf32>
    %swap3A_583 = vector.shape_cast %max3A_578 : vector<128xf32> to vector<1x128xf32>
    tpu.vector_store %arg6[%swap3A_579, %swap3A_580], %swap3A_583 {strides = array<i32>} : memref<64x128xf32, #tpu.memory_space<vmem>>, vector<1x128xf32>,
    %eq3A_584 = arith.constant 29 : i32
    %eq3A_585 = vector.broadcast %eq3A_584 : i32 to vector<2000x1xi32>
    %eq3A_586 = arith.cmpi eq, %get3A_8, %eq3A_585 : vector<2000x1xi32>
    %jit3A_587 = arith.constant 0xFF800000 : f32
    %broadcast_in_dim3A_588 = vector.shape_cast %eq3A_586 : vector<2000x1xi1> to vector<2000x1xi1>
    %broadcast_in_dim3A_589 = vector.broadcast %broadcast_in_dim3A_588 : vector<2000x1xi1> to vector<2000x128xi1>
    %broadcast_in_dim3A_590 = vector.broadcast %jit3A_587 : f32 to vector<2000x128xf32>
    %select_n3A_591 = arith.select %broadcast_in_dim3A_589, %max3A_5, %broadcast_in_dim3A_590 : vector<2000x128xi1>, vector<2000x128xf32>
    %reduce_max3A_592 = arith.constant dense<0xFF800000> : vector<128xf32>
    %reduce_max3A_593 = vector.multi_reduction <maximumf>, %select_n3A_591, %reduce_max3A_592 [0] : vector<2000x128xf32> to vector<128xf32>
    %get3A_594 = arith.constant 29 : index
    %get3A_595 = arith.constant 0 : index
    %get3A_596 = vector.load %arg6[%get3A_594, %get3A_595] : memref<64x128xf32, #tpu.memory_space<vmem>>, vector<1x128xf32>
    %get3A_597 = vector.shape_cast %get3A_596 : vector<1x128xf32> to vector<128xf32>
    %max3A_598 = arith.maximumf %get3A_597, %reduce_max3A_593 : vector<128xf32>
    %swap3A_599 = arith.constant 29 : index
    %swap3A_600 = arith.constant 0 : index
    %swap3A_601 = vector.load %arg6[%swap3A_599, %swap3A_600] : memref<64x128xf32, #tpu.memory_space<vmem>>, vector<1x128xf32>
    %swap3A_602 = vector.shape_cast %swap3A_601 : vector<1x128xf32> to vector<128xf32>
    %swap3A_603 = vector.shape_cast %max3A_598 : vector<128xf32> to vector<1x128xf32>
    tpu.vector_store %arg6[%swap3A_599, %swap3A_600], %swap3A_603 {strides = array<i32>} : memref<64x128xf32, #tpu.memory_space<vmem>>, vector<1x128xf32>,
    %eq3A_604 = arith.constant 30 : i32
    %eq3A_605 = vector.broadcast %eq3A_604 : i32 to vector<2000x1xi32>
    %eq3A_606 = arith.cmpi eq, %get3A_8, %eq3A_605 : vector<2000x1xi32>
    %jit3A_607 = arith.constant 0xFF800000 : f32
    %broadcast_in_dim3A_608 = vector.shape_cast %eq3A_606 : vector<2000x1xi1> to vector<2000x1xi1>
    %broadcast_in_dim3A_609 = vector.broadcast %broadcast_in_dim3A_608 : vector<2000x1xi1> to vector<2000x128xi1>
    %broadcast_in_dim3A_610 = vector.broadcast %jit3A_607 : f32 to vector<2000x128xf32>
    %select_n3A_611 = arith.select %broadcast_in_dim3A_609, %max3A_5, %broadcast_in_dim3A_610 : vector<2000x128xi1>, vector<2000x128xf32>
    %reduce_max3A_612 = arith.constant dense<0xFF800000> : vector<128xf32>
    %reduce_max3A_613 = vector.multi_reduction <maximumf>, %select_n3A_611, %reduce_max3A_612 [0] : vector<2000x128xf32> to vector<128xf32>
    %get3A_614 = arith.constant 30 : index
    %get3A_615 = arith.constant 0 : index
    %get3A_616 = vector.load %arg6[%get3A_614, %get3A_615] : memref<64x128xf32, #tpu.memory_space<vmem>>, vector<1x128xf32>
    %get3A_617 = vector.shape_cast %get3A_616 : vector<1x128xf32> to vector<128xf32>
    %max3A_618 = arith.maximumf %get3A_617, %reduce_max3A_613 : vector<128xf32>
    %swap3A_619 = arith.constant 30 : index
    %swap3A_620 = arith.constant 0 : index
    %swap3A_621 = vector.load %arg6[%swap3A_619, %swap3A_620] : memref<64x128xf32, #tpu.memory_space<vmem>>, vector<1x128xf32>
    %swap3A_622 = vector.shape_cast %swap3A_621 : vector<1x128xf32> to vector<128xf32>
    %swap3A_623 = vector.shape_cast %max3A_618 : vector<128xf32> to vector<1x128xf32>
    tpu.vector_store %arg6[%swap3A_619, %swap3A_620], %swap3A_623 {strides = array<i32>} : memref<64x128xf32, #tpu.memory_space<vmem>>, vector<1x128xf32>,
    %eq3A_624 = arith.constant 31 : i32
    %eq3A_625 = vector.broadcast %eq3A_624 : i32 to vector<2000x1xi32>
    %eq3A_626 = arith.cmpi eq, %get3A_8, %eq3A_625 : vector<2000x1xi32>
    %jit3A_627 = arith.constant 0xFF800000 : f32
    %broadcast_in_dim3A_628 = vector.shape_cast %eq3A_626 : vector<2000x1xi1> to vector<2000x1xi1>
    %broadcast_in_dim3A_629 = vector.broadcast %broadcast_in_dim3A_628 : vector<2000x1xi1> to vector<2000x128xi1>
    %broadcast_in_dim3A_630 = vector.broadcast %jit3A_627 : f32 to vector<2000x128xf32>
    %select_n3A_631 = arith.select %broadcast_in_dim3A_629, %max3A_5, %broadcast_in_dim3A_630 : vector<2000x128xi1>, vector<2000x128xf32>
    %reduce_max3A_632 = arith.constant dense<0xFF800000> : vector<128xf32>
    %reduce_max3A_633 = vector.multi_reduction <maximumf>, %select_n3A_631, %reduce_max3A_632 [0] : vector<2000x128xf32> to vector<128xf32>
    %get3A_634 = arith.constant 31 : index
    %get3A_635 = arith.constant 0 : index
    %get3A_636 = vector.load %arg6[%get3A_634, %get3A_635] : memref<64x128xf32, #tpu.memory_space<vmem>>, vector<1x128xf32>
    %get3A_637 = vector.shape_cast %get3A_636 : vector<1x128xf32> to vector<128xf32>
    %max3A_638 = arith.maximumf %get3A_637, %reduce_max3A_633 : vector<128xf32>
    %swap3A_639 = arith.constant 31 : index
    %swap3A_640 = arith.constant 0 : index
    %swap3A_641 = vector.load %arg6[%swap3A_639, %swap3A_640] : memref<64x128xf32, #tpu.memory_space<vmem>>, vector<1x128xf32>
    %swap3A_642 = vector.shape_cast %swap3A_641 : vector<1x128xf32> to vector<128xf32>
    %swap3A_643 = vector.shape_cast %max3A_638 : vector<128xf32> to vector<1x128xf32>
    tpu.vector_store %arg6[%swap3A_639, %swap3A_640], %swap3A_643 {strides = array<i32>} : memref<64x128xf32, #tpu.memory_space<vmem>>, vector<1x128xf32>,
    %eq3A_644 = arith.constant 32 : i32
    %eq3A_645 = vector.broadcast %eq3A_644 : i32 to vector<2000x1xi32>
    %eq3A_646 = arith.cmpi eq, %get3A_8, %eq3A_645 : vector<2000x1xi32>
    %jit3A_647 = arith.constant 0xFF800000 : f32
    %broadcast_in_dim3A_648 = vector.shape_cast %eq3A_646 : vector<2000x1xi1> to vector<2000x1xi1>
    %broadcast_in_dim3A_649 = vector.broadcast %broadcast_in_dim3A_648 : vector<2000x1xi1> to vector<2000x128xi1>
    %broadcast_in_dim3A_650 = vector.broadcast %jit3A_647 : f32 to vector<2000x128xf32>
    %select_n3A_651 = arith.select %broadcast_in_dim3A_649, %max3A_5, %broadcast_in_dim3A_650 : vector<2000x128xi1>, vector<2000x128xf32>
    %reduce_max3A_652 = arith.constant dense<0xFF800000> : vector<128xf32>
    %reduce_max3A_653 = vector.multi_reduction <maximumf>, %select_n3A_651, %reduce_max3A_652 [0] : vector<2000x128xf32> to vector<128xf32>
    %get3A_654 = arith.constant 32 : index
    %get3A_655 = arith.constant 0 : index
    %get3A_656 = vector.load %arg6[%get3A_654, %get3A_655] : memref<64x128xf32, #tpu.memory_space<vmem>>, vector<1x128xf32>
    %get3A_657 = vector.shape_cast %get3A_656 : vector<1x128xf32> to vector<128xf32>
    %max3A_658 = arith.maximumf %get3A_657, %reduce_max3A_653 : vector<128xf32>
    %swap3A_659 = arith.constant 32 : index
    %swap3A_660 = arith.constant 0 : index
    %swap3A_661 = vector.load %arg6[%swap3A_659, %swap3A_660] : memref<64x128xf32, #tpu.memory_space<vmem>>, vector<1x128xf32>
    %swap3A_662 = vector.shape_cast %swap3A_661 : vector<1x128xf32> to vector<128xf32>
    %swap3A_663 = vector.shape_cast %max3A_658 : vector<128xf32> to vector<1x128xf32>
    tpu.vector_store %arg6[%swap3A_659, %swap3A_660], %swap3A_663 {strides = array<i32>} : memref<64x128xf32, #tpu.memory_space<vmem>>, vector<1x128xf32>,
    %eq3A_664 = arith.constant 33 : i32
    %eq3A_665 = vector.broadcast %eq3A_664 : i32 to vector<2000x1xi32>
    %eq3A_666 = arith.cmpi eq, %get3A_8, %eq3A_665 : vector<2000x1xi32>
    %jit3A_667 = arith.constant 0xFF800000 : f32
    %broadcast_in_dim3A_668 = vector.shape_cast %eq3A_666 : vector<2000x1xi1> to vector<2000x1xi1>
    %broadcast_in_dim3A_669 = vector.broadcast %broadcast_in_dim3A_668 : vector<2000x1xi1> to vector<2000x128xi1>
    %broadcast_in_dim3A_670 = vector.broadcast %jit3A_667 : f32 to vector<2000x128xf32>
    %select_n3A_671 = arith.select %broadcast_in_dim3A_669, %max3A_5, %broadcast_in_dim3A_670 : vector<2000x128xi1>, vector<2000x128xf32>
    %reduce_max3A_672 = arith.constant dense<0xFF800000> : vector<128xf32>
    %reduce_max3A_673 = vector.multi_reduction <maximumf>, %select_n3A_671, %reduce_max3A_672 [0] : vector<2000x128xf32> to vector<128xf32>
    %get3A_674 = arith.constant 33 : index
    %get3A_675 = arith.constant 0 : index
    %get3A_676 = vector.load %arg6[%get3A_674, %get3A_675] : memref<64x128xf32, #tpu.memory_space<vmem>>, vector<1x128xf32>
    %get3A_677 = vector.shape_cast %get3A_676 : vector<1x128xf32> to vector<128xf32>
    %max3A_678 = arith.maximumf %get3A_677, %reduce_max3A_673 : vector<128xf32>
    %swap3A_679 = arith.constant 33 : index
    %swap3A_680 = arith.constant 0 : index
    %swap3A_681 = vector.load %arg6[%swap3A_679, %swap3A_680] : memref<64x128xf32, #tpu.memory_space<vmem>>, vector<1x128xf32>
    %swap3A_682 = vector.shape_cast %swap3A_681 : vector<1x128xf32> to vector<128xf32>
    %swap3A_683 = vector.shape_cast %max3A_678 : vector<128xf32> to vector<1x128xf32>
    tpu.vector_store %arg6[%swap3A_679, %swap3A_680], %swap3A_683 {strides = array<i32>} : memref<64x128xf32, #tpu.memory_space<vmem>>, vector<1x128xf32>,
    %eq3A_684 = arith.constant 34 : i32
    %eq3A_685 = vector.broadcast %eq3A_684 : i32 to vector<2000x1xi32>
    %eq3A_686 = arith.cmpi eq, %get3A_8, %eq3A_685 : vector<2000x1xi32>
    %jit3A_687 = arith.constant 0xFF800000 : f32
    %broadcast_in_dim3A_688 = vector.shape_cast %eq3A_686 : vector<2000x1xi1> to vector<2000x1xi1>
    %broadcast_in_dim3A_689 = vector.broadcast %broadcast_in_dim3A_688 : vector<2000x1xi1> to vector<2000x128xi1>
    %broadcast_in_dim3A_690 = vector.broadcast %jit3A_687 : f32 to vector<2000x128xf32>
    %select_n3A_691 = arith.select %broadcast_in_dim3A_689, %max3A_5, %broadcast_in_dim3A_690 : vector<2000x128xi1>, vector<2000x128xf32>
    %reduce_max3A_692 = arith.constant dense<0xFF800000> : vector<128xf32>
    %reduce_max3A_693 = vector.multi_reduction <maximumf>, %select_n3A_691, %reduce_max3A_692 [0] : vector<2000x128xf32> to vector<128xf32>
    %get3A_694 = arith.constant 34 : index
    %get3A_695 = arith.constant 0 : index
    %get3A_696 = vector.load %arg6[%get3A_694, %get3A_695] : memref<64x128xf32, #tpu.memory_space<vmem>>, vector<1x128xf32>
    %get3A_697 = vector.shape_cast %get3A_696 : vector<1x128xf32> to vector<128xf32>
    %max3A_698 = arith.maximumf %get3A_697, %reduce_max3A_693 : vector<128xf32>
    %swap3A_699 = arith.constant 34 : index
    %swap3A_700 = arith.constant 0 : index
    %swap3A_701 = vector.load %arg6[%swap3A_699, %swap3A_700] : memref<64x128xf32, #tpu.memory_space<vmem>>, vector<1x128xf32>
    %swap3A_702 = vector.shape_cast %swap3A_701 : vector<1x128xf32> to vector<128xf32>
    %swap3A_703 = vector.shape_cast %max3A_698 : vector<128xf32> to vector<1x128xf32>
    tpu.vector_store %arg6[%swap3A_699, %swap3A_700], %swap3A_703 {strides = array<i32>} : memref<64x128xf32, #tpu.memory_space<vmem>>, vector<1x128xf32>,
    %eq3A_704 = arith.constant 35 : i32
    %eq3A_705 = vector.broadcast %eq3A_704 : i32 to vector<2000x1xi32>
    %eq3A_706 = arith.cmpi eq, %get3A_8, %eq3A_705 : vector<2000x1xi32>
    %jit3A_707 = arith.constant 0xFF800000 : f32
    %broadcast_in_dim3A_708 = vector.shape_cast %eq3A_706 : vector<2000x1xi1> to vector<2000x1xi1>
    %broadcast_in_dim3A_709 = vector.broadcast %broadcast_in_dim3A_708 : vector<2000x1xi1> to vector<2000x128xi1>
    %broadcast_in_dim3A_710 = vector.broadcast %jit3A_707 : f32 to vector<2000x128xf32>
    %select_n3A_711 = arith.select %broadcast_in_dim3A_709, %max3A_5, %broadcast_in_dim3A_710 : vector<2000x128xi1>, vector<2000x128xf32>
    %reduce_max3A_712 = arith.constant dense<0xFF800000> : vector<128xf32>
    %reduce_max3A_713 = vector.multi_reduction <maximumf>, %select_n3A_711, %reduce_max3A_712 [0] : vector<2000x128xf32> to vector<128xf32>
    %get3A_714 = arith.constant 35 : index
    %get3A_715 = arith.constant 0 : index
    %get3A_716 = vector.load %arg6[%get3A_714, %get3A_715] : memref<64x128xf32, #tpu.memory_space<vmem>>, vector<1x128xf32>
    %get3A_717 = vector.shape_cast %get3A_716 : vector<1x128xf32> to vector<128xf32>
    %max3A_718 = arith.maximumf %get3A_717, %reduce_max3A_713 : vector<128xf32>
    %swap3A_719 = arith.constant 35 : index
    %swap3A_720 = arith.constant 0 : index
    %swap3A_721 = vector.load %arg6[%swap3A_719, %swap3A_720] : memref<64x128xf32, #tpu.memory_space<vmem>>, vector<1x128xf32>
    %swap3A_722 = vector.shape_cast %swap3A_721 : vector<1x128xf32> to vector<128xf32>
    %swap3A_723 = vector.shape_cast %max3A_718 : vector<128xf32> to vector<1x128xf32>
    tpu.vector_store %arg6[%swap3A_719, %swap3A_720], %swap3A_723 {strides = array<i32>} : memref<64x128xf32, #tpu.memory_space<vmem>>, vector<1x128xf32>,
    %eq3A_724 = arith.constant 36 : i32
    %eq3A_725 = vector.broadcast %eq3A_724 : i32 to vector<2000x1xi32>
    %eq3A_726 = arith.cmpi eq, %get3A_8, %eq3A_725 : vector<2000x1xi32>
    %jit3A_727 = arith.constant 0xFF800000 : f32
    %broadcast_in_dim3A_728 = vector.shape_cast %eq3A_726 : vector<2000x1xi1> to vector<2000x1xi1>
    %broadcast_in_dim3A_729 = vector.broadcast %broadcast_in_dim3A_728 : vector<2000x1xi1> to vector<2000x128xi1>
    %broadcast_in_dim3A_730 = vector.broadcast %jit3A_727 : f32 to vector<2000x128xf32>
    %select_n3A_731 = arith.select %broadcast_in_dim3A_729, %max3A_5, %broadcast_in_dim3A_730 : vector<2000x128xi1>, vector<2000x128xf32>
    %reduce_max3A_732 = arith.constant dense<0xFF800000> : vector<128xf32>
    %reduce_max3A_733 = vector.multi_reduction <maximumf>, %select_n3A_731, %reduce_max3A_732 [0] : vector<2000x128xf32> to vector<128xf32>
    %get3A_734 = arith.constant 36 : index
    %get3A_735 = arith.constant 0 : index
    %get3A_736 = vector.load %arg6[%get3A_734, %get3A_735] : memref<64x128xf32, #tpu.memory_space<vmem>>, vector<1x128xf32>
    %get3A_737 = vector.shape_cast %get3A_736 : vector<1x128xf32> to vector<128xf32>
    %max3A_738 = arith.maximumf %get3A_737, %reduce_max3A_733 : vector<128xf32>
    %swap3A_739 = arith.constant 36 : index
    %swap3A_740 = arith.constant 0 : index
    %swap3A_741 = vector.load %arg6[%swap3A_739, %swap3A_740] : memref<64x128xf32, #tpu.memory_space<vmem>>, vector<1x128xf32>
    %swap3A_742 = vector.shape_cast %swap3A_741 : vector<1x128xf32> to vector<128xf32>
    %swap3A_743 = vector.shape_cast %max3A_738 : vector<128xf32> to vector<1x128xf32>
    tpu.vector_store %arg6[%swap3A_739, %swap3A_740], %swap3A_743 {strides = array<i32>} : memref<64x128xf32, #tpu.memory_space<vmem>>, vector<1x128xf32>,
    %eq3A_744 = arith.constant 37 : i32
    %eq3A_745 = vector.broadcast %eq3A_744 : i32 to vector<2000x1xi32>
    %eq3A_746 = arith.cmpi eq, %get3A_8, %eq3A_745 : vector<2000x1xi32>
    %jit3A_747 = arith.constant 0xFF800000 : f32
    %broadcast_in_dim3A_748 = vector.shape_cast %eq3A_746 : vector<2000x1xi1> to vector<2000x1xi1>
    %broadcast_in_dim3A_749 = vector.broadcast %broadcast_in_dim3A_748 : vector<2000x1xi1> to vector<2000x128xi1>
    %broadcast_in_dim3A_750 = vector.broadcast %jit3A_747 : f32 to vector<2000x128xf32>
    %select_n3A_751 = arith.select %broadcast_in_dim3A_749, %max3A_5, %broadcast_in_dim3A_750 : vector<2000x128xi1>, vector<2000x128xf32>
    %reduce_max3A_752 = arith.constant dense<0xFF800000> : vector<128xf32>
    %reduce_max3A_753 = vector.multi_reduction <maximumf>, %select_n3A_751, %reduce_max3A_752 [0] : vector<2000x128xf32> to vector<128xf32>
    %get3A_754 = arith.constant 37 : index
    %get3A_755 = arith.constant 0 : index
    %get3A_756 = vector.load %arg6[%get3A_754, %get3A_755] : memref<64x128xf32, #tpu.memory_space<vmem>>, vector<1x128xf32>
    %get3A_757 = vector.shape_cast %get3A_756 : vector<1x128xf32> to vector<128xf32>
    %max3A_758 = arith.maximumf %get3A_757, %reduce_max3A_753 : vector<128xf32>
    %swap3A_759 = arith.constant 37 : index
    %swap3A_760 = arith.constant 0 : index
    %swap3A_761 = vector.load %arg6[%swap3A_759, %swap3A_760] : memref<64x128xf32, #tpu.memory_space<vmem>>, vector<1x128xf32>
    %swap3A_762 = vector.shape_cast %swap3A_761 : vector<1x128xf32> to vector<128xf32>
    %swap3A_763 = vector.shape_cast %max3A_758 : vector<128xf32> to vector<1x128xf32>
    tpu.vector_store %arg6[%swap3A_759, %swap3A_760], %swap3A_763 {strides = array<i32>} : memref<64x128xf32, #tpu.memory_space<vmem>>, vector<1x128xf32>,
    %eq3A_764 = arith.constant 38 : i32
    %eq3A_765 = vector.broadcast %eq3A_764 : i32 to vector<2000x1xi32>
    %eq3A_766 = arith.cmpi eq, %get3A_8, %eq3A_765 : vector<2000x1xi32>
    %jit3A_767 = arith.constant 0xFF800000 : f32
    %broadcast_in_dim3A_768 = vector.shape_cast %eq3A_766 : vector<2000x1xi1> to vector<2000x1xi1>
    %broadcast_in_dim3A_769 = vector.broadcast %broadcast_in_dim3A_768 : vector<2000x1xi1> to vector<2000x128xi1>
    %broadcast_in_dim3A_770 = vector.broadcast %jit3A_767 : f32 to vector<2000x128xf32>
    %select_n3A_771 = arith.select %broadcast_in_dim3A_769, %max3A_5, %broadcast_in_dim3A_770 : vector<2000x128xi1>, vector<2000x128xf32>
    %reduce_max3A_772 = arith.constant dense<0xFF800000> : vector<128xf32>
    %reduce_max3A_773 = vector.multi_reduction <maximumf>, %select_n3A_771, %reduce_max3A_772 [0] : vector<2000x128xf32> to vector<128xf32>
    %get3A_774 = arith.constant 38 : index
    %get3A_775 = arith.constant 0 : index
    %get3A_776 = vector.load %arg6[%get3A_774, %get3A_775] : memref<64x128xf32, #tpu.memory_space<vmem>>, vector<1x128xf32>
    %get3A_777 = vector.shape_cast %get3A_776 : vector<1x128xf32> to vector<128xf32>
    %max3A_778 = arith.maximumf %get3A_777, %reduce_max3A_773 : vector<128xf32>
    %swap3A_779 = arith.constant 38 : index
    %swap3A_780 = arith.constant 0 : index
    %swap3A_781 = vector.load %arg6[%swap3A_779, %swap3A_780] : memref<64x128xf32, #tpu.memory_space<vmem>>, vector<1x128xf32>
    %swap3A_782 = vector.shape_cast %swap3A_781 : vector<1x128xf32> to vector<128xf32>
    %swap3A_783 = vector.shape_cast %max3A_778 : vector<128xf32> to vector<1x128xf32>
    tpu.vector_store %arg6[%swap3A_779, %swap3A_780], %swap3A_783 {strides = array<i32>} : memref<64x128xf32, #tpu.memory_space<vmem>>, vector<1x128xf32>,
    %eq3A_784 = arith.constant 39 : i32
    %eq3A_785 = vector.broadcast %eq3A_784 : i32 to vector<2000x1xi32>
    %eq3A_786 = arith.cmpi eq, %get3A_8, %eq3A_785 : vector<2000x1xi32>
    %jit3A_787 = arith.constant 0xFF800000 : f32
    %broadcast_in_dim3A_788 = vector.shape_cast %eq3A_786 : vector<2000x1xi1> to vector<2000x1xi1>
    %broadcast_in_dim3A_789 = vector.broadcast %broadcast_in_dim3A_788 : vector<2000x1xi1> to vector<2000x128xi1>
    %broadcast_in_dim3A_790 = vector.broadcast %jit3A_787 : f32 to vector<2000x128xf32>
    %select_n3A_791 = arith.select %broadcast_in_dim3A_789, %max3A_5, %broadcast_in_dim3A_790 : vector<2000x128xi1>, vector<2000x128xf32>
    %reduce_max3A_792 = arith.constant dense<0xFF800000> : vector<128xf32>
    %reduce_max3A_793 = vector.multi_reduction <maximumf>, %select_n3A_791, %reduce_max3A_792 [0] : vector<2000x128xf32> to vector<128xf32>
    %get3A_794 = arith.constant 39 : index
    %get3A_795 = arith.constant 0 : index
    %get3A_796 = vector.load %arg6[%get3A_794, %get3A_795] : memref<64x128xf32, #tpu.memory_space<vmem>>, vector<1x128xf32>
    %get3A_797 = vector.shape_cast %get3A_796 : vector<1x128xf32> to vector<128xf32>
    %max3A_798 = arith.maximumf %get3A_797, %reduce_max3A_793 : vector<128xf32>
    %swap3A_799 = arith.constant 39 : index
    %swap3A_800 = arith.constant 0 : index
    %swap3A_801 = vector.load %arg6[%swap3A_799, %swap3A_800] : memref<64x128xf32, #tpu.memory_space<vmem>>, vector<1x128xf32>
    %swap3A_802 = vector.shape_cast %swap3A_801 : vector<1x128xf32> to vector<128xf32>
    %swap3A_803 = vector.shape_cast %max3A_798 : vector<128xf32> to vector<1x128xf32>
    tpu.vector_store %arg6[%swap3A_799, %swap3A_800], %swap3A_803 {strides = array<i32>} : memref<64x128xf32, #tpu.memory_space<vmem>>, vector<1x128xf32>,
    %eq3A_804 = arith.constant 40 : i32
    %eq3A_805 = vector.broadcast %eq3A_804 : i32 to vector<2000x1xi32>
    %eq3A_806 = arith.cmpi eq, %get3A_8, %eq3A_805 : vector<2000x1xi32>
    %jit3A_807 = arith.constant 0xFF800000 : f32
    %broadcast_in_dim3A_808 = vector.shape_cast %eq3A_806 : vector<2000x1xi1> to vector<2000x1xi1>
    %broadcast_in_dim3A_809 = vector.broadcast %broadcast_in_dim3A_808 : vector<2000x1xi1> to vector<2000x128xi1>
    %broadcast_in_dim3A_810 = vector.broadcast %jit3A_807 : f32 to vector<2000x128xf32>
    %select_n3A_811 = arith.select %broadcast_in_dim3A_809, %max3A_5, %broadcast_in_dim3A_810 : vector<2000x128xi1>, vector<2000x128xf32>
    %reduce_max3A_812 = arith.constant dense<0xFF800000> : vector<128xf32>
    %reduce_max3A_813 = vector.multi_reduction <maximumf>, %select_n3A_811, %reduce_max3A_812 [0] : vector<2000x128xf32> to vector<128xf32>
    %get3A_814 = arith.constant 40 : index
    %get3A_815 = arith.constant 0 : index
    %get3A_816 = vector.load %arg6[%get3A_814, %get3A_815] : memref<64x128xf32, #tpu.memory_space<vmem>>, vector<1x128xf32>
    %get3A_817 = vector.shape_cast %get3A_816 : vector<1x128xf32> to vector<128xf32>
    %max3A_818 = arith.maximumf %get3A_817, %reduce_max3A_813 : vector<128xf32>
    %swap3A_819 = arith.constant 40 : index
    %swap3A_820 = arith.constant 0 : index
    %swap3A_821 = vector.load %arg6[%swap3A_819, %swap3A_820] : memref<64x128xf32, #tpu.memory_space<vmem>>, vector<1x128xf32>
    %swap3A_822 = vector.shape_cast %swap3A_821 : vector<1x128xf32> to vector<128xf32>
    %swap3A_823 = vector.shape_cast %max3A_818 : vector<128xf32> to vector<1x128xf32>
    tpu.vector_store %arg6[%swap3A_819, %swap3A_820], %swap3A_823 {strides = array<i32>} : memref<64x128xf32, #tpu.memory_space<vmem>>, vector<1x128xf32>,
    %eq3A_824 = arith.constant 41 : i32
    %eq3A_825 = vector.broadcast %eq3A_824 : i32 to vector<2000x1xi32>
    %eq3A_826 = arith.cmpi eq, %get3A_8, %eq3A_825 : vector<2000x1xi32>
    %jit3A_827 = arith.constant 0xFF800000 : f32
    %broadcast_in_dim3A_828 = vector.shape_cast %eq3A_826 : vector<2000x1xi1> to vector<2000x1xi1>
    %broadcast_in_dim3A_829 = vector.broadcast %broadcast_in_dim3A_828 : vector<2000x1xi1> to vector<2000x128xi1>
    %broadcast_in_dim3A_830 = vector.broadcast %jit3A_827 : f32 to vector<2000x128xf32>
    %select_n3A_831 = arith.select %broadcast_in_dim3A_829, %max3A_5, %broadcast_in_dim3A_830 : vector<2000x128xi1>, vector<2000x128xf32>
    %reduce_max3A_832 = arith.constant dense<0xFF800000> : vector<128xf32>
    %reduce_max3A_833 = vector.multi_reduction <maximumf>, %select_n3A_831, %reduce_max3A_832 [0] : vector<2000x128xf32> to vector<128xf32>
    %get3A_834 = arith.constant 41 : index
    %get3A_835 = arith.constant 0 : index
    %get3A_836 = vector.load %arg6[%get3A_834, %get3A_835] : memref<64x128xf32, #tpu.memory_space<vmem>>, vector<1x128xf32>
    %get3A_837 = vector.shape_cast %get3A_836 : vector<1x128xf32> to vector<128xf32>
    %max3A_838 = arith.maximumf %get3A_837, %reduce_max3A_833 : vector<128xf32>
    %swap3A_839 = arith.constant 41 : index
    %swap3A_840 = arith.constant 0 : index
    %swap3A_841 = vector.load %arg6[%swap3A_839, %swap3A_840] : memref<64x128xf32, #tpu.memory_space<vmem>>, vector<1x128xf32>
    %swap3A_842 = vector.shape_cast %swap3A_841 : vector<1x128xf32> to vector<128xf32>
    %swap3A_843 = vector.shape_cast %max3A_838 : vector<128xf32> to vector<1x128xf32>
    tpu.vector_store %arg6[%swap3A_839, %swap3A_840], %swap3A_843 {strides = array<i32>} : memref<64x128xf32, #tpu.memory_space<vmem>>, vector<1x128xf32>,
    %eq3A_844 = arith.constant 42 : i32
    %eq3A_845 = vector.broadcast %eq3A_844 : i32 to vector<2000x1xi32>
    %eq3A_846 = arith.cmpi eq, %get3A_8, %eq3A_845 : vector<2000x1xi32>
    %jit3A_847 = arith.constant 0xFF800000 : f32
    %broadcast_in_dim3A_848 = vector.shape_cast %eq3A_846 : vector<2000x1xi1> to vector<2000x1xi1>
    %broadcast_in_dim3A_849 = vector.broadcast %broadcast_in_dim3A_848 : vector<2000x1xi1> to vector<2000x128xi1>
    %broadcast_in_dim3A_850 = vector.broadcast %jit3A_847 : f32 to vector<2000x128xf32>
    %select_n3A_851 = arith.select %broadcast_in_dim3A_849, %max3A_5, %broadcast_in_dim3A_850 : vector<2000x128xi1>, vector<2000x128xf32>
    %reduce_max3A_852 = arith.constant dense<0xFF800000> : vector<128xf32>
    %reduce_max3A_853 = vector.multi_reduction <maximumf>, %select_n3A_851, %reduce_max3A_852 [0] : vector<2000x128xf32> to vector<128xf32>
    %get3A_854 = arith.constant 42 : index
    %get3A_855 = arith.constant 0 : index
    %get3A_856 = vector.load %arg6[%get3A_854, %get3A_855] : memref<64x128xf32, #tpu.memory_space<vmem>>, vector<1x128xf32>
    %get3A_857 = vector.shape_cast %get3A_856 : vector<1x128xf32> to vector<128xf32>
    %max3A_858 = arith.maximumf %get3A_857, %reduce_max3A_853 : vector<128xf32>
    %swap3A_859 = arith.constant 42 : index
    %swap3A_860 = arith.constant 0 : index
    %swap3A_861 = vector.load %arg6[%swap3A_859, %swap3A_860] : memref<64x128xf32, #tpu.memory_space<vmem>>, vector<1x128xf32>
    %swap3A_862 = vector.shape_cast %swap3A_861 : vector<1x128xf32> to vector<128xf32>
    %swap3A_863 = vector.shape_cast %max3A_858 : vector<128xf32> to vector<1x128xf32>
    tpu.vector_store %arg6[%swap3A_859, %swap3A_860], %swap3A_863 {strides = array<i32>} : memref<64x128xf32, #tpu.memory_space<vmem>>, vector<1x128xf32>,
    %eq3A_864 = arith.constant 43 : i32
    %eq3A_865 = vector.broadcast %eq3A_864 : i32 to vector<2000x1xi32>
    %eq3A_866 = arith.cmpi eq, %get3A_8, %eq3A_865 : vector<2000x1xi32>
    %jit3A_867 = arith.constant 0xFF800000 : f32
    %broadcast_in_dim3A_868 = vector.shape_cast %eq3A_866 : vector<2000x1xi1> to vector<2000x1xi1>
    %broadcast_in_dim3A_869 = vector.broadcast %broadcast_in_dim3A_868 : vector<2000x1xi1> to vector<2000x128xi1>
    %broadcast_in_dim3A_870 = vector.broadcast %jit3A_867 : f32 to vector<2000x128xf32>
    %select_n3A_871 = arith.select %broadcast_in_dim3A_869, %max3A_5, %broadcast_in_dim3A_870 : vector<2000x128xi1>, vector<2000x128xf32>
    %reduce_max3A_872 = arith.constant dense<0xFF800000> : vector<128xf32>
    %reduce_max3A_873 = vector.multi_reduction <maximumf>, %select_n3A_871, %reduce_max3A_872 [0] : vector<2000x128xf32> to vector<128xf32>
    %get3A_874 = arith.constant 43 : index
    %get3A_875 = arith.constant 0 : index
    %get3A_876 = vector.load %arg6[%get3A_874, %get3A_875] : memref<64x128xf32, #tpu.memory_space<vmem>>, vector<1x128xf32>
    %get3A_877 = vector.shape_cast %get3A_876 : vector<1x128xf32> to vector<128xf32>
    %max3A_878 = arith.maximumf %get3A_877, %reduce_max3A_873 : vector<128xf32>
    %swap3A_879 = arith.constant 43 : index
    %swap3A_880 = arith.constant 0 : index
    %swap3A_881 = vector.load %arg6[%swap3A_879, %swap3A_880] : memref<64x128xf32, #tpu.memory_space<vmem>>, vector<1x128xf32>
    %swap3A_882 = vector.shape_cast %swap3A_881 : vector<1x128xf32> to vector<128xf32>
    %swap3A_883 = vector.shape_cast %max3A_878 : vector<128xf32> to vector<1x128xf32>
    tpu.vector_store %arg6[%swap3A_879, %swap3A_880], %swap3A_883 {strides = array<i32>} : memref<64x128xf32, #tpu.memory_space<vmem>>, vector<1x128xf32>,
    %eq3A_884 = arith.constant 44 : i32
    %eq3A_885 = vector.broadcast %eq3A_884 : i32 to vector<2000x1xi32>
    %eq3A_886 = arith.cmpi eq, %get3A_8, %eq3A_885 : vector<2000x1xi32>
    %jit3A_887 = arith.constant 0xFF800000 : f32
    %broadcast_in_dim3A_888 = vector.shape_cast %eq3A_886 : vector<2000x1xi1> to vector<2000x1xi1>
    %broadcast_in_dim3A_889 = vector.broadcast %broadcast_in_dim3A_888 : vector<2000x1xi1> to vector<2000x128xi1>
    %broadcast_in_dim3A_890 = vector.broadcast %jit3A_887 : f32 to vector<2000x128xf32>
    %select_n3A_891 = arith.select %broadcast_in_dim3A_889, %max3A_5, %broadcast_in_dim3A_890 : vector<2000x128xi1>, vector<2000x128xf32>
    %reduce_max3A_892 = arith.constant dense<0xFF800000> : vector<128xf32>
    %reduce_max3A_893 = vector.multi_reduction <maximumf>, %select_n3A_891, %reduce_max3A_892 [0] : vector<2000x128xf32> to vector<128xf32>
    %get3A_894 = arith.constant 44 : index
    %get3A_895 = arith.constant 0 : index
    %get3A_896 = vector.load %arg6[%get3A_894, %get3A_895] : memref<64x128xf32, #tpu.memory_space<vmem>>, vector<1x128xf32>
    %get3A_897 = vector.shape_cast %get3A_896 : vector<1x128xf32> to vector<128xf32>
    %max3A_898 = arith.maximumf %get3A_897, %reduce_max3A_893 : vector<128xf32>
    %swap3A_899 = arith.constant 44 : index
    %swap3A_900 = arith.constant 0 : index
    %swap3A_901 = vector.load %arg6[%swap3A_899, %swap3A_900] : memref<64x128xf32, #tpu.memory_space<vmem>>, vector<1x128xf32>
    %swap3A_902 = vector.shape_cast %swap3A_901 : vector<1x128xf32> to vector<128xf32>
    %swap3A_903 = vector.shape_cast %max3A_898 : vector<128xf32> to vector<1x128xf32>
    tpu.vector_store %arg6[%swap3A_899, %swap3A_900], %swap3A_903 {strides = array<i32>} : memref<64x128xf32, #tpu.memory_space<vmem>>, vector<1x128xf32>,
    %eq3A_904 = arith.constant 45 : i32
    %eq3A_905 = vector.broadcast %eq3A_904 : i32 to vector<2000x1xi32>
    %eq3A_906 = arith.cmpi eq, %get3A_8, %eq3A_905 : vector<2000x1xi32>
    %jit3A_907 = arith.constant 0xFF800000 : f32
    %broadcast_in_dim3A_908 = vector.shape_cast %eq3A_906 : vector<2000x1xi1> to vector<2000x1xi1>
    %broadcast_in_dim3A_909 = vector.broadcast %broadcast_in_dim3A_908 : vector<2000x1xi1> to vector<2000x128xi1>
    %broadcast_in_dim3A_910 = vector.broadcast %jit3A_907 : f32 to vector<2000x128xf32>
    %select_n3A_911 = arith.select %broadcast_in_dim3A_909, %max3A_5, %broadcast_in_dim3A_910 : vector<2000x128xi1>, vector<2000x128xf32>
    %reduce_max3A_912 = arith.constant dense<0xFF800000> : vector<128xf32>
    %reduce_max3A_913 = vector.multi_reduction <maximumf>, %select_n3A_911, %reduce_max3A_912 [0] : vector<2000x128xf32> to vector<128xf32>
    %get3A_914 = arith.constant 45 : index
    %get3A_915 = arith.constant 0 : index
    %get3A_916 = vector.load %arg6[%get3A_914, %get3A_915] : memref<64x128xf32, #tpu.memory_space<vmem>>, vector<1x128xf32>
    %get3A_917 = vector.shape_cast %get3A_916 : vector<1x128xf32> to vector<128xf32>
    %max3A_918 = arith.maximumf %get3A_917, %reduce_max3A_913 : vector<128xf32>
    %swap3A_919 = arith.constant 45 : index
    %swap3A_920 = arith.constant 0 : index
    %swap3A_921 = vector.load %arg6[%swap3A_919, %swap3A_920] : memref<64x128xf32, #tpu.memory_space<vmem>>, vector<1x128xf32>
    %swap3A_922 = vector.shape_cast %swap3A_921 : vector<1x128xf32> to vector<128xf32>
    %swap3A_923 = vector.shape_cast %max3A_918 : vector<128xf32> to vector<1x128xf32>
    tpu.vector_store %arg6[%swap3A_919, %swap3A_920], %swap3A_923 {strides = array<i32>} : memref<64x128xf32, #tpu.memory_space<vmem>>, vector<1x128xf32>,
    %eq3A_924 = arith.constant 46 : i32
    %eq3A_925 = vector.broadcast %eq3A_924 : i32 to vector<2000x1xi32>
    %eq3A_926 = arith.cmpi eq, %get3A_8, %eq3A_925 : vector<2000x1xi32>
    %jit3A_927 = arith.constant 0xFF800000 : f32
    %broadcast_in_dim3A_928 = vector.shape_cast %eq3A_926 : vector<2000x1xi1> to vector<2000x1xi1>
    %broadcast_in_dim3A_929 = vector.broadcast %broadcast_in_dim3A_928 : vector<2000x1xi1> to vector<2000x128xi1>
    %broadcast_in_dim3A_930 = vector.broadcast %jit3A_927 : f32 to vector<2000x128xf32>
    %select_n3A_931 = arith.select %broadcast_in_dim3A_929, %max3A_5, %broadcast_in_dim3A_930 : vector<2000x128xi1>, vector<2000x128xf32>
    %reduce_max3A_932 = arith.constant dense<0xFF800000> : vector<128xf32>
    %reduce_max3A_933 = vector.multi_reduction <maximumf>, %select_n3A_931, %reduce_max3A_932 [0] : vector<2000x128xf32> to vector<128xf32>
    %get3A_934 = arith.constant 46 : index
    %get3A_935 = arith.constant 0 : index
    %get3A_936 = vector.load %arg6[%get3A_934, %get3A_935] : memref<64x128xf32, #tpu.memory_space<vmem>>, vector<1x128xf32>
    %get3A_937 = vector.shape_cast %get3A_936 : vector<1x128xf32> to vector<128xf32>
    %max3A_938 = arith.maximumf %get3A_937, %reduce_max3A_933 : vector<128xf32>
    %swap3A_939 = arith.constant 46 : index
    %swap3A_940 = arith.constant 0 : index
    %swap3A_941 = vector.load %arg6[%swap3A_939, %swap3A_940] : memref<64x128xf32, #tpu.memory_space<vmem>>, vector<1x128xf32>
    %swap3A_942 = vector.shape_cast %swap3A_941 : vector<1x128xf32> to vector<128xf32>
    %swap3A_943 = vector.shape_cast %max3A_938 : vector<128xf32> to vector<1x128xf32>
    tpu.vector_store %arg6[%swap3A_939, %swap3A_940], %swap3A_943 {strides = array<i32>} : memref<64x128xf32, #tpu.memory_space<vmem>>, vector<1x128xf32>,
    %eq3A_944 = arith.constant 47 : i32
    %eq3A_945 = vector.broadcast %eq3A_944 : i32 to vector<2000x1xi32>
    %eq3A_946 = arith.cmpi eq, %get3A_8, %eq3A_945 : vector<2000x1xi32>
    %jit3A_947 = arith.constant 0xFF800000 : f32
    %broadcast_in_dim3A_948 = vector.shape_cast %eq3A_946 : vector<2000x1xi1> to vector<2000x1xi1>
    %broadcast_in_dim3A_949 = vector.broadcast %broadcast_in_dim3A_948 : vector<2000x1xi1> to vector<2000x128xi1>
    %broadcast_in_dim3A_950 = vector.broadcast %jit3A_947 : f32 to vector<2000x128xf32>
    %select_n3A_951 = arith.select %broadcast_in_dim3A_949, %max3A_5, %broadcast_in_dim3A_950 : vector<2000x128xi1>, vector<2000x128xf32>
    %reduce_max3A_952 = arith.constant dense<0xFF800000> : vector<128xf32>
    %reduce_max3A_953 = vector.multi_reduction <maximumf>, %select_n3A_951, %reduce_max3A_952 [0] : vector<2000x128xf32> to vector<128xf32>
    %get3A_954 = arith.constant 47 : index
    %get3A_955 = arith.constant 0 : index
    %get3A_956 = vector.load %arg6[%get3A_954, %get3A_955] : memref<64x128xf32, #tpu.memory_space<vmem>>, vector<1x128xf32>
    %get3A_957 = vector.shape_cast %get3A_956 : vector<1x128xf32> to vector<128xf32>
    %max3A_958 = arith.maximumf %get3A_957, %reduce_max3A_953 : vector<128xf32>
    %swap3A_959 = arith.constant 47 : index
    %swap3A_960 = arith.constant 0 : index
    %swap3A_961 = vector.load %arg6[%swap3A_959, %swap3A_960] : memref<64x128xf32, #tpu.memory_space<vmem>>, vector<1x128xf32>
    %swap3A_962 = vector.shape_cast %swap3A_961 : vector<1x128xf32> to vector<128xf32>
    %swap3A_963 = vector.shape_cast %max3A_958 : vector<128xf32> to vector<1x128xf32>
    tpu.vector_store %arg6[%swap3A_959, %swap3A_960], %swap3A_963 {strides = array<i32>} : memref<64x128xf32, #tpu.memory_space<vmem>>, vector<1x128xf32>,
    %eq3A_964 = arith.constant 48 : i32
    %eq3A_965 = vector.broadcast %eq3A_964 : i32 to vector<2000x1xi32>
    %eq3A_966 = arith.cmpi eq, %get3A_8, %eq3A_965 : vector<2000x1xi32>
    %jit3A_967 = arith.constant 0xFF800000 : f32
    %broadcast_in_dim3A_968 = vector.shape_cast %eq3A_966 : vector<2000x1xi1> to vector<2000x1xi1>
    %broadcast_in_dim3A_969 = vector.broadcast %broadcast_in_dim3A_968 : vector<2000x1xi1> to vector<2000x128xi1>
    %broadcast_in_dim3A_970 = vector.broadcast %jit3A_967 : f32 to vector<2000x128xf32>
    %select_n3A_971 = arith.select %broadcast_in_dim3A_969, %max3A_5, %broadcast_in_dim3A_970 : vector<2000x128xi1>, vector<2000x128xf32>
    %reduce_max3A_972 = arith.constant dense<0xFF800000> : vector<128xf32>
    %reduce_max3A_973 = vector.multi_reduction <maximumf>, %select_n3A_971, %reduce_max3A_972 [0] : vector<2000x128xf32> to vector<128xf32>
    %get3A_974 = arith.constant 48 : index
    %get3A_975 = arith.constant 0 : index
    %get3A_976 = vector.load %arg6[%get3A_974, %get3A_975] : memref<64x128xf32, #tpu.memory_space<vmem>>, vector<1x128xf32>
    %get3A_977 = vector.shape_cast %get3A_976 : vector<1x128xf32> to vector<128xf32>
    %max3A_978 = arith.maximumf %get3A_977, %reduce_max3A_973 : vector<128xf32>
    %swap3A_979 = arith.constant 48 : index
    %swap3A_980 = arith.constant 0 : index
    %swap3A_981 = vector.load %arg6[%swap3A_979, %swap3A_980] : memref<64x128xf32, #tpu.memory_space<vmem>>, vector<1x128xf32>
    %swap3A_982 = vector.shape_cast %swap3A_981 : vector<1x128xf32> to vector<128xf32>
    %swap3A_983 = vector.shape_cast %max3A_978 : vector<128xf32> to vector<1x128xf32>
    tpu.vector_store %arg6[%swap3A_979, %swap3A_980], %swap3A_983 {strides = array<i32>} : memref<64x128xf32, #tpu.memory_space<vmem>>, vector<1x128xf32>,
    %eq3A_984 = arith.constant 49 : i32
    %eq3A_985 = vector.broadcast %eq3A_984 : i32 to vector<2000x1xi32>
    %eq3A_986 = arith.cmpi eq, %get3A_8, %eq3A_985 : vector<2000x1xi32>
    %jit3A_987 = arith.constant 0xFF800000 : f32
    %broadcast_in_dim3A_988 = vector.shape_cast %eq3A_986 : vector<2000x1xi1> to vector<2000x1xi1>
    %broadcast_in_dim3A_989 = vector.broadcast %broadcast_in_dim3A_988 : vector<2000x1xi1> to vector<2000x128xi1>
    %broadcast_in_dim3A_990 = vector.broadcast %jit3A_987 : f32 to vector<2000x128xf32>
    %select_n3A_991 = arith.select %broadcast_in_dim3A_989, %max3A_5, %broadcast_in_dim3A_990 : vector<2000x128xi1>, vector<2000x128xf32>
    %reduce_max3A_992 = arith.constant dense<0xFF800000> : vector<128xf32>
    %reduce_max3A_993 = vector.multi_reduction <maximumf>, %select_n3A_991, %reduce_max3A_992 [0] : vector<2000x128xf32> to vector<128xf32>
    %get3A_994 = arith.constant 49 : index
    %get3A_995 = arith.constant 0 : index
    %get3A_996 = vector.load %arg6[%get3A_994, %get3A_995] : memref<64x128xf32, #tpu.memory_space<vmem>>, vector<1x128xf32>
    %get3A_997 = vector.shape_cast %get3A_996 : vector<1x128xf32> to vector<128xf32>
    %max3A_998 = arith.maximumf %get3A_997, %reduce_max3A_993 : vector<128xf32>
    %swap3A_999 = arith.constant 49 : index
    %swap3A_1000 = arith.constant 0 : index
    %swap3A_1001 = vector.load %arg6[%swap3A_999, %swap3A_1000] : memref<64x128xf32, #tpu.memory_space<vmem>>, vector<1x128xf32>
    %swap3A_1002 = vector.shape_cast %swap3A_1001 : vector<1x128xf32> to vector<128xf32>
    %swap3A_1003 = vector.shape_cast %max3A_998 : vector<128xf32> to vector<1x128xf32>
    tpu.vector_store %arg6[%swap3A_999, %swap3A_1000], %swap3A_1003 {strides = array<i32>} : memref<64x128xf32, #tpu.memory_space<vmem>>, vector<1x128xf32>,
    %eq3A_1004 = arith.constant 50 : i32
    %eq3A_1005 = vector.broadcast %eq3A_1004 : i32 to vector<2000x1xi32>
    %eq3A_1006 = arith.cmpi eq, %get3A_8, %eq3A_1005 : vector<2000x1xi32>
    %jit3A_1007 = arith.constant 0xFF800000 : f32
    %broadcast_in_dim3A_1008 = vector.shape_cast %eq3A_1006 : vector<2000x1xi1> to vector<2000x1xi1>
    %broadcast_in_dim3A_1009 = vector.broadcast %broadcast_in_dim3A_1008 : vector<2000x1xi1> to vector<2000x128xi1>
    %broadcast_in_dim3A_1010 = vector.broadcast %jit3A_1007 : f32 to vector<2000x128xf32>
    %select_n3A_1011 = arith.select %broadcast_in_dim3A_1009, %max3A_5, %broadcast_in_dim3A_1010 : vector<2000x128xi1>, vector<2000x128xf32>
    %reduce_max3A_1012 = arith.constant dense<0xFF800000> : vector<128xf32>
    %reduce_max3A_1013 = vector.multi_reduction <maximumf>, %select_n3A_1011, %reduce_max3A_1012 [0] : vector<2000x128xf32> to vector<128xf32>
    %get3A_1014 = arith.constant 50 : index
    %get3A_1015 = arith.constant 0 : index
    %get3A_1016 = vector.load %arg6[%get3A_1014, %get3A_1015] : memref<64x128xf32, #tpu.memory_space<vmem>>, vector<1x128xf32>
    %get3A_1017 = vector.shape_cast %get3A_1016 : vector<1x128xf32> to vector<128xf32>
    %max3A_1018 = arith.maximumf %get3A_1017, %reduce_max3A_1013 : vector<128xf32>
    %swap3A_1019 = arith.constant 50 : index
    %swap3A_1020 = arith.constant 0 : index
    %swap3A_1021 = vector.load %arg6[%swap3A_1019, %swap3A_1020] : memref<64x128xf32, #tpu.memory_space<vmem>>, vector<1x128xf32>
    %swap3A_1022 = vector.shape_cast %swap3A_1021 : vector<1x128xf32> to vector<128xf32>
    %swap3A_1023 = vector.shape_cast %max3A_1018 : vector<128xf32> to vector<1x128xf32>
    tpu.vector_store %arg6[%swap3A_1019, %swap3A_1020], %swap3A_1023 {strides = array<i32>} : memref<64x128xf32, #tpu.memory_space<vmem>>, vector<1x128xf32>,
    %eq3A_1024 = arith.constant 51 : i32
    %eq3A_1025 = vector.broadcast %eq3A_1024 : i32 to vector<2000x1xi32>
    %eq3A_1026 = arith.cmpi eq, %get3A_8, %eq3A_1025 : vector<2000x1xi32>
    %jit3A_1027 = arith.constant 0xFF800000 : f32
    %broadcast_in_dim3A_1028 = vector.shape_cast %eq3A_1026 : vector<2000x1xi1> to vector<2000x1xi1>
    %broadcast_in_dim3A_1029 = vector.broadcast %broadcast_in_dim3A_1028 : vector<2000x1xi1> to vector<2000x128xi1>
    %broadcast_in_dim3A_1030 = vector.broadcast %jit3A_1027 : f32 to vector<2000x128xf32>
    %select_n3A_1031 = arith.select %broadcast_in_dim3A_1029, %max3A_5, %broadcast_in_dim3A_1030 : vector<2000x128xi1>, vector<2000x128xf32>
    %reduce_max3A_1032 = arith.constant dense<0xFF800000> : vector<128xf32>
    %reduce_max3A_1033 = vector.multi_reduction <maximumf>, %select_n3A_1031, %reduce_max3A_1032 [0] : vector<2000x128xf32> to vector<128xf32>
    %get3A_1034 = arith.constant 51 : index
    %get3A_1035 = arith.constant 0 : index
    %get3A_1036 = vector.load %arg6[%get3A_1034, %get3A_1035] : memref<64x128xf32, #tpu.memory_space<vmem>>, vector<1x128xf32>
    %get3A_1037 = vector.shape_cast %get3A_1036 : vector<1x128xf32> to vector<128xf32>
    %max3A_1038 = arith.maximumf %get3A_1037, %reduce_max3A_1033 : vector<128xf32>
    %swap3A_1039 = arith.constant 51 : index
    %swap3A_1040 = arith.constant 0 : index
    %swap3A_1041 = vector.load %arg6[%swap3A_1039, %swap3A_1040] : memref<64x128xf32, #tpu.memory_space<vmem>>, vector<1x128xf32>
    %swap3A_1042 = vector.shape_cast %swap3A_1041 : vector<1x128xf32> to vector<128xf32>
    %swap3A_1043 = vector.shape_cast %max3A_1038 : vector<128xf32> to vector<1x128xf32>
    tpu.vector_store %arg6[%swap3A_1039, %swap3A_1040], %swap3A_1043 {strides = array<i32>} : memref<64x128xf32, #tpu.memory_space<vmem>>, vector<1x128xf32>,
    %eq3A_1044 = arith.constant 52 : i32
    %eq3A_1045 = vector.broadcast %eq3A_1044 : i32 to vector<2000x1xi32>
    %eq3A_1046 = arith.cmpi eq, %get3A_8, %eq3A_1045 : vector<2000x1xi32>
    %jit3A_1047 = arith.constant 0xFF800000 : f32
    %broadcast_in_dim3A_1048 = vector.shape_cast %eq3A_1046 : vector<2000x1xi1> to vector<2000x1xi1>
    %broadcast_in_dim3A_1049 = vector.broadcast %broadcast_in_dim3A_1048 : vector<2000x1xi1> to vector<2000x128xi1>
    %broadcast_in_dim3A_1050 = vector.broadcast %jit3A_1047 : f32 to vector<2000x128xf32>
    %select_n3A_1051 = arith.select %broadcast_in_dim3A_1049, %max3A_5, %broadcast_in_dim3A_1050 : vector<2000x128xi1>, vector<2000x128xf32>
    %reduce_max3A_1052 = arith.constant dense<0xFF800000> : vector<128xf32>
    %reduce_max3A_1053 = vector.multi_reduction <maximumf>, %select_n3A_1051, %reduce_max3A_1052 [0] : vector<2000x128xf32> to vector<128xf32>
    %get3A_1054 = arith.constant 52 : index
    %get3A_1055 = arith.constant 0 : index
    %get3A_1056 = vector.load %arg6[%get3A_1054, %get3A_1055] : memref<64x128xf32, #tpu.memory_space<vmem>>, vector<1x128xf32>
    %get3A_1057 = vector.shape_cast %get3A_1056 : vector<1x128xf32> to vector<128xf32>
    %max3A_1058 = arith.maximumf %get3A_1057, %reduce_max3A_1053 : vector<128xf32>
    %swap3A_1059 = arith.constant 52 : index
    %swap3A_1060 = arith.constant 0 : index
    %swap3A_1061 = vector.load %arg6[%swap3A_1059, %swap3A_1060] : memref<64x128xf32, #tpu.memory_space<vmem>>, vector<1x128xf32>
    %swap3A_1062 = vector.shape_cast %swap3A_1061 : vector<1x128xf32> to vector<128xf32>
    %swap3A_1063 = vector.shape_cast %max3A_1058 : vector<128xf32> to vector<1x128xf32>
    tpu.vector_store %arg6[%swap3A_1059, %swap3A_1060], %swap3A_1063 {strides = array<i32>} : memref<64x128xf32, #tpu.memory_space<vmem>>, vector<1x128xf32>,
    %eq3A_1064 = arith.constant 53 : i32
    %eq3A_1065 = vector.broadcast %eq3A_1064 : i32 to vector<2000x1xi32>
    %eq3A_1066 = arith.cmpi eq, %get3A_8, %eq3A_1065 : vector<2000x1xi32>
    %jit3A_1067 = arith.constant 0xFF800000 : f32
    %broadcast_in_dim3A_1068 = vector.shape_cast %eq3A_1066 : vector<2000x1xi1> to vector<2000x1xi1>
    %broadcast_in_dim3A_1069 = vector.broadcast %broadcast_in_dim3A_1068 : vector<2000x1xi1> to vector<2000x128xi1>
    %broadcast_in_dim3A_1070 = vector.broadcast %jit3A_1067 : f32 to vector<2000x128xf32>
    %select_n3A_1071 = arith.select %broadcast_in_dim3A_1069, %max3A_5, %broadcast_in_dim3A_1070 : vector<2000x128xi1>, vector<2000x128xf32>
    %reduce_max3A_1072 = arith.constant dense<0xFF800000> : vector<128xf32>
    %reduce_max3A_1073 = vector.multi_reduction <maximumf>, %select_n3A_1071, %reduce_max3A_1072 [0] : vector<2000x128xf32> to vector<128xf32>
    %get3A_1074 = arith.constant 53 : index
    %get3A_1075 = arith.constant 0 : index
    %get3A_1076 = vector.load %arg6[%get3A_1074, %get3A_1075] : memref<64x128xf32, #tpu.memory_space<vmem>>, vector<1x128xf32>
    %get3A_1077 = vector.shape_cast %get3A_1076 : vector<1x128xf32> to vector<128xf32>
    %max3A_1078 = arith.maximumf %get3A_1077, %reduce_max3A_1073 : vector<128xf32>
    %swap3A_1079 = arith.constant 53 : index
    %swap3A_1080 = arith.constant 0 : index
    %swap3A_1081 = vector.load %arg6[%swap3A_1079, %swap3A_1080] : memref<64x128xf32, #tpu.memory_space<vmem>>, vector<1x128xf32>
    %swap3A_1082 = vector.shape_cast %swap3A_1081 : vector<1x128xf32> to vector<128xf32>
    %swap3A_1083 = vector.shape_cast %max3A_1078 : vector<128xf32> to vector<1x128xf32>
    tpu.vector_store %arg6[%swap3A_1079, %swap3A_1080], %swap3A_1083 {strides = array<i32>} : memref<64x128xf32, #tpu.memory_space<vmem>>, vector<1x128xf32>,
    %eq3A_1084 = arith.constant 54 : i32
    %eq3A_1085 = vector.broadcast %eq3A_1084 : i32 to vector<2000x1xi32>
    %eq3A_1086 = arith.cmpi eq, %get3A_8, %eq3A_1085 : vector<2000x1xi32>
    %jit3A_1087 = arith.constant 0xFF800000 : f32
    %broadcast_in_dim3A_1088 = vector.shape_cast %eq3A_1086 : vector<2000x1xi1> to vector<2000x1xi1>
    %broadcast_in_dim3A_1089 = vector.broadcast %broadcast_in_dim3A_1088 : vector<2000x1xi1> to vector<2000x128xi1>
    %broadcast_in_dim3A_1090 = vector.broadcast %jit3A_1087 : f32 to vector<2000x128xf32>
    %select_n3A_1091 = arith.select %broadcast_in_dim3A_1089, %max3A_5, %broadcast_in_dim3A_1090 : vector<2000x128xi1>, vector<2000x128xf32>
    %reduce_max3A_1092 = arith.constant dense<0xFF800000> : vector<128xf32>
    %reduce_max3A_1093 = vector.multi_reduction <maximumf>, %select_n3A_1091, %reduce_max3A_1092 [0] : vector<2000x128xf32> to vector<128xf32>
    %get3A_1094 = arith.constant 54 : index
    %get3A_1095 = arith.constant 0 : index
    %get3A_1096 = vector.load %arg6[%get3A_1094, %get3A_1095] : memref<64x128xf32, #tpu.memory_space<vmem>>, vector<1x128xf32>
    %get3A_1097 = vector.shape_cast %get3A_1096 : vector<1x128xf32> to vector<128xf32>
    %max3A_1098 = arith.maximumf %get3A_1097, %reduce_max3A_1093 : vector<128xf32>
    %swap3A_1099 = arith.constant 54 : index
    %swap3A_1100 = arith.constant 0 : index
    %swap3A_1101 = vector.load %arg6[%swap3A_1099, %swap3A_1100] : memref<64x128xf32, #tpu.memory_space<vmem>>, vector<1x128xf32>
    %swap3A_1102 = vector.shape_cast %swap3A_1101 : vector<1x128xf32> to vector<128xf32>
    %swap3A_1103 = vector.shape_cast %max3A_1098 : vector<128xf32> to vector<1x128xf32>
    tpu.vector_store %arg6[%swap3A_1099, %swap3A_1100], %swap3A_1103 {strides = array<i32>} : memref<64x128xf32, #tpu.memory_space<vmem>>, vector<1x128xf32>,
    %eq3A_1104 = arith.constant 55 : i32
    %eq3A_1105 = vector.broadcast %eq3A_1104 : i32 to vector<2000x1xi32>
    %eq3A_1106 = arith.cmpi eq, %get3A_8, %eq3A_1105 : vector<2000x1xi32>
    %jit3A_1107 = arith.constant 0xFF800000 : f32
    %broadcast_in_dim3A_1108 = vector.shape_cast %eq3A_1106 : vector<2000x1xi1> to vector<2000x1xi1>
    %broadcast_in_dim3A_1109 = vector.broadcast %broadcast_in_dim3A_1108 : vector<2000x1xi1> to vector<2000x128xi1>
    %broadcast_in_dim3A_1110 = vector.broadcast %jit3A_1107 : f32 to vector<2000x128xf32>
    %select_n3A_1111 = arith.select %broadcast_in_dim3A_1109, %max3A_5, %broadcast_in_dim3A_1110 : vector<2000x128xi1>, vector<2000x128xf32>
    %reduce_max3A_1112 = arith.constant dense<0xFF800000> : vector<128xf32>
    %reduce_max3A_1113 = vector.multi_reduction <maximumf>, %select_n3A_1111, %reduce_max3A_1112 [0] : vector<2000x128xf32> to vector<128xf32>
    %get3A_1114 = arith.constant 55 : index
    %get3A_1115 = arith.constant 0 : index
    %get3A_1116 = vector.load %arg6[%get3A_1114, %get3A_1115] : memref<64x128xf32, #tpu.memory_space<vmem>>, vector<1x128xf32>
    %get3A_1117 = vector.shape_cast %get3A_1116 : vector<1x128xf32> to vector<128xf32>
    %max3A_1118 = arith.maximumf %get3A_1117, %reduce_max3A_1113 : vector<128xf32>
    %swap3A_1119 = arith.constant 55 : index
    %swap3A_1120 = arith.constant 0 : index
    %swap3A_1121 = vector.load %arg6[%swap3A_1119, %swap3A_1120] : memref<64x128xf32, #tpu.memory_space<vmem>>, vector<1x128xf32>
    %swap3A_1122 = vector.shape_cast %swap3A_1121 : vector<1x128xf32> to vector<128xf32>
    %swap3A_1123 = vector.shape_cast %max3A_1118 : vector<128xf32> to vector<1x128xf32>
    tpu.vector_store %arg6[%swap3A_1119, %swap3A_1120], %swap3A_1123 {strides = array<i32>} : memref<64x128xf32, #tpu.memory_space<vmem>>, vector<1x128xf32>,
    %eq3A_1124 = arith.constant 56 : i32
    %eq3A_1125 = vector.broadcast %eq3A_1124 : i32 to vector<2000x1xi32>
    %eq3A_1126 = arith.cmpi eq, %get3A_8, %eq3A_1125 : vector<2000x1xi32>
    %jit3A_1127 = arith.constant 0xFF800000 : f32
    %broadcast_in_dim3A_1128 = vector.shape_cast %eq3A_1126 : vector<2000x1xi1> to vector<2000x1xi1>
    %broadcast_in_dim3A_1129 = vector.broadcast %broadcast_in_dim3A_1128 : vector<2000x1xi1> to vector<2000x128xi1>
    %broadcast_in_dim3A_1130 = vector.broadcast %jit3A_1127 : f32 to vector<2000x128xf32>
    %select_n3A_1131 = arith.select %broadcast_in_dim3A_1129, %max3A_5, %broadcast_in_dim3A_1130 : vector<2000x128xi1>, vector<2000x128xf32>
    %reduce_max3A_1132 = arith.constant dense<0xFF800000> : vector<128xf32>
    %reduce_max3A_1133 = vector.multi_reduction <maximumf>, %select_n3A_1131, %reduce_max3A_1132 [0] : vector<2000x128xf32> to vector<128xf32>
    %get3A_1134 = arith.constant 56 : index
    %get3A_1135 = arith.constant 0 : index
    %get3A_1136 = vector.load %arg6[%get3A_1134, %get3A_1135] : memref<64x128xf32, #tpu.memory_space<vmem>>, vector<1x128xf32>
    %get3A_1137 = vector.shape_cast %get3A_1136 : vector<1x128xf32> to vector<128xf32>
    %max3A_1138 = arith.maximumf %get3A_1137, %reduce_max3A_1133 : vector<128xf32>
    %swap3A_1139 = arith.constant 56 : index
    %swap3A_1140 = arith.constant 0 : index
    %swap3A_1141 = vector.load %arg6[%swap3A_1139, %swap3A_1140] : memref<64x128xf32, #tpu.memory_space<vmem>>, vector<1x128xf32>
    %swap3A_1142 = vector.shape_cast %swap3A_1141 : vector<1x128xf32> to vector<128xf32>
    %swap3A_1143 = vector.shape_cast %max3A_1138 : vector<128xf32> to vector<1x128xf32>
    tpu.vector_store %arg6[%swap3A_1139, %swap3A_1140], %swap3A_1143 {strides = array<i32>} : memref<64x128xf32, #tpu.memory_space<vmem>>, vector<1x128xf32>,
    %eq3A_1144 = arith.constant 57 : i32
    %eq3A_1145 = vector.broadcast %eq3A_1144 : i32 to vector<2000x1xi32>
    %eq3A_1146 = arith.cmpi eq, %get3A_8, %eq3A_1145 : vector<2000x1xi32>
    %jit3A_1147 = arith.constant 0xFF800000 : f32
    %broadcast_in_dim3A_1148 = vector.shape_cast %eq3A_1146 : vector<2000x1xi1> to vector<2000x1xi1>
    %broadcast_in_dim3A_1149 = vector.broadcast %broadcast_in_dim3A_1148 : vector<2000x1xi1> to vector<2000x128xi1>
    %broadcast_in_dim3A_1150 = vector.broadcast %jit3A_1147 : f32 to vector<2000x128xf32>
    %select_n3A_1151 = arith.select %broadcast_in_dim3A_1149, %max3A_5, %broadcast_in_dim3A_1150 : vector<2000x128xi1>, vector<2000x128xf32>
    %reduce_max3A_1152 = arith.constant dense<0xFF800000> : vector<128xf32>
    %reduce_max3A_1153 = vector.multi_reduction <maximumf>, %select_n3A_1151, %reduce_max3A_1152 [0] : vector<2000x128xf32> to vector<128xf32>
    %get3A_1154 = arith.constant 57 : index
    %get3A_1155 = arith.constant 0 : index
    %get3A_1156 = vector.load %arg6[%get3A_1154, %get3A_1155] : memref<64x128xf32, #tpu.memory_space<vmem>>, vector<1x128xf32>
    %get3A_1157 = vector.shape_cast %get3A_1156 : vector<1x128xf32> to vector<128xf32>
    %max3A_1158 = arith.maximumf %get3A_1157, %reduce_max3A_1153 : vector<128xf32>
    %swap3A_1159 = arith.constant 57 : index
    %swap3A_1160 = arith.constant 0 : index
    %swap3A_1161 = vector.load %arg6[%swap3A_1159, %swap3A_1160] : memref<64x128xf32, #tpu.memory_space<vmem>>, vector<1x128xf32>
    %swap3A_1162 = vector.shape_cast %swap3A_1161 : vector<1x128xf32> to vector<128xf32>
    %swap3A_1163 = vector.shape_cast %max3A_1158 : vector<128xf32> to vector<1x128xf32>
    tpu.vector_store %arg6[%swap3A_1159, %swap3A_1160], %swap3A_1163 {strides = array<i32>} : memref<64x128xf32, #tpu.memory_space<vmem>>, vector<1x128xf32>,
    %eq3A_1164 = arith.constant 58 : i32
    %eq3A_1165 = vector.broadcast %eq3A_1164 : i32 to vector<2000x1xi32>
    %eq3A_1166 = arith.cmpi eq, %get3A_8, %eq3A_1165 : vector<2000x1xi32>
    %jit3A_1167 = arith.constant 0xFF800000 : f32
    %broadcast_in_dim3A_1168 = vector.shape_cast %eq3A_1166 : vector<2000x1xi1> to vector<2000x1xi1>
    %broadcast_in_dim3A_1169 = vector.broadcast %broadcast_in_dim3A_1168 : vector<2000x1xi1> to vector<2000x128xi1>
    %broadcast_in_dim3A_1170 = vector.broadcast %jit3A_1167 : f32 to vector<2000x128xf32>
    %select_n3A_1171 = arith.select %broadcast_in_dim3A_1169, %max3A_5, %broadcast_in_dim3A_1170 : vector<2000x128xi1>, vector<2000x128xf32>
    %reduce_max3A_1172 = arith.constant dense<0xFF800000> : vector<128xf32>
    %reduce_max3A_1173 = vector.multi_reduction <maximumf>, %select_n3A_1171, %reduce_max3A_1172 [0] : vector<2000x128xf32> to vector<128xf32>
    %get3A_1174 = arith.constant 58 : index
    %get3A_1175 = arith.constant 0 : index
    %get3A_1176 = vector.load %arg6[%get3A_1174, %get3A_1175] : memref<64x128xf32, #tpu.memory_space<vmem>>, vector<1x128xf32>
    %get3A_1177 = vector.shape_cast %get3A_1176 : vector<1x128xf32> to vector<128xf32>
    %max3A_1178 = arith.maximumf %get3A_1177, %reduce_max3A_1173 : vector<128xf32>
    %swap3A_1179 = arith.constant 58 : index
    %swap3A_1180 = arith.constant 0 : index
    %swap3A_1181 = vector.load %arg6[%swap3A_1179, %swap3A_1180] : memref<64x128xf32, #tpu.memory_space<vmem>>, vector<1x128xf32>
    %swap3A_1182 = vector.shape_cast %swap3A_1181 : vector<1x128xf32> to vector<128xf32>
    %swap3A_1183 = vector.shape_cast %max3A_1178 : vector<128xf32> to vector<1x128xf32>
    tpu.vector_store %arg6[%swap3A_1179, %swap3A_1180], %swap3A_1183 {strides = array<i32>} : memref<64x128xf32, #tpu.memory_space<vmem>>, vector<1x128xf32>,
    %eq3A_1184 = arith.constant 59 : i32
    %eq3A_1185 = vector.broadcast %eq3A_1184 : i32 to vector<2000x1xi32>
    %eq3A_1186 = arith.cmpi eq, %get3A_8, %eq3A_1185 : vector<2000x1xi32>
    %jit3A_1187 = arith.constant 0xFF800000 : f32
    %broadcast_in_dim3A_1188 = vector.shape_cast %eq3A_1186 : vector<2000x1xi1> to vector<2000x1xi1>
    %broadcast_in_dim3A_1189 = vector.broadcast %broadcast_in_dim3A_1188 : vector<2000x1xi1> to vector<2000x128xi1>
    %broadcast_in_dim3A_1190 = vector.broadcast %jit3A_1187 : f32 to vector<2000x128xf32>
    %select_n3A_1191 = arith.select %broadcast_in_dim3A_1189, %max3A_5, %broadcast_in_dim3A_1190 : vector<2000x128xi1>, vector<2000x128xf32>
    %reduce_max3A_1192 = arith.constant dense<0xFF800000> : vector<128xf32>
    %reduce_max3A_1193 = vector.multi_reduction <maximumf>, %select_n3A_1191, %reduce_max3A_1192 [0] : vector<2000x128xf32> to vector<128xf32>
    %get3A_1194 = arith.constant 59 : index
    %get3A_1195 = arith.constant 0 : index
    %get3A_1196 = vector.load %arg6[%get3A_1194, %get3A_1195] : memref<64x128xf32, #tpu.memory_space<vmem>>, vector<1x128xf32>
    %get3A_1197 = vector.shape_cast %get3A_1196 : vector<1x128xf32> to vector<128xf32>
    %max3A_1198 = arith.maximumf %get3A_1197, %reduce_max3A_1193 : vector<128xf32>
    %swap3A_1199 = arith.constant 59 : index
    %swap3A_1200 = arith.constant 0 : index
    %swap3A_1201 = vector.load %arg6[%swap3A_1199, %swap3A_1200] : memref<64x128xf32, #tpu.memory_space<vmem>>, vector<1x128xf32>
    %swap3A_1202 = vector.shape_cast %swap3A_1201 : vector<1x128xf32> to vector<128xf32>
    %swap3A_1203 = vector.shape_cast %max3A_1198 : vector<128xf32> to vector<1x128xf32>
    tpu.vector_store %arg6[%swap3A_1199, %swap3A_1200], %swap3A_1203 {strides = array<i32>} : memref<64x128xf32, #tpu.memory_space<vmem>>, vector<1x128xf32>,
    %eq3A_1204 = arith.constant 60 : i32
    %eq3A_1205 = vector.broadcast %eq3A_1204 : i32 to vector<2000x1xi32>
    %eq3A_1206 = arith.cmpi eq, %get3A_8, %eq3A_1205 : vector<2000x1xi32>
    %jit3A_1207 = arith.constant 0xFF800000 : f32
    %broadcast_in_dim3A_1208 = vector.shape_cast %eq3A_1206 : vector<2000x1xi1> to vector<2000x1xi1>
    %broadcast_in_dim3A_1209 = vector.broadcast %broadcast_in_dim3A_1208 : vector<2000x1xi1> to vector<2000x128xi1>
    %broadcast_in_dim3A_1210 = vector.broadcast %jit3A_1207 : f32 to vector<2000x128xf32>
    %select_n3A_1211 = arith.select %broadcast_in_dim3A_1209, %max3A_5, %broadcast_in_dim3A_1210 : vector<2000x128xi1>, vector<2000x128xf32>
    %reduce_max3A_1212 = arith.constant dense<0xFF800000> : vector<128xf32>
    %reduce_max3A_1213 = vector.multi_reduction <maximumf>, %select_n3A_1211, %reduce_max3A_1212 [0] : vector<2000x128xf32> to vector<128xf32>
    %get3A_1214 = arith.constant 60 : index
    %get3A_1215 = arith.constant 0 : index
    %get3A_1216 = vector.load %arg6[%get3A_1214, %get3A_1215] : memref<64x128xf32, #tpu.memory_space<vmem>>, vector<1x128xf32>
    %get3A_1217 = vector.shape_cast %get3A_1216 : vector<1x128xf32> to vector<128xf32>
    %max3A_1218 = arith.maximumf %get3A_1217, %reduce_max3A_1213 : vector<128xf32>
    %swap3A_1219 = arith.constant 60 : index
    %swap3A_1220 = arith.constant 0 : index
    %swap3A_1221 = vector.load %arg6[%swap3A_1219, %swap3A_1220] : memref<64x128xf32, #tpu.memory_space<vmem>>, vector<1x128xf32>
    %swap3A_1222 = vector.shape_cast %swap3A_1221 : vector<1x128xf32> to vector<128xf32>
    %swap3A_1223 = vector.shape_cast %max3A_1218 : vector<128xf32> to vector<1x128xf32>
    tpu.vector_store %arg6[%swap3A_1219, %swap3A_1220], %swap3A_1223 {strides = array<i32>} : memref<64x128xf32, #tpu.memory_space<vmem>>, vector<1x128xf32>,
    %eq3A_1224 = arith.constant 61 : i32
    %eq3A_1225 = vector.broadcast %eq3A_1224 : i32 to vector<2000x1xi32>
    %eq3A_1226 = arith.cmpi eq, %get3A_8, %eq3A_1225 : vector<2000x1xi32>
    %jit3A_1227 = arith.constant 0xFF800000 : f32
    %broadcast_in_dim3A_1228 = vector.shape_cast %eq3A_1226 : vector<2000x1xi1> to vector<2000x1xi1>
    %broadcast_in_dim3A_1229 = vector.broadcast %broadcast_in_dim3A_1228 : vector<2000x1xi1> to vector<2000x128xi1>
    %broadcast_in_dim3A_1230 = vector.broadcast %jit3A_1227 : f32 to vector<2000x128xf32>
    %select_n3A_1231 = arith.select %broadcast_in_dim3A_1229, %max3A_5, %broadcast_in_dim3A_1230 : vector<2000x128xi1>, vector<2000x128xf32>
    %reduce_max3A_1232 = arith.constant dense<0xFF800000> : vector<128xf32>
    %reduce_max3A_1233 = vector.multi_reduction <maximumf>, %select_n3A_1231, %reduce_max3A_1232 [0] : vector<2000x128xf32> to vector<128xf32>
    %get3A_1234 = arith.constant 61 : index
    %get3A_1235 = arith.constant 0 : index
    %get3A_1236 = vector.load %arg6[%get3A_1234, %get3A_1235] : memref<64x128xf32, #tpu.memory_space<vmem>>, vector<1x128xf32>
    %get3A_1237 = vector.shape_cast %get3A_1236 : vector<1x128xf32> to vector<128xf32>
    %max3A_1238 = arith.maximumf %get3A_1237, %reduce_max3A_1233 : vector<128xf32>
    %swap3A_1239 = arith.constant 61 : index
    %swap3A_1240 = arith.constant 0 : index
    %swap3A_1241 = vector.load %arg6[%swap3A_1239, %swap3A_1240] : memref<64x128xf32, #tpu.memory_space<vmem>>, vector<1x128xf32>
    %swap3A_1242 = vector.shape_cast %swap3A_1241 : vector<1x128xf32> to vector<128xf32>
    %swap3A_1243 = vector.shape_cast %max3A_1238 : vector<128xf32> to vector<1x128xf32>
    tpu.vector_store %arg6[%swap3A_1239, %swap3A_1240], %swap3A_1243 {strides = array<i32>} : memref<64x128xf32, #tpu.memory_space<vmem>>, vector<1x128xf32>,
    %eq3A_1244 = arith.constant 62 : i32
    %eq3A_1245 = vector.broadcast %eq3A_1244 : i32 to vector<2000x1xi32>
    %eq3A_1246 = arith.cmpi eq, %get3A_8, %eq3A_1245 : vector<2000x1xi32>
    %jit3A_1247 = arith.constant 0xFF800000 : f32
    %broadcast_in_dim3A_1248 = vector.shape_cast %eq3A_1246 : vector<2000x1xi1> to vector<2000x1xi1>
    %broadcast_in_dim3A_1249 = vector.broadcast %broadcast_in_dim3A_1248 : vector<2000x1xi1> to vector<2000x128xi1>
    %broadcast_in_dim3A_1250 = vector.broadcast %jit3A_1247 : f32 to vector<2000x128xf32>
    %select_n3A_1251 = arith.select %broadcast_in_dim3A_1249, %max3A_5, %broadcast_in_dim3A_1250 : vector<2000x128xi1>, vector<2000x128xf32>
    %reduce_max3A_1252 = arith.constant dense<0xFF800000> : vector<128xf32>
    %reduce_max3A_1253 = vector.multi_reduction <maximumf>, %select_n3A_1251, %reduce_max3A_1252 [0] : vector<2000x128xf32> to vector<128xf32>
    %get3A_1254 = arith.constant 62 : index
    %get3A_1255 = arith.constant 0 : index
    %get3A_1256 = vector.load %arg6[%get3A_1254, %get3A_1255] : memref<64x128xf32, #tpu.memory_space<vmem>>, vector<1x128xf32>
    %get3A_1257 = vector.shape_cast %get3A_1256 : vector<1x128xf32> to vector<128xf32>
    %max3A_1258 = arith.maximumf %get3A_1257, %reduce_max3A_1253 : vector<128xf32>
    %swap3A_1259 = arith.constant 62 : index
    %swap3A_1260 = arith.constant 0 : index
    %swap3A_1261 = vector.load %arg6[%swap3A_1259, %swap3A_1260] : memref<64x128xf32, #tpu.memory_space<vmem>>, vector<1x128xf32>
    %swap3A_1262 = vector.shape_cast %swap3A_1261 : vector<1x128xf32> to vector<128xf32>
    %swap3A_1263 = vector.shape_cast %max3A_1258 : vector<128xf32> to vector<1x128xf32>
    tpu.vector_store %arg6[%swap3A_1259, %swap3A_1260], %swap3A_1263 {strides = array<i32>} : memref<64x128xf32, #tpu.memory_space<vmem>>, vector<1x128xf32>,
    %eq3A_1264 = arith.constant 63 : i32
    %eq3A_1265 = vector.broadcast %eq3A_1264 : i32 to vector<2000x1xi32>
    %eq3A_1266 = arith.cmpi eq, %get3A_8, %eq3A_1265 : vector<2000x1xi32>
    %jit3A_1267 = arith.constant 0xFF800000 : f32
    %broadcast_in_dim3A_1268 = vector.shape_cast %eq3A_1266 : vector<2000x1xi1> to vector<2000x1xi1>
    %broadcast_in_dim3A_1269 = vector.broadcast %broadcast_in_dim3A_1268 : vector<2000x1xi1> to vector<2000x128xi1>
    %broadcast_in_dim3A_1270 = vector.broadcast %jit3A_1267 : f32 to vector<2000x128xf32>
    %select_n3A_1271 = arith.select %broadcast_in_dim3A_1269, %max3A_5, %broadcast_in_dim3A_1270 : vector<2000x128xi1>, vector<2000x128xf32>
    %reduce_max3A_1272 = arith.constant dense<0xFF800000> : vector<128xf32>
    %reduce_max3A_1273 = vector.multi_reduction <maximumf>, %select_n3A_1271, %reduce_max3A_1272 [0] : vector<2000x128xf32> to vector<128xf32>
    %get3A_1274 = arith.constant 63 : index
    %get3A_1275 = arith.constant 0 : index
    %get3A_1276 = vector.load %arg6[%get3A_1274, %get3A_1275] : memref<64x128xf32, #tpu.memory_space<vmem>>, vector<1x128xf32>
    %get3A_1277 = vector.shape_cast %get3A_1276 : vector<1x128xf32> to vector<128xf32>
    %max3A_1278 = arith.maximumf %get3A_1277, %reduce_max3A_1273 : vector<128xf32>
    %swap3A_1279 = arith.constant 63 : index
    %swap3A_1280 = arith.constant 0 : index
    %swap3A_1281 = vector.load %arg6[%swap3A_1279, %swap3A_1280] : memref<64x128xf32, #tpu.memory_space<vmem>>, vector<1x128xf32>
    %swap3A_1282 = vector.shape_cast %swap3A_1281 : vector<1x128xf32> to vector<128xf32>
    %swap3A_1283 = vector.shape_cast %max3A_1278 : vector<128xf32> to vector<1x128xf32>
    tpu.vector_store %arg6[%swap3A_1279, %swap3A_1280], %swap3A_1283 {strides = array<i32>} : memref<64x128xf32, #tpu.memory_space<vmem>>, vector<1x128xf32>,
    %eq3A_1284 = arith.constant 4 : i32
    %eq3A_1285 = arith.cmpi eq, %arg0, %eq3A_1284 : i32
    %convert_element_type3A_1286 = arith.extui %eq3A_1285 : i1 to i32
    %cond3A_1287 = arith.constant 0 : i32
    %cond3A_1288 = arith.cmpi ne, %convert_element_type3A_1286, %cond3A_1287 : i32
    scf.if %cond3A_1288 {
      %get3A_1289 = arith.constant 0 : index
      %get3A_1290 = arith.constant 0 : index
      %get3A_1291 = vector.load %arg6[%get3A_1289, %get3A_1290] : memref<64x128xf32, #tpu.memory_space<vmem>>, vector<64x128xf32>
      %is_finite3A = tpu.weird %get3A_1291 : vector<64x128xf32> -> vector<64x128xi1>
      %is_finite3A_1292 = arith.constant dense<true> : vector<64x128xi1>
      %is_finite3A_1293 = arith.xori %is_finite3A, %is_finite3A_1292 : vector<64x128xi1>
      %get3A_1294 = arith.constant 0 : index
      %get3A_1295 = arith.constant 0 : index
      %get3A_1296 = vector.load %arg6[%get3A_1294, %get3A_1295] : memref<64x128xf32, #tpu.memory_space<vmem>>, vector<64x128xf32>
      %jit3A_1297 = arith.constant 0.000000e+00 : f32
      %broadcast_in_dim3A_1298 = vector.broadcast %jit3A_1297 : f32 to vector<64x128xf32>
      %select_n3A_1299 = arith.select %is_finite3A_1293, %get3A_1296, %broadcast_in_dim3A_1298 : vector<64x128xi1>, vector<64x128xf32>
      %get3A_1300 = arith.constant 0 : index
      %get3A_1301 = arith.constant 0 : index
      %get3A_1302 = vector.load %arg3[%get3A_1300, %get3A_1301] : memref<128x40xf32, #tpu.memory_space<vmem>>, vector<128x40xf32>
      %dot_general3A = arith.constant dense<0.000000e+00> : vector<64x40xf32>
      %dot_general3A_1303 = tpu.matmul %select_n3A_1299, %get3A_1302, %dot_general3A {dimension_numbers = #tpu.dot_dimension_numbers<[1], [0], [0], [1], [0, 0, 1, 1], [], []>, transpose_lhs_hint = false} : vector<64x128xf32>, vector<128x40xf32>, vector<64x40xf32> -> vector<64x40xf32>
      %get3A_1304 = arith.constant 0 : index
      %get3A_1305 = arith.constant 0 : index
      %get3A_1306 = vector.load %arg4[%get3A_1304, %get3A_1305] : memref<1x40xf32, #tpu.memory_space<vmem>>, vector<1x40xf32>
      %get3A_1307 = vector.shape_cast %get3A_1306 : vector<1x40xf32> to vector<40xf32>
      %broadcast_in_dim3A_1308 = vector.shape_cast %get3A_1307 : vector<40xf32> to vector<1x40xf32>
      %add3A = vector.broadcast %broadcast_in_dim3A_1308 : vector<1x40xf32> to vector<64x40xf32>
      %add3A_1309 = arith.addf %dot_general3A_1303, %add3A : vector<64x40xf32>
      %swap3A_1310 = arith.constant 0 : index
      %swap3A_1311 = arith.constant 0 : index
      %swap3A_1312 = vector.load %arg5[%swap3A_1310, %swap3A_1311] : memref<64x40xf32, #tpu.memory_space<vmem>>, vector<64x40xf32>
      tpu.vector_store %arg5[%swap3A_1310, %swap3A_1311], %add3A_1309 {strides = array<i32>} : memref<64x40xf32, #tpu.memory_space<vmem>>, vector<64x40xf32>,
    } else {
    }
    return
  }
  func.func @transform_0(%arg0: i32) -> (i32, i32) {
    %c0_i32 = arith.constant 0 : i32
    %c0_i32_0 = arith.constant 0 : i32
    return %arg0, %c0_i32 : i32, i32
  }
  func.func @transform_1(%arg0: i32) -> (i32, i32) {
    %c0_i32 = arith.constant 0 : i32
    %c0_i32_0 = arith.constant 0 : i32
    return %arg0, %c0_i32 : i32, i32
  }
  func.func @transform_2(%arg0: i32) -> (i32, i32) {
    %c0_i32 = arith.constant 0 : i32
    %c0_i32_0 = arith.constant 0 : i32
    %c0_i32_1 = arith.constant 0 : i32
    return %c0_i32, %c0_i32_0 : i32, i32
  }
  func.func @transform_3(%arg0: i32) -> (i32, i32) {
    %c0_i32 = arith.constant 0 : i32
    %c0_i32_0 = arith.constant 0 : i32
    %c0_i32_1 = arith.constant 0 : i32
    return %c0_i32, %c0_i32_0 : i32, i32
  }
  func.func @transform_4(%arg0: i32) -> (i32, i32) {
    %c0_i32 = arith.constant 0 : i32
    %c0_i32_0 = arith.constant 0 : i32
    %c0_i32_1 = arith.constant 0 : i32
    return %c0_i32, %c0_i32_0 : i32, i32
  }
}

</mosaic_0001>

<sc_bundles>
// kernel: kernel.21.cloned.1.call-start
scs
__scs_entry_jumppad:
0x0: {  	(pc) =	sbr.rel $0x88, $3  }
0x1: {  	(tag) =	ssettag $0x0;
	lr =	simm.s32 $0x1  }
0x2: {  	[smem:$0x3F96] =	sst lr;
	_ =	strace $0xD0000000  }
0x3: {  	_ = 	snop  }
0x4: {  	_ = 	snop  }
0x5: {  	_ = 	snop  }
0x6: {  	_ = 	snop  }
0x7: {  	_ = 	snop  }
__scs_overlays_trampoline_lowered:
0x8: {  	[smem:$0x3FA5] =	sst s0  }
0x9: {  	[smem:$0x3FA6] =	sst s1  }
0xa: {  	[smem:$0x3FA7] =	sst s2  }
0xb: {  	[smem:$0x3FA8] =	sst s3  }
0xc: {  	[smem:$0x3FA9] =	sst s4  }
0xd: {  	[smem:$0x3FAA] =	sst s5  }
0xe: {  	[smem:$0x3FAB] =	sst s6  }
0xf: {  	[smem:$0x3FAC] =	sst s7  }
0x10: {  	[smem:$0x3FAD] =	sst s8  }
0x11: {  	[smem:$0x3FAE] =	sst s9;
	s0 =	simm.s32 @!p0 $0x0  }
0x12: {  	s1 =	sld [smem:$0x3F94];
	s0 =	simm.s32 @p0 $0x1  }
0x13: {  	[smem:$0x3FAF] =	sst s0;
	s0 =	simm.s32 @!p1 $0x0  }
0x14: {  	s2 =	sld [smem:$0x3F93];
	s0 =	simm.s32 @p1 $0x1  }
0x15: {  	[smem:$0x3FB0] =	sst s0;
	s0 =	simm.s32 @!p2 $0x0  }
0x16: {  	s3 =	sld [smem:$0x3FDB];
	s0 =	simm.s32 @p2 $0x1  }
0x17: {  	s4 =	simm.s32 $0x1BF5;
	[smem:$0x3FB2] =	sst s0  }
0x18: {  	s0 =	sld [smem:$0x3F95];
	_ =	swait.ge [sflag:s4], $0x0  }
0x19: {  	s7 =	sld [smem:$0x3F96]  }
0x1a: {  	s8 =	sadd.s32 $0xFFFFE003, lr  }
0x1b: {  	s9 =	sadd.s32 $0xFFFFFEF7, lr;
	s5 =	simm.s32 $0xFFFFFFFF;
	p2 =	slt.u32 s8, $0xFFFFF086  }
0x1c: {  	p1 =	slt.u32 s9, $0xF7A;
	s5 =	simm.s32 @!p2 $0x0  }
0x1d: {  	s5 =	simm.s32 @p1 $0x1;
	p0 =	seq.s32 s7, s2  }
0x1e: {  	s7 =	smul.u32 @!p0 $0xF7A, s2;
	p2 =	seq.s32 @!p0 s5, $0x0  }
0x1f: {  	s9 =	smul.u32 $0xF7A, s1;
	s8 =	simm.s32 @!p0 $0x1BF5;
	p2 =	por !p2, p0  }
0x20: {  	[sflag:s8] =	ssyncset.s32 @!p0 $0xFFFFF086;
	s6 =	sadd.s32 @!p0 s3, s7;
	s7 =	simm.s32 @!p0 $0x108  }
0x21: {  	s3 =	sadd.s32 s3, s9;
	s6 =	sadd.s32 @!p0 $0x88, s6;
	s7 =	simm.s32 @p2 $0x1082  }
0x22: {  	[simem:s7], [sflag:s8] =	dma.local @!p0 [hbm:s6], $0xF7A  }
0x23: {  	s9 =	sor.u32 $0xD0000000, s2;
	s6 =	simm.s32 $0x108;
	_ =	swait.ge @!p0 [sflag:s8], $0x0  }
0x24: {  	s3 =	sadd.s32 $0x88, s3;
	s6 =	simm.s32 @!p1 $0x1082;
	[sflag:s4] =	ssyncset.s32 $0xFFFFF086  }
0x25: {  	[simem:s6], [sflag:s4] =	dma.local [hbm:s3], $0xF7A  }
0x26: {  	[smem:$0x3F96] =	sst s1;
	(tag) =	ssettag s2;
	_ =	strace s9  }
0x27: {  	s1 =	sld [smem:$0x3FA6]  }
0x28: {  	s2 =	sld [smem:$0x3FA7]  }
0x29: {  	s4 =	sld [smem:$0x3FA9]  }
0x2a: {  	p0 =	seq.s32 s5, $0x0;
	s5 =	sld [smem:$0x3FAA]  }
0x2b: {  	s6 =	sld [smem:$0x3FAB]  }
0x2c: {  	s7 =	sld [smem:$0x3FAC]  }
0x2d: {  	s3 =	simm.s32 $0x108;
	s8 =	sld [smem:$0x3FAD]  }
0x2e: {  	s3 =	simm.s32 @!p0 $0x1082;
	s9 =	sld [smem:$0x3FAE]  }
0x2f: {  	lr =	sadd.s32 s0, s3;
	s0 =	sld [smem:$0x3FA5]  }
0x30: {  	s3 =	sld [smem:$0x3FA8]  }
0x31: {  	[smem:$0x3FB1] =	sst s10  }
0x32: {  	s10 =	sld [smem:$0x3FAF];
	_ =	sdelay $0x3  }
0x33: {  	p0 =	seq.s32 s10, $0x1;
	s10 =	sld [smem:$0x3FB1];
	_ =	sdelay $0x3  }
0x34: {  	[smem:$0x3FB1] =	sst s10  }
0x35: {  	s10 =	sld [smem:$0x3FB0];
	_ =	sdelay $0x3  }
0x36: {  	p1 =	seq.s32 s10, $0x1;
	s10 =	sld [smem:$0x3FB1];
	_ =	sdelay $0x3  }
0x37: {  	[smem:$0x3FB1] =	sst s10  }
0x38: {  	s10 =	sld [smem:$0x3FB2]  }
0x39: {  	_ = 	snop;
	(pc) =	sbr.ind lr, $3  }
0x3a: {  	_ = 	snop  }
0x3b: {  	_ = 	snop  }
0x3c: {  	p2 =	seq.s32 s10, $0x1;
	s10 =	sld [smem:$0x3FB1]  }
0x3d: {  	_ =	shalt  }
0x3e: {  	_ =	shalt  }
0x3f: {  	_ =	shalt  }
0x40: {  	_ =	shalt  }
0x41: {  	_ =	shalt  }
0x42: {  	_ =	shalt  }
0x43: {  	_ =	shalt  }
0x44: {  	_ =	shalt  }
0x45: {  	_ =	shalt  }
0x46: {  	_ =	shalt  }
0x47: {  	_ =	shalt  }
0x48: {  	_ =	shalt  }
0x49: {  	_ =	shalt  }
0x4a: {  	_ =	shalt  }
0x4b: {  	_ =	shalt  }
0x4c: {  	_ =	shalt  }
0x4d: {  	_ =	shalt  }
0x4e: {  	_ =	shalt  }
0x4f: {  	_ =	shalt  }
0x50: {  	_ =	shalt  }
0x51: {  	_ =	shalt  }
0x52: {  	_ =	shalt  }
0x53: {  	_ =	shalt  }
0x54: {  	_ =	shalt  }
0x55: {  	_ =	shalt  }
0x56: {  	_ =	shalt  }
0x57: {  	_ =	shalt  }
0x58: {  	_ =	shalt  }
0x59: {  	_ =	shalt  }
0x5a: {  	_ =	shalt  }
0x5b: {  	_ =	shalt  }
0x5c: {  	_ =	shalt  }
0x5d: {  	_ =	shalt  }
0x5e: {  	_ =	shalt  }
0x5f: {  	_ =	shalt  }
0x60: {  	_ =	shalt  }
0x61: {  	_ =	shalt  }
0x62: {  	_ =	shalt  }
0x63: {  	_ =	shalt  }
0x64: {  	_ =	shalt  }
0x65: {  	_ =	shalt  }
0x66: {  	_ =	shalt  }
0x67: {  	_ =	shalt  }
0x68: {  	_ =	shalt  }
0x69: {  	_ =	shalt  }
0x6a: {  	_ =	shalt  }
0x6b: {  	_ =	shalt  }
0x6c: {  	_ =	shalt  }
0x6d: {  	_ =	shalt  }
0x6e: {  	_ =	shalt  }
0x6f: {  	_ =	shalt  }
0x70: {  	_ =	shalt  }
0x71: {  	_ =	shalt  }
0x72: {  	_ =	shalt  }
0x73: {  	_ =	shalt  }
0x74: {  	_ =	shalt  }
0x75: {  	_ =	shalt  }
0x76: {  	_ =	shalt  }
0x77: {  	_ =	shalt  }
0x78: {  	_ =	shalt  }
0x79: {  	_ =	shalt  }
0x7a: {  	_ =	shalt  }
0x7b: {  	_ =	shalt  }
0x7c: {  	_ =	shalt  }
0x7d: {  	_ =	shalt  }
0x7e: {  	_ =	shalt  }
0x7f: {  	_ =	shalt  }
0x80: {  	_ =	shalt  }
0x81: {  	_ =	shalt  }
0x82: {  	_ =	shalt  }
0x83: {  	_ =	shalt  }
0x84: {  	_ =	shalt  }
0x85: {  	_ =	shalt  }
0x86: {  	_ =	shalt  }
0x87: {  	_ =	shalt  }
.Lfunc_end0:
.L_simem_size_0:
called_computation_lowered:
.L_overlay_start_0:
0x88: {  	s2 =	sld [smem:$0x3FD9]  }
0x89: {  	s3 =	sld [smem:$0x3FFE];
	_ =	sdelay $0x1  }
0x8a: {  	s1 =	srdreg.scid  }
0x8b: {  	s0 =	sand.u32 $0x1, s1  }
0x8c: {  	s16 =	sshll.u32 s0, $0xA;
	s2 =	sadd.s32 s3, s2  }
0x8d: {  	s2 =	sadd.s32 s2, s16  }
0x8e: {  	[smem:$0x3FBD] =	sst s2  }
0x8f: {  	_ = 	snop  }
0x90: {  	(tm) =	ssettm $0x1  }
0x91: {  	s17 =	sld [smem:$0x3FFB];
	_ =	sdelay $0x3  }
0x92: {  	_ =	strace s17  }
0x93: {  	s2 =	sld [smem:$0x3FFC];
	_ =	sdelay $0x3  }
0x94: {  	_ =	strace s2  }
0x95: {  	s2 =	sld [smem:$0x3FFD];
	_ =	sdelay $0x3  }
0x96: {  	_ =	strace s2  }
0x97: {  	_ =	strace $0x8FFFFFFF  }
0x98: {  	s18 =	sld [smem:$0x3FDB];
	_ =	sdelay $0x1  }
0x99: {  	s19 =	simm.s32 $_scs_section_size  }
0x9a: {  	s4 =	simm.s32 $_size__tile_overlayer_lowered;
	s5 =	simm.s32 $_tile_overlayer_lowered  }
0x9b: {  	s22 =	simm.s32 $0x1BFF;
	s21 =	sshll.u32 s5, $0x1;
	s2 =	sadd.s32 s19, s18  }
0x9c: {  	s6 =	simm.s32 $0x0;
	s20 =	sshll.u32 s4, $0x1;
	s4 =	sadd.s32 s21, s2  }
0x9d: {  	[timem:s6], [sflag:s22] =	dma.local [hbm:s4], s20  }
0x9e: {  	_ =	swait.ge [sflag:s22], s20  }
0x9f: {  	s3 =	ssub.s32 $0x0, s20;
	[sflag:s22] =	ssyncset.done $0x0  }
0xa0: {  	[sflag:s22] =	ssyncadd.s32 s3;
	_ =	sdelay $0x1  }
0xa1: {  	s23 =	simm.s32 $0x1B8B  }
0xa2: {  	_ =	swait.ge [sflag:s23], $0x1  }
0xa3: {  	[sflag:s23] =	ssyncset.done $0x0  }
0xa4: {  	s25 =	simm.s32 $0x1B8E;
	s24 =	sld [smem:$0x3FFE];
	[sflag:s23] =	ssyncadd.s32 $0xFFFFFFFF  }
0xa5: {  	s26 =	simm.s32 $execute0_lowered;
	[smem:$0x3FD2] =	sst s25  }
0xa6: {  	s4 =	sshll.u32 s26, $0x1;
	_ =	strace $0x80000046;
	[dreg:$0x1] =	wrdreg $0xFFFFFFFF  }
0xa7: {  	s28 =	simm.s32 $_size_execute0_lowered;
	s2 =	sadd.s32 s2, s4;
	[dreg:$0x0] =	wrdreg $0x0  }
0xa8: {  	s4 =	sshll.u32 s28, $0x1;
	[dreg:$0x2] =	wrdreg s2  }
0xa9: {  	[dreg:$0x3] =	wrdreg s4  }
0xaa: {  	[dreg:$0x4] =	wrdreg $0xC0  }
0xab: {  	_ =	task [dreg:s6], $0x5FFFF  }
0xac: {  	[dreg:$0x1] =	wrdreg $0xFFFFFFFF  }
0xad: {  	[dreg:$0x0] =	wrdreg $0x60  }
0xae: {  	[dreg:$0x2] =	wrdreg s24  }
0xaf: {  	[dreg:$0x3] =	wrdreg $0x2B000  }
0xb0: {  	[dreg:$0x4] =	wrdreg $0x9  }
0xb1: {  	_ =	task.clear_ibuf [dreg:s6], $0x5FFFF;
	_ =	strace $0x90000046  }
0xb2: {  	s29 =	simm.s32 $0x9;
	_ =	strace $0x80000048  }
0xb3: {  	_ =	swait.ge [sflag:s29], $0x1  }
0xb4: {  	[sflag:s29] =	ssyncadd.s32 $0xFFFFFFFF  }
0xb5: {  	_ =	strace $0x90000048  }
0xb6: {  	_ =	sfence  }
0xb7: {  	s30 =	sld [smem:$0x0];
	_ =	sdelay $0x2  }
0xb8: {  	s31 =	sshll.u32 s1, $0xD;
	s1 =	sshrl.u32 s1, $0x2  }
0xb9: {  	s3 =	sand.u32 $0x4000, s31;
	s1 =	sadd.s32 s1, s30  }
0xba: {  	s0 =	sor.u32 s3, s0;
	s1 =	sshll.u32 s1, $0x11  }
0xbb: {  	s0 =	sor.u32 s1, s0  }
0xbc: {  	s0 =	sadd.s32 $0x8F2B, s0  }
0xbd: {  	[sflag:s0] =	ssyncadd.remote.s32 $0x1  }
0xbe: {  	_ =	sfence.sel $0xFFFF  }
0xbf: {  	[dreg:$0x0] =	wrdreg $0xFFFFFFFF;
	(pc) =	sbr.abs _section_cstart, $3  }
0xc0: {  	[dreg:$0x1] =	wrdreg $0xFFFFFFFF  }
0xc1: {  	_ =	task.clear_ibuf [dreg:s6], $0x2FFFF;
	_ =	strace $0x9FFFFFFF  }
0xc2: {  	(tm) =	ssettm $0x7FFFFFFF  }
0xc3: {  	_ =	shalt  }
tec
execute0_lowered:
.L_overlay_start_1:
0x0: {  	(tag) =	ssettag $0x1  }
0x1: {  	s10 =	rddreg [dreg:$0x0]  }
0x2: {  	s2 =	rddreg [dreg:$0x1]  }
0x3: {  	s0 =	rddreg [dreg:$0x2];
	s3 =	simm.s32 $0x0  }
0x4: {  	s1 =	stileid.u32;
	s4 =	srdreg.scid;
	s18 =	simm.s32 $0x100  }
0x5: {  	s19 =	simm.s32 $0x180;
	s20 =	simm.s32 $0x200;
	s21 =	simm.s32 $0x280  }
0x6: {  	s22 =	simm.s32 $0x50;
	s23 =	simm.s32 $0x300;
	s24 =	simm.s32 $0x0  }
0x7: {  	[smem:$0x7FF] =	sst s3;
	s11 =	smul.u32 $0x14000, s1;
	s12 =	sand.u32 $0x1, s4  }
0x8: {  	s4 =	sadd.s32 $0x3400, s10;
	s5 =	sadd.s32 $0x3E800, s10;
	s6 =	sadd.s32 $0x34A00, s10  }
0x9: {  	s7 =	sadd.s32 $0x2AC00, s10;
	s8 =	sadd.s32 $0x20E00, s10;
	s9 =	sadd.s32 $0x17000, s10  }
0xa: {  	s15 =	smul.u32 $0x50000, s1;
	s29 =	sshll.u32 s1, $0x1;
	s31 =	sshll.u32 s1, $0x6  }
0xb: {  	_ =	strace $0x80000047;
	s13 =	smul.u32 $0x140000, s12;
	s26 =	ssub.s32 $0x2, s12  }
0xc: {  	s12 =	sor.u32 s12, s29;
	s14 =	sshrl.u32 s11, $0x3;
	s28 =	sshrl.u32 s26, $0x1  }
0xd: {  	s30 =	sshrl.u32 s15, $0x2;
	s12 =	smul.u32 $0x2710, s12;
	s11 =	sadd.s32 s11, s13  }
0xe: {  	s14 =	sadd.s32 s14, s10;
	s15 =	sadd.s32 s30, s2;
	s11 =	sshrl.u32 s11, $0x3  }
0xf: {  	s17 =	ssub.s32 s26, s28;
	s15 =	sshrl.u32 s15, $0x3;
	s16 =	sadd.s32 s11, s10  }
0x10: {  	s10 =	sadd.s32 $0x48600, s14;
	s11 =	sor.u32 $0x1C01, s31;
	s14 =	smax.u32 s17, $0x1  }
0x11: {  	v0 =	vimm.f32 $0.0e+00;
	s17 =	simm.s32 $0x80;
	s13 =	sadd.s32 $0x70600, s16;
	s16 =	simm.s32 $0x1  }
.LBB2_1:
0x12: {  	[spmem:s15], [sflag:s11] =	dma.local [hbm:s10], $0x2800  }
0x13: {  	_ =	swait.ge [sflag:s16], $0x2800  }
0x14: {  	[sflag:s16] =	ssyncset.done $0x0  }
0x15: {  	s25 =	simm.s32 $0x200;
	s26 =	simm.s32 $0x0;
	[sflag:s16] =	ssyncadd.s32 $0xFFFFD800  }
.LBB2_2:
0x16: {  	p0 =	sne.s32 s25, $0x9E00;
	[tilespmem:s26+$0x370] =	vst v0;
	s28 =	smov.u32 s25;
	s25 =	sadd.s32 $0x200, s25  }
.Ltmp0:
0x17: {  	[tilespmem:s26+$0x350] =	vst v0;
	(pc) =	sbr.rel @p0 .LBB2_2-.Ltmp0, $2  }
0x18: {  	[tilespmem:s26+$0x360] =	vst v0;
	_ =	sdelay $0x2  }
0x19: {  	s26 =	sshra.s32 s28, $0x2  }
0x1a: {  	[tilespmem:s26+$0x370] =	vst v0  }
0x1b: {  	[tilespmem:s26+$0x350] =	vst v0  }
0x1c: {  	[tilespmem:s26+$0x360] =	vst v0  }
0x1d: {  	s25 =	simm.s32 $0x0;
	s26 =	simm.s32 $0x0;
	[bflag:$0x0] =	sbarrier.arrive $0xFFFF  }
.LBB2_4:
0x1e: {  	s28 =	smul.u32 $0x50, s26;
	_ =	sdelay $0x1  }
0x1f: {  	s28 =	sadd.s32 s12, s28  }
0x20: {  	s28 =	sshrl.u32 s28, $0x3  }
0x21: {  	s29 =	sadd.s32 s4, s28  }
0x22: {  	[tilespmem:s25], [sflag:$0x1] =	stream.linear.gather [hbm4b:s29+s25], $0x50, $0x38;
	[tilespmem:$0x16B00] =	vst v63  }
0x23: {  	_ =	swait.ge [sflag:s16], $0x50  }
0x24: {  	[sflag:s16] =	ssyncset.done $0x0  }
0x25: {  	s29 =	sadd.s32 s5, s28;
	[sflag:s16] =	ssyncadd.s32 $0xFFFFFFB0  }
0x26: {  	[tilespmem:s17], [sflag:$0x1] =	stream.linear.gather [hbm4b:s29+s25], $0x50, $0x38;
	[tilespmem:$0x16B00] =	vst v63  }
0x27: {  	_ =	swait.ge [sflag:s16], $0x50  }
0x28: {  	[sflag:s16] =	ssyncset.done $0x0  }
0x29: {  	s29 =	sadd.s32 s6, s28;
	[sflag:s16] =	ssyncadd.s32 $0xFFFFFFB0  }
0x2a: {  	[tilespmem:s18], [sflag:$0x1] =	stream.linear.gather [hbm4b:s29+s25], $0x50, $0x38;
	[tilespmem:$0x16B00] =	vst v63  }
0x2b: {  	_ =	swait.ge [sflag:s16], $0x50  }
0x2c: {  	[sflag:s16] =	ssyncset.done $0x0  }
0x2d: {  	s29 =	sadd.s32 s7, s28;
	[sflag:s16] =	ssyncadd.s32 $0xFFFFFFB0  }
0x2e: {  	[tilespmem:s19], [sflag:$0x1] =	stream.linear.gather [hbm4b:s29+s25], $0x50, $0x38;
	[tilespmem:$0x16B00] =	vst v63  }
0x2f: {  	_ =	swait.ge [sflag:s16], $0x50  }
0x30: {  	[sflag:s16] =	ssyncset.done $0x0  }
0x31: {  	s29 =	sadd.s32 s8, s28;
	[sflag:s16] =	ssyncadd.s32 $0xFFFFFFB0  }
0x32: {  	[tilespmem:s20], [sflag:$0x1] =	stream.linear.gather [hbm4b:s29+s25], $0x50, $0x38;
	[tilespmem:$0x16B00] =	vst v63  }
0x33: {  	_ =	swait.ge [sflag:s16], $0x50  }
0x34: {  	[sflag:s16] =	ssyncset.done $0x0  }
0x35: {  	s28 =	sadd.s32 s9, s28;
	[sflag:s16] =	ssyncadd.s32 $0xFFFFFFB0  }
0x36: {  	[tilespmem:s21], [sflag:$0x1] =	stream.linear.gather [hbm4b:s28+s25], $0x50, $0x38;
	[tilespmem:$0x16B00] =	vst v63  }
0x37: {  	_ =	swait.ge [sflag:s16], $0x50  }
0x38: {  	[sflag:s16] =	ssyncset.done $0x0  }
0x39: {  	s29 =	simm.s32 $0x0;
	[sflag:s16] =	ssyncadd.s32 $0xFFFFFFB0  }
0x3a: {  	v1 =	vld.msk [tilespmem:s29+$0x80 ss:$0x0], $0xffff;
	_ =	sdelay $0x3  }
0x3b: {  	s28 =	simm.s32 $0x320  }
0x3c: {  	[tilespmem:s28+$0xFFFFFFE0] =	vst v1  }
0x3d: {  	v1 =	vld.msk [tilespmem:s29+$0x100 ss:$0x0], $0xffff;
	_ =	sdelay $0x4  }
0x3e: {  	[tilespmem:s28+$0xFFFFFFF0] =	vst v1  }
0x3f: {  	v1 =	vld.msk [tilespmem:s29+$0x180 ss:$0x0], $0xffff;
	_ =	sdelay $0x4  }
0x40: {  	[tilespmem:s28+$0x0] =	vst v1  }
0x41: {  	v1 =	vld.msk [tilespmem:s29+$0x200 ss:$0x0], $0xffff;
	_ =	sdelay $0x4  }
0x42: {  	[tilespmem:s28+$0x10] =	vst v1  }
0x43: {  	v1 =	vld.msk [tilespmem:s29+$0x280 ss:$0x0], $0xffff;
	_ =	sdelay $0x4  }
0x44: {  	s30 =	simm.s32 $0x8;
	s29 =	simm.s32 $0x1;
	[tilespmem:s28+$0x20] =	vst v1  }
.LBB2_5:
0x45: {  	p0 =	sne.s32 s30, $0x13C;
	v1 =	vld.msk [tilespmem:s29+$0x80 ss:$0x0], $0xffff;
	_ =	sdelay $0x4  }
0x46: {  	s28 =	sadd.s32 $0x80, s28  }
0x47: {  	[tilespmem:s28+$0xFFFFFFE0] =	vst v1  }
0x48: {  	v1 =	vld.msk [tilespmem:s29+$0x100 ss:$0x0], $0xffff;
	_ =	sdelay $0x5  }
0x49: {  	[tilespmem:s28+$0xFFFFFFF0] =	vst v1  }
0x4a: {  	v1 =	vld.msk [tilespmem:s29+$0x180 ss:$0x0], $0xffff;
	_ =	sdelay $0x5  }
0x4b: {  	[tilespmem:s28+$0x0] =	vst v1  }
0x4c: {  	v1 =	vld.msk [tilespmem:s29+$0x200 ss:$0x0], $0xffff;
	_ =	sdelay $0x5  }
0x4d: {  	[tilespmem:s28+$0x10] =	vst v1  }
0x4e: {  	v1 =	vld.msk [tilespmem:s29+$0x280 ss:$0x0], $0xffff;
	_ =	sdelay $0x1  }
.Ltmp1:
0x4f: {  	(pc) =	sbr.rel @p0 .LBB2_5-.Ltmp1, $2  }
0x50: {  	_ =	sdelay $0x2  }
0x51: {  	s29 =	sshra.s32 s30, $0x2;
	s30 =	sadd.s32 $0x4, s30;
	[tilespmem:s28+$0x20] =	vst v1  }
0x52: {  	v1 =	vld.msk [tilespmem:s29+$0x80 ss:$0x0], $0xffff;
	_ =	sdelay $0x3  }
0x53: {  	s28 =	sadd.s32 $0x80, s28  }
0x54: {  	[tilespmem:s28+$0xFFFFFFE0] =	vst v1  }
0x55: {  	v1 =	vld.msk [tilespmem:s29+$0x100 ss:$0x0], $0xffff;
	_ =	sdelay $0x4  }
0x56: {  	[tilespmem:s28+$0xFFFFFFF0] =	vst v1  }
0x57: {  	v1 =	vld.msk [tilespmem:s29+$0x180 ss:$0x0], $0xffff;
	_ =	sdelay $0x4  }
0x58: {  	[tilespmem:s28+$0x0] =	vst v1  }
0x59: {  	v1 =	vld.msk [tilespmem:s29+$0x200 ss:$0x0], $0xffff;
	_ =	sdelay $0x4  }
0x5a: {  	[tilespmem:s28+$0x10] =	vst v1  }
0x5b: {  	v1 =	vld.msk [tilespmem:s29+$0x280 ss:$0x0], $0xffff;
	_ =	sdelay $0x2  }
0x5c: {  	s26 =	sadd.s32 $0x1, s26  }
0x5d: {  	p0 =	sne.s32 s26, $0x7D  }
.Ltmp2:
0x5e: {  	[tilespmem:s28+$0x20] =	vst v1;
	(pc) =	sbr.rel @p0 .LBB2_4-.Ltmp2, $4  }
0x5f: {  	[spmem:s2] =	stream.indirect.scatter.add.f32 [tilespmem:s23], [sflag:$0x1], $0x80, s3, s22, $0xb8;
	[tilespmem:$0x16B00] =	vst v63  }
0x60: {  	_ =	swait.ge [sflag:s16], $0x2800  }
0x61: {  	[sflag:s16] =	ssyncset.done $0x0  }
0x62: {  	[sflag:s16] =	ssyncadd.s32 $0xFFFFD800  }
0x63: {  	s24 =	sadd.s32 $0x1, s24  }
0x64: {  	p0 =	sne.s32 s24, s14  }
.Ltmp3:
0x65: {  	[bflag:$0x0] =	sbarrier.arrive $0xFFFF;
	(pc) =	sbr.rel @p0 .LBB2_1-.Ltmp3, $4  }
0x66: {  	[hbm:s13], [sflag:s11] =	dma.local [spmem:s15], $0x2800  }
0x67: {  	_ =	swait.ge [sflag:s16], $0x2800  }
0x68: {  	[sflag:s16] =	ssyncset.done $0x0  }
0x69: {  	[sflag:s16] =	ssyncadd.s32 $0xFFFFD800  }
0x6a: {  	_ =	sfence.sel $0x180000  }
0x6b: {  	[bflag:$0x0] =	sbarrier.arrive $0xFFFF  }
0x6c: {  	p0 =	sne.s32 s1, $0x0;
	_ =	strace $0x90000047  }
0x6d: {  	s0 =	sadd.s32 @!p0 $0x100000, s0;
	[bflag:$0x2] =	sbarrier.arrive $0xFFFF  }
0x6e: {  	[sflag:s0] =	ssyncadd.tile.s32 @!p0 $0x1;
	_ =	shalt  }
.Lfunc_end2:
_tile_overlayer_lowered:
.L_overlay_start_2:
0x6f: {  	(tag) =	ssettag $0x2  }
0x70: {  	s0 =	rddreg [dreg:$0x0];
	s2 =	stileid.u32  }
0x71: {  	s1 =	rddreg [dreg:$0x1];
	p0 =	sne.s32 s2, $0x0  }
0x72: {  	s3 =	rddreg [dreg:$0x2];
	[bflag:$0x3] =	sbarrier.arrive $0xFFFF;
	s2 =	simm.s32 @!p0 $0x1C01  }
0x73: {  	[timem:s3], [sflag:s2] =	dma.local @!p0 [hbm:s0], s1  }
0x74: {  	s0 =	simm.s32 @!p0 $0x1  }
0x75: {  	_ =	swait.ge @!p0 [sflag:s0], s1  }
0x76: {  	s1 =	ssub.s32 @!p0 $0x0, s1;
	[sflag:s0] =	ssyncset.done @!p0 $0x0  }
0x77: {  	[sflag:s0] =	ssyncadd.s32 @!p0 s1  }
0x78: {  	[bflag:$0x3] =	sbarrier.arrive $0xFFFF  }
0x79: {  	_ =	shalt  }

// kernel: kernel.24.cloned.1.call-start
scs
__scs_entry_jumppad:
0x0: {  	(pc) =	sbr.rel $0x88, $3  }
0x1: {  	(tag) =	ssettag $0x0;
	lr =	simm.s32 $0x1  }
0x2: {  	[smem:$0x3F96] =	sst lr;
	_ =	strace $0xD0000000  }
0x3: {  	_ = 	snop  }
0x4: {  	_ = 	snop  }
0x5: {  	_ = 	snop  }
0x6: {  	_ = 	snop  }
0x7: {  	_ = 	snop  }
__scs_overlays_trampoline_lowered:
0x8: {  	[smem:$0x3FA5] =	sst s0  }
0x9: {  	[smem:$0x3FA6] =	sst s1  }
0xa: {  	[smem:$0x3FA7] =	sst s2  }
0xb: {  	[smem:$0x3FA8] =	sst s3  }
0xc: {  	[smem:$0x3FA9] =	sst s4  }
0xd: {  	[smem:$0x3FAA] =	sst s5  }
0xe: {  	[smem:$0x3FAB] =	sst s6  }
0xf: {  	[smem:$0x3FAC] =	sst s7  }
0x10: {  	[smem:$0x3FAD] =	sst s8  }
0x11: {  	[smem:$0x3FAE] =	sst s9;
	s0 =	simm.s32 @!p0 $0x0  }
0x12: {  	s1 =	sld [smem:$0x3F94];
	s0 =	simm.s32 @p0 $0x1  }
0x13: {  	[smem:$0x3FAF] =	sst s0;
	s0 =	simm.s32 @!p1 $0x0  }
0x14: {  	s2 =	sld [smem:$0x3F93];
	s0 =	simm.s32 @p1 $0x1  }
0x15: {  	[smem:$0x3FB0] =	sst s0;
	s0 =	simm.s32 @!p2 $0x0  }
0x16: {  	s3 =	sld [smem:$0x3FDB];
	s0 =	simm.s32 @p2 $0x1  }
0x17: {  	s4 =	simm.s32 $0x1BF5;
	[smem:$0x3FB2] =	sst s0  }
0x18: {  	s0 =	sld [smem:$0x3F95];
	_ =	swait.ge [sflag:s4], $0x0  }
0x19: {  	s7 =	sld [smem:$0x3F96]  }
0x1a: {  	s8 =	sadd.s32 $0xFFFFE003, lr  }
0x1b: {  	s9 =	sadd.s32 $0xFFFFFEF7, lr;
	s5 =	simm.s32 $0xFFFFFFFF;
	p2 =	slt.u32 s8, $0xFFFFF086  }
0x1c: {  	p1 =	slt.u32 s9, $0xF7A;
	s5 =	simm.s32 @!p2 $0x0  }
0x1d: {  	s5 =	simm.s32 @p1 $0x1;
	p0 =	seq.s32 s7, s2  }
0x1e: {  	s7 =	smul.u32 @!p0 $0xF7A, s2;
	p2 =	seq.s32 @!p0 s5, $0x0  }
0x1f: {  	s9 =	smul.u32 $0xF7A, s1;
	s8 =	simm.s32 @!p0 $0x1BF5;
	p2 =	por !p2, p0  }
0x20: {  	[sflag:s8] =	ssyncset.s32 @!p0 $0xFFFFF086;
	s6 =	sadd.s32 @!p0 s3, s7;
	s7 =	simm.s32 @!p0 $0x108  }
0x21: {  	s3 =	sadd.s32 s3, s9;
	s6 =	sadd.s32 @!p0 $0x88, s6;
	s7 =	simm.s32 @p2 $0x1082  }
0x22: {  	[simem:s7], [sflag:s8] =	dma.local @!p0 [hbm:s6], $0xF7A  }
0x23: {  	s9 =	sor.u32 $0xD0000000, s2;
	s6 =	simm.s32 $0x108;
	_ =	swait.ge @!p0 [sflag:s8], $0x0  }
0x24: {  	s3 =	sadd.s32 $0x88, s3;
	s6 =	simm.s32 @!p1 $0x1082;
	[sflag:s4] =	ssyncset.s32 $0xFFFFF086  }
0x25: {  	[simem:s6], [sflag:s4] =	dma.local [hbm:s3], $0xF7A  }
0x26: {  	[smem:$0x3F96] =	sst s1;
	(tag) =	ssettag s2;
	_ =	strace s9  }
0x27: {  	s1 =	sld [smem:$0x3FA6]  }
0x28: {  	s2 =	sld [smem:$0x3FA7]  }
0x29: {  	s4 =	sld [smem:$0x3FA9]  }
0x2a: {  	p0 =	seq.s32 s5, $0x0;
	s5 =	sld [smem:$0x3FAA]  }
0x2b: {  	s6 =	sld [smem:$0x3FAB]  }
0x2c: {  	s7 =	sld [smem:$0x3FAC]  }
0x2d: {  	s3 =	simm.s32 $0x108;
	s8 =	sld [smem:$0x3FAD]  }
0x2e: {  	s3 =	simm.s32 @!p0 $0x1082;
	s9 =	sld [smem:$0x3FAE]  }
0x2f: {  	lr =	sadd.s32 s0, s3;
	s0 =	sld [smem:$0x3FA5]  }
0x30: {  	s3 =	sld [smem:$0x3FA8]  }
0x31: {  	[smem:$0x3FB1] =	sst s10  }
0x32: {  	s10 =	sld [smem:$0x3FAF];
	_ =	sdelay $0x3  }
0x33: {  	p0 =	seq.s32 s10, $0x1;
	s10 =	sld [smem:$0x3FB1];
	_ =	sdelay $0x3  }
0x34: {  	[smem:$0x3FB1] =	sst s10  }
0x35: {  	s10 =	sld [smem:$0x3FB0];
	_ =	sdelay $0x3  }
0x36: {  	p1 =	seq.s32 s10, $0x1;
	s10 =	sld [smem:$0x3FB1];
	_ =	sdelay $0x3  }
0x37: {  	[smem:$0x3FB1] =	sst s10  }
0x38: {  	s10 =	sld [smem:$0x3FB2]  }
0x39: {  	_ = 	snop;
	(pc) =	sbr.ind lr, $3  }
0x3a: {  	_ = 	snop  }
0x3b: {  	_ = 	snop  }
0x3c: {  	p2 =	seq.s32 s10, $0x1;
	s10 =	sld [smem:$0x3FB1]  }
0x3d: {  	_ =	shalt  }
0x3e: {  	_ =	shalt  }
0x3f: {  	_ =	shalt  }
0x40: {  	_ =	shalt  }
0x41: {  	_ =	shalt  }
0x42: {  	_ =	shalt  }
0x43: {  	_ =	shalt  }
0x44: {  	_ =	shalt  }
0x45: {  	_ =	shalt  }
0x46: {  	_ =	shalt  }
0x47: {  	_ =	shalt  }
0x48: {  	_ =	shalt  }
0x49: {  	_ =	shalt  }
0x4a: {  	_ =	shalt  }
0x4b: {  	_ =	shalt  }
0x4c: {  	_ =	shalt  }
0x4d: {  	_ =	shalt  }
0x4e: {  	_ =	shalt  }
0x4f: {  	_ =	shalt  }
0x50: {  	_ =	shalt  }
0x51: {  	_ =	shalt  }
0x52: {  	_ =	shalt  }
0x53: {  	_ =	shalt  }
0x54: {  	_ =	shalt  }
0x55: {  	_ =	shalt  }
0x56: {  	_ =	shalt  }
0x57: {  	_ =	shalt  }
0x58: {  	_ =	shalt  }
0x59: {  	_ =	shalt  }
0x5a: {  	_ =	shalt  }
0x5b: {  	_ =	shalt  }
0x5c: {  	_ =	shalt  }
0x5d: {  	_ =	shalt  }
0x5e: {  	_ =	shalt  }
0x5f: {  	_ =	shalt  }
0x60: {  	_ =	shalt  }
0x61: {  	_ =	shalt  }
0x62: {  	_ =	shalt  }
0x63: {  	_ =	shalt  }
0x64: {  	_ =	shalt  }
0x65: {  	_ =	shalt  }
0x66: {  	_ =	shalt  }
0x67: {  	_ =	shalt  }
0x68: {  	_ =	shalt  }
0x69: {  	_ =	shalt  }
0x6a: {  	_ =	shalt  }
0x6b: {  	_ =	shalt  }
0x6c: {  	_ =	shalt  }
0x6d: {  	_ =	shalt  }
0x6e: {  	_ =	shalt  }
0x6f: {  	_ =	shalt  }
0x70: {  	_ =	shalt  }
0x71: {  	_ =	shalt  }
0x72: {  	_ =	shalt  }
0x73: {  	_ =	shalt  }
0x74: {  	_ =	shalt  }
0x75: {  	_ =	shalt  }
0x76: {  	_ =	shalt  }
0x77: {  	_ =	shalt  }
0x78: {  	_ =	shalt  }
0x79: {  	_ =	shalt  }
0x7a: {  	_ =	shalt  }
0x7b: {  	_ =	shalt  }
0x7c: {  	_ =	shalt  }
0x7d: {  	_ =	shalt  }
0x7e: {  	_ =	shalt  }
0x7f: {  	_ =	shalt  }
0x80: {  	_ =	shalt  }
0x81: {  	_ =	shalt  }
0x82: {  	_ =	shalt  }
0x83: {  	_ =	shalt  }
0x84: {  	_ =	shalt  }
0x85: {  	_ =	shalt  }
0x86: {  	_ =	shalt  }
0x87: {  	_ =	shalt  }
.Lfunc_end0:
.L_simem_size_0:
called_computation.1_lowered:
.L_overlay_start_0:
0x88: {  	s2 =	sld [smem:$0x3FD9]  }
0x89: {  	s3 =	sld [smem:$0x3FFE];
	_ =	sdelay $0x1  }
0x8a: {  	s1 =	srdreg.scid  }
0x8b: {  	s0 =	sand.u32 $0x1, s1  }
0x8c: {  	s16 =	sshll.u32 s0, $0xA;
	s2 =	sadd.s32 s3, s2  }
0x8d: {  	s2 =	sadd.s32 s2, s16  }
0x8e: {  	[smem:$0x3FBD] =	sst s2  }
0x8f: {  	_ = 	snop  }
0x90: {  	(tm) =	ssettm $0x1  }
0x91: {  	s17 =	sld [smem:$0x3FFB];
	_ =	sdelay $0x3  }
0x92: {  	_ =	strace s17  }
0x93: {  	s2 =	sld [smem:$0x3FFC];
	_ =	sdelay $0x3  }
0x94: {  	_ =	strace s2  }
0x95: {  	s2 =	sld [smem:$0x3FFD];
	_ =	sdelay $0x3  }
0x96: {  	_ =	strace s2  }
0x97: {  	_ =	strace $0x8FFFFFFF  }
0x98: {  	s18 =	sld [smem:$0x3FDB];
	_ =	sdelay $0x1  }
0x99: {  	s19 =	simm.s32 $_scs_section_size  }
0x9a: {  	s4 =	simm.s32 $_size__tile_overlayer_lowered;
	s5 =	simm.s32 $_tile_overlayer_lowered  }
0x9b: {  	s22 =	simm.s32 $0x1BFF;
	s21 =	sshll.u32 s5, $0x1;
	s2 =	sadd.s32 s19, s18  }
0x9c: {  	s6 =	simm.s32 $0x0;
	s20 =	sshll.u32 s4, $0x1;
	s4 =	sadd.s32 s21, s2  }
0x9d: {  	[timem:s6], [sflag:s22] =	dma.local [hbm:s4], s20  }
0x9e: {  	_ =	swait.ge [sflag:s22], s20  }
0x9f: {  	s3 =	ssub.s32 $0x0, s20;
	[sflag:s22] =	ssyncset.done $0x0  }
0xa0: {  	[sflag:s22] =	ssyncadd.s32 s3;
	_ =	sdelay $0x1  }
0xa1: {  	s23 =	simm.s32 $0x1B8B  }
0xa2: {  	_ =	swait.ge [sflag:s23], $0x1  }
0xa3: {  	[sflag:s23] =	ssyncset.done $0x0  }
0xa4: {  	s25 =	simm.s32 $0x1B8E;
	s24 =	sld [smem:$0x3FFE];
	[sflag:s23] =	ssyncadd.s32 $0xFFFFFFFF  }
0xa5: {  	s26 =	simm.s32 $execute0_lowered;
	[smem:$0x3FD2] =	sst s25  }
0xa6: {  	s4 =	sshll.u32 s26, $0x1;
	_ =	strace $0x80000049;
	[dreg:$0x1] =	wrdreg $0xFFFFFFFF  }
0xa7: {  	s28 =	simm.s32 $_size_execute0_lowered;
	s2 =	sadd.s32 s2, s4;
	[dreg:$0x0] =	wrdreg $0x0  }
0xa8: {  	s4 =	sshll.u32 s28, $0x1;
	[dreg:$0x2] =	wrdreg s2  }
0xa9: {  	[dreg:$0x3] =	wrdreg s4  }
0xaa: {  	[dreg:$0x4] =	wrdreg $0xC0  }
0xab: {  	_ =	task [dreg:s6], $0x5FFFF  }
0xac: {  	[dreg:$0x1] =	wrdreg $0xFFFFFFFF  }
0xad: {  	[dreg:$0x0] =	wrdreg $0x60  }
0xae: {  	[dreg:$0x2] =	wrdreg s24  }
0xaf: {  	[dreg:$0x3] =	wrdreg $0x29800  }
0xb0: {  	[dreg:$0x4] =	wrdreg $0x9  }
0xb1: {  	_ =	task.clear_ibuf [dreg:s6], $0x5FFFF;
	_ =	strace $0x90000049  }
0xb2: {  	s29 =	simm.s32 $0x9;
	_ =	strace $0x8000004B  }
0xb3: {  	_ =	swait.ge [sflag:s29], $0x1  }
0xb4: {  	[sflag:s29] =	ssyncadd.s32 $0xFFFFFFFF  }
0xb5: {  	_ =	strace $0x9000004B  }
0xb6: {  	_ =	sfence  }
0xb7: {  	s30 =	sld [smem:$0x0];
	_ =	sdelay $0x2  }
0xb8: {  	s31 =	sshll.u32 s1, $0xD;
	s1 =	sshrl.u32 s1, $0x2  }
0xb9: {  	s3 =	sand.u32 $0x4000, s31;
	s1 =	sadd.s32 s1, s30  }
0xba: {  	s0 =	sor.u32 s3, s0;
	s1 =	sshll.u32 s1, $0x11  }
0xbb: {  	s0 =	sor.u32 s1, s0  }
0xbc: {  	s0 =	sadd.s32 $0x8F2B, s0  }
0xbd: {  	[sflag:s0] =	ssyncadd.remote.s32 $0x1  }
0xbe: {  	_ =	sfence.sel $0xFFFF  }
0xbf: {  	[dreg:$0x0] =	wrdreg $0xFFFFFFFF;
	(pc) =	sbr.abs _section_cstart, $3  }
0xc0: {  	[dreg:$0x1] =	wrdreg $0xFFFFFFFF  }
0xc1: {  	_ =	task.clear_ibuf [dreg:s6], $0x2FFFF;
	_ =	strace $0x9FFFFFFF  }
0xc2: {  	(tm) =	ssettm $0x7FFFFFFF  }
0xc3: {  	_ =	shalt  }
tec
execute0_lowered:
.L_overlay_start_1:
0x0: {  	(tag) =	ssettag $0x1  }
0x1: {  	s8 =	rddreg [dreg:$0x0]  }
0x2: {  	s2 =	rddreg [dreg:$0x1]  }
0x3: {  	s0 =	rddreg [dreg:$0x2];
	s3 =	simm.s32 $0x0;
	s1 =	stileid.u32  }
0x4: {  	s4 =	srdreg.scid;
	s16 =	simm.s32 $0x100;
	s17 =	simm.s32 $0x50  }
0x5: {  	s18 =	simm.s32 $0x180;
	s19 =	simm.s32 $0x1;
	[smem:$0x7FF] =	sst s3  }
0x6: {  	s9 =	smul.u32 $0x14000, s1;
	s10 =	sand.u32 $0x1, s4;
	s4 =	sadd.s32 $0xD200, s8  }
0x7: {  	s5 =	sadd.s32 $0x3400, s8;
	s6 =	sadd.s32 $0x3E800, s8;
	s7 =	sadd.s32 $0x98600, s8  }
0x8: {  	s13 =	smul.u32 $0x50000, s1;
	s29 =	sshll.u32 s1, $0x1;
	s31 =	sshll.u32 s1, $0x6  }
0x9: {  	_ =	strace $0x8000004A;
	s11 =	smul.u32 $0x140000, s10;
	s26 =	ssub.s32 $0x2, s10  }
0xa: {  	s10 =	sor.u32 s10, s29;
	s12 =	sshrl.u32 s9, $0x3;
	s28 =	sshrl.u32 s26, $0x1  }
0xb: {  	s30 =	sshrl.u32 s13, $0x2;
	s10 =	smul.u32 $0x2710, s10;
	s9 =	sadd.s32 s9, s11  }
0xc: {  	s12 =	sadd.s32 s12, s8;
	s13 =	sadd.s32 s30, s2;
	s9 =	sshrl.u32 s9, $0x3  }
0xd: {  	s15 =	ssub.s32 s26, s28;
	s13 =	sshrl.u32 s13, $0x3;
	s14 =	sadd.s32 s9, s8  }
0xe: {  	s8 =	sadd.s32 $0x48600, s12;
	s9 =	sor.u32 $0x1C02, s31;
	s12 =	smax.u32 s15, $0x1  }
0xf: {  	s15 =	simm.s32 $0x80;
	s11 =	sadd.s32 $0xBF800, s14;
	s14 =	simm.s32 $0x2  }
.LBB2_1:
0x10: {  	[spmem:s13], [sflag:s9] =	dma.local [hbm:s8], $0x2800  }
0x11: {  	_ =	swait.ge [sflag:s14], $0x2800  }
0x12: {  	[sflag:s14] =	ssyncset.done $0x0  }
0x13: {  	[sflag:s14] =	ssyncadd.s32 $0xFFFFD800  }
0x14: {  	s20 =	simm.s32 $0x0;
	[bflag:$0x0] =	sbarrier.arrive $0xFFFF  }
.LBB2_2:
0x15: {  	s21 =	smul.u32 $0x50, s20;
	_ =	sdelay $0x1  }
0x16: {  	s21 =	sadd.s32 s10, s21  }
0x17: {  	s21 =	sshrl.u32 s21, $0x3  }
0x18: {  	s23 =	simm.s32 $0x0;
	s22 =	sadd.s32 s4, s21  }
0x19: {  	[tilespmem:s23], [sflag:$0x2] =	stream.linear.gather [hbm4b:s22+s23], $0x50, $0x38;
	[tilespmem:$0x16980] =	vst v63  }
0x1a: {  	_ =	swait.ge [sflag:s14], $0x50  }
0x1b: {  	[sflag:s14] =	ssyncset.done $0x0  }
0x1c: {  	s30 =	sadd.s32 s5, s21;
	[sflag:s14] =	ssyncadd.s32 $0xFFFFFFB0  }
0x1d: {  	[tilespmem:s15], [sflag:$0x2] =	stream.linear.gather [hbm4b:s30+s23], $0x50, $0x38;
	[tilespmem:$0x16980] =	vst v63  }
0x1e: {  	_ =	swait.ge [sflag:s14], $0x50  }
0x1f: {  	[sflag:s14] =	ssyncset.done $0x0  }
0x20: {  	s21 =	sadd.s32 s6, s21;
	[sflag:s14] =	ssyncadd.s32 $0xFFFFFFB0  }
0x21: {  	[tilespmem:s16], [sflag:$0x2] =	stream.linear.gather [hbm4b:s21+s23], $0x50, $0x38;
	[tilespmem:$0x16980] =	vst v63  }
0x22: {  	_ =	swait.ge [sflag:s14], $0x50  }
0x23: {  	[sflag:s14] =	ssyncset.done $0x0  }
0x24: {  	[sflag:s14] =	ssyncadd.s32 $0xFFFFFFB0  }
0x25: {  	[tilespmem:s18], [sflag:$0x1] =	stream.indirect.gather [hbm4b:s7+s17], $0x80, s23, s17, $0xb8;
	[tilespmem:$0x16980] =	vst v63  }
0x26: {  	_ =	swait.ge [sflag:s19], $0x2800  }
0x27: {  	[sflag:s19] =	ssyncset.done $0x0  }
0x28: {  	s21 =	simm.s32 $0x1C0;
	[sflag:s19] =	ssyncadd.s32 $0xFFFFD800  }
0x29: {  	v4 =	vld [tilespmem:s21+$0x30]  }
0x2a: {  	v7 =	vld [tilespmem:s21+$0x10]  }
0x2b: {  	s31 =	simm.s32 $0x0;
	v5 =	vld [tilespmem:s21+$0xFFFFFFC0]  }
0x2c: {  	v1 =	vld.msk [tilespmem:s31+$0x100 ss:$0x0], $0xffff  }
0x2d: {  	v9 =	vld [tilespmem:s21+$0xFFFFFFE0]  }
0x2e: {  	v0 =	vld [tilespmem:s21+$0xFFFFFFF0]  }
0x2f: {  	v2 =	vld [tilespmem:s21+$0x20]  }
0x30: {  	v3 =	vld [tilespmem:s21+$0xFFFFFFD0]  }
0x31: {  	v8 =	vmul.f32 v4, v1;
	v4 =	vld [tilespmem:s21+$0x0]  }
0x32: {  	v6 =	vmul.f32 v1, v5  }
0x33: {  	s22 =	simm.s32 $0x4;
	s23 =	simm.s32 $0x1C0;
	v5 =	vmul.f32 v9, v1;
	v7 =	vmul.f32 v7, v1  }
.LBB2_3:
0x34: {  	p0 =	sne.s32 s22, $0x13C  }
0x35: {  	v3 =	vmul.f32 v3, v1;
	v2 =	vmul.f32 v2, v1;
	[tilespmem:s21+$0x30] =	vst v8;
	s23 =	sadd.s32 $0x80, s23;
	s24 =	smov.u32 s22;
	s22 =	sadd.s32 $0x4, s22  }
0x36: {  	[tilespmem:s21+$0xFFFFFFC0] =	vst v6;
	v6 =	vmul.f32 v0, v1;
	v1 =	vmul.f32 v4, v1  }
0x37: {  	[tilespmem:s21+$0x10] =	vst v7  }
0x38: {  	[tilespmem:s21+$0xFFFFFFE0] =	vst v5  }
0x39: {  	v0 =	vld [tilespmem:s23+$0xFFFFFFF0];
	[tilespmem:s21+$0xFFFFFFF0] =	vst v6  }
0x3a: {  	v5 =	vld [tilespmem:s23+$0x30];
	[tilespmem:s21+$0x0] =	vst v1  }
0x3b: {  	v7 =	vld [tilespmem:s23+$0x10];
	[tilespmem:s21+$0x20] =	vst v2  }
0x3c: {  	s24 =	sshra.s32 s24, $0x2;
	v6 =	vld [tilespmem:s23+$0xFFFFFFC0];
	[tilespmem:s21+$0xFFFFFFD0] =	vst v3;
	s21 =	smov.u32 s23  }
0x3d: {  	v1 =	vld.msk [tilespmem:s24+$0x100 ss:$0x0], $0xffff  }
0x3e: {  	v9 =	vld [tilespmem:s23+$0xFFFFFFE0]  }
0x3f: {  	v2 =	vld [tilespmem:s23+$0x20]  }
.Ltmp0:
0x40: {  	v3 =	vld [tilespmem:s23+$0xFFFFFFD0];
	(pc) =	sbr.rel @p0 .LBB2_3-.Ltmp0, $3  }
0x41: {  	v4 =	vld [tilespmem:s23+$0x0];
	_ =	sdelay $0x1  }
0x42: {  	v6 =	vmul.f32 v1, v6;
	v8 =	vmul.f32 v5, v1  }
0x43: {  	v7 =	vmul.f32 v7, v1;
	v5 =	vmul.f32 v9, v1  }
0x44: {  	[tilespmem:s21+$0x30] =	vst v8  }
0x45: {  	[tilespmem:s21+$0xFFFFFFC0] =	vst v6  }
0x46: {  	v0 =	vmul.f32 v0, v1;
	[tilespmem:s21+$0x10] =	vst v7  }
0x47: {  	v2 =	vmul.f32 v2, v1;
	[tilespmem:s21+$0xFFFFFFE0] =	vst v5  }
0x48: {  	v63 =	vmul.f32 v3, v1;
	[tilespmem:s21+$0xFFFFFFF0] =	vst v0  }
0x49: {  	s20 =	sadd.s32 $0x1, s20;
	v4 =	vmul.f32 v4, v1;
	[tilespmem:s21+$0x20] =	vst v2  }
0x4a: {  	p0 =	sne.s32 s20, $0x7D;
	[tilespmem:s21+$0xFFFFFFD0] =	vst v63  }
.Ltmp1:
0x4b: {  	[tilespmem:s21+$0x0] =	vst v4;
	(pc) =	sbr.rel @p0 .LBB2_2-.Ltmp1, $4  }
0x4c: {  	[spmem:s2] =	stream.indirect.scatter.add.f32 [tilespmem:s18], [sflag:$0x2], $0x80, s15, s17, $0xb8;
	[tilespmem:$0x16980] =	vst v63  }
0x4d: {  	_ =	swait.ge [sflag:s14], $0x2800  }
0x4e: {  	[sflag:s14] =	ssyncset.done $0x0  }
0x4f: {  	[sflag:s14] =	ssyncadd.s32 $0xFFFFD800  }
0x50: {  	s3 =	sadd.s32 $0x1, s3  }
0x51: {  	p0 =	sne.s32 s3, s12  }
.Ltmp2:
0x52: {  	[bflag:$0x0] =	sbarrier.arrive $0xFFFF;
	(pc) =	sbr.rel @p0 .LBB2_1-.Ltmp2, $4  }
0x53: {  	[hbm:s11], [sflag:s9] =	dma.local [spmem:s13], $0x2800  }
0x54: {  	_ =	swait.ge [sflag:s14], $0x2800  }
0x55: {  	[sflag:s14] =	ssyncset.done $0x0  }
0x56: {  	[sflag:s14] =	ssyncadd.s32 $0xFFFFD800  }
0x57: {  	_ =	sfence.sel $0x180000  }
0x58: {  	[bflag:$0x0] =	sbarrier.arrive $0xFFFF  }
0x59: {  	p0 =	sne.s32 s1, $0x0;
	_ =	strace $0x9000004A  }
0x5a: {  	s0 =	sadd.s32 @!p0 $0x100000, s0;
	[bflag:$0x2] =	sbarrier.arrive $0xFFFF  }
0x5b: {  	[sflag:s0] =	ssyncadd.tile.s32 @!p0 $0x1;
	_ =	shalt  }
.Lfunc_end2:
_tile_overlayer_lowered:
.L_overlay_start_2:
0x5c: {  	(tag) =	ssettag $0x2  }
0x5d: {  	s0 =	rddreg [dreg:$0x0];
	s2 =	stileid.u32  }
0x5e: {  	s1 =	rddreg [dreg:$0x1];
	p0 =	sne.s32 s2, $0x0  }
0x5f: {  	s3 =	rddreg [dreg:$0x2];
	[bflag:$0x3] =	sbarrier.arrive $0xFFFF;
	s2 =	simm.s32 @!p0 $0x1C02  }
0x60: {  	[timem:s3], [sflag:s2] =	dma.local @!p0 [hbm:s0], s1  }
0x61: {  	s0 =	simm.s32 @!p0 $0x2  }
0x62: {  	_ =	swait.ge @!p0 [sflag:s0], s1  }
0x63: {  	s1 =	ssub.s32 @!p0 $0x0, s1;
	[sflag:s0] =	ssyncset.done @!p0 $0x0  }
0x64: {  	[sflag:s0] =	ssyncadd.s32 @!p0 s1  }
0x65: {  	[bflag:$0x3] =	sbarrier.arrive $0xFFFF  }
0x66: {  	_ =	shalt  }

// kernel: kernel.27.cloned.1.call-start
scs
__scs_entry_jumppad:
0x0: {  	(pc) =	sbr.rel $0x88, $3  }
0x1: {  	(tag) =	ssettag $0x0;
	lr =	simm.s32 $0x1  }
0x2: {  	[smem:$0x3F96] =	sst lr;
	_ =	strace $0xD0000000  }
0x3: {  	_ = 	snop  }
0x4: {  	_ = 	snop  }
0x5: {  	_ = 	snop  }
0x6: {  	_ = 	snop  }
0x7: {  	_ = 	snop  }
__scs_overlays_trampoline_lowered:
0x8: {  	[smem:$0x3FA5] =	sst s0  }
0x9: {  	[smem:$0x3FA6] =	sst s1  }
0xa: {  	[smem:$0x3FA7] =	sst s2  }
0xb: {  	[smem:$0x3FA8] =	sst s3  }
0xc: {  	[smem:$0x3FA9] =	sst s4  }
0xd: {  	[smem:$0x3FAA] =	sst s5  }
0xe: {  	[smem:$0x3FAB] =	sst s6  }
0xf: {  	[smem:$0x3FAC] =	sst s7  }
0x10: {  	[smem:$0x3FAD] =	sst s8  }
0x11: {  	[smem:$0x3FAE] =	sst s9;
	s0 =	simm.s32 @!p0 $0x0  }
0x12: {  	s1 =	sld [smem:$0x3F94];
	s0 =	simm.s32 @p0 $0x1  }
0x13: {  	[smem:$0x3FAF] =	sst s0;
	s0 =	simm.s32 @!p1 $0x0  }
0x14: {  	s2 =	sld [smem:$0x3F93];
	s0 =	simm.s32 @p1 $0x1  }
0x15: {  	[smem:$0x3FB0] =	sst s0;
	s0 =	simm.s32 @!p2 $0x0  }
0x16: {  	s3 =	sld [smem:$0x3FDB];
	s0 =	simm.s32 @p2 $0x1  }
0x17: {  	s4 =	simm.s32 $0x1BF5;
	[smem:$0x3FB2] =	sst s0  }
0x18: {  	s0 =	sld [smem:$0x3F95];
	_ =	swait.ge [sflag:s4], $0x0  }
0x19: {  	s7 =	sld [smem:$0x3F96]  }
0x1a: {  	s8 =	sadd.s32 $0xFFFFE003, lr  }
0x1b: {  	s9 =	sadd.s32 $0xFFFFFEF7, lr;
	s5 =	simm.s32 $0xFFFFFFFF;
	p2 =	slt.u32 s8, $0xFFFFF086  }
0x1c: {  	p1 =	slt.u32 s9, $0xF7A;
	s5 =	simm.s32 @!p2 $0x0  }
0x1d: {  	s5 =	simm.s32 @p1 $0x1;
	p0 =	seq.s32 s7, s2  }
0x1e: {  	s7 =	smul.u32 @!p0 $0xF7A, s2;
	p2 =	seq.s32 @!p0 s5, $0x0  }
0x1f: {  	s9 =	smul.u32 $0xF7A, s1;
	s8 =	simm.s32 @!p0 $0x1BF5;
	p2 =	por !p2, p0  }
0x20: {  	[sflag:s8] =	ssyncset.s32 @!p0 $0xFFFFF086;
	s6 =	sadd.s32 @!p0 s3, s7;
	s7 =	simm.s32 @!p0 $0x108  }
0x21: {  	s3 =	sadd.s32 s3, s9;
	s6 =	sadd.s32 @!p0 $0x88, s6;
	s7 =	simm.s32 @p2 $0x1082  }
0x22: {  	[simem:s7], [sflag:s8] =	dma.local @!p0 [hbm:s6], $0xF7A  }
0x23: {  	s9 =	sor.u32 $0xD0000000, s2;
	s6 =	simm.s32 $0x108;
	_ =	swait.ge @!p0 [sflag:s8], $0x0  }
0x24: {  	s3 =	sadd.s32 $0x88, s3;
	s6 =	simm.s32 @!p1 $0x1082;
	[sflag:s4] =	ssyncset.s32 $0xFFFFF086  }
0x25: {  	[simem:s6], [sflag:s4] =	dma.local [hbm:s3], $0xF7A  }
0x26: {  	[smem:$0x3F96] =	sst s1;
	(tag) =	ssettag s2;
	_ =	strace s9  }
0x27: {  	s1 =	sld [smem:$0x3FA6]  }
0x28: {  	s2 =	sld [smem:$0x3FA7]  }
0x29: {  	s4 =	sld [smem:$0x3FA9]  }
0x2a: {  	p0 =	seq.s32 s5, $0x0;
	s5 =	sld [smem:$0x3FAA]  }
0x2b: {  	s6 =	sld [smem:$0x3FAB]  }
0x2c: {  	s7 =	sld [smem:$0x3FAC]  }
0x2d: {  	s3 =	simm.s32 $0x108;
	s8 =	sld [smem:$0x3FAD]  }
0x2e: {  	s3 =	simm.s32 @!p0 $0x1082;
	s9 =	sld [smem:$0x3FAE]  }
0x2f: {  	lr =	sadd.s32 s0, s3;
	s0 =	sld [smem:$0x3FA5]  }
0x30: {  	s3 =	sld [smem:$0x3FA8]  }
0x31: {  	[smem:$0x3FB1] =	sst s10  }
0x32: {  	s10 =	sld [smem:$0x3FAF];
	_ =	sdelay $0x3  }
0x33: {  	p0 =	seq.s32 s10, $0x1;
	s10 =	sld [smem:$0x3FB1];
	_ =	sdelay $0x3  }
0x34: {  	[smem:$0x3FB1] =	sst s10  }
0x35: {  	s10 =	sld [smem:$0x3FB0];
	_ =	sdelay $0x3  }
0x36: {  	p1 =	seq.s32 s10, $0x1;
	s10 =	sld [smem:$0x3FB1];
	_ =	sdelay $0x3  }
0x37: {  	[smem:$0x3FB1] =	sst s10  }
0x38: {  	s10 =	sld [smem:$0x3FB2]  }
0x39: {  	_ = 	snop;
	(pc) =	sbr.ind lr, $3  }
0x3a: {  	_ = 	snop  }
0x3b: {  	_ = 	snop  }
0x3c: {  	p2 =	seq.s32 s10, $0x1;
	s10 =	sld [smem:$0x3FB1]  }
0x3d: {  	_ =	shalt  }
0x3e: {  	_ =	shalt  }
0x3f: {  	_ =	shalt  }
0x40: {  	_ =	shalt  }
0x41: {  	_ =	shalt  }
0x42: {  	_ =	shalt  }
0x43: {  	_ =	shalt  }
0x44: {  	_ =	shalt  }
0x45: {  	_ =	shalt  }
0x46: {  	_ =	shalt  }
0x47: {  	_ =	shalt  }
0x48: {  	_ =	shalt  }
0x49: {  	_ =	shalt  }
0x4a: {  	_ =	shalt  }
0x4b: {  	_ =	shalt  }
0x4c: {  	_ =	shalt  }
0x4d: {  	_ =	shalt  }
0x4e: {  	_ =	shalt  }
0x4f: {  	_ =	shalt  }
0x50: {  	_ =	shalt  }
0x51: {  	_ =	shalt  }
0x52: {  	_ =	shalt  }
0x53: {  	_ =	shalt  }
0x54: {  	_ =	shalt  }
0x55: {  	_ =	shalt  }
0x56: {  	_ =	shalt  }
0x57: {  	_ =	shalt  }
0x58: {  	_ =	shalt  }
0x59: {  	_ =	shalt  }
0x5a: {  	_ =	shalt  }
0x5b: {  	_ =	shalt  }
0x5c: {  	_ =	shalt  }
0x5d: {  	_ =	shalt  }
0x5e: {  	_ =	shalt  }
0x5f: {  	_ =	shalt  }
0x60: {  	_ =	shalt  }
0x61: {  	_ =	shalt  }
0x62: {  	_ =	shalt  }
0x63: {  	_ =	shalt  }
0x64: {  	_ =	shalt  }
0x65: {  	_ =	shalt  }
0x66: {  	_ =	shalt  }
0x67: {  	_ =	shalt  }
0x68: {  	_ =	shalt  }
0x69: {  	_ =	shalt  }
0x6a: {  	_ =	shalt  }
0x6b: {  	_ =	shalt  }
0x6c: {  	_ =	shalt  }
0x6d: {  	_ =	shalt  }
0x6e: {  	_ =	shalt  }
0x6f: {  	_ =	shalt  }
0x70: {  	_ =	shalt  }
0x71: {  	_ =	shalt  }
0x72: {  	_ =	shalt  }
0x73: {  	_ =	shalt  }
0x74: {  	_ =	shalt  }
0x75: {  	_ =	shalt  }
0x76: {  	_ =	shalt  }
0x77: {  	_ =	shalt  }
0x78: {  	_ =	shalt  }
0x79: {  	_ =	shalt  }
0x7a: {  	_ =	shalt  }
0x7b: {  	_ =	shalt  }
0x7c: {  	_ =	shalt  }
0x7d: {  	_ =	shalt  }
0x7e: {  	_ =	shalt  }
0x7f: {  	_ =	shalt  }
0x80: {  	_ =	shalt  }
0x81: {  	_ =	shalt  }
0x82: {  	_ =	shalt  }
0x83: {  	_ =	shalt  }
0x84: {  	_ =	shalt  }
0x85: {  	_ =	shalt  }
0x86: {  	_ =	shalt  }
0x87: {  	_ =	shalt  }
.Lfunc_end0:
.L_simem_size_0:
called_computation.2_lowered:
.L_overlay_start_0:
0x88: {  	s2 =	sld [smem:$0x3FD9]  }
0x89: {  	s3 =	sld [smem:$0x3FFE];
	_ =	sdelay $0x1  }
0x8a: {  	s1 =	srdreg.scid  }
0x8b: {  	s0 =	sand.u32 $0x1, s1  }
0x8c: {  	s16 =	sshll.u32 s0, $0xA;
	s2 =	sadd.s32 s3, s2  }
0x8d: {  	s2 =	sadd.s32 s2, s16  }
0x8e: {  	[smem:$0x3FBD] =	sst s2  }
0x8f: {  	_ = 	snop  }
0x90: {  	(tm) =	ssettm $0x1  }
0x91: {  	s17 =	sld [smem:$0x3FFB];
	_ =	sdelay $0x3  }
0x92: {  	_ =	strace s17  }
0x93: {  	s2 =	sld [smem:$0x3FFC];
	_ =	sdelay $0x3  }
0x94: {  	_ =	strace s2  }
0x95: {  	s2 =	sld [smem:$0x3FFD];
	_ =	sdelay $0x3  }
0x96: {  	_ =	strace s2  }
0x97: {  	_ =	strace $0x8FFFFFFF  }
0x98: {  	s18 =	sld [smem:$0x3FDB];
	_ =	sdelay $0x1  }
0x99: {  	s19 =	simm.s32 $_scs_section_size  }
0x9a: {  	s4 =	simm.s32 $_size__tile_overlayer_lowered;
	s5 =	simm.s32 $_tile_overlayer_lowered  }
0x9b: {  	s22 =	simm.s32 $0x1BFF;
	s21 =	sshll.u32 s5, $0x1;
	s2 =	sadd.s32 s19, s18  }
0x9c: {  	s6 =	simm.s32 $0x0;
	s20 =	sshll.u32 s4, $0x1;
	s4 =	sadd.s32 s21, s2  }
0x9d: {  	[timem:s6], [sflag:s22] =	dma.local [hbm:s4], s20  }
0x9e: {  	_ =	swait.ge [sflag:s22], s20  }
0x9f: {  	s3 =	ssub.s32 $0x0, s20;
	[sflag:s22] =	ssyncset.done $0x0  }
0xa0: {  	[sflag:s22] =	ssyncadd.s32 s3;
	_ =	sdelay $0x1  }
0xa1: {  	s23 =	simm.s32 $0x1B8B  }
0xa2: {  	_ =	swait.ge [sflag:s23], $0x1  }
0xa3: {  	[sflag:s23] =	ssyncset.done $0x0  }
0xa4: {  	s25 =	simm.s32 $0x1B8E;
	s24 =	sld [smem:$0x3FFE];
	[sflag:s23] =	ssyncadd.s32 $0xFFFFFFFF  }
0xa5: {  	s26 =	simm.s32 $execute0_lowered;
	[smem:$0x3FD2] =	sst s25  }
0xa6: {  	s4 =	sshll.u32 s26, $0x1;
	_ =	strace $0x8000004C;
	[dreg:$0x1] =	wrdreg $0xFFFFFFFF  }
0xa7: {  	s28 =	simm.s32 $_size_execute0_lowered;
	s2 =	sadd.s32 s2, s4;
	[dreg:$0x0] =	wrdreg $0x0  }
0xa8: {  	s4 =	sshll.u32 s28, $0x1;
	[dreg:$0x2] =	wrdreg s2  }
0xa9: {  	[dreg:$0x3] =	wrdreg s4  }
0xaa: {  	[dreg:$0x4] =	wrdreg $0xC0  }
0xab: {  	_ =	task [dreg:s6], $0x5FFFF  }
0xac: {  	[dreg:$0x1] =	wrdreg $0xFFFFFFFF  }
0xad: {  	[dreg:$0x0] =	wrdreg $0x60  }
0xae: {  	[dreg:$0x2] =	wrdreg s24  }
0xaf: {  	[dreg:$0x3] =	wrdreg $0x29800  }
0xb0: {  	[dreg:$0x4] =	wrdreg $0x9  }
0xb1: {  	_ =	task.clear_ibuf [dreg:s6], $0x5FFFF;
	_ =	strace $0x9000004C  }
0xb2: {  	s29 =	simm.s32 $0x9;
	_ =	strace $0x8000004E  }
0xb3: {  	_ =	swait.ge [sflag:s29], $0x1  }
0xb4: {  	[sflag:s29] =	ssyncadd.s32 $0xFFFFFFFF  }
0xb5: {  	_ =	strace $0x9000004E  }
0xb6: {  	_ =	sfence  }
0xb7: {  	s30 =	sld [smem:$0x0];
	_ =	sdelay $0x2  }
0xb8: {  	s31 =	sshll.u32 s1, $0xD;
	s1 =	sshrl.u32 s1, $0x2  }
0xb9: {  	s3 =	sand.u32 $0x4000, s31;
	s1 =	sadd.s32 s1, s30  }
0xba: {  	s0 =	sor.u32 s3, s0;
	s1 =	sshll.u32 s1, $0x11  }
0xbb: {  	s0 =	sor.u32 s1, s0  }
0xbc: {  	s0 =	sadd.s32 $0x8F2B, s0  }
0xbd: {  	[sflag:s0] =	ssyncadd.remote.s32 $0x1  }
0xbe: {  	_ =	sfence.sel $0xFFFF  }
0xbf: {  	[dreg:$0x0] =	wrdreg $0xFFFFFFFF;
	(pc) =	sbr.abs _section_cstart, $3  }
0xc0: {  	[dreg:$0x1] =	wrdreg $0xFFFFFFFF  }
0xc1: {  	_ =	task.clear_ibuf [dreg:s6], $0x2FFFF;
	_ =	strace $0x9FFFFFFF  }
0xc2: {  	(tm) =	ssettm $0x7FFFFFFF  }
0xc3: {  	_ =	shalt  }
tec
execute0_lowered:
.L_overlay_start_1:
0x0: {  	(tag) =	ssettag $0x1  }
0x1: {  	s8 =	rddreg [dreg:$0x0]  }
0x2: {  	s2 =	rddreg [dreg:$0x1]  }
0x3: {  	s0 =	rddreg [dreg:$0x2];
	s3 =	simm.s32 $0x0;
	s1 =	stileid.u32  }
0x4: {  	s4 =	srdreg.scid;
	s16 =	simm.s32 $0x100;
	s17 =	simm.s32 $0x50  }
0x5: {  	s18 =	simm.s32 $0x180;
	s19 =	simm.s32 $0x1;
	[smem:$0x7FF] =	sst s3  }
0x6: {  	s9 =	smul.u32 $0x14000, s1;
	s10 =	sand.u32 $0x1, s4;
	s4 =	sadd.s32 $0xD200, s8  }
0x7: {  	s5 =	sadd.s32 $0x3400, s8;
	s6 =	sadd.s32 $0x34A00, s8;
	s7 =	sadd.s32 $0x98600, s8  }
0x8: {  	s13 =	smul.u32 $0x50000, s1;
	s29 =	sshll.u32 s1, $0x1;
	s31 =	sshll.u32 s1, $0x6  }
0x9: {  	_ =	strace $0x8000004D;
	s11 =	smul.u32 $0x140000, s10;
	s26 =	ssub.s32 $0x2, s10  }
0xa: {  	s10 =	sor.u32 s10, s29;
	s12 =	sshrl.u32 s9, $0x3;
	s28 =	sshrl.u32 s26, $0x1  }
0xb: {  	s30 =	sshrl.u32 s13, $0x2;
	s10 =	smul.u32 $0x2710, s10;
	s9 =	sadd.s32 s9, s11  }
0xc: {  	s12 =	sadd.s32 s12, s8;
	s13 =	sadd.s32 s30, s2;
	s9 =	sshrl.u32 s9, $0x3  }
0xd: {  	s15 =	ssub.s32 s26, s28;
	s13 =	sshrl.u32 s13, $0x3;
	s14 =	sadd.s32 s9, s8  }
0xe: {  	s8 =	sadd.s32 $0x48600, s12;
	s9 =	sor.u32 $0x1C02, s31;
	s12 =	smax.u32 s15, $0x1  }
0xf: {  	s15 =	simm.s32 $0x80;
	s11 =	sadd.s32 $0xBF800, s14;
	s14 =	simm.s32 $0x2  }
.LBB2_1:
0x10: {  	[spmem:s13], [sflag:s9] =	dma.local [hbm:s8], $0x2800  }
0x11: {  	_ =	swait.ge [sflag:s14], $0x2800  }
0x12: {  	[sflag:s14] =	ssyncset.done $0x0  }
0x13: {  	[sflag:s14] =	ssyncadd.s32 $0xFFFFD800  }
0x14: {  	s20 =	simm.s32 $0x0;
	[bflag:$0x0] =	sbarrier.arrive $0xFFFF  }
.LBB2_2:
0x15: {  	s21 =	smul.u32 $0x50, s20;
	_ =	sdelay $0x1  }
0x16: {  	s21 =	sadd.s32 s10, s21  }
0x17: {  	s21 =	sshrl.u32 s21, $0x3  }
0x18: {  	s23 =	simm.s32 $0x0;
	s22 =	sadd.s32 s4, s21  }
0x19: {  	[tilespmem:s23], [sflag:$0x2] =	stream.linear.gather [hbm4b:s22+s23], $0x50, $0x38;
	[tilespmem:$0x16980] =	vst v63  }
0x1a: {  	_ =	swait.ge [sflag:s14], $0x50  }
0x1b: {  	[sflag:s14] =	ssyncset.done $0x0  }
0x1c: {  	s30 =	sadd.s32 s5, s21;
	[sflag:s14] =	ssyncadd.s32 $0xFFFFFFB0  }
0x1d: {  	[tilespmem:s15], [sflag:$0x2] =	stream.linear.gather [hbm4b:s30+s23], $0x50, $0x38;
	[tilespmem:$0x16980] =	vst v63  }
0x1e: {  	_ =	swait.ge [sflag:s14], $0x50  }
0x1f: {  	[sflag:s14] =	ssyncset.done $0x0  }
0x20: {  	s21 =	sadd.s32 s6, s21;
	[sflag:s14] =	ssyncadd.s32 $0xFFFFFFB0  }
0x21: {  	[tilespmem:s16], [sflag:$0x2] =	stream.linear.gather [hbm4b:s21+s23], $0x50, $0x38;
	[tilespmem:$0x16980] =	vst v63  }
0x22: {  	_ =	swait.ge [sflag:s14], $0x50  }
0x23: {  	[sflag:s14] =	ssyncset.done $0x0  }
0x24: {  	[sflag:s14] =	ssyncadd.s32 $0xFFFFFFB0  }
0x25: {  	[tilespmem:s18], [sflag:$0x1] =	stream.indirect.gather [hbm4b:s7+s17], $0x80, s23, s17, $0xb8;
	[tilespmem:$0x16980] =	vst v63  }
0x26: {  	_ =	swait.ge [sflag:s19], $0x2800  }
0x27: {  	[sflag:s19] =	ssyncset.done $0x0  }
0x28: {  	s21 =	simm.s32 $0x1C0;
	[sflag:s19] =	ssyncadd.s32 $0xFFFFD800  }
0x29: {  	v4 =	vld [tilespmem:s21+$0x30]  }
0x2a: {  	v7 =	vld [tilespmem:s21+$0x10]  }
0x2b: {  	s31 =	simm.s32 $0x0;
	v5 =	vld [tilespmem:s21+$0xFFFFFFC0]  }
0x2c: {  	v1 =	vld.msk [tilespmem:s31+$0x100 ss:$0x0], $0xffff  }
0x2d: {  	v9 =	vld [tilespmem:s21+$0xFFFFFFE0]  }
0x2e: {  	v0 =	vld [tilespmem:s21+$0xFFFFFFF0]  }
0x2f: {  	v2 =	vld [tilespmem:s21+$0x20]  }
0x30: {  	v3 =	vld [tilespmem:s21+$0xFFFFFFD0]  }
0x31: {  	v8 =	vmul.f32 v4, v1;
	v4 =	vld [tilespmem:s21+$0x0]  }
0x32: {  	v6 =	vmul.f32 v1, v5  }
0x33: {  	s22 =	simm.s32 $0x4;
	s23 =	simm.s32 $0x1C0;
	v5 =	vmul.f32 v9, v1;
	v7 =	vmul.f32 v7, v1  }
.LBB2_3:
0x34: {  	p0 =	sne.s32 s22, $0x13C  }
0x35: {  	v3 =	vmul.f32 v3, v1;
	v2 =	vmul.f32 v2, v1;
	[tilespmem:s21+$0x30] =	vst v8;
	s23 =	sadd.s32 $0x80, s23;
	s24 =	smov.u32 s22;
	s22 =	sadd.s32 $0x4, s22  }
0x36: {  	[tilespmem:s21+$0xFFFFFFC0] =	vst v6;
	v6 =	vmul.f32 v0, v1;
	v1 =	vmul.f32 v4, v1  }
0x37: {  	[tilespmem:s21+$0x10] =	vst v7  }
0x38: {  	[tilespmem:s21+$0xFFFFFFE0] =	vst v5  }
0x39: {  	v0 =	vld [tilespmem:s23+$0xFFFFFFF0];
	[tilespmem:s21+$0xFFFFFFF0] =	vst v6  }
0x3a: {  	v5 =	vld [tilespmem:s23+$0x30];
	[tilespmem:s21+$0x0] =	vst v1  }
0x3b: {  	v7 =	vld [tilespmem:s23+$0x10];
	[tilespmem:s21+$0x20] =	vst v2  }
0x3c: {  	s24 =	sshra.s32 s24, $0x2;
	v6 =	vld [tilespmem:s23+$0xFFFFFFC0];
	[tilespmem:s21+$0xFFFFFFD0] =	vst v3;
	s21 =	smov.u32 s23  }
0x3d: {  	v1 =	vld.msk [tilespmem:s24+$0x100 ss:$0x0], $0xffff  }
0x3e: {  	v9 =	vld [tilespmem:s23+$0xFFFFFFE0]  }
0x3f: {  	v2 =	vld [tilespmem:s23+$0x20]  }
.Ltmp0:
0x40: {  	v3 =	vld [tilespmem:s23+$0xFFFFFFD0];
	(pc) =	sbr.rel @p0 .LBB2_3-.Ltmp0, $3  }
0x41: {  	v4 =	vld [tilespmem:s23+$0x0];
	_ =	sdelay $0x1  }
0x42: {  	v6 =	vmul.f32 v1, v6;
	v8 =	vmul.f32 v5, v1  }
0x43: {  	v7 =	vmul.f32 v7, v1;
	v5 =	vmul.f32 v9, v1  }
0x44: {  	[tilespmem:s21+$0x30] =	vst v8  }
0x45: {  	[tilespmem:s21+$0xFFFFFFC0] =	vst v6  }
0x46: {  	v0 =	vmul.f32 v0, v1;
	[tilespmem:s21+$0x10] =	vst v7  }
0x47: {  	v2 =	vmul.f32 v2, v1;
	[tilespmem:s21+$0xFFFFFFE0] =	vst v5  }
0x48: {  	v63 =	vmul.f32 v3, v1;
	[tilespmem:s21+$0xFFFFFFF0] =	vst v0  }
0x49: {  	s20 =	sadd.s32 $0x1, s20;
	v4 =	vmul.f32 v4, v1;
	[tilespmem:s21+$0x20] =	vst v2  }
0x4a: {  	p0 =	sne.s32 s20, $0x7D;
	[tilespmem:s21+$0xFFFFFFD0] =	vst v63  }
.Ltmp1:
0x4b: {  	[tilespmem:s21+$0x0] =	vst v4;
	(pc) =	sbr.rel @p0 .LBB2_2-.Ltmp1, $4  }
0x4c: {  	[spmem:s2] =	stream.indirect.scatter.add.f32 [tilespmem:s18], [sflag:$0x2], $0x80, s15, s17, $0xb8;
	[tilespmem:$0x16980] =	vst v63  }
0x4d: {  	_ =	swait.ge [sflag:s14], $0x2800  }
0x4e: {  	[sflag:s14] =	ssyncset.done $0x0  }
0x4f: {  	[sflag:s14] =	ssyncadd.s32 $0xFFFFD800  }
0x50: {  	s3 =	sadd.s32 $0x1, s3  }
0x51: {  	p0 =	sne.s32 s3, s12  }
.Ltmp2:
0x52: {  	[bflag:$0x0] =	sbarrier.arrive $0xFFFF;
	(pc) =	sbr.rel @p0 .LBB2_1-.Ltmp2, $4  }
0x53: {  	[hbm:s11], [sflag:s9] =	dma.local [spmem:s13], $0x2800  }
0x54: {  	_ =	swait.ge [sflag:s14], $0x2800  }
0x55: {  	[sflag:s14] =	ssyncset.done $0x0  }
0x56: {  	[sflag:s14] =	ssyncadd.s32 $0xFFFFD800  }
0x57: {  	_ =	sfence.sel $0x180000  }
0x58: {  	[bflag:$0x0] =	sbarrier.arrive $0xFFFF  }
0x59: {  	p0 =	sne.s32 s1, $0x0;
	_ =	strace $0x9000004D  }
0x5a: {  	s0 =	sadd.s32 @!p0 $0x100000, s0;
	[bflag:$0x2] =	sbarrier.arrive $0xFFFF  }
0x5b: {  	[sflag:s0] =	ssyncadd.tile.s32 @!p0 $0x1;
	_ =	shalt  }
.Lfunc_end2:
_tile_overlayer_lowered:
.L_overlay_start_2:
0x5c: {  	(tag) =	ssettag $0x2  }
0x5d: {  	s0 =	rddreg [dreg:$0x0];
	s2 =	stileid.u32  }
0x5e: {  	s1 =	rddreg [dreg:$0x1];
	p0 =	sne.s32 s2, $0x0  }
0x5f: {  	s3 =	rddreg [dreg:$0x2];
	[bflag:$0x3] =	sbarrier.arrive $0xFFFF;
	s2 =	simm.s32 @!p0 $0x1C02  }
0x60: {  	[timem:s3], [sflag:s2] =	dma.local @!p0 [hbm:s0], s1  }
0x61: {  	s0 =	simm.s32 @!p0 $0x2  }
0x62: {  	_ =	swait.ge @!p0 [sflag:s0], s1  }
0x63: {  	s1 =	ssub.s32 @!p0 $0x0, s1;
	[sflag:s0] =	ssyncset.done @!p0 $0x0  }
0x64: {  	[sflag:s0] =	ssyncadd.s32 @!p0 s1  }
0x65: {  	[bflag:$0x3] =	sbarrier.arrive $0xFFFF  }
0x66: {  	_ =	shalt  }

// kernel: kernel.30.cloned.1.call-start
scs
__scs_entry_jumppad:
0x0: {  	(pc) =	sbr.rel $0x88, $3  }
0x1: {  	(tag) =	ssettag $0x0;
	lr =	simm.s32 $0x1  }
0x2: {  	[smem:$0x3F96] =	sst lr;
	_ =	strace $0xD0000000  }
0x3: {  	_ = 	snop  }
0x4: {  	_ = 	snop  }
0x5: {  	_ = 	snop  }
0x6: {  	_ = 	snop  }
0x7: {  	_ = 	snop  }
__scs_overlays_trampoline_lowered:
0x8: {  	[smem:$0x3FA5] =	sst s0  }
0x9: {  	[smem:$0x3FA6] =	sst s1  }
0xa: {  	[smem:$0x3FA7] =	sst s2  }
0xb: {  	[smem:$0x3FA8] =	sst s3  }
0xc: {  	[smem:$0x3FA9] =	sst s4  }
0xd: {  	[smem:$0x3FAA] =	sst s5  }
0xe: {  	[smem:$0x3FAB] =	sst s6  }
0xf: {  	[smem:$0x3FAC] =	sst s7  }
0x10: {  	[smem:$0x3FAD] =	sst s8  }
0x11: {  	[smem:$0x3FAE] =	sst s9;
	s0 =	simm.s32 @!p0 $0x0  }
0x12: {  	s1 =	sld [smem:$0x3F94];
	s0 =	simm.s32 @p0 $0x1  }
0x13: {  	[smem:$0x3FAF] =	sst s0;
	s0 =	simm.s32 @!p1 $0x0  }
0x14: {  	s2 =	sld [smem:$0x3F93];
	s0 =	simm.s32 @p1 $0x1  }
0x15: {  	[smem:$0x3FB0] =	sst s0;
	s0 =	simm.s32 @!p2 $0x0  }
0x16: {  	s3 =	sld [smem:$0x3FDB];
	s0 =	simm.s32 @p2 $0x1  }
0x17: {  	s4 =	simm.s32 $0x1BF5;
	[smem:$0x3FB2] =	sst s0  }
0x18: {  	s0 =	sld [smem:$0x3F95];
	_ =	swait.ge [sflag:s4], $0x0  }
0x19: {  	s7 =	sld [smem:$0x3F96]  }
0x1a: {  	s8 =	sadd.s32 $0xFFFFE003, lr  }
0x1b: {  	s9 =	sadd.s32 $0xFFFFFEF7, lr;
	s5 =	simm.s32 $0xFFFFFFFF;
	p2 =	slt.u32 s8, $0xFFFFF086  }
0x1c: {  	p1 =	slt.u32 s9, $0xF7A;
	s5 =	simm.s32 @!p2 $0x0  }
0x1d: {  	s5 =	simm.s32 @p1 $0x1;
	p0 =	seq.s32 s7, s2  }
0x1e: {  	s7 =	smul.u32 @!p0 $0xF7A, s2;
	p2 =	seq.s32 @!p0 s5, $0x0  }
0x1f: {  	s9 =	smul.u32 $0xF7A, s1;
	s8 =	simm.s32 @!p0 $0x1BF5;
	p2 =	por !p2, p0  }
0x20: {  	[sflag:s8] =	ssyncset.s32 @!p0 $0xFFFFF086;
	s6 =	sadd.s32 @!p0 s3, s7;
	s7 =	simm.s32 @!p0 $0x108  }
0x21: {  	s3 =	sadd.s32 s3, s9;
	s6 =	sadd.s32 @!p0 $0x88, s6;
	s7 =	simm.s32 @p2 $0x1082  }
0x22: {  	[simem:s7], [sflag:s8] =	dma.local @!p0 [hbm:s6], $0xF7A  }
0x23: {  	s9 =	sor.u32 $0xD0000000, s2;
	s6 =	simm.s32 $0x108;
	_ =	swait.ge @!p0 [sflag:s8], $0x0  }
0x24: {  	s3 =	sadd.s32 $0x88, s3;
	s6 =	simm.s32 @!p1 $0x1082;
	[sflag:s4] =	ssyncset.s32 $0xFFFFF086  }
0x25: {  	[simem:s6], [sflag:s4] =	dma.local [hbm:s3], $0xF7A  }
0x26: {  	[smem:$0x3F96] =	sst s1;
	(tag) =	ssettag s2;
	_ =	strace s9  }
0x27: {  	s1 =	sld [smem:$0x3FA6]  }
0x28: {  	s2 =	sld [smem:$0x3FA7]  }
0x29: {  	s4 =	sld [smem:$0x3FA9]  }
0x2a: {  	p0 =	seq.s32 s5, $0x0;
	s5 =	sld [smem:$0x3FAA]  }
0x2b: {  	s6 =	sld [smem:$0x3FAB]  }
0x2c: {  	s7 =	sld [smem:$0x3FAC]  }
0x2d: {  	s3 =	simm.s32 $0x108;
	s8 =	sld [smem:$0x3FAD]  }
0x2e: {  	s3 =	simm.s32 @!p0 $0x1082;
	s9 =	sld [smem:$0x3FAE]  }
0x2f: {  	lr =	sadd.s32 s0, s3;
	s0 =	sld [smem:$0x3FA5]  }
0x30: {  	s3 =	sld [smem:$0x3FA8]  }
0x31: {  	[smem:$0x3FB1] =	sst s10  }
0x32: {  	s10 =	sld [smem:$0x3FAF];
	_ =	sdelay $0x3  }
0x33: {  	p0 =	seq.s32 s10, $0x1;
	s10 =	sld [smem:$0x3FB1];
	_ =	sdelay $0x3  }
0x34: {  	[smem:$0x3FB1] =	sst s10  }
0x35: {  	s10 =	sld [smem:$0x3FB0];
	_ =	sdelay $0x3  }
0x36: {  	p1 =	seq.s32 s10, $0x1;
	s10 =	sld [smem:$0x3FB1];
	_ =	sdelay $0x3  }
0x37: {  	[smem:$0x3FB1] =	sst s10  }
0x38: {  	s10 =	sld [smem:$0x3FB2]  }
0x39: {  	_ = 	snop;
	(pc) =	sbr.ind lr, $3  }
0x3a: {  	_ = 	snop  }
0x3b: {  	_ = 	snop  }
0x3c: {  	p2 =	seq.s32 s10, $0x1;
	s10 =	sld [smem:$0x3FB1]  }
0x3d: {  	_ =	shalt  }
0x3e: {  	_ =	shalt  }
0x3f: {  	_ =	shalt  }
0x40: {  	_ =	shalt  }
0x41: {  	_ =	shalt  }
0x42: {  	_ =	shalt  }
0x43: {  	_ =	shalt  }
0x44: {  	_ =	shalt  }
0x45: {  	_ =	shalt  }
0x46: {  	_ =	shalt  }
0x47: {  	_ =	shalt  }
0x48: {  	_ =	shalt  }
0x49: {  	_ =	shalt  }
0x4a: {  	_ =	shalt  }
0x4b: {  	_ =	shalt  }
0x4c: {  	_ =	shalt  }
0x4d: {  	_ =	shalt  }
0x4e: {  	_ =	shalt  }
0x4f: {  	_ =	shalt  }
0x50: {  	_ =	shalt  }
0x51: {  	_ =	shalt  }
0x52: {  	_ =	shalt  }
0x53: {  	_ =	shalt  }
0x54: {  	_ =	shalt  }
0x55: {  	_ =	shalt  }
0x56: {  	_ =	shalt  }
0x57: {  	_ =	shalt  }
0x58: {  	_ =	shalt  }
0x59: {  	_ =	shalt  }
0x5a: {  	_ =	shalt  }
0x5b: {  	_ =	shalt  }
0x5c: {  	_ =	shalt  }
0x5d: {  	_ =	shalt  }
0x5e: {  	_ =	shalt  }
0x5f: {  	_ =	shalt  }
0x60: {  	_ =	shalt  }
0x61: {  	_ =	shalt  }
0x62: {  	_ =	shalt  }
0x63: {  	_ =	shalt  }
0x64: {  	_ =	shalt  }
0x65: {  	_ =	shalt  }
0x66: {  	_ =	shalt  }
0x67: {  	_ =	shalt  }
0x68: {  	_ =	shalt  }
0x69: {  	_ =	shalt  }
0x6a: {  	_ =	shalt  }
0x6b: {  	_ =	shalt  }
0x6c: {  	_ =	shalt  }
0x6d: {  	_ =	shalt  }
0x6e: {  	_ =	shalt  }
0x6f: {  	_ =	shalt  }
0x70: {  	_ =	shalt  }
0x71: {  	_ =	shalt  }
0x72: {  	_ =	shalt  }
0x73: {  	_ =	shalt  }
0x74: {  	_ =	shalt  }
0x75: {  	_ =	shalt  }
0x76: {  	_ =	shalt  }
0x77: {  	_ =	shalt  }
0x78: {  	_ =	shalt  }
0x79: {  	_ =	shalt  }
0x7a: {  	_ =	shalt  }
0x7b: {  	_ =	shalt  }
0x7c: {  	_ =	shalt  }
0x7d: {  	_ =	shalt  }
0x7e: {  	_ =	shalt  }
0x7f: {  	_ =	shalt  }
0x80: {  	_ =	shalt  }
0x81: {  	_ =	shalt  }
0x82: {  	_ =	shalt  }
0x83: {  	_ =	shalt  }
0x84: {  	_ =	shalt  }
0x85: {  	_ =	shalt  }
0x86: {  	_ =	shalt  }
0x87: {  	_ =	shalt  }
.Lfunc_end0:
.L_simem_size_0:
called_computation.3_lowered:
.L_overlay_start_0:
0x88: {  	s2 =	sld [smem:$0x3FD9]  }
0x89: {  	s3 =	sld [smem:$0x3FFE];
	_ =	sdelay $0x1  }
0x8a: {  	s1 =	srdreg.scid  }
0x8b: {  	s0 =	sand.u32 $0x1, s1  }
0x8c: {  	s16 =	sshll.u32 s0, $0xA;
	s2 =	sadd.s32 s3, s2  }
0x8d: {  	s2 =	sadd.s32 s2, s16  }
0x8e: {  	[smem:$0x3FBD] =	sst s2  }
0x8f: {  	_ = 	snop  }
0x90: {  	(tm) =	ssettm $0x1  }
0x91: {  	s17 =	sld [smem:$0x3FFB];
	_ =	sdelay $0x3  }
0x92: {  	_ =	strace s17  }
0x93: {  	s2 =	sld [smem:$0x3FFC];
	_ =	sdelay $0x3  }
0x94: {  	_ =	strace s2  }
0x95: {  	s2 =	sld [smem:$0x3FFD];
	_ =	sdelay $0x3  }
0x96: {  	_ =	strace s2  }
0x97: {  	_ =	strace $0x8FFFFFFF  }
0x98: {  	s18 =	sld [smem:$0x3FDB];
	_ =	sdelay $0x1  }
0x99: {  	s19 =	simm.s32 $_scs_section_size  }
0x9a: {  	s4 =	simm.s32 $_size__tile_overlayer_lowered;
	s5 =	simm.s32 $_tile_overlayer_lowered  }
0x9b: {  	s22 =	simm.s32 $0x1BFF;
	s21 =	sshll.u32 s5, $0x1;
	s2 =	sadd.s32 s19, s18  }
0x9c: {  	s6 =	simm.s32 $0x0;
	s20 =	sshll.u32 s4, $0x1;
	s4 =	sadd.s32 s21, s2  }
0x9d: {  	[timem:s6], [sflag:s22] =	dma.local [hbm:s4], s20  }
0x9e: {  	_ =	swait.ge [sflag:s22], s20  }
0x9f: {  	s3 =	ssub.s32 $0x0, s20;
	[sflag:s22] =	ssyncset.done $0x0  }
0xa0: {  	[sflag:s22] =	ssyncadd.s32 s3;
	_ =	sdelay $0x1  }
0xa1: {  	s23 =	simm.s32 $0x1B8B  }
0xa2: {  	_ =	swait.ge [sflag:s23], $0x1  }
0xa3: {  	[sflag:s23] =	ssyncset.done $0x0  }
0xa4: {  	s25 =	simm.s32 $0x1B8E;
	s24 =	sld [smem:$0x3FFE];
	[sflag:s23] =	ssyncadd.s32 $0xFFFFFFFF  }
0xa5: {  	s26 =	simm.s32 $execute0_lowered;
	[smem:$0x3FD2] =	sst s25  }
0xa6: {  	s4 =	sshll.u32 s26, $0x1;
	_ =	strace $0x8000004F;
	[dreg:$0x1] =	wrdreg $0xFFFFFFFF  }
0xa7: {  	s28 =	simm.s32 $_size_execute0_lowered;
	s2 =	sadd.s32 s2, s4;
	[dreg:$0x0] =	wrdreg $0x0  }
0xa8: {  	s4 =	sshll.u32 s28, $0x1;
	[dreg:$0x2] =	wrdreg s2  }
0xa9: {  	[dreg:$0x3] =	wrdreg s4  }
0xaa: {  	[dreg:$0x4] =	wrdreg $0xC0  }
0xab: {  	_ =	task [dreg:s6], $0x5FFFF  }
0xac: {  	[dreg:$0x1] =	wrdreg $0xFFFFFFFF  }
0xad: {  	[dreg:$0x0] =	wrdreg $0x60  }
0xae: {  	[dreg:$0x2] =	wrdreg s24  }
0xaf: {  	[dreg:$0x3] =	wrdreg $0x29800  }
0xb0: {  	[dreg:$0x4] =	wrdreg $0x9  }
0xb1: {  	_ =	task.clear_ibuf [dreg:s6], $0x5FFFF;
	_ =	strace $0x9000004F  }
0xb2: {  	s29 =	simm.s32 $0x9;
	_ =	strace $0x80000051  }
0xb3: {  	_ =	swait.ge [sflag:s29], $0x1  }
0xb4: {  	[sflag:s29] =	ssyncadd.s32 $0xFFFFFFFF  }
0xb5: {  	_ =	strace $0x90000051  }
0xb6: {  	_ =	sfence  }
0xb7: {  	s30 =	sld [smem:$0x0];
	_ =	sdelay $0x2  }
0xb8: {  	s31 =	sshll.u32 s1, $0xD;
	s1 =	sshrl.u32 s1, $0x2  }
0xb9: {  	s3 =	sand.u32 $0x4000, s31;
	s1 =	sadd.s32 s1, s30  }
0xba: {  	s0 =	sor.u32 s3, s0;
	s1 =	sshll.u32 s1, $0x11  }
0xbb: {  	s0 =	sor.u32 s1, s0  }
0xbc: {  	s0 =	sadd.s32 $0x8F2B, s0  }
0xbd: {  	[sflag:s0] =	ssyncadd.remote.s32 $0x1  }
0xbe: {  	_ =	sfence.sel $0xFFFF  }
0xbf: {  	[dreg:$0x0] =	wrdreg $0xFFFFFFFF;
	(pc) =	sbr.abs _section_cstart, $3  }
0xc0: {  	[dreg:$0x1] =	wrdreg $0xFFFFFFFF  }
0xc1: {  	_ =	task.clear_ibuf [dreg:s6], $0x2FFFF;
	_ =	strace $0x9FFFFFFF  }
0xc2: {  	(tm) =	ssettm $0x7FFFFFFF  }
0xc3: {  	_ =	shalt  }
tec
execute0_lowered:
.L_overlay_start_1:
0x0: {  	(tag) =	ssettag $0x1  }
0x1: {  	s8 =	rddreg [dreg:$0x0]  }
0x2: {  	s2 =	rddreg [dreg:$0x1]  }
0x3: {  	s0 =	rddreg [dreg:$0x2];
	s3 =	simm.s32 $0x0;
	s1 =	stileid.u32  }
0x4: {  	s4 =	srdreg.scid;
	s16 =	simm.s32 $0x100;
	s17 =	simm.s32 $0x50  }
0x5: {  	s18 =	simm.s32 $0x180;
	s19 =	simm.s32 $0x1;
	[smem:$0x7FF] =	sst s3  }
0x6: {  	s9 =	smul.u32 $0x14000, s1;
	s10 =	sand.u32 $0x1, s4;
	s4 =	sadd.s32 $0xD200, s8  }
0x7: {  	s5 =	sadd.s32 $0x3400, s8;
	s6 =	sadd.s32 $0x2AC00, s8;
	s7 =	sadd.s32 $0x98600, s8  }
0x8: {  	s13 =	smul.u32 $0x50000, s1;
	s29 =	sshll.u32 s1, $0x1;
	s31 =	sshll.u32 s1, $0x6  }
0x9: {  	_ =	strace $0x80000050;
	s11 =	smul.u32 $0x140000, s10;
	s26 =	ssub.s32 $0x2, s10  }
0xa: {  	s10 =	sor.u32 s10, s29;
	s12 =	sshrl.u32 s9, $0x3;
	s28 =	sshrl.u32 s26, $0x1  }
0xb: {  	s30 =	sshrl.u32 s13, $0x2;
	s10 =	smul.u32 $0x2710, s10;
	s9 =	sadd.s32 s9, s11  }
0xc: {  	s12 =	sadd.s32 s12, s8;
	s13 =	sadd.s32 s30, s2;
	s9 =	sshrl.u32 s9, $0x3  }
0xd: {  	s15 =	ssub.s32 s26, s28;
	s13 =	sshrl.u32 s13, $0x3;
	s14 =	sadd.s32 s9, s8  }
0xe: {  	s8 =	sadd.s32 $0x48600, s12;
	s9 =	sor.u32 $0x1C02, s31;
	s12 =	smax.u32 s15, $0x1  }
0xf: {  	s15 =	simm.s32 $0x80;
	s11 =	sadd.s32 $0xBF800, s14;
	s14 =	simm.s32 $0x2  }
.LBB2_1:
0x10: {  	[spmem:s13], [sflag:s9] =	dma.local [hbm:s8], $0x2800  }
0x11: {  	_ =	swait.ge [sflag:s14], $0x2800  }
0x12: {  	[sflag:s14] =	ssyncset.done $0x0  }
0x13: {  	[sflag:s14] =	ssyncadd.s32 $0xFFFFD800  }
0x14: {  	s20 =	simm.s32 $0x0;
	[bflag:$0x0] =	sbarrier.arrive $0xFFFF  }
.LBB2_2:
0x15: {  	s21 =	smul.u32 $0x50, s20;
	_ =	sdelay $0x1  }
0x16: {  	s21 =	sadd.s32 s10, s21  }
0x17: {  	s21 =	sshrl.u32 s21, $0x3  }
0x18: {  	s23 =	simm.s32 $0x0;
	s22 =	sadd.s32 s4, s21  }
0x19: {  	[tilespmem:s23], [sflag:$0x2] =	stream.linear.gather [hbm4b:s22+s23], $0x50, $0x38;
	[tilespmem:$0x16980] =	vst v63  }
0x1a: {  	_ =	swait.ge [sflag:s14], $0x50  }
0x1b: {  	[sflag:s14] =	ssyncset.done $0x0  }
0x1c: {  	s30 =	sadd.s32 s5, s21;
	[sflag:s14] =	ssyncadd.s32 $0xFFFFFFB0  }
0x1d: {  	[tilespmem:s15], [sflag:$0x2] =	stream.linear.gather [hbm4b:s30+s23], $0x50, $0x38;
	[tilespmem:$0x16980] =	vst v63  }
0x1e: {  	_ =	swait.ge [sflag:s14], $0x50  }
0x1f: {  	[sflag:s14] =	ssyncset.done $0x0  }
0x20: {  	s21 =	sadd.s32 s6, s21;
	[sflag:s14] =	ssyncadd.s32 $0xFFFFFFB0  }
0x21: {  	[tilespmem:s16], [sflag:$0x2] =	stream.linear.gather [hbm4b:s21+s23], $0x50, $0x38;
	[tilespmem:$0x16980] =	vst v63  }
0x22: {  	_ =	swait.ge [sflag:s14], $0x50  }
0x23: {  	[sflag:s14] =	ssyncset.done $0x0  }
0x24: {  	[sflag:s14] =	ssyncadd.s32 $0xFFFFFFB0  }
0x25: {  	[tilespmem:s18], [sflag:$0x1] =	stream.indirect.gather [hbm4b:s7+s17], $0x80, s23, s17, $0xb8;
	[tilespmem:$0x16980] =	vst v63  }
0x26: {  	_ =	swait.ge [sflag:s19], $0x2800  }
0x27: {  	[sflag:s19] =	ssyncset.done $0x0  }
0x28: {  	s21 =	simm.s32 $0x1C0;
	[sflag:s19] =	ssyncadd.s32 $0xFFFFD800  }
0x29: {  	v4 =	vld [tilespmem:s21+$0x30]  }
0x2a: {  	v7 =	vld [tilespmem:s21+$0x10]  }
0x2b: {  	s31 =	simm.s32 $0x0;
	v5 =	vld [tilespmem:s21+$0xFFFFFFC0]  }
0x2c: {  	v1 =	vld.msk [tilespmem:s31+$0x100 ss:$0x0], $0xffff  }
0x2d: {  	v9 =	vld [tilespmem:s21+$0xFFFFFFE0]  }
0x2e: {  	v0 =	vld [tilespmem:s21+$0xFFFFFFF0]  }
0x2f: {  	v2 =	vld [tilespmem:s21+$0x20]  }
0x30: {  	v3 =	vld [tilespmem:s21+$0xFFFFFFD0]  }
0x31: {  	v8 =	vmul.f32 v4, v1;
	v4 =	vld [tilespmem:s21+$0x0]  }
0x32: {  	v6 =	vmul.f32 v1, v5  }
0x33: {  	s22 =	simm.s32 $0x4;
	s23 =	simm.s32 $0x1C0;
	v5 =	vmul.f32 v9, v1;
	v7 =	vmul.f32 v7, v1  }
.LBB2_3:
0x34: {  	p0 =	sne.s32 s22, $0x13C  }
0x35: {  	v3 =	vmul.f32 v3, v1;
	v2 =	vmul.f32 v2, v1;
	[tilespmem:s21+$0x30] =	vst v8;
	s23 =	sadd.s32 $0x80, s23;
	s24 =	smov.u32 s22;
	s22 =	sadd.s32 $0x4, s22  }
0x36: {  	[tilespmem:s21+$0xFFFFFFC0] =	vst v6;
	v6 =	vmul.f32 v0, v1;
	v1 =	vmul.f32 v4, v1  }
0x37: {  	[tilespmem:s21+$0x10] =	vst v7  }
0x38: {  	[tilespmem:s21+$0xFFFFFFE0] =	vst v5  }
0x39: {  	v0 =	vld [tilespmem:s23+$0xFFFFFFF0];
	[tilespmem:s21+$0xFFFFFFF0] =	vst v6  }
0x3a: {  	v5 =	vld [tilespmem:s23+$0x30];
	[tilespmem:s21+$0x0] =	vst v1  }
0x3b: {  	v7 =	vld [tilespmem:s23+$0x10];
	[tilespmem:s21+$0x20] =	vst v2  }
0x3c: {  	s24 =	sshra.s32 s24, $0x2;
	v6 =	vld [tilespmem:s23+$0xFFFFFFC0];
	[tilespmem:s21+$0xFFFFFFD0] =	vst v3;
	s21 =	smov.u32 s23  }
0x3d: {  	v1 =	vld.msk [tilespmem:s24+$0x100 ss:$0x0], $0xffff  }
0x3e: {  	v9 =	vld [tilespmem:s23+$0xFFFFFFE0]  }
0x3f: {  	v2 =	vld [tilespmem:s23+$0x20]  }
.Ltmp0:
0x40: {  	v3 =	vld [tilespmem:s23+$0xFFFFFFD0];
	(pc) =	sbr.rel @p0 .LBB2_3-.Ltmp0, $3  }
0x41: {  	v4 =	vld [tilespmem:s23+$0x0];
	_ =	sdelay $0x1  }
0x42: {  	v6 =	vmul.f32 v1, v6;
	v8 =	vmul.f32 v5, v1  }
0x43: {  	v7 =	vmul.f32 v7, v1;
	v5 =	vmul.f32 v9, v1  }
0x44: {  	[tilespmem:s21+$0x30] =	vst v8  }
0x45: {  	[tilespmem:s21+$0xFFFFFFC0] =	vst v6  }
0x46: {  	v0 =	vmul.f32 v0, v1;
	[tilespmem:s21+$0x10] =	vst v7  }
0x47: {  	v2 =	vmul.f32 v2, v1;
	[tilespmem:s21+$0xFFFFFFE0] =	vst v5  }
0x48: {  	v63 =	vmul.f32 v3, v1;
	[tilespmem:s21+$0xFFFFFFF0] =	vst v0  }
0x49: {  	s20 =	sadd.s32 $0x1, s20;
	v4 =	vmul.f32 v4, v1;
	[tilespmem:s21+$0x20] =	vst v2  }
0x4a: {  	p0 =	sne.s32 s20, $0x7D;
	[tilespmem:s21+$0xFFFFFFD0] =	vst v63  }
.Ltmp1:
0x4b: {  	[tilespmem:s21+$0x0] =	vst v4;
	(pc) =	sbr.rel @p0 .LBB2_2-.Ltmp1, $4  }
0x4c: {  	[spmem:s2] =	stream.indirect.scatter.add.f32 [tilespmem:s18], [sflag:$0x2], $0x80, s15, s17, $0xb8;
	[tilespmem:$0x16980] =	vst v63  }
0x4d: {  	_ =	swait.ge [sflag:s14], $0x2800  }
0x4e: {  	[sflag:s14] =	ssyncset.done $0x0  }
0x4f: {  	[sflag:s14] =	ssyncadd.s32 $0xFFFFD800  }
0x50: {  	s3 =	sadd.s32 $0x1, s3  }
0x51: {  	p0 =	sne.s32 s3, s12  }
.Ltmp2:
0x52: {  	[bflag:$0x0] =	sbarrier.arrive $0xFFFF;
	(pc) =	sbr.rel @p0 .LBB2_1-.Ltmp2, $4  }
0x53: {  	[hbm:s11], [sflag:s9] =	dma.local [spmem:s13], $0x2800  }
0x54: {  	_ =	swait.ge [sflag:s14], $0x2800  }
0x55: {  	[sflag:s14] =	ssyncset.done $0x0  }
0x56: {  	[sflag:s14] =	ssyncadd.s32 $0xFFFFD800  }
0x57: {  	_ =	sfence.sel $0x180000  }
0x58: {  	[bflag:$0x0] =	sbarrier.arrive $0xFFFF  }
0x59: {  	p0 =	sne.s32 s1, $0x0;
	_ =	strace $0x90000050  }
0x5a: {  	s0 =	sadd.s32 @!p0 $0x100000, s0;
	[bflag:$0x2] =	sbarrier.arrive $0xFFFF  }
0x5b: {  	[sflag:s0] =	ssyncadd.tile.s32 @!p0 $0x1;
	_ =	shalt  }
.Lfunc_end2:
_tile_overlayer_lowered:
.L_overlay_start_2:
0x5c: {  	(tag) =	ssettag $0x2  }
0x5d: {  	s0 =	rddreg [dreg:$0x0];
	s2 =	stileid.u32  }
0x5e: {  	s1 =	rddreg [dreg:$0x1];
	p0 =	sne.s32 s2, $0x0  }
0x5f: {  	s3 =	rddreg [dreg:$0x2];
	[bflag:$0x3] =	sbarrier.arrive $0xFFFF;
	s2 =	simm.s32 @!p0 $0x1C02  }
0x60: {  	[timem:s3], [sflag:s2] =	dma.local @!p0 [hbm:s0], s1  }
0x61: {  	s0 =	simm.s32 @!p0 $0x2  }
0x62: {  	_ =	swait.ge @!p0 [sflag:s0], s1  }
0x63: {  	s1 =	ssub.s32 @!p0 $0x0, s1;
	[sflag:s0] =	ssyncset.done @!p0 $0x0  }
0x64: {  	[sflag:s0] =	ssyncadd.s32 @!p0 s1  }
0x65: {  	[bflag:$0x3] =	sbarrier.arrive $0xFFFF  }
0x66: {  	_ =	shalt  }

// kernel: kernel.33.cloned.1.call-start
scs
__scs_entry_jumppad:
0x0: {  	(pc) =	sbr.rel $0x88, $3  }
0x1: {  	(tag) =	ssettag $0x0;
	lr =	simm.s32 $0x1  }
0x2: {  	[smem:$0x3F96] =	sst lr;
	_ =	strace $0xD0000000  }
0x3: {  	_ = 	snop  }
0x4: {  	_ = 	snop  }
0x5: {  	_ = 	snop  }
0x6: {  	_ = 	snop  }
0x7: {  	_ = 	snop  }
__scs_overlays_trampoline_lowered:
0x8: {  	[smem:$0x3FA5] =	sst s0  }
0x9: {  	[smem:$0x3FA6] =	sst s1  }
0xa: {  	[smem:$0x3FA7] =	sst s2  }
0xb: {  	[smem:$0x3FA8] =	sst s3  }
0xc: {  	[smem:$0x3FA9] =	sst s4  }
0xd: {  	[smem:$0x3FAA] =	sst s5  }
0xe: {  	[smem:$0x3FAB] =	sst s6  }
0xf: {  	[smem:$0x3FAC] =	sst s7  }
0x10: {  	[smem:$0x3FAD] =	sst s8  }
0x11: {  	[smem:$0x3FAE] =	sst s9;
	s0 =	simm.s32 @!p0 $0x0  }
0x12: {  	s1 =	sld [smem:$0x3F94];
	s0 =	simm.s32 @p0 $0x1  }
0x13: {  	[smem:$0x3FAF] =	sst s0;
	s0 =	simm.s32 @!p1 $0x0  }
0x14: {  	s2 =	sld [smem:$0x3F93];
	s0 =	simm.s32 @p1 $0x1  }
0x15: {  	[smem:$0x3FB0] =	sst s0;
	s0 =	simm.s32 @!p2 $0x0  }
0x16: {  	s3 =	sld [smem:$0x3FDB];
	s0 =	simm.s32 @p2 $0x1  }
0x17: {  	s4 =	simm.s32 $0x1BF5;
	[smem:$0x3FB2] =	sst s0  }
0x18: {  	s0 =	sld [smem:$0x3F95];
	_ =	swait.ge [sflag:s4], $0x0  }
0x19: {  	s7 =	sld [smem:$0x3F96]  }
0x1a: {  	s8 =	sadd.s32 $0xFFFFE003, lr  }
0x1b: {  	s9 =	sadd.s32 $0xFFFFFEF7, lr;
	s5 =	simm.s32 $0xFFFFFFFF;
	p2 =	slt.u32 s8, $0xFFFFF086  }
0x1c: {  	p1 =	slt.u32 s9, $0xF7A;
	s5 =	simm.s32 @!p2 $0x0  }
0x1d: {  	s5 =	simm.s32 @p1 $0x1;
	p0 =	seq.s32 s7, s2  }
0x1e: {  	s7 =	smul.u32 @!p0 $0xF7A, s2;
	p2 =	seq.s32 @!p0 s5, $0x0  }
0x1f: {  	s9 =	smul.u32 $0xF7A, s1;
	s8 =	simm.s32 @!p0 $0x1BF5;
	p2 =	por !p2, p0  }
0x20: {  	[sflag:s8] =	ssyncset.s32 @!p0 $0xFFFFF086;
	s6 =	sadd.s32 @!p0 s3, s7;
	s7 =	simm.s32 @!p0 $0x108  }
0x21: {  	s3 =	sadd.s32 s3, s9;
	s6 =	sadd.s32 @!p0 $0x88, s6;
	s7 =	simm.s32 @p2 $0x1082  }
0x22: {  	[simem:s7], [sflag:s8] =	dma.local @!p0 [hbm:s6], $0xF7A  }
0x23: {  	s9 =	sor.u32 $0xD0000000, s2;
	s6 =	simm.s32 $0x108;
	_ =	swait.ge @!p0 [sflag:s8], $0x0  }
0x24: {  	s3 =	sadd.s32 $0x88, s3;
	s6 =	simm.s32 @!p1 $0x1082;
	[sflag:s4] =	ssyncset.s32 $0xFFFFF086  }
0x25: {  	[simem:s6], [sflag:s4] =	dma.local [hbm:s3], $0xF7A  }
0x26: {  	[smem:$0x3F96] =	sst s1;
	(tag) =	ssettag s2;
	_ =	strace s9  }
0x27: {  	s1 =	sld [smem:$0x3FA6]  }
0x28: {  	s2 =	sld [smem:$0x3FA7]  }
0x29: {  	s4 =	sld [smem:$0x3FA9]  }
0x2a: {  	p0 =	seq.s32 s5, $0x0;
	s5 =	sld [smem:$0x3FAA]  }
0x2b: {  	s6 =	sld [smem:$0x3FAB]  }
0x2c: {  	s7 =	sld [smem:$0x3FAC]  }
0x2d: {  	s3 =	simm.s32 $0x108;
	s8 =	sld [smem:$0x3FAD]  }
0x2e: {  	s3 =	simm.s32 @!p0 $0x1082;
	s9 =	sld [smem:$0x3FAE]  }
0x2f: {  	lr =	sadd.s32 s0, s3;
	s0 =	sld [smem:$0x3FA5]  }
0x30: {  	s3 =	sld [smem:$0x3FA8]  }
0x31: {  	[smem:$0x3FB1] =	sst s10  }
0x32: {  	s10 =	sld [smem:$0x3FAF];
	_ =	sdelay $0x3  }
0x33: {  	p0 =	seq.s32 s10, $0x1;
	s10 =	sld [smem:$0x3FB1];
	_ =	sdelay $0x3  }
0x34: {  	[smem:$0x3FB1] =	sst s10  }
0x35: {  	s10 =	sld [smem:$0x3FB0];
	_ =	sdelay $0x3  }
0x36: {  	p1 =	seq.s32 s10, $0x1;
	s10 =	sld [smem:$0x3FB1];
	_ =	sdelay $0x3  }
0x37: {  	[smem:$0x3FB1] =	sst s10  }
0x38: {  	s10 =	sld [smem:$0x3FB2]  }
0x39: {  	_ = 	snop;
	(pc) =	sbr.ind lr, $3  }
0x3a: {  	_ = 	snop  }
0x3b: {  	_ = 	snop  }
0x3c: {  	p2 =	seq.s32 s10, $0x1;
	s10 =	sld [smem:$0x3FB1]  }
0x3d: {  	_ =	shalt  }
0x3e: {  	_ =	shalt  }
0x3f: {  	_ =	shalt  }
0x40: {  	_ =	shalt  }
0x41: {  	_ =	shalt  }
0x42: {  	_ =	shalt  }
0x43: {  	_ =	shalt  }
0x44: {  	_ =	shalt  }
0x45: {  	_ =	shalt  }
0x46: {  	_ =	shalt  }
0x47: {  	_ =	shalt  }
0x48: {  	_ =	shalt  }
0x49: {  	_ =	shalt  }
0x4a: {  	_ =	shalt  }
0x4b: {  	_ =	shalt  }
0x4c: {  	_ =	shalt  }
0x4d: {  	_ =	shalt  }
0x4e: {  	_ =	shalt  }
0x4f: {  	_ =	shalt  }
0x50: {  	_ =	shalt  }
0x51: {  	_ =	shalt  }
0x52: {  	_ =	shalt  }
0x53: {  	_ =	shalt  }
0x54: {  	_ =	shalt  }
0x55: {  	_ =	shalt  }
0x56: {  	_ =	shalt  }
0x57: {  	_ =	shalt  }
0x58: {  	_ =	shalt  }
0x59: {  	_ =	shalt  }
0x5a: {  	_ =	shalt  }
0x5b: {  	_ =	shalt  }
0x5c: {  	_ =	shalt  }
0x5d: {  	_ =	shalt  }
0x5e: {  	_ =	shalt  }
0x5f: {  	_ =	shalt  }
0x60: {  	_ =	shalt  }
0x61: {  	_ =	shalt  }
0x62: {  	_ =	shalt  }
0x63: {  	_ =	shalt  }
0x64: {  	_ =	shalt  }
0x65: {  	_ =	shalt  }
0x66: {  	_ =	shalt  }
0x67: {  	_ =	shalt  }
0x68: {  	_ =	shalt  }
0x69: {  	_ =	shalt  }
0x6a: {  	_ =	shalt  }
0x6b: {  	_ =	shalt  }
0x6c: {  	_ =	shalt  }
0x6d: {  	_ =	shalt  }
0x6e: {  	_ =	shalt  }
0x6f: {  	_ =	shalt  }
0x70: {  	_ =	shalt  }
0x71: {  	_ =	shalt  }
0x72: {  	_ =	shalt  }
0x73: {  	_ =	shalt  }
0x74: {  	_ =	shalt  }
0x75: {  	_ =	shalt  }
0x76: {  	_ =	shalt  }
0x77: {  	_ =	shalt  }
0x78: {  	_ =	shalt  }
0x79: {  	_ =	shalt  }
0x7a: {  	_ =	shalt  }
0x7b: {  	_ =	shalt  }
0x7c: {  	_ =	shalt  }
0x7d: {  	_ =	shalt  }
0x7e: {  	_ =	shalt  }
0x7f: {  	_ =	shalt  }
0x80: {  	_ =	shalt  }
0x81: {  	_ =	shalt  }
0x82: {  	_ =	shalt  }
0x83: {  	_ =	shalt  }
0x84: {  	_ =	shalt  }
0x85: {  	_ =	shalt  }
0x86: {  	_ =	shalt  }
0x87: {  	_ =	shalt  }
.Lfunc_end0:
.L_simem_size_0:
called_computation.4_lowered:
.L_overlay_start_0:
0x88: {  	s2 =	sld [smem:$0x3FD9]  }
0x89: {  	s3 =	sld [smem:$0x3FFE];
	_ =	sdelay $0x1  }
0x8a: {  	s1 =	srdreg.scid  }
0x8b: {  	s0 =	sand.u32 $0x1, s1  }
0x8c: {  	s16 =	sshll.u32 s0, $0xA;
	s2 =	sadd.s32 s3, s2  }
0x8d: {  	s2 =	sadd.s32 s2, s16  }
0x8e: {  	[smem:$0x3FBD] =	sst s2  }
0x8f: {  	_ = 	snop  }
0x90: {  	(tm) =	ssettm $0x1  }
0x91: {  	s17 =	sld [smem:$0x3FFB];
	_ =	sdelay $0x3  }
0x92: {  	_ =	strace s17  }
0x93: {  	s2 =	sld [smem:$0x3FFC];
	_ =	sdelay $0x3  }
0x94: {  	_ =	strace s2  }
0x95: {  	s2 =	sld [smem:$0x3FFD];
	_ =	sdelay $0x3  }
0x96: {  	_ =	strace s2  }
0x97: {  	_ =	strace $0x8FFFFFFF  }
0x98: {  	s18 =	sld [smem:$0x3FDB];
	_ =	sdelay $0x1  }
0x99: {  	s19 =	simm.s32 $_scs_section_size  }
0x9a: {  	s4 =	simm.s32 $_size__tile_overlayer_lowered;
	s5 =	simm.s32 $_tile_overlayer_lowered  }
0x9b: {  	s22 =	simm.s32 $0x1BFF;
	s21 =	sshll.u32 s5, $0x1;
	s2 =	sadd.s32 s19, s18  }
0x9c: {  	s6 =	simm.s32 $0x0;
	s20 =	sshll.u32 s4, $0x1;
	s4 =	sadd.s32 s21, s2  }
0x9d: {  	[timem:s6], [sflag:s22] =	dma.local [hbm:s4], s20  }
0x9e: {  	_ =	swait.ge [sflag:s22], s20  }
0x9f: {  	s3 =	ssub.s32 $0x0, s20;
	[sflag:s22] =	ssyncset.done $0x0  }
0xa0: {  	[sflag:s22] =	ssyncadd.s32 s3;
	_ =	sdelay $0x1  }
0xa1: {  	s23 =	simm.s32 $0x1B8B  }
0xa2: {  	_ =	swait.ge [sflag:s23], $0x1  }
0xa3: {  	[sflag:s23] =	ssyncset.done $0x0  }
0xa4: {  	s25 =	simm.s32 $0x1B8E;
	s24 =	sld [smem:$0x3FFE];
	[sflag:s23] =	ssyncadd.s32 $0xFFFFFFFF  }
0xa5: {  	s26 =	simm.s32 $execute0_lowered;
	[smem:$0x3FD2] =	sst s25  }
0xa6: {  	s4 =	sshll.u32 s26, $0x1;
	_ =	strace $0x80000052;
	[dreg:$0x1] =	wrdreg $0xFFFFFFFF  }
0xa7: {  	s28 =	simm.s32 $_size_execute0_lowered;
	s2 =	sadd.s32 s2, s4;
	[dreg:$0x0] =	wrdreg $0x0  }
0xa8: {  	s4 =	sshll.u32 s28, $0x1;
	[dreg:$0x2] =	wrdreg s2  }
0xa9: {  	[dreg:$0x3] =	wrdreg s4  }
0xaa: {  	[dreg:$0x4] =	wrdreg $0xC0  }
0xab: {  	_ =	task [dreg:s6], $0x5FFFF  }
0xac: {  	[dreg:$0x1] =	wrdreg $0xFFFFFFFF  }
0xad: {  	[dreg:$0x0] =	wrdreg $0x60  }
0xae: {  	[dreg:$0x2] =	wrdreg s24  }
0xaf: {  	[dreg:$0x3] =	wrdreg $0x29800  }
0xb0: {  	[dreg:$0x4] =	wrdreg $0x9  }
0xb1: {  	_ =	task.clear_ibuf [dreg:s6], $0x5FFFF;
	_ =	strace $0x90000052  }
0xb2: {  	s29 =	simm.s32 $0x9;
	_ =	strace $0x80000054  }
0xb3: {  	_ =	swait.ge [sflag:s29], $0x1  }
0xb4: {  	[sflag:s29] =	ssyncadd.s32 $0xFFFFFFFF  }
0xb5: {  	_ =	strace $0x90000054  }
0xb6: {  	_ =	sfence  }
0xb7: {  	s30 =	sld [smem:$0x0];
	_ =	sdelay $0x2  }
0xb8: {  	s31 =	sshll.u32 s1, $0xD;
	s1 =	sshrl.u32 s1, $0x2  }
0xb9: {  	s3 =	sand.u32 $0x4000, s31;
	s1 =	sadd.s32 s1, s30  }
0xba: {  	s0 =	sor.u32 s3, s0;
	s1 =	sshll.u32 s1, $0x11  }
0xbb: {  	s0 =	sor.u32 s1, s0  }
0xbc: {  	s0 =	sadd.s32 $0x8F2B, s0  }
0xbd: {  	[sflag:s0] =	ssyncadd.remote.s32 $0x1  }
0xbe: {  	_ =	sfence.sel $0xFFFF  }
0xbf: {  	[dreg:$0x0] =	wrdreg $0xFFFFFFFF;
	(pc) =	sbr.abs _section_cstart, $3  }
0xc0: {  	[dreg:$0x1] =	wrdreg $0xFFFFFFFF  }
0xc1: {  	_ =	task.clear_ibuf [dreg:s6], $0x2FFFF;
	_ =	strace $0x9FFFFFFF  }
0xc2: {  	(tm) =	ssettm $0x7FFFFFFF  }
0xc3: {  	_ =	shalt  }
tec
execute0_lowered:
.L_overlay_start_1:
0x0: {  	(tag) =	ssettag $0x1  }
0x1: {  	s8 =	rddreg [dreg:$0x0]  }
0x2: {  	s2 =	rddreg [dreg:$0x1]  }
0x3: {  	s0 =	rddreg [dreg:$0x2];
	s3 =	simm.s32 $0x0;
	s1 =	stileid.u32  }
0x4: {  	s4 =	srdreg.scid;
	s16 =	simm.s32 $0x100;
	s17 =	simm.s32 $0x50  }
0x5: {  	s18 =	simm.s32 $0x180;
	s19 =	simm.s32 $0x1;
	[smem:$0x7FF] =	sst s3  }
0x6: {  	s9 =	smul.u32 $0x14000, s1;
	s10 =	sand.u32 $0x1, s4;
	s4 =	sadd.s32 $0xD200, s8  }
0x7: {  	s5 =	sadd.s32 $0x3400, s8;
	s6 =	sadd.s32 $0x20E00, s8;
	s7 =	sadd.s32 $0x98600, s8  }
0x8: {  	s13 =	smul.u32 $0x50000, s1;
	s29 =	sshll.u32 s1, $0x1;
	s31 =	sshll.u32 s1, $0x6  }
0x9: {  	_ =	strace $0x80000053;
	s11 =	smul.u32 $0x140000, s10;
	s26 =	ssub.s32 $0x2, s10  }
0xa: {  	s10 =	sor.u32 s10, s29;
	s12 =	sshrl.u32 s9, $0x3;
	s28 =	sshrl.u32 s26, $0x1  }
0xb: {  	s30 =	sshrl.u32 s13, $0x2;
	s10 =	smul.u32 $0x2710, s10;
	s9 =	sadd.s32 s9, s11  }
0xc: {  	s12 =	sadd.s32 s12, s8;
	s13 =	sadd.s32 s30, s2;
	s9 =	sshrl.u32 s9, $0x3  }
0xd: {  	s15 =	ssub.s32 s26, s28;
	s13 =	sshrl.u32 s13, $0x3;
	s14 =	sadd.s32 s9, s8  }
0xe: {  	s8 =	sadd.s32 $0x48600, s12;
	s9 =	sor.u32 $0x1C02, s31;
	s12 =	smax.u32 s15, $0x1  }
0xf: {  	s15 =	simm.s32 $0x80;
	s11 =	sadd.s32 $0xBF800, s14;
	s14 =	simm.s32 $0x2  }
.LBB2_1:
0x10: {  	[spmem:s13], [sflag:s9] =	dma.local [hbm:s8], $0x2800  }
0x11: {  	_ =	swait.ge [sflag:s14], $0x2800  }
0x12: {  	[sflag:s14] =	ssyncset.done $0x0  }
0x13: {  	[sflag:s14] =	ssyncadd.s32 $0xFFFFD800  }
0x14: {  	s20 =	simm.s32 $0x0;
	[bflag:$0x0] =	sbarrier.arrive $0xFFFF  }
.LBB2_2:
0x15: {  	s21 =	smul.u32 $0x50, s20;
	_ =	sdelay $0x1  }
0x16: {  	s21 =	sadd.s32 s10, s21  }
0x17: {  	s21 =	sshrl.u32 s21, $0x3  }
0x18: {  	s23 =	simm.s32 $0x0;
	s22 =	sadd.s32 s4, s21  }
0x19: {  	[tilespmem:s23], [sflag:$0x2] =	stream.linear.gather [hbm4b:s22+s23], $0x50, $0x38;
	[tilespmem:$0x16980] =	vst v63  }
0x1a: {  	_ =	swait.ge [sflag:s14], $0x50  }
0x1b: {  	[sflag:s14] =	ssyncset.done $0x0  }
0x1c: {  	s30 =	sadd.s32 s5, s21;
	[sflag:s14] =	ssyncadd.s32 $0xFFFFFFB0  }
0x1d: {  	[tilespmem:s15], [sflag:$0x2] =	stream.linear.gather [hbm4b:s30+s23], $0x50, $0x38;
	[tilespmem:$0x16980] =	vst v63  }
0x1e: {  	_ =	swait.ge [sflag:s14], $0x50  }
0x1f: {  	[sflag:s14] =	ssyncset.done $0x0  }
0x20: {  	s21 =	sadd.s32 s6, s21;
	[sflag:s14] =	ssyncadd.s32 $0xFFFFFFB0  }
0x21: {  	[tilespmem:s16], [sflag:$0x2] =	stream.linear.gather [hbm4b:s21+s23], $0x50, $0x38;
	[tilespmem:$0x16980] =	vst v63  }
0x22: {  	_ =	swait.ge [sflag:s14], $0x50  }
0x23: {  	[sflag:s14] =	ssyncset.done $0x0  }
0x24: {  	[sflag:s14] =	ssyncadd.s32 $0xFFFFFFB0  }
0x25: {  	[tilespmem:s18], [sflag:$0x1] =	stream.indirect.gather [hbm4b:s7+s17], $0x80, s23, s17, $0xb8;
	[tilespmem:$0x16980] =	vst v63  }
0x26: {  	_ =	swait.ge [sflag:s19], $0x2800  }
0x27: {  	[sflag:s19] =	ssyncset.done $0x0  }
0x28: {  	s21 =	simm.s32 $0x1C0;
	[sflag:s19] =	ssyncadd.s32 $0xFFFFD800  }
0x29: {  	v4 =	vld [tilespmem:s21+$0x30]  }
0x2a: {  	v7 =	vld [tilespmem:s21+$0x10]  }
0x2b: {  	s31 =	simm.s32 $0x0;
	v5 =	vld [tilespmem:s21+$0xFFFFFFC0]  }
0x2c: {  	v1 =	vld.msk [tilespmem:s31+$0x100 ss:$0x0], $0xffff  }
0x2d: {  	v9 =	vld [tilespmem:s21+$0xFFFFFFE0]  }
0x2e: {  	v0 =	vld [tilespmem:s21+$0xFFFFFFF0]  }
0x2f: {  	v2 =	vld [tilespmem:s21+$0x20]  }
0x30: {  	v3 =	vld [tilespmem:s21+$0xFFFFFFD0]  }
0x31: {  	v8 =	vmul.f32 v4, v1;
	v4 =	vld [tilespmem:s21+$0x0]  }
0x32: {  	v6 =	vmul.f32 v1, v5  }
0x33: {  	s22 =	simm.s32 $0x4;
	s23 =	simm.s32 $0x1C0;
	v5 =	vmul.f32 v9, v1;
	v7 =	vmul.f32 v7, v1  }
.LBB2_3:
0x34: {  	p0 =	sne.s32 s22, $0x13C  }
0x35: {  	v3 =	vmul.f32 v3, v1;
	v2 =	vmul.f32 v2, v1;
	[tilespmem:s21+$0x30] =	vst v8;
	s23 =	sadd.s32 $0x80, s23;
	s24 =	smov.u32 s22;
	s22 =	sadd.s32 $0x4, s22  }
0x36: {  	[tilespmem:s21+$0xFFFFFFC0] =	vst v6;
	v6 =	vmul.f32 v0, v1;
	v1 =	vmul.f32 v4, v1  }
0x37: {  	[tilespmem:s21+$0x10] =	vst v7  }
0x38: {  	[tilespmem:s21+$0xFFFFFFE0] =	vst v5  }
0x39: {  	v0 =	vld [tilespmem:s23+$0xFFFFFFF0];
	[tilespmem:s21+$0xFFFFFFF0] =	vst v6  }
0x3a: {  	v5 =	vld [tilespmem:s23+$0x30];
	[tilespmem:s21+$0x0] =	vst v1  }
0x3b: {  	v7 =	vld [tilespmem:s23+$0x10];
	[tilespmem:s21+$0x20] =	vst v2  }
0x3c: {  	s24 =	sshra.s32 s24, $0x2;
	v6 =	vld [tilespmem:s23+$0xFFFFFFC0];
	[tilespmem:s21+$0xFFFFFFD0] =	vst v3;
	s21 =	smov.u32 s23  }
0x3d: {  	v1 =	vld.msk [tilespmem:s24+$0x100 ss:$0x0], $0xffff  }
0x3e: {  	v9 =	vld [tilespmem:s23+$0xFFFFFFE0]  }
0x3f: {  	v2 =	vld [tilespmem:s23+$0x20]  }
.Ltmp0:
0x40: {  	v3 =	vld [tilespmem:s23+$0xFFFFFFD0];
	(pc) =	sbr.rel @p0 .LBB2_3-.Ltmp0, $3  }
0x41: {  	v4 =	vld [tilespmem:s23+$0x0];
	_ =	sdelay $0x1  }
0x42: {  	v6 =	vmul.f32 v1, v6;
	v8 =	vmul.f32 v5, v1  }
0x43: {  	v7 =	vmul.f32 v7, v1;
	v5 =	vmul.f32 v9, v1  }
0x44: {  	[tilespmem:s21+$0x30] =	vst v8  }
0x45: {  	[tilespmem:s21+$0xFFFFFFC0] =	vst v6  }
0x46: {  	v0 =	vmul.f32 v0, v1;
	[tilespmem:s21+$0x10] =	vst v7  }
0x47: {  	v2 =	vmul.f32 v2, v1;
	[tilespmem:s21+$0xFFFFFFE0] =	vst v5  }
0x48: {  	v63 =	vmul.f32 v3, v1;
	[tilespmem:s21+$0xFFFFFFF0] =	vst v0  }
0x49: {  	s20 =	sadd.s32 $0x1, s20;
	v4 =	vmul.f32 v4, v1;
	[tilespmem:s21+$0x20] =	vst v2  }
0x4a: {  	p0 =	sne.s32 s20, $0x7D;
	[tilespmem:s21+$0xFFFFFFD0] =	vst v63  }
.Ltmp1:
0x4b: {  	[tilespmem:s21+$0x0] =	vst v4;
	(pc) =	sbr.rel @p0 .LBB2_2-.Ltmp1, $4  }
0x4c: {  	[spmem:s2] =	stream.indirect.scatter.add.f32 [tilespmem:s18], [sflag:$0x2], $0x80, s15, s17, $0xb8;
	[tilespmem:$0x16980] =	vst v63  }
0x4d: {  	_ =	swait.ge [sflag:s14], $0x2800  }
0x4e: {  	[sflag:s14] =	ssyncset.done $0x0  }
0x4f: {  	[sflag:s14] =	ssyncadd.s32 $0xFFFFD800  }
0x50: {  	s3 =	sadd.s32 $0x1, s3  }
0x51: {  	p0 =	sne.s32 s3, s12  }
.Ltmp2:
0x52: {  	[bflag:$0x0] =	sbarrier.arrive $0xFFFF;
	(pc) =	sbr.rel @p0 .LBB2_1-.Ltmp2, $4  }
0x53: {  	[hbm:s11], [sflag:s9] =	dma.local [spmem:s13], $0x2800  }
0x54: {  	_ =	swait.ge [sflag:s14], $0x2800  }
0x55: {  	[sflag:s14] =	ssyncset.done $0x0  }
0x56: {  	[sflag:s14] =	ssyncadd.s32 $0xFFFFD800  }
0x57: {  	_ =	sfence.sel $0x180000  }
0x58: {  	[bflag:$0x0] =	sbarrier.arrive $0xFFFF  }
0x59: {  	p0 =	sne.s32 s1, $0x0;
	_ =	strace $0x90000053  }
0x5a: {  	s0 =	sadd.s32 @!p0 $0x100000, s0;
	[bflag:$0x2] =	sbarrier.arrive $0xFFFF  }
0x5b: {  	[sflag:s0] =	ssyncadd.tile.s32 @!p0 $0x1;
	_ =	shalt  }
.Lfunc_end2:
_tile_overlayer_lowered:
.L_overlay_start_2:
0x5c: {  	(tag) =	ssettag $0x2  }
0x5d: {  	s0 =	rddreg [dreg:$0x0];
	s2 =	stileid.u32  }
0x5e: {  	s1 =	rddreg [dreg:$0x1];
	p0 =	sne.s32 s2, $0x0  }
0x5f: {  	s3 =	rddreg [dreg:$0x2];
	[bflag:$0x3] =	sbarrier.arrive $0xFFFF;
	s2 =	simm.s32 @!p0 $0x1C02  }
0x60: {  	[timem:s3], [sflag:s2] =	dma.local @!p0 [hbm:s0], s1  }
0x61: {  	s0 =	simm.s32 @!p0 $0x2  }
0x62: {  	_ =	swait.ge @!p0 [sflag:s0], s1  }
0x63: {  	s1 =	ssub.s32 @!p0 $0x0, s1;
	[sflag:s0] =	ssyncset.done @!p0 $0x0  }
0x64: {  	[sflag:s0] =	ssyncadd.s32 @!p0 s1  }
0x65: {  	[bflag:$0x3] =	sbarrier.arrive $0xFFFF  }
0x66: {  	_ =	shalt  }

// kernel: kernel.36.cloned.1.call-start
scs
__scs_entry_jumppad:
0x0: {  	(pc) =	sbr.rel $0x88, $3  }
0x1: {  	(tag) =	ssettag $0x0;
	lr =	simm.s32 $0x1  }
0x2: {  	[smem:$0x3F96] =	sst lr;
	_ =	strace $0xD0000000  }
0x3: {  	_ = 	snop  }
0x4: {  	_ = 	snop  }
0x5: {  	_ = 	snop  }
0x6: {  	_ = 	snop  }
0x7: {  	_ = 	snop  }
__scs_overlays_trampoline_lowered:
0x8: {  	[smem:$0x3FA5] =	sst s0  }
0x9: {  	[smem:$0x3FA6] =	sst s1  }
0xa: {  	[smem:$0x3FA7] =	sst s2  }
0xb: {  	[smem:$0x3FA8] =	sst s3  }
0xc: {  	[smem:$0x3FA9] =	sst s4  }
0xd: {  	[smem:$0x3FAA] =	sst s5  }
0xe: {  	[smem:$0x3FAB] =	sst s6  }
0xf: {  	[smem:$0x3FAC] =	sst s7  }
0x10: {  	[smem:$0x3FAD] =	sst s8  }
0x11: {  	[smem:$0x3FAE] =	sst s9;
	s0 =	simm.s32 @!p0 $0x0  }
0x12: {  	s1 =	sld [smem:$0x3F94];
	s0 =	simm.s32 @p0 $0x1  }
0x13: {  	[smem:$0x3FAF] =	sst s0;
	s0 =	simm.s32 @!p1 $0x0  }
0x14: {  	s2 =	sld [smem:$0x3F93];
	s0 =	simm.s32 @p1 $0x1  }
0x15: {  	[smem:$0x3FB0] =	sst s0;
	s0 =	simm.s32 @!p2 $0x0  }
0x16: {  	s3 =	sld [smem:$0x3FDB];
	s0 =	simm.s32 @p2 $0x1  }
0x17: {  	s4 =	simm.s32 $0x1BF5;
	[smem:$0x3FB2] =	sst s0  }
0x18: {  	s0 =	sld [smem:$0x3F95];
	_ =	swait.ge [sflag:s4], $0x0  }
0x19: {  	s7 =	sld [smem:$0x3F96]  }
0x1a: {  	s8 =	sadd.s32 $0xFFFFE003, lr  }
0x1b: {  	s9 =	sadd.s32 $0xFFFFFEF7, lr;
	s5 =	simm.s32 $0xFFFFFFFF;
	p2 =	slt.u32 s8, $0xFFFFF086  }
0x1c: {  	p1 =	slt.u32 s9, $0xF7A;
	s5 =	simm.s32 @!p2 $0x0  }
0x1d: {  	s5 =	simm.s32 @p1 $0x1;
	p0 =	seq.s32 s7, s2  }
0x1e: {  	s7 =	smul.u32 @!p0 $0xF7A, s2;
	p2 =	seq.s32 @!p0 s5, $0x0  }
0x1f: {  	s9 =	smul.u32 $0xF7A, s1;
	s8 =	simm.s32 @!p0 $0x1BF5;
	p2 =	por !p2, p0  }
0x20: {  	[sflag:s8] =	ssyncset.s32 @!p0 $0xFFFFF086;
	s6 =	sadd.s32 @!p0 s3, s7;
	s7 =	simm.s32 @!p0 $0x108  }
0x21: {  	s3 =	sadd.s32 s3, s9;
	s6 =	sadd.s32 @!p0 $0x88, s6;
	s7 =	simm.s32 @p2 $0x1082  }
0x22: {  	[simem:s7], [sflag:s8] =	dma.local @!p0 [hbm:s6], $0xF7A  }
0x23: {  	s9 =	sor.u32 $0xD0000000, s2;
	s6 =	simm.s32 $0x108;
	_ =	swait.ge @!p0 [sflag:s8], $0x0  }
0x24: {  	s3 =	sadd.s32 $0x88, s3;
	s6 =	simm.s32 @!p1 $0x1082;
	[sflag:s4] =	ssyncset.s32 $0xFFFFF086  }
0x25: {  	[simem:s6], [sflag:s4] =	dma.local [hbm:s3], $0xF7A  }
0x26: {  	[smem:$0x3F96] =	sst s1;
	(tag) =	ssettag s2;
	_ =	strace s9  }
0x27: {  	s1 =	sld [smem:$0x3FA6]  }
0x28: {  	s2 =	sld [smem:$0x3FA7]  }
0x29: {  	s4 =	sld [smem:$0x3FA9]  }
0x2a: {  	p0 =	seq.s32 s5, $0x0;
	s5 =	sld [smem:$0x3FAA]  }
0x2b: {  	s6 =	sld [smem:$0x3FAB]  }
0x2c: {  	s7 =	sld [smem:$0x3FAC]  }
0x2d: {  	s3 =	simm.s32 $0x108;
	s8 =	sld [smem:$0x3FAD]  }
0x2e: {  	s3 =	simm.s32 @!p0 $0x1082;
	s9 =	sld [smem:$0x3FAE]  }
0x2f: {  	lr =	sadd.s32 s0, s3;
	s0 =	sld [smem:$0x3FA5]  }
0x30: {  	s3 =	sld [smem:$0x3FA8]  }
0x31: {  	[smem:$0x3FB1] =	sst s10  }
0x32: {  	s10 =	sld [smem:$0x3FAF];
	_ =	sdelay $0x3  }
0x33: {  	p0 =	seq.s32 s10, $0x1;
	s10 =	sld [smem:$0x3FB1];
	_ =	sdelay $0x3  }
0x34: {  	[smem:$0x3FB1] =	sst s10  }
0x35: {  	s10 =	sld [smem:$0x3FB0];
	_ =	sdelay $0x3  }
0x36: {  	p1 =	seq.s32 s10, $0x1;
	s10 =	sld [smem:$0x3FB1];
	_ =	sdelay $0x3  }
0x37: {  	[smem:$0x3FB1] =	sst s10  }
0x38: {  	s10 =	sld [smem:$0x3FB2]  }
0x39: {  	_ = 	snop;
	(pc) =	sbr.ind lr, $3  }
0x3a: {  	_ = 	snop  }
0x3b: {  	_ = 	snop  }
0x3c: {  	p2 =	seq.s32 s10, $0x1;
	s10 =	sld [smem:$0x3FB1]  }
0x3d: {  	_ =	shalt  }
0x3e: {  	_ =	shalt  }
0x3f: {  	_ =	shalt  }
0x40: {  	_ =	shalt  }
0x41: {  	_ =	shalt  }
0x42: {  	_ =	shalt  }
0x43: {  	_ =	shalt  }
0x44: {  	_ =	shalt  }
0x45: {  	_ =	shalt  }
0x46: {  	_ =	shalt  }
0x47: {  	_ =	shalt  }
0x48: {  	_ =	shalt  }
0x49: {  	_ =	shalt  }
0x4a: {  	_ =	shalt  }
0x4b: {  	_ =	shalt  }
0x4c: {  	_ =	shalt  }
0x4d: {  	_ =	shalt  }
0x4e: {  	_ =	shalt  }
0x4f: {  	_ =	shalt  }
0x50: {  	_ =	shalt  }
0x51: {  	_ =	shalt  }
0x52: {  	_ =	shalt  }
0x53: {  	_ =	shalt  }
0x54: {  	_ =	shalt  }
0x55: {  	_ =	shalt  }
0x56: {  	_ =	shalt  }
0x57: {  	_ =	shalt  }
0x58: {  	_ =	shalt  }
0x59: {  	_ =	shalt  }
0x5a: {  	_ =	shalt  }
0x5b: {  	_ =	shalt  }
0x5c: {  	_ =	shalt  }
0x5d: {  	_ =	shalt  }
0x5e: {  	_ =	shalt  }
0x5f: {  	_ =	shalt  }
0x60: {  	_ =	shalt  }
0x61: {  	_ =	shalt  }
0x62: {  	_ =	shalt  }
0x63: {  	_ =	shalt  }
0x64: {  	_ =	shalt  }
0x65: {  	_ =	shalt  }
0x66: {  	_ =	shalt  }
0x67: {  	_ =	shalt  }
0x68: {  	_ =	shalt  }
0x69: {  	_ =	shalt  }
0x6a: {  	_ =	shalt  }
0x6b: {  	_ =	shalt  }
0x6c: {  	_ =	shalt  }
0x6d: {  	_ =	shalt  }
0x6e: {  	_ =	shalt  }
0x6f: {  	_ =	shalt  }
0x70: {  	_ =	shalt  }
0x71: {  	_ =	shalt  }
0x72: {  	_ =	shalt  }
0x73: {  	_ =	shalt  }
0x74: {  	_ =	shalt  }
0x75: {  	_ =	shalt  }
0x76: {  	_ =	shalt  }
0x77: {  	_ =	shalt  }
0x78: {  	_ =	shalt  }
0x79: {  	_ =	shalt  }
0x7a: {  	_ =	shalt  }
0x7b: {  	_ =	shalt  }
0x7c: {  	_ =	shalt  }
0x7d: {  	_ =	shalt  }
0x7e: {  	_ =	shalt  }
0x7f: {  	_ =	shalt  }
0x80: {  	_ =	shalt  }
0x81: {  	_ =	shalt  }
0x82: {  	_ =	shalt  }
0x83: {  	_ =	shalt  }
0x84: {  	_ =	shalt  }
0x85: {  	_ =	shalt  }
0x86: {  	_ =	shalt  }
0x87: {  	_ =	shalt  }
.Lfunc_end0:
.L_simem_size_0:
called_computation.5_lowered:
.L_overlay_start_0:
0x88: {  	s2 =	sld [smem:$0x3FD9]  }
0x89: {  	s3 =	sld [smem:$0x3FFE];
	_ =	sdelay $0x1  }
0x8a: {  	s1 =	srdreg.scid  }
0x8b: {  	s0 =	sand.u32 $0x1, s1  }
0x8c: {  	s16 =	sshll.u32 s0, $0xA;
	s2 =	sadd.s32 s3, s2  }
0x8d: {  	s2 =	sadd.s32 s2, s16  }
0x8e: {  	[smem:$0x3FBD] =	sst s2  }
0x8f: {  	_ = 	snop  }
0x90: {  	(tm) =	ssettm $0x1  }
0x91: {  	s17 =	sld [smem:$0x3FFB];
	_ =	sdelay $0x3  }
0x92: {  	_ =	strace s17  }
0x93: {  	s2 =	sld [smem:$0x3FFC];
	_ =	sdelay $0x3  }
0x94: {  	_ =	strace s2  }
0x95: {  	s2 =	sld [smem:$0x3FFD];
	_ =	sdelay $0x3  }
0x96: {  	_ =	strace s2  }
0x97: {  	_ =	strace $0x8FFFFFFF  }
0x98: {  	s18 =	sld [smem:$0x3FDB];
	_ =	sdelay $0x1  }
0x99: {  	s19 =	simm.s32 $_scs_section_size  }
0x9a: {  	s4 =	simm.s32 $_size__tile_overlayer_lowered;
	s5 =	simm.s32 $_tile_overlayer_lowered  }
0x9b: {  	s22 =	simm.s32 $0x1BFF;
	s21 =	sshll.u32 s5, $0x1;
	s2 =	sadd.s32 s19, s18  }
0x9c: {  	s6 =	simm.s32 $0x0;
	s20 =	sshll.u32 s4, $0x1;
	s4 =	sadd.s32 s21, s2  }
0x9d: {  	[timem:s6], [sflag:s22] =	dma.local [hbm:s4], s20  }
0x9e: {  	_ =	swait.ge [sflag:s22], s20  }
0x9f: {  	s3 =	ssub.s32 $0x0, s20;
	[sflag:s22] =	ssyncset.done $0x0  }
0xa0: {  	[sflag:s22] =	ssyncadd.s32 s3;
	_ =	sdelay $0x1  }
0xa1: {  	s23 =	simm.s32 $0x1B8B  }
0xa2: {  	_ =	swait.ge [sflag:s23], $0x1  }
0xa3: {  	[sflag:s23] =	ssyncset.done $0x0  }
0xa4: {  	s25 =	simm.s32 $0x1B8E;
	s24 =	sld [smem:$0x3FFE];
	[sflag:s23] =	ssyncadd.s32 $0xFFFFFFFF  }
0xa5: {  	s26 =	simm.s32 $execute0_lowered;
	[smem:$0x3FD2] =	sst s25  }
0xa6: {  	s4 =	sshll.u32 s26, $0x1;
	_ =	strace $0x80000055;
	[dreg:$0x1] =	wrdreg $0xFFFFFFFF  }
0xa7: {  	s28 =	simm.s32 $_size_execute0_lowered;
	s2 =	sadd.s32 s2, s4;
	[dreg:$0x0] =	wrdreg $0x0  }
0xa8: {  	s4 =	sshll.u32 s28, $0x1;
	[dreg:$0x2] =	wrdreg s2  }
0xa9: {  	[dreg:$0x3] =	wrdreg s4  }
0xaa: {  	[dreg:$0x4] =	wrdreg $0xC0  }
0xab: {  	_ =	task [dreg:s6], $0x5FFFF  }
0xac: {  	[dreg:$0x1] =	wrdreg $0xFFFFFFFF  }
0xad: {  	[dreg:$0x0] =	wrdreg $0x60  }
0xae: {  	[dreg:$0x2] =	wrdreg s24  }
0xaf: {  	[dreg:$0x3] =	wrdreg $0x29800  }
0xb0: {  	[dreg:$0x4] =	wrdreg $0x9  }
0xb1: {  	_ =	task.clear_ibuf [dreg:s6], $0x5FFFF;
	_ =	strace $0x90000055  }
0xb2: {  	s29 =	simm.s32 $0x9;
	_ =	strace $0x80000057  }
0xb3: {  	_ =	swait.ge [sflag:s29], $0x1  }
0xb4: {  	[sflag:s29] =	ssyncadd.s32 $0xFFFFFFFF  }
0xb5: {  	_ =	strace $0x90000057  }
0xb6: {  	_ =	sfence  }
0xb7: {  	s30 =	sld [smem:$0x0];
	_ =	sdelay $0x2  }
0xb8: {  	s31 =	sshll.u32 s1, $0xD;
	s1 =	sshrl.u32 s1, $0x2  }
0xb9: {  	s3 =	sand.u32 $0x4000, s31;
	s1 =	sadd.s32 s1, s30  }
0xba: {  	s0 =	sor.u32 s3, s0;
	s1 =	sshll.u32 s1, $0x11  }
0xbb: {  	s0 =	sor.u32 s1, s0  }
0xbc: {  	s0 =	sadd.s32 $0x8F2B, s0  }
0xbd: {  	[sflag:s0] =	ssyncadd.remote.s32 $0x1  }
0xbe: {  	_ =	sfence.sel $0xFFFF  }
0xbf: {  	[dreg:$0x0] =	wrdreg $0xFFFFFFFF;
	(pc) =	sbr.abs _section_cstart, $3  }
0xc0: {  	[dreg:$0x1] =	wrdreg $0xFFFFFFFF  }
0xc1: {  	_ =	task.clear_ibuf [dreg:s6], $0x2FFFF;
	_ =	strace $0x9FFFFFFF  }
0xc2: {  	(tm) =	ssettm $0x7FFFFFFF  }
0xc3: {  	_ =	shalt  }
tec
execute0_lowered:
.L_overlay_start_1:
0x0: {  	(tag) =	ssettag $0x1  }
0x1: {  	s8 =	rddreg [dreg:$0x0]  }
0x2: {  	s2 =	rddreg [dreg:$0x1]  }
0x3: {  	s0 =	rddreg [dreg:$0x2];
	s3 =	simm.s32 $0x0;
	s1 =	stileid.u32  }
0x4: {  	s4 =	srdreg.scid;
	s16 =	simm.s32 $0x100;
	s17 =	simm.s32 $0x50  }
0x5: {  	s18 =	simm.s32 $0x180;
	s19 =	simm.s32 $0x1;
	[smem:$0x7FF] =	sst s3  }
0x6: {  	s9 =	smul.u32 $0x14000, s1;
	s10 =	sand.u32 $0x1, s4;
	s4 =	sadd.s32 $0xD200, s8  }
0x7: {  	s5 =	sadd.s32 $0x3400, s8;
	s6 =	sadd.s32 $0x17000, s8;
	s7 =	sadd.s32 $0x20E00, s8  }
0x8: {  	s13 =	smul.u32 $0x50000, s1;
	s29 =	sshll.u32 s1, $0x1;
	s31 =	sshll.u32 s1, $0x6  }
0x9: {  	_ =	strace $0x80000056;
	s11 =	smul.u32 $0x140000, s10;
	s26 =	ssub.s32 $0x2, s10  }
0xa: {  	s10 =	sor.u32 s10, s29;
	s12 =	sshrl.u32 s9, $0x3;
	s28 =	sshrl.u32 s26, $0x1  }
0xb: {  	s30 =	sshrl.u32 s13, $0x2;
	s10 =	smul.u32 $0x2710, s10;
	s9 =	sadd.s32 s9, s11  }
0xc: {  	s12 =	sadd.s32 s12, s8;
	s13 =	sadd.s32 s30, s2;
	s9 =	sshrl.u32 s9, $0x3  }
0xd: {  	s15 =	ssub.s32 s26, s28;
	s13 =	sshrl.u32 s13, $0x3;
	s14 =	sadd.s32 s9, s8  }
0xe: {  	s8 =	sadd.s32 $0x48600, s12;
	s9 =	sor.u32 $0x1C02, s31;
	s12 =	smax.u32 s15, $0x1  }
0xf: {  	s15 =	simm.s32 $0x80;
	s11 =	sadd.s32 $0x98600, s14;
	s14 =	simm.s32 $0x2  }
.LBB2_1:
0x10: {  	[spmem:s13], [sflag:s9] =	dma.local [hbm:s8], $0x2800  }
0x11: {  	_ =	swait.ge [sflag:s14], $0x2800  }
0x12: {  	[sflag:s14] =	ssyncset.done $0x0  }
0x13: {  	[sflag:s14] =	ssyncadd.s32 $0xFFFFD800  }
0x14: {  	s20 =	simm.s32 $0x0;
	[bflag:$0x0] =	sbarrier.arrive $0xFFFF  }
.LBB2_2:
0x15: {  	s21 =	smul.u32 $0x50, s20;
	_ =	sdelay $0x1  }
0x16: {  	s21 =	sadd.s32 s10, s21  }
0x17: {  	s21 =	sshrl.u32 s21, $0x3  }
0x18: {  	s23 =	simm.s32 $0x0;
	s22 =	sadd.s32 s4, s21  }
0x19: {  	[tilespmem:s23], [sflag:$0x2] =	stream.linear.gather [hbm4b:s22+s23], $0x50, $0x38;
	[tilespmem:$0x16980] =	vst v63  }
0x1a: {  	_ =	swait.ge [sflag:s14], $0x50  }
0x1b: {  	[sflag:s14] =	ssyncset.done $0x0  }
0x1c: {  	s30 =	sadd.s32 s5, s21;
	[sflag:s14] =	ssyncadd.s32 $0xFFFFFFB0  }
0x1d: {  	[tilespmem:s15], [sflag:$0x2] =	stream.linear.gather [hbm4b:s30+s23], $0x50, $0x38;
	[tilespmem:$0x16980] =	vst v63  }
0x1e: {  	_ =	swait.ge [sflag:s14], $0x50  }
0x1f: {  	[sflag:s14] =	ssyncset.done $0x0  }
0x20: {  	s21 =	sadd.s32 s6, s21;
	[sflag:s14] =	ssyncadd.s32 $0xFFFFFFB0  }
0x21: {  	[tilespmem:s16], [sflag:$0x2] =	stream.linear.gather [hbm4b:s21+s23], $0x50, $0x38;
	[tilespmem:$0x16980] =	vst v63  }
0x22: {  	_ =	swait.ge [sflag:s14], $0x50  }
0x23: {  	[sflag:s14] =	ssyncset.done $0x0  }
0x24: {  	[sflag:s14] =	ssyncadd.s32 $0xFFFFFFB0  }
0x25: {  	[tilespmem:s18], [sflag:$0x1] =	stream.indirect.gather [hbm4b:s7+s17], $0x80, s23, s17, $0xb8;
	[tilespmem:$0x16980] =	vst v63  }
0x26: {  	_ =	swait.ge [sflag:s19], $0x2800  }
0x27: {  	[sflag:s19] =	ssyncset.done $0x0  }
0x28: {  	s21 =	simm.s32 $0x1C0;
	[sflag:s19] =	ssyncadd.s32 $0xFFFFD800  }
0x29: {  	v4 =	vld [tilespmem:s21+$0x30]  }
0x2a: {  	v7 =	vld [tilespmem:s21+$0x10]  }
0x2b: {  	s31 =	simm.s32 $0x0;
	v5 =	vld [tilespmem:s21+$0xFFFFFFC0]  }
0x2c: {  	v1 =	vld.msk [tilespmem:s31+$0x100 ss:$0x0], $0xffff  }
0x2d: {  	v9 =	vld [tilespmem:s21+$0xFFFFFFE0]  }
0x2e: {  	v0 =	vld [tilespmem:s21+$0xFFFFFFF0]  }
0x2f: {  	v2 =	vld [tilespmem:s21+$0x20]  }
0x30: {  	v3 =	vld [tilespmem:s21+$0xFFFFFFD0]  }
0x31: {  	v8 =	vmul.f32 v4, v1;
	v4 =	vld [tilespmem:s21+$0x0]  }
0x32: {  	v6 =	vmul.f32 v1, v5  }
0x33: {  	s22 =	simm.s32 $0x4;
	s23 =	simm.s32 $0x1C0;
	v5 =	vmul.f32 v9, v1;
	v7 =	vmul.f32 v7, v1  }
.LBB2_3:
0x34: {  	p0 =	sne.s32 s22, $0x13C  }
0x35: {  	v3 =	vmul.f32 v3, v1;
	v2 =	vmul.f32 v2, v1;
	[tilespmem:s21+$0x30] =	vst v8;
	s23 =	sadd.s32 $0x80, s23;
	s24 =	smov.u32 s22;
	s22 =	sadd.s32 $0x4, s22  }
0x36: {  	[tilespmem:s21+$0xFFFFFFC0] =	vst v6;
	v6 =	vmul.f32 v0, v1;
	v1 =	vmul.f32 v4, v1  }
0x37: {  	[tilespmem:s21+$0x10] =	vst v7  }
0x38: {  	[tilespmem:s21+$0xFFFFFFE0] =	vst v5  }
0x39: {  	v0 =	vld [tilespmem:s23+$0xFFFFFFF0];
	[tilespmem:s21+$0xFFFFFFF0] =	vst v6  }
0x3a: {  	v5 =	vld [tilespmem:s23+$0x30];
	[tilespmem:s21+$0x0] =	vst v1  }
0x3b: {  	v7 =	vld [tilespmem:s23+$0x10];
	[tilespmem:s21+$0x20] =	vst v2  }
0x3c: {  	s24 =	sshra.s32 s24, $0x2;
	v6 =	vld [tilespmem:s23+$0xFFFFFFC0];
	[tilespmem:s21+$0xFFFFFFD0] =	vst v3;
	s21 =	smov.u32 s23  }
0x3d: {  	v1 =	vld.msk [tilespmem:s24+$0x100 ss:$0x0], $0xffff  }
0x3e: {  	v9 =	vld [tilespmem:s23+$0xFFFFFFE0]  }
0x3f: {  	v2 =	vld [tilespmem:s23+$0x20]  }
.Ltmp0:
0x40: {  	v3 =	vld [tilespmem:s23+$0xFFFFFFD0];
	(pc) =	sbr.rel @p0 .LBB2_3-.Ltmp0, $3  }
0x41: {  	v4 =	vld [tilespmem:s23+$0x0];
	_ =	sdelay $0x1  }
0x42: {  	v6 =	vmul.f32 v1, v6;
	v8 =	vmul.f32 v5, v1  }
0x43: {  	v7 =	vmul.f32 v7, v1;
	v5 =	vmul.f32 v9, v1  }
0x44: {  	[tilespmem:s21+$0x30] =	vst v8  }
0x45: {  	[tilespmem:s21+$0xFFFFFFC0] =	vst v6  }
0x46: {  	v0 =	vmul.f32 v0, v1;
	[tilespmem:s21+$0x10] =	vst v7  }
0x47: {  	v2 =	vmul.f32 v2, v1;
	[tilespmem:s21+$0xFFFFFFE0] =	vst v5  }
0x48: {  	v63 =	vmul.f32 v3, v1;
	[tilespmem:s21+$0xFFFFFFF0] =	vst v0  }
0x49: {  	s20 =	sadd.s32 $0x1, s20;
	v4 =	vmul.f32 v4, v1;
	[tilespmem:s21+$0x20] =	vst v2  }
0x4a: {  	p0 =	sne.s32 s20, $0x7D;
	[tilespmem:s21+$0xFFFFFFD0] =	vst v63  }
.Ltmp1:
0x4b: {  	[tilespmem:s21+$0x0] =	vst v4;
	(pc) =	sbr.rel @p0 .LBB2_2-.Ltmp1, $4  }
0x4c: {  	[spmem:s2] =	stream.indirect.scatter.add.f32 [tilespmem:s18], [sflag:$0x2], $0x80, s15, s17, $0xb8;
	[tilespmem:$0x16980] =	vst v63  }
0x4d: {  	_ =	swait.ge [sflag:s14], $0x2800  }
0x4e: {  	[sflag:s14] =	ssyncset.done $0x0  }
0x4f: {  	[sflag:s14] =	ssyncadd.s32 $0xFFFFD800  }
0x50: {  	s3 =	sadd.s32 $0x1, s3  }
0x51: {  	p0 =	sne.s32 s3, s12  }
.Ltmp2:
0x52: {  	[bflag:$0x0] =	sbarrier.arrive $0xFFFF;
	(pc) =	sbr.rel @p0 .LBB2_1-.Ltmp2, $4  }
0x53: {  	[hbm:s11], [sflag:s9] =	dma.local [spmem:s13], $0x2800  }
0x54: {  	_ =	swait.ge [sflag:s14], $0x2800  }
0x55: {  	[sflag:s14] =	ssyncset.done $0x0  }
0x56: {  	[sflag:s14] =	ssyncadd.s32 $0xFFFFD800  }
0x57: {  	_ =	sfence.sel $0x180000  }
0x58: {  	[bflag:$0x0] =	sbarrier.arrive $0xFFFF  }
0x59: {  	p0 =	sne.s32 s1, $0x0;
	_ =	strace $0x90000056  }
0x5a: {  	s0 =	sadd.s32 @!p0 $0x100000, s0;
	[bflag:$0x2] =	sbarrier.arrive $0xFFFF  }
0x5b: {  	[sflag:s0] =	ssyncadd.tile.s32 @!p0 $0x1;
	_ =	shalt  }
.Lfunc_end2:
_tile_overlayer_lowered:
.L_overlay_start_2:
0x5c: {  	(tag) =	ssettag $0x2  }
0x5d: {  	s0 =	rddreg [dreg:$0x0];
	s2 =	stileid.u32  }
0x5e: {  	s1 =	rddreg [dreg:$0x1];
	p0 =	sne.s32 s2, $0x0  }
0x5f: {  	s3 =	rddreg [dreg:$0x2];
	[bflag:$0x3] =	sbarrier.arrive $0xFFFF;
	s2 =	simm.s32 @!p0 $0x1C02  }
0x60: {  	[timem:s3], [sflag:s2] =	dma.local @!p0 [hbm:s0], s1  }
0x61: {  	s0 =	simm.s32 @!p0 $0x2  }
0x62: {  	_ =	swait.ge @!p0 [sflag:s0], s1  }
0x63: {  	s1 =	ssub.s32 @!p0 $0x0, s1;
	[sflag:s0] =	ssyncset.done @!p0 $0x0  }
0x64: {  	[sflag:s0] =	ssyncadd.s32 @!p0 s1  }
0x65: {  	[bflag:$0x3] =	sbarrier.arrive $0xFFFF  }
0x66: {  	_ =	shalt  }

</sc_bundles>
